<compile_context>
chip_gen: v7x
topology: tpu7x:2x2x1
jax: 0.10.2.dev20260603
libtpu: 0.0.44.dev20260713+nightly
codegen_flags: <defaults>
</compile_context>

<pallas_src>
import functools

import jax
import jax.numpy as jnp
from jax import lax
from jax.experimental import pallas as pl
from jax.experimental.pallas import tpu as pltpu
from jax.experimental.pallas import tpu_sc as plsc

N = 10000
E = 320000
F_IN = 128
HID = 128
C = 64

NC = 2
NS = 16
NW = NC * NS
K = 128
NP = 10240
RPT = NP // NS
EPW = 10240
EPAD = NW * EPW
IROWS = EPW // K
OUTER = 10
INNER = IROWS // OUTER
NBUF = 2
NSTREAM = 1


def _seg_sum_body(F, with_deg, x_hbm, src_hbm, dst_hbm, zrows_hbm,
                  agg_out, deg_out, src_i, dst_i, rows_v, ones_v, dvec_v,
                  acc_sh, deg_sh, sem_g, sem_s, sem_d):
  cid = lax.axis_index("c")
  sid = lax.axis_index("s")
  wid = cid * NS + sid
  r0 = sid * RPT

  pltpu.sync_copy(zrows_hbm, rows_v.at[0])
  for z in range(RPT // K):
    pltpu.sync_copy(rows_v.at[0], acc_sh.at[pl.ds(r0 + z * K, K)])
  if with_deg:
    def _zb(i, carry):
      dvec_v[pl.ds(i * 16, 16)] = jnp.zeros((16,), jnp.float32)
      return carry
    lax.fori_loop(0, RPT // 16, _zb, 0)
    pltpu.sync_copy(dvec_v, deg_sh.at[pl.ds(r0, RPT)])
    for t in range(K // 16):
      ones_v[pl.ds(t * 16, 16)] = jnp.ones((16,), jnp.float32)
  plsc.subcore_barrier()

  def _gather(j):
    return pltpu.async_copy(x_hbm.at[src_i.at[j]], rows_v.at[j % NBUF],
                            sem_g[j % NSTREAM])

  def _chunk(c, carry):
    irow = wid * IROWS + c * INNER
    pltpu.sync_copy(src_hbm.at[pl.ds(irow, INNER)], src_i)
    pltpu.sync_copy(dst_hbm.at[pl.ds(irow, INNER)], dst_i)
    gathers = [_gather(j) for j in range(NSTREAM)]
    scatters = []
    deg_cps = []
    for j in range(INNER):
      gathers[j].wait()
      scatters.append(pltpu.async_copy(rows_v.at[j % NBUF],
                                       acc_sh.at[dst_i.at[j]], sem_s,
                                       add=True))
      if with_deg:
        deg_cps.append(pltpu.async_copy(ones_v, deg_sh.at[dst_i.at[j]],
                                        sem_d, add=True))
      if j + NSTREAM < INNER:
        if j >= NSTREAM:
          scatters[j - NSTREAM].wait()
        gathers.append(_gather(j + NSTREAM))
    for j in range(max(0, INNER - 2 * NSTREAM), INNER):
      scatters[j].wait()
    for d in deg_cps:
      d.wait()
    return carry
  lax.fori_loop(0, OUTER, _chunk, 0)

  plsc.subcore_barrier()

  for z in range(RPT // K):
    pltpu.sync_copy(acc_sh.at[pl.ds(r0 + z * K, K)], rows_v.at[0])
    pltpu.sync_copy(rows_v.at[0], agg_out.at[cid, pl.ds(r0 + z * K, K)])
  if with_deg:
    pltpu.sync_copy(deg_sh.at[pl.ds(r0, RPT)], dvec_v)
    pltpu.sync_copy(dvec_v, deg_out.at[cid, pl.ds(r0, RPT)])


def _make_seg_sum(F, with_deg):
  mesh = plsc.VectorSubcoreMesh(core_axis_name="c", subcore_axis_name="s")
  out_type = [jax.ShapeDtypeStruct((NC, NP, F), jnp.float32)]
  if with_deg:
    out_type.append(jax.ShapeDtypeStruct((NC, NP), jnp.float32))
  scratch = (
      pltpu.VMEM((INNER, K), jnp.int32),
      pltpu.VMEM((INNER, K), jnp.int32),
      pltpu.VMEM((NBUF, K, F), jnp.float32),
      pltpu.VMEM((K,), jnp.float32),
      pltpu.VMEM((RPT,), jnp.float32),
      pltpu.VMEM_SHARED((NP, F), jnp.float32),
      pltpu.VMEM_SHARED((NP,), jnp.float32),
      [pltpu.SemaphoreType.DMA] * NSTREAM,
      pltpu.SemaphoreType.DMA,
      pltpu.SemaphoreType.DMA,
  )
  if with_deg:
    body = functools.partial(_seg_sum_body, F, True)
  else:
    def body(x_hbm, src_hbm, dst_hbm, zrows_hbm, agg_out,
             src_i, dst_i, rows_v, ones_v, dvec_v, acc_sh, deg_sh,
             sem_g, sem_s, sem_d):
      return _seg_sum_body(F, False, x_hbm, src_hbm, dst_hbm, zrows_hbm,
                           agg_out, None, src_i, dst_i, rows_v, ones_v,
                           dvec_v, acc_sh, deg_sh, sem_g, sem_s, sem_d)
  return pl.kernel(body, out_type=tuple(out_type), mesh=mesh,
                   scratch_types=scratch)


def _tc1_body(aggp_ref, degp_ref, x_ref, w1l_ref, w1r_ref, b1_ref,
              w2r_ref, b2_ref, h_ref, r_ref):
  deg = degp_ref[0, 0, :] + degp_ref[0, 1, :]
  recip = 1.0 / jnp.maximum(deg, 1.0)
  mean = (aggp_ref[0] + aggp_ref[1]) * recip[:, None]
  h = jnp.dot(mean, w1l_ref[...], preferred_element_type=jnp.float32)
  h += jnp.dot(x_ref[...], w1r_ref[...], preferred_element_type=jnp.float32)
  h = jnp.maximum(h + b1_ref[...], 0.0)
  h_ref[...] = h
  r_ref[...] = (jnp.dot(h, w2r_ref[...], preferred_element_type=jnp.float32)
                + b2_ref[...])


def _tc2_body(aggp_ref, degp_ref, w2l_ref, r_ref, out_ref, x0_ref):
  deg = degp_ref[0, 0, :] + degp_ref[0, 1, :]
  recip = 1.0 / jnp.maximum(deg, 1.0)
  mean = (aggp_ref[0] + aggp_ref[1]) * recip[:, None]
  x0 = (jnp.dot(mean, w2l_ref[...], preferred_element_type=jnp.float32)
        + r_ref[...])
  m = jnp.max(x0, axis=1, keepdims=True)
  e = jnp.exp(x0 - m)
  out_ref[...] = e / jnp.sum(e, axis=1, keepdims=True)
  x0_ref[...] = x0


_R = 1000
_GRID = N // _R


def _tc1(aggp, degp, x, W1_l, W1_r, b1, W2_r, b2):
  return pl.pallas_call(
      _tc1_body,
      grid=(_GRID,),
      in_specs=[
          pl.BlockSpec((NC, _R, F_IN), lambda i: (0, i, 0)),
          pl.BlockSpec((1, NC, _R), lambda i: (i, 0, 0)),
          pl.BlockSpec((_R, F_IN), lambda i: (i, 0)),
          pl.BlockSpec((F_IN, HID), lambda i: (0, 0)),
          pl.BlockSpec((F_IN, HID), lambda i: (0, 0)),
          pl.BlockSpec((1, HID), lambda i: (0, 0)),
          pl.BlockSpec((HID, C), lambda i: (0, 0)),
          pl.BlockSpec((1, C), lambda i: (0, 0)),
      ],
      out_specs=[
          pl.BlockSpec((_R, HID), lambda i: (i, 0)),
          pl.BlockSpec((_R, C), lambda i: (i, 0)),
      ],
      out_shape=[
          jax.ShapeDtypeStruct((N, HID), jnp.float32),
          jax.ShapeDtypeStruct((N, C), jnp.float32),
      ],
  )(aggp, degp, x, W1_l, W1_r, b1, W2_r, b2)


def _tc2(aggp, degp, W2_l, r):
  return pl.pallas_call(
      _tc2_body,
      grid=(_GRID,),
      in_specs=[
          pl.BlockSpec((NC, _R, HID), lambda i: (0, i, 0)),
          pl.BlockSpec((1, NC, _R), lambda i: (i, 0, 0)),
          pl.BlockSpec((HID, C), lambda i: (0, 0)),
          pl.BlockSpec((_R, C), lambda i: (i, 0)),
      ],
      out_specs=[
          pl.BlockSpec((_R, C), lambda i: (i, 0)),
          pl.BlockSpec((_R, C), lambda i: (i, 0)),
      ],
      out_shape=[
          jax.ShapeDtypeStruct((N, C), jnp.float32),
          jax.ShapeDtypeStruct((N, C), jnp.float32),
      ],
  )(aggp, degp, W2_l, r)


@jax.jit
def kernel(x, edge_index, W1_l, W1_r, b1, W2_l, W2_r, b2):
  x = x.astype(jnp.float32)
  src = edge_index[0]
  dst = edge_index[1]
  src2d = jnp.concatenate(
      [src, jnp.zeros((EPAD - E,), jnp.int32)]).reshape(EPAD // K, K)
  dst2d = jnp.concatenate(
      [dst, jnp.full((EPAD - E,), N, jnp.int32)]).reshape(EPAD // K, K)
  zrows = jnp.zeros((K, F_IN), jnp.float32)

  agg1p, degp = _make_seg_sum(F_IN, True)(x, src2d, dst2d, zrows)
  degp_r = degp[:, :N].reshape(NC, _GRID, _R).transpose(1, 0, 2)
  h, r = _tc1(agg1p, degp_r, x, W1_l, W1_r, b1.reshape(1, HID),
              W2_r, b2.reshape(1, C))
  (agg2p,) = _make_seg_sum(HID, False)(h, src2d, dst2d, zrows)
  out, x0 = _tc2(agg2p, degp_r, W2_l, r)
  return (out, x0)

# --- scband reference (transcript-rebuilt; emitter-appended) ---
"""Pipeline reference for scband-gnn-52527450030739 (READ-ONLY COPY).

The authoritative reference and input builder live on the scoring server;
editing this copy changes nothing except your own understanding.
"""

import jax, jax.numpy as jnp
import numpy as np

N = 10000
E = 320000
F_IN = 128
HID = 128
C = 64


def setup_inputs(seed: int = 0) -> dict:
    key = jax.random.key(seed)
    ks = jax.random.split(key, 9)
    x = jax.random.normal(ks[0], (N, F_IN), dtype=jnp.float32)
    edge_index = jax.random.randint(ks[1], (2, E), 0, N, dtype=jnp.int32)
    # SAGEConv params: lin_l applied to aggregated neighbors, lin_r to root (self) features.
    W1_l = jax.random.normal(ks[2], (F_IN, HID), dtype=jnp.float32) / np.sqrt(F_IN)
    W1_r = jax.random.normal(ks[3], (F_IN, HID), dtype=jnp.float32) / np.sqrt(F_IN)
    b1 = jnp.zeros((HID,), dtype=jnp.float32)
    W2_l = jax.random.normal(ks[4], (HID, C), dtype=jnp.float32) / np.sqrt(HID)
    W2_r = jax.random.normal(ks[5], (HID, C), dtype=jnp.float32) / np.sqrt(HID)
    b2 = jnp.zeros((C,), dtype=jnp.float32)
    return {
        'x': x,
        'edge_index': edge_index,
        'W1_l': W1_l,
        'W1_r': W1_r,
        'b1': b1,
        'W2_l': W2_l,
        'W2_r': W2_r,
        'b2': b2,
    }


def _sage_conv(x, edge_index, W_l, W_r, b):
    # GraphSAGE with mean aggregation (PyG SAGEConv default):
    # out_i = W_l @ mean_{j in N(i)} x_j + W_r @ x_i + b
    src = edge_index[0]
    dst = edge_index[1]
    msgs = jnp.take(x, src, axis=0)                      # gather
    agg = jax.ops.segment_sum(msgs, dst, num_segments=N)  # scatter-add
    deg = jax.ops.segment_sum(jnp.ones((edge_index.shape[1],), dtype=x.dtype), dst, num_segments=N)
    mean = agg / jnp.maximum(deg, 1.0)[:, None]
    return mean @ W_l + x @ W_r + b


def reference(x, edge_index, W1_l, W1_r, b1, W2_l, W2_r, b2):
    x = x.astype(jnp.float32)
    h = _sage_conv(x, edge_index, W1_l, W1_r, b1)
    h = jax.nn.relu(h)
    # F.dropout with training=self.training: identity in eval mode
    x0 = _sage_conv(h, edge_index, W2_l, W2_r, b2)
    out = jax.nn.softmax(x0, axis=1)
    return (out, x0)

if __name__ == "__main__":
    import jax
    _d = setup_inputs()
    print(jax.jit(kernel)(*tuple(_d.values())))

</pallas_src>

<mosaic_0001>
#map = affine_map<(d0, d1) -> (0, 0)>
#map1 = affine_map<(d0, d1) -> (0, 0, 0)>
module attributes {stable_mosaic.version = 14 : i64} {
  func.func @_seg_sum_body(%arg0: i32, %arg1: i32, %arg2: memref<10000x128xf32, #tpu.memory_space<hbm>>, %arg3: memref<2560x128xi32, #tpu.memory_space<hbm>>, %arg4: memref<2560x128xi32, #tpu.memory_space<hbm>>, %arg5: memref<128x128xf32, #tpu.memory_space<hbm>>, %arg6: memref<2x10240x128xf32, #tpu.memory_space<hbm>>, %arg7: memref<2x10240xf32, #tpu.memory_space<hbm>>, %arg8: memref<8x128xi32, #tpu.memory_space<vmem>>, %arg9: memref<8x128xi32, #tpu.memory_space<vmem>>, %arg10: memref<2x128x128xf32, #tpu.memory_space<vmem>>, %arg11: memref<128xf32, #tpu.memory_space<vmem>>, %arg12: memref<640xf32, #tpu.memory_space<vmem>>, %arg13: memref<10240x128xf32, #tpu.memory_space<vmem_shared>>, %arg14: memref<10240xf32, #tpu.memory_space<vmem_shared>>, %arg15: memref<!tpu.dma_semaphore, #tpu.memory_space<semaphore_mem>>, %arg16: memref<!tpu.dma_semaphore, #tpu.memory_space<semaphore_mem>>, %arg17: memref<!tpu.dma_semaphore, #tpu.memory_space<semaphore_mem>>) attributes {dimension_semantics = [#tpu.dimension_semantics<core_parallel>, #tpu.dimension_semantics<subcore_parallel>], iteration_bounds = array<i64: 2, 16>, scalar_prefetch = 0 : i64, scratch_operands = 10 : i64, tpu.core_type = #tpu.core_type<sc_vector_subcore>, window_params = [{transform_indices = #map}, {transform_indices = #map}, {transform_indices = #map}, {transform_indices = #map}, {transform_indices = #map1}, {transform_indices = #map}]} {
    %mul3A = arith.constant 16 : i32
    %mul3A_0 = arith.muli %arg0, %mul3A : i32
    %add3A = arith.addi %mul3A_0, %arg1 : i32
    %mul3A_1 = arith.constant 640 : i32
    %mul3A_2 = arith.muli %arg1, %mul3A_1 : i32
    %run_scoped3A = arith.constant 0 : i32
    "tpu.region"() ({
      %run_scoped3A_106 = tpu.sem_alloc : memref<!tpu.dma_semaphore, #tpu.memory_space<semaphore_mem>>
      %dma_start3A = arith.constant 0 : i32
      %dma_start3A_107 = arith.constant 0 : i32
      %dma_start3A_108 = tpu.memref_slice %arg10[%run_scoped3A, %dma_start3A, %dma_start3A_107] : memref<2x128x128xf32, #tpu.memory_space<vmem>> -> memref<1x128x128xf32, #tpu.memory_space<vmem>>
      %dma_start3A_109 = tpu.memref_squeeze %dma_start3A_108 : memref<1x128x128xf32, #tpu.memory_space<vmem>> -> memref<128x128xf32, #tpu.memory_space<vmem>>
      %dma_start3A_110 = arith.constant 0 : i32
      %dma_start3A_111 = arith.constant 0 : i32
      %dma_start3A_112 = tpu.memref_slice %arg10[%run_scoped3A, %dma_start3A_110, %dma_start3A_111] : memref<2x128x128xf32, #tpu.memory_space<vmem>> -> memref<1x128x128xf32, #tpu.memory_space<vmem>>
      %dma_start3A_113 = tpu.memref_squeeze %dma_start3A_112 : memref<1x128x128xf32, #tpu.memory_space<vmem>> -> memref<128x128xf32, #tpu.memory_space<vmem>>
      tpu.enqueue_dma source(%arg5 : memref<128x128xf32, #tpu.memory_space<hbm>>) target(%dma_start3A_113 : memref<128x128xf32, #tpu.memory_space<vmem>>) target_semaphore(%run_scoped3A_106 : memref<!tpu.dma_semaphore, #tpu.memory_space<semaphore_mem>>)
      %dma_wait3A = arith.constant 0 : i32
      %dma_wait3A_114 = arith.constant 0 : i32
      %dma_wait3A_115 = tpu.memref_slice %arg10[%run_scoped3A, %dma_wait3A, %dma_wait3A_114] : memref<2x128x128xf32, #tpu.memory_space<vmem>> -> memref<1x128x128xf32, #tpu.memory_space<vmem>>
      %dma_wait3A_116 = tpu.memref_squeeze %dma_wait3A_115 : memref<1x128x128xf32, #tpu.memory_space<vmem>> -> memref<128x128xf32, #tpu.memory_space<vmem>>
      %dma_wait3A_117 = arith.constant 0 : i32
      %dma_wait3A_118 = arith.constant 0 : i32
      %dma_wait3A_119 = tpu.memref_slice %arg10[%run_scoped3A, %dma_wait3A_117, %dma_wait3A_118] : memref<2x128x128xf32, #tpu.memory_space<vmem>> -> memref<1x128x128xf32, #tpu.memory_space<vmem>>
      %dma_wait3A_120 = tpu.memref_squeeze %dma_wait3A_119 : memref<1x128x128xf32, #tpu.memory_space<vmem>> -> memref<128x128xf32, #tpu.memory_space<vmem>>
      tpu.wait_dma2 semaphore(%run_scoped3A_106 : memref<!tpu.dma_semaphore, #tpu.memory_space<semaphore_mem>>) src(%arg5 : memref<128x128xf32, #tpu.memory_space<hbm>>) dst(%dma_wait3A_120 : memref<128x128xf32, #tpu.memory_space<vmem>>)
      tpu.yield
    }) : () -> ()
    %add3A_3 = arith.constant 0 : i32
    %add3A_4 = arith.addi %mul3A_2, %add3A_3 : i32
    %run_scoped3A_5 = arith.constant 0 : i32
    "tpu.region"() ({
      %run_scoped3A_106 = tpu.sem_alloc : memref<!tpu.dma_semaphore, #tpu.memory_space<semaphore_mem>>
      %dma_start3A = arith.constant 0 : i32
      %dma_start3A_107 = arith.constant 0 : i32
      %dma_start3A_108 = tpu.memref_slice %arg10[%run_scoped3A_5, %dma_start3A, %dma_start3A_107] : memref<2x128x128xf32, #tpu.memory_space<vmem>> -> memref<1x128x128xf32, #tpu.memory_space<vmem>>
      %dma_start3A_109 = tpu.memref_squeeze %dma_start3A_108 : memref<1x128x128xf32, #tpu.memory_space<vmem>> -> memref<128x128xf32, #tpu.memory_space<vmem>>
      %dma_start3A_110 = arith.constant 0 : i32
      %dma_start3A_111 = tpu.memref_slice %arg13[%add3A_4, %dma_start3A_110] : memref<10240x128xf32, #tpu.memory_space<vmem_shared>> -> memref<128x128xf32, #tpu.memory_space<vmem_shared>>
      %dma_start3A_112 = arith.constant 0 : i32
      %dma_start3A_113 = tpu.memref_slice %arg13[%add3A_4, %dma_start3A_112] : memref<10240x128xf32, #tpu.memory_space<vmem_shared>> -> memref<128x128xf32, #tpu.memory_space<vmem_shared>>
      %dma_start3A_114 = arith.constant 0 : i32
      %dma_start3A_115 = arith.constant 0 : i32
      %dma_start3A_116 = tpu.memref_slice %arg10[%run_scoped3A_5, %dma_start3A_114, %dma_start3A_115] : memref<2x128x128xf32, #tpu.memory_space<vmem>> -> memref<1x128x128xf32, #tpu.memory_space<vmem>>
      %dma_start3A_117 = tpu.memref_squeeze %dma_start3A_116 : memref<1x128x128xf32, #tpu.memory_space<vmem>> -> memref<128x128xf32, #tpu.memory_space<vmem>>
      tpu.enqueue_dma source(%dma_start3A_117 : memref<128x128xf32, #tpu.memory_space<vmem>>) target(%dma_start3A_113 : memref<128x128xf32, #tpu.memory_space<vmem_shared>>) target_semaphore(%run_scoped3A_106 : memref<!tpu.dma_semaphore, #tpu.memory_space<semaphore_mem>>)
      %dma_wait3A = arith.constant 0 : i32
      %dma_wait3A_118 = arith.constant 0 : i32
      %dma_wait3A_119 = tpu.memref_slice %arg10[%run_scoped3A_5, %dma_wait3A, %dma_wait3A_118] : memref<2x128x128xf32, #tpu.memory_space<vmem>> -> memref<1x128x128xf32, #tpu.memory_space<vmem>>
      %dma_wait3A_120 = tpu.memref_squeeze %dma_wait3A_119 : memref<1x128x128xf32, #tpu.memory_space<vmem>> -> memref<128x128xf32, #tpu.memory_space<vmem>>
      %dma_wait3A_121 = arith.constant 0 : i32
      %dma_wait3A_122 = tpu.memref_slice %arg13[%add3A_4, %dma_wait3A_121] : memref<10240x128xf32, #tpu.memory_space<vmem_shared>> -> memref<128x128xf32, #tpu.memory_space<vmem_shared>>
      %dma_wait3A_123 = arith.constant 0 : i32
      %dma_wait3A_124 = tpu.memref_slice %arg13[%add3A_4, %dma_wait3A_123] : memref<10240x128xf32, #tpu.memory_space<vmem_shared>> -> memref<128x128xf32, #tpu.memory_space<vmem_shared>>
      %dma_wait3A_125 = arith.constant 0 : i32
      %dma_wait3A_126 = arith.constant 0 : i32
      %dma_wait3A_127 = tpu.memref_slice %arg10[%run_scoped3A_5, %dma_wait3A_125, %dma_wait3A_126] : memref<2x128x128xf32, #tpu.memory_space<vmem>> -> memref<1x128x128xf32, #tpu.memory_space<vmem>>
      %dma_wait3A_128 = tpu.memref_squeeze %dma_wait3A_127 : memref<1x128x128xf32, #tpu.memory_space<vmem>> -> memref<128x128xf32, #tpu.memory_space<vmem>>
      tpu.wait_dma2 semaphore(%run_scoped3A_106 : memref<!tpu.dma_semaphore, #tpu.memory_space<semaphore_mem>>) src(%dma_wait3A_128 : memref<128x128xf32, #tpu.memory_space<vmem>>) dst(%dma_wait3A_124 : memref<128x128xf32, #tpu.memory_space<vmem_shared>>)
      tpu.yield
    }) : () -> ()
    %add3A_6 = arith.constant 128 : i32
    %add3A_7 = arith.addi %mul3A_2, %add3A_6 : i32
    %run_scoped3A_8 = arith.constant 0 : i32
    "tpu.region"() ({
      %run_scoped3A_106 = tpu.sem_alloc : memref<!tpu.dma_semaphore, #tpu.memory_space<semaphore_mem>>
      %dma_start3A = arith.constant 0 : i32
      %dma_start3A_107 = arith.constant 0 : i32
      %dma_start3A_108 = tpu.memref_slice %arg10[%run_scoped3A_8, %dma_start3A, %dma_start3A_107] : memref<2x128x128xf32, #tpu.memory_space<vmem>> -> memref<1x128x128xf32, #tpu.memory_space<vmem>>
      %dma_start3A_109 = tpu.memref_squeeze %dma_start3A_108 : memref<1x128x128xf32, #tpu.memory_space<vmem>> -> memref<128x128xf32, #tpu.memory_space<vmem>>
      %dma_start3A_110 = arith.constant 0 : i32
      %dma_start3A_111 = tpu.memref_slice %arg13[%add3A_7, %dma_start3A_110] : memref<10240x128xf32, #tpu.memory_space<vmem_shared>> -> memref<128x128xf32, #tpu.memory_space<vmem_shared>>
      %dma_start3A_112 = arith.constant 0 : i32
      %dma_start3A_113 = tpu.memref_slice %arg13[%add3A_7, %dma_start3A_112] : memref<10240x128xf32, #tpu.memory_space<vmem_shared>> -> memref<128x128xf32, #tpu.memory_space<vmem_shared>>
      %dma_start3A_114 = arith.constant 0 : i32
      %dma_start3A_115 = arith.constant 0 : i32
      %dma_start3A_116 = tpu.memref_slice %arg10[%run_scoped3A_8, %dma_start3A_114, %dma_start3A_115] : memref<2x128x128xf32, #tpu.memory_space<vmem>> -> memref<1x128x128xf32, #tpu.memory_space<vmem>>
      %dma_start3A_117 = tpu.memref_squeeze %dma_start3A_116 : memref<1x128x128xf32, #tpu.memory_space<vmem>> -> memref<128x128xf32, #tpu.memory_space<vmem>>
      tpu.enqueue_dma source(%dma_start3A_117 : memref<128x128xf32, #tpu.memory_space<vmem>>) target(%dma_start3A_113 : memref<128x128xf32, #tpu.memory_space<vmem_shared>>) target_semaphore(%run_scoped3A_106 : memref<!tpu.dma_semaphore, #tpu.memory_space<semaphore_mem>>)
      %dma_wait3A = arith.constant 0 : i32
      %dma_wait3A_118 = arith.constant 0 : i32
      %dma_wait3A_119 = tpu.memref_slice %arg10[%run_scoped3A_8, %dma_wait3A, %dma_wait3A_118] : memref<2x128x128xf32, #tpu.memory_space<vmem>> -> memref<1x128x128xf32, #tpu.memory_space<vmem>>
      %dma_wait3A_120 = tpu.memref_squeeze %dma_wait3A_119 : memref<1x128x128xf32, #tpu.memory_space<vmem>> -> memref<128x128xf32, #tpu.memory_space<vmem>>
      %dma_wait3A_121 = arith.constant 0 : i32
      %dma_wait3A_122 = tpu.memref_slice %arg13[%add3A_7, %dma_wait3A_121] : memref<10240x128xf32, #tpu.memory_space<vmem_shared>> -> memref<128x128xf32, #tpu.memory_space<vmem_shared>>
      %dma_wait3A_123 = arith.constant 0 : i32
      %dma_wait3A_124 = tpu.memref_slice %arg13[%add3A_7, %dma_wait3A_123] : memref<10240x128xf32, #tpu.memory_space<vmem_shared>> -> memref<128x128xf32, #tpu.memory_space<vmem_shared>>
      %dma_wait3A_125 = arith.constant 0 : i32
      %dma_wait3A_126 = arith.constant 0 : i32
      %dma_wait3A_127 = tpu.memref_slice %arg10[%run_scoped3A_8, %dma_wait3A_125, %dma_wait3A_126] : memref<2x128x128xf32, #tpu.memory_space<vmem>> -> memref<1x128x128xf32, #tpu.memory_space<vmem>>
      %dma_wait3A_128 = tpu.memref_squeeze %dma_wait3A_127 : memref<1x128x128xf32, #tpu.memory_space<vmem>> -> memref<128x128xf32, #tpu.memory_space<vmem>>
      tpu.wait_dma2 semaphore(%run_scoped3A_106 : memref<!tpu.dma_semaphore, #tpu.memory_space<semaphore_mem>>) src(%dma_wait3A_128 : memref<128x128xf32, #tpu.memory_space<vmem>>) dst(%dma_wait3A_124 : memref<128x128xf32, #tpu.memory_space<vmem_shared>>)
      tpu.yield
    }) : () -> ()
    %add3A_9 = arith.constant 256 : i32
    %add3A_10 = arith.addi %mul3A_2, %add3A_9 : i32
    %run_scoped3A_11 = arith.constant 0 : i32
    "tpu.region"() ({
      %run_scoped3A_106 = tpu.sem_alloc : memref<!tpu.dma_semaphore, #tpu.memory_space<semaphore_mem>>
      %dma_start3A = arith.constant 0 : i32
      %dma_start3A_107 = arith.constant 0 : i32
      %dma_start3A_108 = tpu.memref_slice %arg10[%run_scoped3A_11, %dma_start3A, %dma_start3A_107] : memref<2x128x128xf32, #tpu.memory_space<vmem>> -> memref<1x128x128xf32, #tpu.memory_space<vmem>>
      %dma_start3A_109 = tpu.memref_squeeze %dma_start3A_108 : memref<1x128x128xf32, #tpu.memory_space<vmem>> -> memref<128x128xf32, #tpu.memory_space<vmem>>
      %dma_start3A_110 = arith.constant 0 : i32
      %dma_start3A_111 = tpu.memref_slice %arg13[%add3A_10, %dma_start3A_110] : memref<10240x128xf32, #tpu.memory_space<vmem_shared>> -> memref<128x128xf32, #tpu.memory_space<vmem_shared>>
      %dma_start3A_112 = arith.constant 0 : i32
      %dma_start3A_113 = tpu.memref_slice %arg13[%add3A_10, %dma_start3A_112] : memref<10240x128xf32, #tpu.memory_space<vmem_shared>> -> memref<128x128xf32, #tpu.memory_space<vmem_shared>>
      %dma_start3A_114 = arith.constant 0 : i32
      %dma_start3A_115 = arith.constant 0 : i32
      %dma_start3A_116 = tpu.memref_slice %arg10[%run_scoped3A_11, %dma_start3A_114, %dma_start3A_115] : memref<2x128x128xf32, #tpu.memory_space<vmem>> -> memref<1x128x128xf32, #tpu.memory_space<vmem>>
      %dma_start3A_117 = tpu.memref_squeeze %dma_start3A_116 : memref<1x128x128xf32, #tpu.memory_space<vmem>> -> memref<128x128xf32, #tpu.memory_space<vmem>>
      tpu.enqueue_dma source(%dma_start3A_117 : memref<128x128xf32, #tpu.memory_space<vmem>>) target(%dma_start3A_113 : memref<128x128xf32, #tpu.memory_space<vmem_shared>>) target_semaphore(%run_scoped3A_106 : memref<!tpu.dma_semaphore, #tpu.memory_space<semaphore_mem>>)
      %dma_wait3A = arith.constant 0 : i32
      %dma_wait3A_118 = arith.constant 0 : i32
      %dma_wait3A_119 = tpu.memref_slice %arg10[%run_scoped3A_11, %dma_wait3A, %dma_wait3A_118] : memref<2x128x128xf32, #tpu.memory_space<vmem>> -> memref<1x128x128xf32, #tpu.memory_space<vmem>>
      %dma_wait3A_120 = tpu.memref_squeeze %dma_wait3A_119 : memref<1x128x128xf32, #tpu.memory_space<vmem>> -> memref<128x128xf32, #tpu.memory_space<vmem>>
      %dma_wait3A_121 = arith.constant 0 : i32
      %dma_wait3A_122 = tpu.memref_slice %arg13[%add3A_10, %dma_wait3A_121] : memref<10240x128xf32, #tpu.memory_space<vmem_shared>> -> memref<128x128xf32, #tpu.memory_space<vmem_shared>>
      %dma_wait3A_123 = arith.constant 0 : i32
      %dma_wait3A_124 = tpu.memref_slice %arg13[%add3A_10, %dma_wait3A_123] : memref<10240x128xf32, #tpu.memory_space<vmem_shared>> -> memref<128x128xf32, #tpu.memory_space<vmem_shared>>
      %dma_wait3A_125 = arith.constant 0 : i32
      %dma_wait3A_126 = arith.constant 0 : i32
      %dma_wait3A_127 = tpu.memref_slice %arg10[%run_scoped3A_11, %dma_wait3A_125, %dma_wait3A_126] : memref<2x128x128xf32, #tpu.memory_space<vmem>> -> memref<1x128x128xf32, #tpu.memory_space<vmem>>
      %dma_wait3A_128 = tpu.memref_squeeze %dma_wait3A_127 : memref<1x128x128xf32, #tpu.memory_space<vmem>> -> memref<128x128xf32, #tpu.memory_space<vmem>>
      tpu.wait_dma2 semaphore(%run_scoped3A_106 : memref<!tpu.dma_semaphore, #tpu.memory_space<semaphore_mem>>) src(%dma_wait3A_128 : memref<128x128xf32, #tpu.memory_space<vmem>>) dst(%dma_wait3A_124 : memref<128x128xf32, #tpu.memory_space<vmem_shared>>)
      tpu.yield
    }) : () -> ()
    %add3A_12 = arith.constant 384 : i32
    %add3A_13 = arith.addi %mul3A_2, %add3A_12 : i32
    %run_scoped3A_14 = arith.constant 0 : i32
    "tpu.region"() ({
      %run_scoped3A_106 = tpu.sem_alloc : memref<!tpu.dma_semaphore, #tpu.memory_space<semaphore_mem>>
      %dma_start3A = arith.constant 0 : i32
      %dma_start3A_107 = arith.constant 0 : i32
      %dma_start3A_108 = tpu.memref_slice %arg10[%run_scoped3A_14, %dma_start3A, %dma_start3A_107] : memref<2x128x128xf32, #tpu.memory_space<vmem>> -> memref<1x128x128xf32, #tpu.memory_space<vmem>>
      %dma_start3A_109 = tpu.memref_squeeze %dma_start3A_108 : memref<1x128x128xf32, #tpu.memory_space<vmem>> -> memref<128x128xf32, #tpu.memory_space<vmem>>
      %dma_start3A_110 = arith.constant 0 : i32
      %dma_start3A_111 = tpu.memref_slice %arg13[%add3A_13, %dma_start3A_110] : memref<10240x128xf32, #tpu.memory_space<vmem_shared>> -> memref<128x128xf32, #tpu.memory_space<vmem_shared>>
      %dma_start3A_112 = arith.constant 0 : i32
      %dma_start3A_113 = tpu.memref_slice %arg13[%add3A_13, %dma_start3A_112] : memref<10240x128xf32, #tpu.memory_space<vmem_shared>> -> memref<128x128xf32, #tpu.memory_space<vmem_shared>>
      %dma_start3A_114 = arith.constant 0 : i32
      %dma_start3A_115 = arith.constant 0 : i32
      %dma_start3A_116 = tpu.memref_slice %arg10[%run_scoped3A_14, %dma_start3A_114, %dma_start3A_115] : memref<2x128x128xf32, #tpu.memory_space<vmem>> -> memref<1x128x128xf32, #tpu.memory_space<vmem>>
      %dma_start3A_117 = tpu.memref_squeeze %dma_start3A_116 : memref<1x128x128xf32, #tpu.memory_space<vmem>> -> memref<128x128xf32, #tpu.memory_space<vmem>>
      tpu.enqueue_dma source(%dma_start3A_117 : memref<128x128xf32, #tpu.memory_space<vmem>>) target(%dma_start3A_113 : memref<128x128xf32, #tpu.memory_space<vmem_shared>>) target_semaphore(%run_scoped3A_106 : memref<!tpu.dma_semaphore, #tpu.memory_space<semaphore_mem>>)
      %dma_wait3A = arith.constant 0 : i32
      %dma_wait3A_118 = arith.constant 0 : i32
      %dma_wait3A_119 = tpu.memref_slice %arg10[%run_scoped3A_14, %dma_wait3A, %dma_wait3A_118] : memref<2x128x128xf32, #tpu.memory_space<vmem>> -> memref<1x128x128xf32, #tpu.memory_space<vmem>>
      %dma_wait3A_120 = tpu.memref_squeeze %dma_wait3A_119 : memref<1x128x128xf32, #tpu.memory_space<vmem>> -> memref<128x128xf32, #tpu.memory_space<vmem>>
      %dma_wait3A_121 = arith.constant 0 : i32
      %dma_wait3A_122 = tpu.memref_slice %arg13[%add3A_13, %dma_wait3A_121] : memref<10240x128xf32, #tpu.memory_space<vmem_shared>> -> memref<128x128xf32, #tpu.memory_space<vmem_shared>>
      %dma_wait3A_123 = arith.constant 0 : i32
      %dma_wait3A_124 = tpu.memref_slice %arg13[%add3A_13, %dma_wait3A_123] : memref<10240x128xf32, #tpu.memory_space<vmem_shared>> -> memref<128x128xf32, #tpu.memory_space<vmem_shared>>
      %dma_wait3A_125 = arith.constant 0 : i32
      %dma_wait3A_126 = arith.constant 0 : i32
      %dma_wait3A_127 = tpu.memref_slice %arg10[%run_scoped3A_14, %dma_wait3A_125, %dma_wait3A_126] : memref<2x128x128xf32, #tpu.memory_space<vmem>> -> memref<1x128x128xf32, #tpu.memory_space<vmem>>
      %dma_wait3A_128 = tpu.memref_squeeze %dma_wait3A_127 : memref<1x128x128xf32, #tpu.memory_space<vmem>> -> memref<128x128xf32, #tpu.memory_space<vmem>>
      tpu.wait_dma2 semaphore(%run_scoped3A_106 : memref<!tpu.dma_semaphore, #tpu.memory_space<semaphore_mem>>) src(%dma_wait3A_128 : memref<128x128xf32, #tpu.memory_space<vmem>>) dst(%dma_wait3A_124 : memref<128x128xf32, #tpu.memory_space<vmem_shared>>)
      tpu.yield
    }) : () -> ()
    %add3A_15 = arith.constant 512 : i32
    %add3A_16 = arith.addi %mul3A_2, %add3A_15 : i32
    %run_scoped3A_17 = arith.constant 0 : i32
    "tpu.region"() ({
      %run_scoped3A_106 = tpu.sem_alloc : memref<!tpu.dma_semaphore, #tpu.memory_space<semaphore_mem>>
      %dma_start3A = arith.constant 0 : i32
      %dma_start3A_107 = arith.constant 0 : i32
      %dma_start3A_108 = tpu.memref_slice %arg10[%run_scoped3A_17, %dma_start3A, %dma_start3A_107] : memref<2x128x128xf32, #tpu.memory_space<vmem>> -> memref<1x128x128xf32, #tpu.memory_space<vmem>>
      %dma_start3A_109 = tpu.memref_squeeze %dma_start3A_108 : memref<1x128x128xf32, #tpu.memory_space<vmem>> -> memref<128x128xf32, #tpu.memory_space<vmem>>
      %dma_start3A_110 = arith.constant 0 : i32
      %dma_start3A_111 = tpu.memref_slice %arg13[%add3A_16, %dma_start3A_110] : memref<10240x128xf32, #tpu.memory_space<vmem_shared>> -> memref<128x128xf32, #tpu.memory_space<vmem_shared>>
      %dma_start3A_112 = arith.constant 0 : i32
      %dma_start3A_113 = tpu.memref_slice %arg13[%add3A_16, %dma_start3A_112] : memref<10240x128xf32, #tpu.memory_space<vmem_shared>> -> memref<128x128xf32, #tpu.memory_space<vmem_shared>>
      %dma_start3A_114 = arith.constant 0 : i32
      %dma_start3A_115 = arith.constant 0 : i32
      %dma_start3A_116 = tpu.memref_slice %arg10[%run_scoped3A_17, %dma_start3A_114, %dma_start3A_115] : memref<2x128x128xf32, #tpu.memory_space<vmem>> -> memref<1x128x128xf32, #tpu.memory_space<vmem>>
      %dma_start3A_117 = tpu.memref_squeeze %dma_start3A_116 : memref<1x128x128xf32, #tpu.memory_space<vmem>> -> memref<128x128xf32, #tpu.memory_space<vmem>>
      tpu.enqueue_dma source(%dma_start3A_117 : memref<128x128xf32, #tpu.memory_space<vmem>>) target(%dma_start3A_113 : memref<128x128xf32, #tpu.memory_space<vmem_shared>>) target_semaphore(%run_scoped3A_106 : memref<!tpu.dma_semaphore, #tpu.memory_space<semaphore_mem>>)
      %dma_wait3A = arith.constant 0 : i32
      %dma_wait3A_118 = arith.constant 0 : i32
      %dma_wait3A_119 = tpu.memref_slice %arg10[%run_scoped3A_17, %dma_wait3A, %dma_wait3A_118] : memref<2x128x128xf32, #tpu.memory_space<vmem>> -> memref<1x128x128xf32, #tpu.memory_space<vmem>>
      %dma_wait3A_120 = tpu.memref_squeeze %dma_wait3A_119 : memref<1x128x128xf32, #tpu.memory_space<vmem>> -> memref<128x128xf32, #tpu.memory_space<vmem>>
      %dma_wait3A_121 = arith.constant 0 : i32
      %dma_wait3A_122 = tpu.memref_slice %arg13[%add3A_16, %dma_wait3A_121] : memref<10240x128xf32, #tpu.memory_space<vmem_shared>> -> memref<128x128xf32, #tpu.memory_space<vmem_shared>>
      %dma_wait3A_123 = arith.constant 0 : i32
      %dma_wait3A_124 = tpu.memref_slice %arg13[%add3A_16, %dma_wait3A_123] : memref<10240x128xf32, #tpu.memory_space<vmem_shared>> -> memref<128x128xf32, #tpu.memory_space<vmem_shared>>
      %dma_wait3A_125 = arith.constant 0 : i32
      %dma_wait3A_126 = arith.constant 0 : i32
      %dma_wait3A_127 = tpu.memref_slice %arg10[%run_scoped3A_17, %dma_wait3A_125, %dma_wait3A_126] : memref<2x128x128xf32, #tpu.memory_space<vmem>> -> memref<1x128x128xf32, #tpu.memory_space<vmem>>
      %dma_wait3A_128 = tpu.memref_squeeze %dma_wait3A_127 : memref<1x128x128xf32, #tpu.memory_space<vmem>> -> memref<128x128xf32, #tpu.memory_space<vmem>>
      tpu.wait_dma2 semaphore(%run_scoped3A_106 : memref<!tpu.dma_semaphore, #tpu.memory_space<semaphore_mem>>) src(%dma_wait3A_128 : memref<128x128xf32, #tpu.memory_space<vmem>>) dst(%dma_wait3A_124 : memref<128x128xf32, #tpu.memory_space<vmem_shared>>)
      tpu.yield
    }) : () -> ()
    %scan3A = arith.constant 0 : i32
    %scan3A_18 = arith.constant 0 : i32
    %scan3A_19 = arith.constant 40 : i32
    %scan3A_20 = arith.addi %scan3A_18, %scan3A_19 : i32
    %scan3A_21 = arith.constant 1 : i32
    scf.for %scan3A_106 = %scan3A_18 to %scan3A_20 step %scan3A_21  : i32 {
      %broadcast_in_dim3A_107 = arith.constant 0.000000e+00 : f32
      %broadcast_in_dim3A_108 = vector.broadcast %broadcast_in_dim3A_107 : f32 to vector<16xf32>
      %mul3A_109 = arith.constant 16 : i32
      %mul3A_110 = arith.muli %scan3A_106, %mul3A_109 : i32
      %swap3A_111 = arith.index_cast %mul3A_110 : i32 to index
      %swap3A_112 = tpu.vector_load %arg12[%swap3A_111] {strides = array<i32>} : memref<640xf32, #tpu.memory_space<vmem>>, vector<16xf32>,
      %swap3A_113 = vector.shape_cast %swap3A_112 : vector<16xf32> to vector<16xf32>
      %swap3A_114 = vector.shape_cast %broadcast_in_dim3A_108 : vector<16xf32> to vector<16xf32>
      tpu.vector_store %arg12[%swap3A_111], %swap3A_114 {strides = array<i32>} : memref<640xf32, #tpu.memory_space<vmem>>, vector<16xf32>,
    }
    %scan3A_22 = arith.constant 40 : i32
    "tpu.region"() ({
      %run_scoped3A_106 = tpu.sem_alloc : memref<!tpu.dma_semaphore, #tpu.memory_space<semaphore_mem>>
      %dma_start3A = tpu.memref_slice %arg14[%mul3A_2] : memref<10240xf32, #tpu.memory_space<vmem_shared>> -> memref<640xf32, #tpu.memory_space<vmem_shared>>
      %dma_start3A_107 = tpu.memref_slice %arg14[%mul3A_2] : memref<10240xf32, #tpu.memory_space<vmem_shared>> -> memref<640xf32, #tpu.memory_space<vmem_shared>>
      tpu.enqueue_dma source(%arg12 : memref<640xf32, #tpu.memory_space<vmem>>) target(%dma_start3A_107 : memref<640xf32, #tpu.memory_space<vmem_shared>>) target_semaphore(%run_scoped3A_106 : memref<!tpu.dma_semaphore, #tpu.memory_space<semaphore_mem>>)
      %dma_wait3A = tpu.memref_slice %arg14[%mul3A_2] : memref<10240xf32, #tpu.memory_space<vmem_shared>> -> memref<640xf32, #tpu.memory_space<vmem_shared>>
      %dma_wait3A_108 = tpu.memref_slice %arg14[%mul3A_2] : memref<10240xf32, #tpu.memory_space<vmem_shared>> -> memref<640xf32, #tpu.memory_space<vmem_shared>>
      tpu.wait_dma2 semaphore(%run_scoped3A_106 : memref<!tpu.dma_semaphore, #tpu.memory_space<semaphore_mem>>) src(%arg12 : memref<640xf32, #tpu.memory_space<vmem>>) dst(%dma_wait3A_108 : memref<640xf32, #tpu.memory_space<vmem_shared>>)
      tpu.yield
    }) : () -> ()
    %broadcast_in_dim3A = arith.constant 1.000000e+00 : f32
    %broadcast_in_dim3A_23 = vector.broadcast %broadcast_in_dim3A : f32 to vector<16xf32>
    %swap3A = arith.constant 0 : index
    %swap3A_24 = tpu.vector_load %arg11[%swap3A] {strides = array<i32>} : memref<128xf32, #tpu.memory_space<vmem>>, vector<16xf32>,
    %swap3A_25 = vector.shape_cast %swap3A_24 : vector<16xf32> to vector<16xf32>
    %swap3A_26 = vector.shape_cast %broadcast_in_dim3A_23 : vector<16xf32> to vector<16xf32>
    tpu.vector_store %arg11[%swap3A], %swap3A_26 {strides = array<i32>} : memref<128xf32, #tpu.memory_space<vmem>>, vector<16xf32>,
    %broadcast_in_dim3A_27 = arith.constant 1.000000e+00 : f32
    %broadcast_in_dim3A_28 = vector.broadcast %broadcast_in_dim3A_27 : f32 to vector<16xf32>
    %swap3A_29 = arith.constant 16 : index
    %swap3A_30 = tpu.vector_load %arg11[%swap3A_29] {strides = array<i32>} : memref<128xf32, #tpu.memory_space<vmem>>, vector<16xf32>,
    %swap3A_31 = vector.shape_cast %swap3A_30 : vector<16xf32> to vector<16xf32>
    %swap3A_32 = vector.shape_cast %broadcast_in_dim3A_28 : vector<16xf32> to vector<16xf32>
    tpu.vector_store %arg11[%swap3A_29], %swap3A_32 {strides = array<i32>} : memref<128xf32, #tpu.memory_space<vmem>>, vector<16xf32>,
    %broadcast_in_dim3A_33 = arith.constant 1.000000e+00 : f32
    %broadcast_in_dim3A_34 = vector.broadcast %broadcast_in_dim3A_33 : f32 to vector<16xf32>
    %swap3A_35 = arith.constant 32 : index
    %swap3A_36 = tpu.vector_load %arg11[%swap3A_35] {strides = array<i32>} : memref<128xf32, #tpu.memory_space<vmem>>, vector<16xf32>,
    %swap3A_37 = vector.shape_cast %swap3A_36 : vector<16xf32> to vector<16xf32>
    %swap3A_38 = vector.shape_cast %broadcast_in_dim3A_34 : vector<16xf32> to vector<16xf32>
    tpu.vector_store %arg11[%swap3A_35], %swap3A_38 {strides = array<i32>} : memref<128xf32, #tpu.memory_space<vmem>>, vector<16xf32>,
    %broadcast_in_dim3A_39 = arith.constant 1.000000e+00 : f32
    %broadcast_in_dim3A_40 = vector.broadcast %broadcast_in_dim3A_39 : f32 to vector<16xf32>
    %swap3A_41 = arith.constant 48 : index
    %swap3A_42 = tpu.vector_load %arg11[%swap3A_41] {strides = array<i32>} : memref<128xf32, #tpu.memory_space<vmem>>, vector<16xf32>,
    %swap3A_43 = vector.shape_cast %swap3A_42 : vector<16xf32> to vector<16xf32>
    %swap3A_44 = vector.shape_cast %broadcast_in_dim3A_40 : vector<16xf32> to vector<16xf32>
    tpu.vector_store %arg11[%swap3A_41], %swap3A_44 {strides = array<i32>} : memref<128xf32, #tpu.memory_space<vmem>>, vector<16xf32>,
    %broadcast_in_dim3A_45 = arith.constant 1.000000e+00 : f32
    %broadcast_in_dim3A_46 = vector.broadcast %broadcast_in_dim3A_45 : f32 to vector<16xf32>
    %swap3A_47 = arith.constant 64 : index
    %swap3A_48 = tpu.vector_load %arg11[%swap3A_47] {strides = array<i32>} : memref<128xf32, #tpu.memory_space<vmem>>, vector<16xf32>,
    %swap3A_49 = vector.shape_cast %swap3A_48 : vector<16xf32> to vector<16xf32>
    %swap3A_50 = vector.shape_cast %broadcast_in_dim3A_46 : vector<16xf32> to vector<16xf32>
    tpu.vector_store %arg11[%swap3A_47], %swap3A_50 {strides = array<i32>} : memref<128xf32, #tpu.memory_space<vmem>>, vector<16xf32>,
    %broadcast_in_dim3A_51 = arith.constant 1.000000e+00 : f32
    %broadcast_in_dim3A_52 = vector.broadcast %broadcast_in_dim3A_51 : f32 to vector<16xf32>
    %swap3A_53 = arith.constant 80 : index
    %swap3A_54 = tpu.vector_load %arg11[%swap3A_53] {strides = array<i32>} : memref<128xf32, #tpu.memory_space<vmem>>, vector<16xf32>,
    %swap3A_55 = vector.shape_cast %swap3A_54 : vector<16xf32> to vector<16xf32>
    %swap3A_56 = vector.shape_cast %broadcast_in_dim3A_52 : vector<16xf32> to vector<16xf32>
    tpu.vector_store %arg11[%swap3A_53], %swap3A_56 {strides = array<i32>} : memref<128xf32, #tpu.memory_space<vmem>>, vector<16xf32>,
    %broadcast_in_dim3A_57 = arith.constant 1.000000e+00 : f32
    %broadcast_in_dim3A_58 = vector.broadcast %broadcast_in_dim3A_57 : f32 to vector<16xf32>
    %swap3A_59 = arith.constant 96 : index
    %swap3A_60 = tpu.vector_load %arg11[%swap3A_59] {strides = array<i32>} : memref<128xf32, #tpu.memory_space<vmem>>, vector<16xf32>,
    %swap3A_61 = vector.shape_cast %swap3A_60 : vector<16xf32> to vector<16xf32>
    %swap3A_62 = vector.shape_cast %broadcast_in_dim3A_58 : vector<16xf32> to vector<16xf32>
    tpu.vector_store %arg11[%swap3A_59], %swap3A_62 {strides = array<i32>} : memref<128xf32, #tpu.memory_space<vmem>>, vector<16xf32>,
    %broadcast_in_dim3A_63 = arith.constant 1.000000e+00 : f32
    %broadcast_in_dim3A_64 = vector.broadcast %broadcast_in_dim3A_63 : f32 to vector<16xf32>
    %swap3A_65 = arith.constant 112 : index
    %swap3A_66 = tpu.vector_load %arg11[%swap3A_65] {strides = array<i32>} : memref<128xf32, #tpu.memory_space<vmem>>, vector<16xf32>,
    %swap3A_67 = vector.shape_cast %swap3A_66 : vector<16xf32> to vector<16xf32>
    %swap3A_68 = vector.shape_cast %broadcast_in_dim3A_64 : vector<16xf32> to vector<16xf32>
    tpu.vector_store %arg11[%swap3A_65], %swap3A_68 {strides = array<i32>} : memref<128xf32, #tpu.memory_space<vmem>>, vector<16xf32>,
    %barrier3A = arith.constant 0 : index
    tpu.barrier barrier_id(%barrier3A)
    %scan3A_69 = arith.constant 0 : i32
    %scan3A_70 = arith.constant 0 : i32
    %scan3A_71 = arith.constant 10 : i32
    %scan3A_72 = arith.addi %scan3A_70, %scan3A_71 : i32
    %scan3A_73 = arith.constant 1 : i32
    scf.for %scan3A_106 = %scan3A_70 to %scan3A_72 step %scan3A_73  : i32 {
      %mul3A_107 = arith.constant 80 : i32
      %mul3A_108 = arith.muli %add3A, %mul3A_107 : i32
      %mul3A_109 = arith.constant 8 : i32
      %mul3A_110 = arith.muli %scan3A_106, %mul3A_109 : i32
      %add3A_111 = arith.addi %mul3A_108, %mul3A_110 : i32
      "tpu.region"() ({
        %run_scoped3A_590 = tpu.sem_alloc : memref<!tpu.dma_semaphore, #tpu.memory_space<semaphore_mem>>
        %dma_start3A_591 = arith.constant 0 : i32
        %dma_start3A_592 = tpu.memref_slice %arg3[%add3A_111, %dma_start3A_591] : memref<2560x128xi32, #tpu.memory_space<hbm>> -> memref<8x128xi32, #tpu.memory_space<hbm>>
        %dma_start3A_593 = arith.constant 0 : i32
        %dma_start3A_594 = tpu.memref_slice %arg3[%add3A_111, %dma_start3A_593] : memref<2560x128xi32, #tpu.memory_space<hbm>> -> memref<8x128xi32, #tpu.memory_space<hbm>>
        tpu.enqueue_dma source(%dma_start3A_594 : memref<8x128xi32, #tpu.memory_space<hbm>>) target(%arg8 : memref<8x128xi32, #tpu.memory_space<vmem>>) target_semaphore(%run_scoped3A_590 : memref<!tpu.dma_semaphore, #tpu.memory_space<semaphore_mem>>)
        %dma_wait3A_595 = arith.constant 0 : i32
        %dma_wait3A_596 = tpu.memref_slice %arg3[%add3A_111, %dma_wait3A_595] : memref<2560x128xi32, #tpu.memory_space<hbm>> -> memref<8x128xi32, #tpu.memory_space<hbm>>
        %dma_wait3A_597 = arith.constant 0 : i32
        %dma_wait3A_598 = tpu.memref_slice %arg3[%add3A_111, %dma_wait3A_597] : memref<2560x128xi32, #tpu.memory_space<hbm>> -> memref<8x128xi32, #tpu.memory_space<hbm>>
        tpu.wait_dma2 semaphore(%run_scoped3A_590 : memref<!tpu.dma_semaphore, #tpu.memory_space<semaphore_mem>>) src(%dma_wait3A_598 : memref<8x128xi32, #tpu.memory_space<hbm>>) dst(%arg8 : memref<8x128xi32, #tpu.memory_space<vmem>>)
        tpu.yield
      }) : () -> ()
      "tpu.region"() ({
        %run_scoped3A_590 = tpu.sem_alloc : memref<!tpu.dma_semaphore, #tpu.memory_space<semaphore_mem>>
        %dma_start3A_591 = arith.constant 0 : i32
        %dma_start3A_592 = tpu.memref_slice %arg4[%add3A_111, %dma_start3A_591] : memref<2560x128xi32, #tpu.memory_space<hbm>> -> memref<8x128xi32, #tpu.memory_space<hbm>>
        %dma_start3A_593 = arith.constant 0 : i32
        %dma_start3A_594 = tpu.memref_slice %arg4[%add3A_111, %dma_start3A_593] : memref<2560x128xi32, #tpu.memory_space<hbm>> -> memref<8x128xi32, #tpu.memory_space<hbm>>
        tpu.enqueue_dma source(%dma_start3A_594 : memref<8x128xi32, #tpu.memory_space<hbm>>) target(%arg9 : memref<8x128xi32, #tpu.memory_space<vmem>>) target_semaphore(%run_scoped3A_590 : memref<!tpu.dma_semaphore, #tpu.memory_space<semaphore_mem>>)
        %dma_wait3A_595 = arith.constant 0 : i32
        %dma_wait3A_596 = tpu.memref_slice %arg4[%add3A_111, %dma_wait3A_595] : memref<2560x128xi32, #tpu.memory_space<hbm>> -> memref<8x128xi32, #tpu.memory_space<hbm>>
        %dma_wait3A_597 = arith.constant 0 : i32
        %dma_wait3A_598 = tpu.memref_slice %arg4[%add3A_111, %dma_wait3A_597] : memref<2560x128xi32, #tpu.memory_space<hbm>> -> memref<8x128xi32, #tpu.memory_space<hbm>>
        tpu.wait_dma2 semaphore(%run_scoped3A_590 : memref<!tpu.dma_semaphore, #tpu.memory_space<semaphore_mem>>) src(%dma_wait3A_598 : memref<8x128xi32, #tpu.memory_space<hbm>>) dst(%arg9 : memref<8x128xi32, #tpu.memory_space<vmem>>)
        tpu.yield
      }) : () -> ()
      %dma_start3A = arith.constant 0 : i32
      %dma_start3A_112 = arith.constant 0 : i32
      %dma_start3A_113 = arith.constant 0 : i32
      %dma_start3A_114 = arith.constant 0 : i32
      %dma_start3A_115 = tpu.memref_slice %arg10[%dma_start3A_112, %dma_start3A_113, %dma_start3A_114] : memref<2x128x128xf32, #tpu.memory_space<vmem>> -> memref<1x128x128xf32, #tpu.memory_space<vmem>>
      %dma_start3A_116 = tpu.memref_squeeze %dma_start3A_115 : memref<1x128x128xf32, #tpu.memory_space<vmem>> -> memref<128x128xf32, #tpu.memory_space<vmem>>
      %dma_start3A_117 = arith.constant 0 : i32
      %dma_start3A_118 = tpu.memref_slice %arg8[%dma_start3A, %dma_start3A_117] : memref<8x128xi32, #tpu.memory_space<vmem>> -> memref<1x128xi32, #tpu.memory_space<vmem>>
      %dma_start3A_119 = tpu.memref_squeeze %dma_start3A_118 : memref<1x128xi32, #tpu.memory_space<vmem>> -> memref<128xi32, #tpu.memory_space<vmem>>
      %dma_start3A_120 = arith.constant 0 : i32
      %dma_start3A_121 = arith.constant 0 : i32
      %dma_start3A_122 = tpu.memref_slice %arg2[%dma_start3A_120, %dma_start3A_121] : memref<10000x128xf32, #tpu.memory_space<hbm>> -> memref<10000x128xf32, #tpu.memory_space<hbm>>
      tpu.enqueue_indirect_dma source(%dma_start3A_122 : memref<10000x128xf32, #tpu.memory_space<hbm>>) target(%dma_start3A_116 : memref<128x128xf32, #tpu.memory_space<vmem>>) offsets(%dma_start3A_119 : memref<128xi32, #tpu.memory_space<vmem>>) semaphore(%arg15 : memref<!tpu.dma_semaphore, #tpu.memory_space<semaphore_mem>>)
      %dma_wait3A = arith.constant 0 : i32
      %dma_wait3A_123 = arith.constant 0 : i32
      %dma_wait3A_124 = arith.constant 0 : i32
      %dma_wait3A_125 = arith.constant 0 : i32
      %dma_wait3A_126 = tpu.memref_slice %arg10[%dma_wait3A_123, %dma_wait3A_124, %dma_wait3A_125] : memref<2x128x128xf32, #tpu.memory_space<vmem>> -> memref<1x128x128xf32, #tpu.memory_space<vmem>>
      %dma_wait3A_127 = tpu.memref_squeeze %dma_wait3A_126 : memref<1x128x128xf32, #tpu.memory_space<vmem>> -> memref<128x128xf32, #tpu.memory_space<vmem>>
      %dma_wait3A_128 = arith.constant 0 : i32
      %dma_wait3A_129 = tpu.memref_slice %arg8[%dma_wait3A, %dma_wait3A_128] : memref<8x128xi32, #tpu.memory_space<vmem>> -> memref<1x128xi32, #tpu.memory_space<vmem>>
      %dma_wait3A_130 = tpu.memref_squeeze %dma_wait3A_129 : memref<1x128xi32, #tpu.memory_space<vmem>> -> memref<128xi32, #tpu.memory_space<vmem>>
      %dma_wait3A_131 = arith.constant 0 : i32
      %dma_wait3A_132 = arith.constant 0 : i32
      %dma_wait3A_133 = tpu.memref_slice %arg2[%dma_wait3A_131, %dma_wait3A_132] : memref<10000x128xf32, #tpu.memory_space<hbm>> -> memref<10000x128xf32, #tpu.memory_space<hbm>>
      tpu.wait_indirect_dma semaphore(%arg15 : memref<!tpu.dma_semaphore, #tpu.memory_space<semaphore_mem>>) src(%dma_wait3A_133 : memref<10000x128xf32, #tpu.memory_space<hbm>>) dst(%dma_wait3A_127 : memref<128x128xf32, #tpu.memory_space<vmem>>)
      %dma_start3A_134 = arith.constant 0 : i32
      %dma_start3A_135 = arith.constant 0 : i32
      %dma_start3A_136 = arith.constant 0 : i32
      %dma_start3A_137 = arith.constant 0 : i32
      %dma_start3A_138 = tpu.memref_slice %arg10[%dma_start3A_134, %dma_start3A_136, %dma_start3A_137] : memref<2x128x128xf32, #tpu.memory_space<vmem>> -> memref<1x128x128xf32, #tpu.memory_space<vmem>>
      %dma_start3A_139 = tpu.memref_squeeze %dma_start3A_138 : memref<1x128x128xf32, #tpu.memory_space<vmem>> -> memref<128x128xf32, #tpu.memory_space<vmem>>
      %dma_start3A_140 = arith.constant 0 : i32
      %dma_start3A_141 = tpu.memref_slice %arg9[%dma_start3A_135, %dma_start3A_140] : memref<8x128xi32, #tpu.memory_space<vmem>> -> memref<1x128xi32, #tpu.memory_space<vmem>>
      %dma_start3A_142 = tpu.memref_squeeze %dma_start3A_141 : memref<1x128xi32, #tpu.memory_space<vmem>> -> memref<128xi32, #tpu.memory_space<vmem>>
      %dma_start3A_143 = arith.constant 0 : i32
      %dma_start3A_144 = arith.constant 0 : i32
      %dma_start3A_145 = tpu.memref_slice %arg13[%dma_start3A_143, %dma_start3A_144] : memref<10240x128xf32, #tpu.memory_space<vmem_shared>> -> memref<10240x128xf32, #tpu.memory_space<vmem_shared>>
      tpu.enqueue_indirect_dma source(%dma_start3A_139 : memref<128x128xf32, #tpu.memory_space<vmem>>) target(%dma_start3A_145 : memref<10240x128xf32, #tpu.memory_space<vmem_shared>>) offsets(%dma_start3A_142 : memref<128xi32, #tpu.memory_space<vmem>>) semaphore(%arg16 : memref<!tpu.dma_semaphore, #tpu.memory_space<semaphore_mem>>) {add = true}
      %dma_start3A_146 = arith.constant 0 : i32
      %dma_start3A_147 = arith.constant 0 : i32
      %dma_start3A_148 = tpu.memref_slice %arg9[%dma_start3A_146, %dma_start3A_147] : memref<8x128xi32, #tpu.memory_space<vmem>> -> memref<1x128xi32, #tpu.memory_space<vmem>>
      %dma_start3A_149 = tpu.memref_squeeze %dma_start3A_148 : memref<1x128xi32, #tpu.memory_space<vmem>> -> memref<128xi32, #tpu.memory_space<vmem>>
      %dma_start3A_150 = arith.constant 0 : i32
      %dma_start3A_151 = tpu.memref_slice %arg14[%dma_start3A_150] : memref<10240xf32, #tpu.memory_space<vmem_shared>> -> memref<10240xf32, #tpu.memory_space<vmem_shared>>
      tpu.enqueue_indirect_dma source(%arg11 : memref<128xf32, #tpu.memory_space<vmem>>) target(%dma_start3A_151 : memref<10240xf32, #tpu.memory_space<vmem_shared>>) offsets(%dma_start3A_149 : memref<128xi32, #tpu.memory_space<vmem>>) semaphore(%arg17 : memref<!tpu.dma_semaphore, #tpu.memory_space<semaphore_mem>>) {add = true}
      %dma_start3A_152 = arith.constant 1 : i32
      %dma_start3A_153 = arith.constant 1 : i32
      %dma_start3A_154 = arith.constant 0 : i32
      %dma_start3A_155 = arith.constant 0 : i32
      %dma_start3A_156 = tpu.memref_slice %arg10[%dma_start3A_153, %dma_start3A_154, %dma_start3A_155] : memref<2x128x128xf32, #tpu.memory_space<vmem>> -> memref<1x128x128xf32, #tpu.memory_space<vmem>>
      %dma_start3A_157 = tpu.memref_squeeze %dma_start3A_156 : memref<1x128x128xf32, #tpu.memory_space<vmem>> -> memref<128x128xf32, #tpu.memory_space<vmem>>
      %dma_start3A_158 = arith.constant 0 : i32
      %dma_start3A_159 = tpu.memref_slice %arg8[%dma_start3A_152, %dma_start3A_158] : memref<8x128xi32, #tpu.memory_space<vmem>> -> memref<1x128xi32, #tpu.memory_space<vmem>>
      %dma_start3A_160 = tpu.memref_squeeze %dma_start3A_159 : memref<1x128xi32, #tpu.memory_space<vmem>> -> memref<128xi32, #tpu.memory_space<vmem>>
      %dma_start3A_161 = arith.constant 0 : i32
      %dma_start3A_162 = arith.constant 0 : i32
      %dma_start3A_163 = tpu.memref_slice %arg2[%dma_start3A_161, %dma_start3A_162] : memref<10000x128xf32, #tpu.memory_space<hbm>> -> memref<10000x128xf32, #tpu.memory_space<hbm>>
      tpu.enqueue_indirect_dma source(%dma_start3A_163 : memref<10000x128xf32, #tpu.memory_space<hbm>>) target(%dma_start3A_157 : memref<128x128xf32, #tpu.memory_space<vmem>>) offsets(%dma_start3A_160 : memref<128xi32, #tpu.memory_space<vmem>>) semaphore(%arg15 : memref<!tpu.dma_semaphore, #tpu.memory_space<semaphore_mem>>)
      %dma_wait3A_164 = arith.constant 1 : i32
      %dma_wait3A_165 = arith.constant 1 : i32
      %dma_wait3A_166 = arith.constant 0 : i32
      %dma_wait3A_167 = arith.constant 0 : i32
      %dma_wait3A_168 = tpu.memref_slice %arg10[%dma_wait3A_165, %dma_wait3A_166, %dma_wait3A_167] : memref<2x128x128xf32, #tpu.memory_space<vmem>> -> memref<1x128x128xf32, #tpu.memory_space<vmem>>
      %dma_wait3A_169 = tpu.memref_squeeze %dma_wait3A_168 : memref<1x128x128xf32, #tpu.memory_space<vmem>> -> memref<128x128xf32, #tpu.memory_space<vmem>>
      %dma_wait3A_170 = arith.constant 0 : i32
      %dma_wait3A_171 = tpu.memref_slice %arg8[%dma_wait3A_164, %dma_wait3A_170] : memref<8x128xi32, #tpu.memory_space<vmem>> -> memref<1x128xi32, #tpu.memory_space<vmem>>
      %dma_wait3A_172 = tpu.memref_squeeze %dma_wait3A_171 : memref<1x128xi32, #tpu.memory_space<vmem>> -> memref<128xi32, #tpu.memory_space<vmem>>
      %dma_wait3A_173 = arith.constant 0 : i32
      %dma_wait3A_174 = arith.constant 0 : i32
      %dma_wait3A_175 = tpu.memref_slice %arg2[%dma_wait3A_173, %dma_wait3A_174] : memref<10000x128xf32, #tpu.memory_space<hbm>> -> memref<10000x128xf32, #tpu.memory_space<hbm>>
      tpu.wait_indirect_dma semaphore(%arg15 : memref<!tpu.dma_semaphore, #tpu.memory_space<semaphore_mem>>) src(%dma_wait3A_175 : memref<10000x128xf32, #tpu.memory_space<hbm>>) dst(%dma_wait3A_169 : memref<128x128xf32, #tpu.memory_space<vmem>>)
      %dma_start3A_176 = arith.constant 1 : i32
      %dma_start3A_177 = arith.constant 1 : i32
      %dma_start3A_178 = arith.constant 0 : i32
      %dma_start3A_179 = arith.constant 0 : i32
      %dma_start3A_180 = tpu.memref_slice %arg10[%dma_start3A_176, %dma_start3A_178, %dma_start3A_179] : memref<2x128x128xf32, #tpu.memory_space<vmem>> -> memref<1x128x128xf32, #tpu.memory_space<vmem>>
      %dma_start3A_181 = tpu.memref_squeeze %dma_start3A_180 : memref<1x128x128xf32, #tpu.memory_space<vmem>> -> memref<128x128xf32, #tpu.memory_space<vmem>>
      %dma_start3A_182 = arith.constant 0 : i32
      %dma_start3A_183 = tpu.memref_slice %arg9[%dma_start3A_177, %dma_start3A_182] : memref<8x128xi32, #tpu.memory_space<vmem>> -> memref<1x128xi32, #tpu.memory_space<vmem>>
      %dma_start3A_184 = tpu.memref_squeeze %dma_start3A_183 : memref<1x128xi32, #tpu.memory_space<vmem>> -> memref<128xi32, #tpu.memory_space<vmem>>
      %dma_start3A_185 = arith.constant 0 : i32
      %dma_start3A_186 = arith.constant 0 : i32
      %dma_start3A_187 = tpu.memref_slice %arg13[%dma_start3A_185, %dma_start3A_186] : memref<10240x128xf32, #tpu.memory_space<vmem_shared>> -> memref<10240x128xf32, #tpu.memory_space<vmem_shared>>
      tpu.enqueue_indirect_dma source(%dma_start3A_181 : memref<128x128xf32, #tpu.memory_space<vmem>>) target(%dma_start3A_187 : memref<10240x128xf32, #tpu.memory_space<vmem_shared>>) offsets(%dma_start3A_184 : memref<128xi32, #tpu.memory_space<vmem>>) semaphore(%arg16 : memref<!tpu.dma_semaphore, #tpu.memory_space<semaphore_mem>>) {add = true}
      %dma_start3A_188 = arith.constant 1 : i32
      %dma_start3A_189 = arith.constant 0 : i32
      %dma_start3A_190 = tpu.memref_slice %arg9[%dma_start3A_188, %dma_start3A_189] : memref<8x128xi32, #tpu.memory_space<vmem>> -> memref<1x128xi32, #tpu.memory_space<vmem>>
      %dma_start3A_191 = tpu.memref_squeeze %dma_start3A_190 : memref<1x128xi32, #tpu.memory_space<vmem>> -> memref<128xi32, #tpu.memory_space<vmem>>
      %dma_start3A_192 = arith.constant 0 : i32
      %dma_start3A_193 = tpu.memref_slice %arg14[%dma_start3A_192] : memref<10240xf32, #tpu.memory_space<vmem_shared>> -> memref<10240xf32, #tpu.memory_space<vmem_shared>>
      tpu.enqueue_indirect_dma source(%arg11 : memref<128xf32, #tpu.memory_space<vmem>>) target(%dma_start3A_193 : memref<10240xf32, #tpu.memory_space<vmem_shared>>) offsets(%dma_start3A_191 : memref<128xi32, #tpu.memory_space<vmem>>) semaphore(%arg17 : memref<!tpu.dma_semaphore, #tpu.memory_space<semaphore_mem>>) {add = true}
      %dma_wait3A_194 = arith.constant 0 : i32
      %dma_wait3A_195 = arith.constant 0 : i32
      %dma_wait3A_196 = arith.constant 0 : i32
      %dma_wait3A_197 = arith.constant 0 : i32
      %dma_wait3A_198 = tpu.memref_slice %arg10[%dma_wait3A_194, %dma_wait3A_196, %dma_wait3A_197] : memref<2x128x128xf32, #tpu.memory_space<vmem>> -> memref<1x128x128xf32, #tpu.memory_space<vmem>>
      %dma_wait3A_199 = tpu.memref_squeeze %dma_wait3A_198 : memref<1x128x128xf32, #tpu.memory_space<vmem>> -> memref<128x128xf32, #tpu.memory_space<vmem>>
      %dma_wait3A_200 = arith.constant 0 : i32
      %dma_wait3A_201 = tpu.memref_slice %arg9[%dma_wait3A_195, %dma_wait3A_200] : memref<8x128xi32, #tpu.memory_space<vmem>> -> memref<1x128xi32, #tpu.memory_space<vmem>>
      %dma_wait3A_202 = tpu.memref_squeeze %dma_wait3A_201 : memref<1x128xi32, #tpu.memory_space<vmem>> -> memref<128xi32, #tpu.memory_space<vmem>>
      %dma_wait3A_203 = arith.constant 0 : i32
      %dma_wait3A_204 = arith.constant 0 : i32
      %dma_wait3A_205 = tpu.memref_slice %arg13[%dma_wait3A_203, %dma_wait3A_204] : memref<10240x128xf32, #tpu.memory_space<vmem_shared>> -> memref<10240x128xf32, #tpu.memory_space<vmem_shared>>
      tpu.wait_indirect_dma semaphore(%arg16 : memref<!tpu.dma_semaphore, #tpu.memory_space<semaphore_mem>>) src(%dma_wait3A_199 : memref<128x128xf32, #tpu.memory_space<vmem>>) dst(%dma_wait3A_205 : memref<10240x128xf32, #tpu.memory_space<vmem_shared>>)
      %dma_start3A_206 = arith.constant 2 : i32
      %dma_start3A_207 = arith.constant 0 : i32
      %dma_start3A_208 = arith.constant 0 : i32
      %dma_start3A_209 = arith.constant 0 : i32
      %dma_start3A_210 = tpu.memref_slice %arg10[%dma_start3A_207, %dma_start3A_208, %dma_start3A_209] : memref<2x128x128xf32, #tpu.memory_space<vmem>> -> memref<1x128x128xf32, #tpu.memory_space<vmem>>
      %dma_start3A_211 = tpu.memref_squeeze %dma_start3A_210 : memref<1x128x128xf32, #tpu.memory_space<vmem>> -> memref<128x128xf32, #tpu.memory_space<vmem>>
      %dma_start3A_212 = arith.constant 0 : i32
      %dma_start3A_213 = tpu.memref_slice %arg8[%dma_start3A_206, %dma_start3A_212] : memref<8x128xi32, #tpu.memory_space<vmem>> -> memref<1x128xi32, #tpu.memory_space<vmem>>
      %dma_start3A_214 = tpu.memref_squeeze %dma_start3A_213 : memref<1x128xi32, #tpu.memory_space<vmem>> -> memref<128xi32, #tpu.memory_space<vmem>>
      %dma_start3A_215 = arith.constant 0 : i32
      %dma_start3A_216 = arith.constant 0 : i32
      %dma_start3A_217 = tpu.memref_slice %arg2[%dma_start3A_215, %dma_start3A_216] : memref<10000x128xf32, #tpu.memory_space<hbm>> -> memref<10000x128xf32, #tpu.memory_space<hbm>>
      tpu.enqueue_indirect_dma source(%dma_start3A_217 : memref<10000x128xf32, #tpu.memory_space<hbm>>) target(%dma_start3A_211 : memref<128x128xf32, #tpu.memory_space<vmem>>) offsets(%dma_start3A_214 : memref<128xi32, #tpu.memory_space<vmem>>) semaphore(%arg15 : memref<!tpu.dma_semaphore, #tpu.memory_space<semaphore_mem>>)
      %dma_wait3A_218 = arith.constant 2 : i32
      %dma_wait3A_219 = arith.constant 0 : i32
      %dma_wait3A_220 = arith.constant 0 : i32
      %dma_wait3A_221 = arith.constant 0 : i32
      %dma_wait3A_222 = tpu.memref_slice %arg10[%dma_wait3A_219, %dma_wait3A_220, %dma_wait3A_221] : memref<2x128x128xf32, #tpu.memory_space<vmem>> -> memref<1x128x128xf32, #tpu.memory_space<vmem>>
      %dma_wait3A_223 = tpu.memref_squeeze %dma_wait3A_222 : memref<1x128x128xf32, #tpu.memory_space<vmem>> -> memref<128x128xf32, #tpu.memory_space<vmem>>
      %dma_wait3A_224 = arith.constant 0 : i32
      %dma_wait3A_225 = tpu.memref_slice %arg8[%dma_wait3A_218, %dma_wait3A_224] : memref<8x128xi32, #tpu.memory_space<vmem>> -> memref<1x128xi32, #tpu.memory_space<vmem>>
      %dma_wait3A_226 = tpu.memref_squeeze %dma_wait3A_225 : memref<1x128xi32, #tpu.memory_space<vmem>> -> memref<128xi32, #tpu.memory_space<vmem>>
      %dma_wait3A_227 = arith.constant 0 : i32
      %dma_wait3A_228 = arith.constant 0 : i32
      %dma_wait3A_229 = tpu.memref_slice %arg2[%dma_wait3A_227, %dma_wait3A_228] : memref<10000x128xf32, #tpu.memory_space<hbm>> -> memref<10000x128xf32, #tpu.memory_space<hbm>>
      tpu.wait_indirect_dma semaphore(%arg15 : memref<!tpu.dma_semaphore, #tpu.memory_space<semaphore_mem>>) src(%dma_wait3A_229 : memref<10000x128xf32, #tpu.memory_space<hbm>>) dst(%dma_wait3A_223 : memref<128x128xf32, #tpu.memory_space<vmem>>)
      %dma_start3A_230 = arith.constant 0 : i32
      %dma_start3A_231 = arith.constant 2 : i32
      %dma_start3A_232 = arith.constant 0 : i32
      %dma_start3A_233 = arith.constant 0 : i32
      %dma_start3A_234 = tpu.memref_slice %arg10[%dma_start3A_230, %dma_start3A_232, %dma_start3A_233] : memref<2x128x128xf32, #tpu.memory_space<vmem>> -> memref<1x128x128xf32, #tpu.memory_space<vmem>>
      %dma_start3A_235 = tpu.memref_squeeze %dma_start3A_234 : memref<1x128x128xf32, #tpu.memory_space<vmem>> -> memref<128x128xf32, #tpu.memory_space<vmem>>
      %dma_start3A_236 = arith.constant 0 : i32
      %dma_start3A_237 = tpu.memref_slice %arg9[%dma_start3A_231, %dma_start3A_236] : memref<8x128xi32, #tpu.memory_space<vmem>> -> memref<1x128xi32, #tpu.memory_space<vmem>>
      %dma_start3A_238 = tpu.memref_squeeze %dma_start3A_237 : memref<1x128xi32, #tpu.memory_space<vmem>> -> memref<128xi32, #tpu.memory_space<vmem>>
      %dma_start3A_239 = arith.constant 0 : i32
      %dma_start3A_240 = arith.constant 0 : i32
      %dma_start3A_241 = tpu.memref_slice %arg13[%dma_start3A_239, %dma_start3A_240] : memref<10240x128xf32, #tpu.memory_space<vmem_shared>> -> memref<10240x128xf32, #tpu.memory_space<vmem_shared>>
      tpu.enqueue_indirect_dma source(%dma_start3A_235 : memref<128x128xf32, #tpu.memory_space<vmem>>) target(%dma_start3A_241 : memref<10240x128xf32, #tpu.memory_space<vmem_shared>>) offsets(%dma_start3A_238 : memref<128xi32, #tpu.memory_space<vmem>>) semaphore(%arg16 : memref<!tpu.dma_semaphore, #tpu.memory_space<semaphore_mem>>) {add = true}
      %dma_start3A_242 = arith.constant 2 : i32
      %dma_start3A_243 = arith.constant 0 : i32
      %dma_start3A_244 = tpu.memref_slice %arg9[%dma_start3A_242, %dma_start3A_243] : memref<8x128xi32, #tpu.memory_space<vmem>> -> memref<1x128xi32, #tpu.memory_space<vmem>>
      %dma_start3A_245 = tpu.memref_squeeze %dma_start3A_244 : memref<1x128xi32, #tpu.memory_space<vmem>> -> memref<128xi32, #tpu.memory_space<vmem>>
      %dma_start3A_246 = arith.constant 0 : i32
      %dma_start3A_247 = tpu.memref_slice %arg14[%dma_start3A_246] : memref<10240xf32, #tpu.memory_space<vmem_shared>> -> memref<10240xf32, #tpu.memory_space<vmem_shared>>
      tpu.enqueue_indirect_dma source(%arg11 : memref<128xf32, #tpu.memory_space<vmem>>) target(%dma_start3A_247 : memref<10240xf32, #tpu.memory_space<vmem_shared>>) offsets(%dma_start3A_245 : memref<128xi32, #tpu.memory_space<vmem>>) semaphore(%arg17 : memref<!tpu.dma_semaphore, #tpu.memory_space<semaphore_mem>>) {add = true}
      %dma_wait3A_248 = arith.constant 1 : i32
      %dma_wait3A_249 = arith.constant 1 : i32
      %dma_wait3A_250 = arith.constant 0 : i32
      %dma_wait3A_251 = arith.constant 0 : i32
      %dma_wait3A_252 = tpu.memref_slice %arg10[%dma_wait3A_248, %dma_wait3A_250, %dma_wait3A_251] : memref<2x128x128xf32, #tpu.memory_space<vmem>> -> memref<1x128x128xf32, #tpu.memory_space<vmem>>
      %dma_wait3A_253 = tpu.memref_squeeze %dma_wait3A_252 : memref<1x128x128xf32, #tpu.memory_space<vmem>> -> memref<128x128xf32, #tpu.memory_space<vmem>>
      %dma_wait3A_254 = arith.constant 0 : i32
      %dma_wait3A_255 = tpu.memref_slice %arg9[%dma_wait3A_249, %dma_wait3A_254] : memref<8x128xi32, #tpu.memory_space<vmem>> -> memref<1x128xi32, #tpu.memory_space<vmem>>
      %dma_wait3A_256 = tpu.memref_squeeze %dma_wait3A_255 : memref<1x128xi32, #tpu.memory_space<vmem>> -> memref<128xi32, #tpu.memory_space<vmem>>
      %dma_wait3A_257 = arith.constant 0 : i32
      %dma_wait3A_258 = arith.constant 0 : i32
      %dma_wait3A_259 = tpu.memref_slice %arg13[%dma_wait3A_257, %dma_wait3A_258] : memref<10240x128xf32, #tpu.memory_space<vmem_shared>> -> memref<10240x128xf32, #tpu.memory_space<vmem_shared>>
      tpu.wait_indirect_dma semaphore(%arg16 : memref<!tpu.dma_semaphore, #tpu.memory_space<semaphore_mem>>) src(%dma_wait3A_253 : memref<128x128xf32, #tpu.memory_space<vmem>>) dst(%dma_wait3A_259 : memref<10240x128xf32, #tpu.memory_space<vmem_shared>>)
      %dma_start3A_260 = arith.constant 3 : i32
      %dma_start3A_261 = arith.constant 1 : i32
      %dma_start3A_262 = arith.constant 0 : i32
      %dma_start3A_263 = arith.constant 0 : i32
      %dma_start3A_264 = tpu.memref_slice %arg10[%dma_start3A_261, %dma_start3A_262, %dma_start3A_263] : memref<2x128x128xf32, #tpu.memory_space<vmem>> -> memref<1x128x128xf32, #tpu.memory_space<vmem>>
      %dma_start3A_265 = tpu.memref_squeeze %dma_start3A_264 : memref<1x128x128xf32, #tpu.memory_space<vmem>> -> memref<128x128xf32, #tpu.memory_space<vmem>>
      %dma_start3A_266 = arith.constant 0 : i32
      %dma_start3A_267 = tpu.memref_slice %arg8[%dma_start3A_260, %dma_start3A_266] : memref<8x128xi32, #tpu.memory_space<vmem>> -> memref<1x128xi32, #tpu.memory_space<vmem>>
      %dma_start3A_268 = tpu.memref_squeeze %dma_start3A_267 : memref<1x128xi32, #tpu.memory_space<vmem>> -> memref<128xi32, #tpu.memory_space<vmem>>
      %dma_start3A_269 = arith.constant 0 : i32
      %dma_start3A_270 = arith.constant 0 : i32
      %dma_start3A_271 = tpu.memref_slice %arg2[%dma_start3A_269, %dma_start3A_270] : memref<10000x128xf32, #tpu.memory_space<hbm>> -> memref<10000x128xf32, #tpu.memory_space<hbm>>
      tpu.enqueue_indirect_dma source(%dma_start3A_271 : memref<10000x128xf32, #tpu.memory_space<hbm>>) target(%dma_start3A_265 : memref<128x128xf32, #tpu.memory_space<vmem>>) offsets(%dma_start3A_268 : memref<128xi32, #tpu.memory_space<vmem>>) semaphore(%arg15 : memref<!tpu.dma_semaphore, #tpu.memory_space<semaphore_mem>>)
      %dma_wait3A_272 = arith.constant 3 : i32
      %dma_wait3A_273 = arith.constant 1 : i32
      %dma_wait3A_274 = arith.constant 0 : i32
      %dma_wait3A_275 = arith.constant 0 : i32
      %dma_wait3A_276 = tpu.memref_slice %arg10[%dma_wait3A_273, %dma_wait3A_274, %dma_wait3A_275] : memref<2x128x128xf32, #tpu.memory_space<vmem>> -> memref<1x128x128xf32, #tpu.memory_space<vmem>>
      %dma_wait3A_277 = tpu.memref_squeeze %dma_wait3A_276 : memref<1x128x128xf32, #tpu.memory_space<vmem>> -> memref<128x128xf32, #tpu.memory_space<vmem>>
      %dma_wait3A_278 = arith.constant 0 : i32
      %dma_wait3A_279 = tpu.memref_slice %arg8[%dma_wait3A_272, %dma_wait3A_278] : memref<8x128xi32, #tpu.memory_space<vmem>> -> memref<1x128xi32, #tpu.memory_space<vmem>>
      %dma_wait3A_280 = tpu.memref_squeeze %dma_wait3A_279 : memref<1x128xi32, #tpu.memory_space<vmem>> -> memref<128xi32, #tpu.memory_space<vmem>>
      %dma_wait3A_281 = arith.constant 0 : i32
      %dma_wait3A_282 = arith.constant 0 : i32
      %dma_wait3A_283 = tpu.memref_slice %arg2[%dma_wait3A_281, %dma_wait3A_282] : memref<10000x128xf32, #tpu.memory_space<hbm>> -> memref<10000x128xf32, #tpu.memory_space<hbm>>
      tpu.wait_indirect_dma semaphore(%arg15 : memref<!tpu.dma_semaphore, #tpu.memory_space<semaphore_mem>>) src(%dma_wait3A_283 : memref<10000x128xf32, #tpu.memory_space<hbm>>) dst(%dma_wait3A_277 : memref<128x128xf32, #tpu.memory_space<vmem>>)
      %dma_start3A_284 = arith.constant 1 : i32
      %dma_start3A_285 = arith.constant 3 : i32
      %dma_start3A_286 = arith.constant 0 : i32
      %dma_start3A_287 = arith.constant 0 : i32
      %dma_start3A_288 = tpu.memref_slice %arg10[%dma_start3A_284, %dma_start3A_286, %dma_start3A_287] : memref<2x128x128xf32, #tpu.memory_space<vmem>> -> memref<1x128x128xf32, #tpu.memory_space<vmem>>
      %dma_start3A_289 = tpu.memref_squeeze %dma_start3A_288 : memref<1x128x128xf32, #tpu.memory_space<vmem>> -> memref<128x128xf32, #tpu.memory_space<vmem>>
      %dma_start3A_290 = arith.constant 0 : i32
      %dma_start3A_291 = tpu.memref_slice %arg9[%dma_start3A_285, %dma_start3A_290] : memref<8x128xi32, #tpu.memory_space<vmem>> -> memref<1x128xi32, #tpu.memory_space<vmem>>
      %dma_start3A_292 = tpu.memref_squeeze %dma_start3A_291 : memref<1x128xi32, #tpu.memory_space<vmem>> -> memref<128xi32, #tpu.memory_space<vmem>>
      %dma_start3A_293 = arith.constant 0 : i32
      %dma_start3A_294 = arith.constant 0 : i32
      %dma_start3A_295 = tpu.memref_slice %arg13[%dma_start3A_293, %dma_start3A_294] : memref<10240x128xf32, #tpu.memory_space<vmem_shared>> -> memref<10240x128xf32, #tpu.memory_space<vmem_shared>>
      tpu.enqueue_indirect_dma source(%dma_start3A_289 : memref<128x128xf32, #tpu.memory_space<vmem>>) target(%dma_start3A_295 : memref<10240x128xf32, #tpu.memory_space<vmem_shared>>) offsets(%dma_start3A_292 : memref<128xi32, #tpu.memory_space<vmem>>) semaphore(%arg16 : memref<!tpu.dma_semaphore, #tpu.memory_space<semaphore_mem>>) {add = true}
      %dma_start3A_296 = arith.constant 3 : i32
      %dma_start3A_297 = arith.constant 0 : i32
      %dma_start3A_298 = tpu.memref_slice %arg9[%dma_start3A_296, %dma_start3A_297] : memref<8x128xi32, #tpu.memory_space<vmem>> -> memref<1x128xi32, #tpu.memory_space<vmem>>
      %dma_start3A_299 = tpu.memref_squeeze %dma_start3A_298 : memref<1x128xi32, #tpu.memory_space<vmem>> -> memref<128xi32, #tpu.memory_space<vmem>>
      %dma_start3A_300 = arith.constant 0 : i32
      %dma_start3A_301 = tpu.memref_slice %arg14[%dma_start3A_300] : memref<10240xf32, #tpu.memory_space<vmem_shared>> -> memref<10240xf32, #tpu.memory_space<vmem_shared>>
      tpu.enqueue_indirect_dma source(%arg11 : memref<128xf32, #tpu.memory_space<vmem>>) target(%dma_start3A_301 : memref<10240xf32, #tpu.memory_space<vmem_shared>>) offsets(%dma_start3A_299 : memref<128xi32, #tpu.memory_space<vmem>>) semaphore(%arg17 : memref<!tpu.dma_semaphore, #tpu.memory_space<semaphore_mem>>) {add = true}
      %dma_wait3A_302 = arith.constant 0 : i32
      %dma_wait3A_303 = arith.constant 2 : i32
      %dma_wait3A_304 = arith.constant 0 : i32
      %dma_wait3A_305 = arith.constant 0 : i32
      %dma_wait3A_306 = tpu.memref_slice %arg10[%dma_wait3A_302, %dma_wait3A_304, %dma_wait3A_305] : memref<2x128x128xf32, #tpu.memory_space<vmem>> -> memref<1x128x128xf32, #tpu.memory_space<vmem>>
      %dma_wait3A_307 = tpu.memref_squeeze %dma_wait3A_306 : memref<1x128x128xf32, #tpu.memory_space<vmem>> -> memref<128x128xf32, #tpu.memory_space<vmem>>
      %dma_wait3A_308 = arith.constant 0 : i32
      %dma_wait3A_309 = tpu.memref_slice %arg9[%dma_wait3A_303, %dma_wait3A_308] : memref<8x128xi32, #tpu.memory_space<vmem>> -> memref<1x128xi32, #tpu.memory_space<vmem>>
      %dma_wait3A_310 = tpu.memref_squeeze %dma_wait3A_309 : memref<1x128xi32, #tpu.memory_space<vmem>> -> memref<128xi32, #tpu.memory_space<vmem>>
      %dma_wait3A_311 = arith.constant 0 : i32
      %dma_wait3A_312 = arith.constant 0 : i32
      %dma_wait3A_313 = tpu.memref_slice %arg13[%dma_wait3A_311, %dma_wait3A_312] : memref<10240x128xf32, #tpu.memory_space<vmem_shared>> -> memref<10240x128xf32, #tpu.memory_space<vmem_shared>>
      tpu.wait_indirect_dma semaphore(%arg16 : memref<!tpu.dma_semaphore, #tpu.memory_space<semaphore_mem>>) src(%dma_wait3A_307 : memref<128x128xf32, #tpu.memory_space<vmem>>) dst(%dma_wait3A_313 : memref<10240x128xf32, #tpu.memory_space<vmem_shared>>)
      %dma_start3A_314 = arith.constant 4 : i32
      %dma_start3A_315 = arith.constant 0 : i32
      %dma_start3A_316 = arith.constant 0 : i32
      %dma_start3A_317 = arith.constant 0 : i32
      %dma_start3A_318 = tpu.memref_slice %arg10[%dma_start3A_315, %dma_start3A_316, %dma_start3A_317] : memref<2x128x128xf32, #tpu.memory_space<vmem>> -> memref<1x128x128xf32, #tpu.memory_space<vmem>>
      %dma_start3A_319 = tpu.memref_squeeze %dma_start3A_318 : memref<1x128x128xf32, #tpu.memory_space<vmem>> -> memref<128x128xf32, #tpu.memory_space<vmem>>
      %dma_start3A_320 = arith.constant 0 : i32
      %dma_start3A_321 = tpu.memref_slice %arg8[%dma_start3A_314, %dma_start3A_320] : memref<8x128xi32, #tpu.memory_space<vmem>> -> memref<1x128xi32, #tpu.memory_space<vmem>>
      %dma_start3A_322 = tpu.memref_squeeze %dma_start3A_321 : memref<1x128xi32, #tpu.memory_space<vmem>> -> memref<128xi32, #tpu.memory_space<vmem>>
      %dma_start3A_323 = arith.constant 0 : i32
      %dma_start3A_324 = arith.constant 0 : i32
      %dma_start3A_325 = tpu.memref_slice %arg2[%dma_start3A_323, %dma_start3A_324] : memref<10000x128xf32, #tpu.memory_space<hbm>> -> memref<10000x128xf32, #tpu.memory_space<hbm>>
      tpu.enqueue_indirect_dma source(%dma_start3A_325 : memref<10000x128xf32, #tpu.memory_space<hbm>>) target(%dma_start3A_319 : memref<128x128xf32, #tpu.memory_space<vmem>>) offsets(%dma_start3A_322 : memref<128xi32, #tpu.memory_space<vmem>>) semaphore(%arg15 : memref<!tpu.dma_semaphore, #tpu.memory_space<semaphore_mem>>)
      %dma_wait3A_326 = arith.constant 4 : i32
      %dma_wait3A_327 = arith.constant 0 : i32
      %dma_wait3A_328 = arith.constant 0 : i32
      %dma_wait3A_329 = arith.constant 0 : i32
      %dma_wait3A_330 = tpu.memref_slice %arg10[%dma_wait3A_327, %dma_wait3A_328, %dma_wait3A_329] : memref<2x128x128xf32, #tpu.memory_space<vmem>> -> memref<1x128x128xf32, #tpu.memory_space<vmem>>
      %dma_wait3A_331 = tpu.memref_squeeze %dma_wait3A_330 : memref<1x128x128xf32, #tpu.memory_space<vmem>> -> memref<128x128xf32, #tpu.memory_space<vmem>>
      %dma_wait3A_332 = arith.constant 0 : i32
      %dma_wait3A_333 = tpu.memref_slice %arg8[%dma_wait3A_326, %dma_wait3A_332] : memref<8x128xi32, #tpu.memory_space<vmem>> -> memref<1x128xi32, #tpu.memory_space<vmem>>
      %dma_wait3A_334 = tpu.memref_squeeze %dma_wait3A_333 : memref<1x128xi32, #tpu.memory_space<vmem>> -> memref<128xi32, #tpu.memory_space<vmem>>
      %dma_wait3A_335 = arith.constant 0 : i32
      %dma_wait3A_336 = arith.constant 0 : i32
      %dma_wait3A_337 = tpu.memref_slice %arg2[%dma_wait3A_335, %dma_wait3A_336] : memref<10000x128xf32, #tpu.memory_space<hbm>> -> memref<10000x128xf32, #tpu.memory_space<hbm>>
      tpu.wait_indirect_dma semaphore(%arg15 : memref<!tpu.dma_semaphore, #tpu.memory_space<semaphore_mem>>) src(%dma_wait3A_337 : memref<10000x128xf32, #tpu.memory_space<hbm>>) dst(%dma_wait3A_331 : memref<128x128xf32, #tpu.memory_space<vmem>>)
      %dma_start3A_338 = arith.constant 0 : i32
      %dma_start3A_339 = arith.constant 4 : i32
      %dma_start3A_340 = arith.constant 0 : i32
      %dma_start3A_341 = arith.constant 0 : i32
      %dma_start3A_342 = tpu.memref_slice %arg10[%dma_start3A_338, %dma_start3A_340, %dma_start3A_341] : memref<2x128x128xf32, #tpu.memory_space<vmem>> -> memref<1x128x128xf32, #tpu.memory_space<vmem>>
      %dma_start3A_343 = tpu.memref_squeeze %dma_start3A_342 : memref<1x128x128xf32, #tpu.memory_space<vmem>> -> memref<128x128xf32, #tpu.memory_space<vmem>>
      %dma_start3A_344 = arith.constant 0 : i32
      %dma_start3A_345 = tpu.memref_slice %arg9[%dma_start3A_339, %dma_start3A_344] : memref<8x128xi32, #tpu.memory_space<vmem>> -> memref<1x128xi32, #tpu.memory_space<vmem>>
      %dma_start3A_346 = tpu.memref_squeeze %dma_start3A_345 : memref<1x128xi32, #tpu.memory_space<vmem>> -> memref<128xi32, #tpu.memory_space<vmem>>
      %dma_start3A_347 = arith.constant 0 : i32
      %dma_start3A_348 = arith.constant 0 : i32
      %dma_start3A_349 = tpu.memref_slice %arg13[%dma_start3A_347, %dma_start3A_348] : memref<10240x128xf32, #tpu.memory_space<vmem_shared>> -> memref<10240x128xf32, #tpu.memory_space<vmem_shared>>
      tpu.enqueue_indirect_dma source(%dma_start3A_343 : memref<128x128xf32, #tpu.memory_space<vmem>>) target(%dma_start3A_349 : memref<10240x128xf32, #tpu.memory_space<vmem_shared>>) offsets(%dma_start3A_346 : memref<128xi32, #tpu.memory_space<vmem>>) semaphore(%arg16 : memref<!tpu.dma_semaphore, #tpu.memory_space<semaphore_mem>>) {add = true}
      %dma_start3A_350 = arith.constant 4 : i32
      %dma_start3A_351 = arith.constant 0 : i32
      %dma_start3A_352 = tpu.memref_slice %arg9[%dma_start3A_350, %dma_start3A_351] : memref<8x128xi32, #tpu.memory_space<vmem>> -> memref<1x128xi32, #tpu.memory_space<vmem>>
      %dma_start3A_353 = tpu.memref_squeeze %dma_start3A_352 : memref<1x128xi32, #tpu.memory_space<vmem>> -> memref<128xi32, #tpu.memory_space<vmem>>
      %dma_start3A_354 = arith.constant 0 : i32
      %dma_start3A_355 = tpu.memref_slice %arg14[%dma_start3A_354] : memref<10240xf32, #tpu.memory_space<vmem_shared>> -> memref<10240xf32, #tpu.memory_space<vmem_shared>>
      tpu.enqueue_indirect_dma source(%arg11 : memref<128xf32, #tpu.memory_space<vmem>>) target(%dma_start3A_355 : memref<10240xf32, #tpu.memory_space<vmem_shared>>) offsets(%dma_start3A_353 : memref<128xi32, #tpu.memory_space<vmem>>) semaphore(%arg17 : memref<!tpu.dma_semaphore, #tpu.memory_space<semaphore_mem>>) {add = true}
      %dma_wait3A_356 = arith.constant 1 : i32
      %dma_wait3A_357 = arith.constant 3 : i32
      %dma_wait3A_358 = arith.constant 0 : i32
      %dma_wait3A_359 = arith.constant 0 : i32
      %dma_wait3A_360 = tpu.memref_slice %arg10[%dma_wait3A_356, %dma_wait3A_358, %dma_wait3A_359] : memref<2x128x128xf32, #tpu.memory_space<vmem>> -> memref<1x128x128xf32, #tpu.memory_space<vmem>>
      %dma_wait3A_361 = tpu.memref_squeeze %dma_wait3A_360 : memref<1x128x128xf32, #tpu.memory_space<vmem>> -> memref<128x128xf32, #tpu.memory_space<vmem>>
      %dma_wait3A_362 = arith.constant 0 : i32
      %dma_wait3A_363 = tpu.memref_slice %arg9[%dma_wait3A_357, %dma_wait3A_362] : memref<8x128xi32, #tpu.memory_space<vmem>> -> memref<1x128xi32, #tpu.memory_space<vmem>>
      %dma_wait3A_364 = tpu.memref_squeeze %dma_wait3A_363 : memref<1x128xi32, #tpu.memory_space<vmem>> -> memref<128xi32, #tpu.memory_space<vmem>>
      %dma_wait3A_365 = arith.constant 0 : i32
      %dma_wait3A_366 = arith.constant 0 : i32
      %dma_wait3A_367 = tpu.memref_slice %arg13[%dma_wait3A_365, %dma_wait3A_366] : memref<10240x128xf32, #tpu.memory_space<vmem_shared>> -> memref<10240x128xf32, #tpu.memory_space<vmem_shared>>
      tpu.wait_indirect_dma semaphore(%arg16 : memref<!tpu.dma_semaphore, #tpu.memory_space<semaphore_mem>>) src(%dma_wait3A_361 : memref<128x128xf32, #tpu.memory_space<vmem>>) dst(%dma_wait3A_367 : memref<10240x128xf32, #tpu.memory_space<vmem_shared>>)
      %dma_start3A_368 = arith.constant 5 : i32
      %dma_start3A_369 = arith.constant 1 : i32
      %dma_start3A_370 = arith.constant 0 : i32
      %dma_start3A_371 = arith.constant 0 : i32
      %dma_start3A_372 = tpu.memref_slice %arg10[%dma_start3A_369, %dma_start3A_370, %dma_start3A_371] : memref<2x128x128xf32, #tpu.memory_space<vmem>> -> memref<1x128x128xf32, #tpu.memory_space<vmem>>
      %dma_start3A_373 = tpu.memref_squeeze %dma_start3A_372 : memref<1x128x128xf32, #tpu.memory_space<vmem>> -> memref<128x128xf32, #tpu.memory_space<vmem>>
      %dma_start3A_374 = arith.constant 0 : i32
      %dma_start3A_375 = tpu.memref_slice %arg8[%dma_start3A_368, %dma_start3A_374] : memref<8x128xi32, #tpu.memory_space<vmem>> -> memref<1x128xi32, #tpu.memory_space<vmem>>
      %dma_start3A_376 = tpu.memref_squeeze %dma_start3A_375 : memref<1x128xi32, #tpu.memory_space<vmem>> -> memref<128xi32, #tpu.memory_space<vmem>>
      %dma_start3A_377 = arith.constant 0 : i32
      %dma_start3A_378 = arith.constant 0 : i32
      %dma_start3A_379 = tpu.memref_slice %arg2[%dma_start3A_377, %dma_start3A_378] : memref<10000x128xf32, #tpu.memory_space<hbm>> -> memref<10000x128xf32, #tpu.memory_space<hbm>>
      tpu.enqueue_indirect_dma source(%dma_start3A_379 : memref<10000x128xf32, #tpu.memory_space<hbm>>) target(%dma_start3A_373 : memref<128x128xf32, #tpu.memory_space<vmem>>) offsets(%dma_start3A_376 : memref<128xi32, #tpu.memory_space<vmem>>) semaphore(%arg15 : memref<!tpu.dma_semaphore, #tpu.memory_space<semaphore_mem>>)
      %dma_wait3A_380 = arith.constant 5 : i32
      %dma_wait3A_381 = arith.constant 1 : i32
      %dma_wait3A_382 = arith.constant 0 : i32
      %dma_wait3A_383 = arith.constant 0 : i32
      %dma_wait3A_384 = tpu.memref_slice %arg10[%dma_wait3A_381, %dma_wait3A_382, %dma_wait3A_383] : memref<2x128x128xf32, #tpu.memory_space<vmem>> -> memref<1x128x128xf32, #tpu.memory_space<vmem>>
      %dma_wait3A_385 = tpu.memref_squeeze %dma_wait3A_384 : memref<1x128x128xf32, #tpu.memory_space<vmem>> -> memref<128x128xf32, #tpu.memory_space<vmem>>
      %dma_wait3A_386 = arith.constant 0 : i32
      %dma_wait3A_387 = tpu.memref_slice %arg8[%dma_wait3A_380, %dma_wait3A_386] : memref<8x128xi32, #tpu.memory_space<vmem>> -> memref<1x128xi32, #tpu.memory_space<vmem>>
      %dma_wait3A_388 = tpu.memref_squeeze %dma_wait3A_387 : memref<1x128xi32, #tpu.memory_space<vmem>> -> memref<128xi32, #tpu.memory_space<vmem>>
      %dma_wait3A_389 = arith.constant 0 : i32
      %dma_wait3A_390 = arith.constant 0 : i32
      %dma_wait3A_391 = tpu.memref_slice %arg2[%dma_wait3A_389, %dma_wait3A_390] : memref<10000x128xf32, #tpu.memory_space<hbm>> -> memref<10000x128xf32, #tpu.memory_space<hbm>>
      tpu.wait_indirect_dma semaphore(%arg15 : memref<!tpu.dma_semaphore, #tpu.memory_space<semaphore_mem>>) src(%dma_wait3A_391 : memref<10000x128xf32, #tpu.memory_space<hbm>>) dst(%dma_wait3A_385 : memref<128x128xf32, #tpu.memory_space<vmem>>)
      %dma_start3A_392 = arith.constant 1 : i32
      %dma_start3A_393 = arith.constant 5 : i32
      %dma_start3A_394 = arith.constant 0 : i32
      %dma_start3A_395 = arith.constant 0 : i32
      %dma_start3A_396 = tpu.memref_slice %arg10[%dma_start3A_392, %dma_start3A_394, %dma_start3A_395] : memref<2x128x128xf32, #tpu.memory_space<vmem>> -> memref<1x128x128xf32, #tpu.memory_space<vmem>>
      %dma_start3A_397 = tpu.memref_squeeze %dma_start3A_396 : memref<1x128x128xf32, #tpu.memory_space<vmem>> -> memref<128x128xf32, #tpu.memory_space<vmem>>
      %dma_start3A_398 = arith.constant 0 : i32
      %dma_start3A_399 = tpu.memref_slice %arg9[%dma_start3A_393, %dma_start3A_398] : memref<8x128xi32, #tpu.memory_space<vmem>> -> memref<1x128xi32, #tpu.memory_space<vmem>>
      %dma_start3A_400 = tpu.memref_squeeze %dma_start3A_399 : memref<1x128xi32, #tpu.memory_space<vmem>> -> memref<128xi32, #tpu.memory_space<vmem>>
      %dma_start3A_401 = arith.constant 0 : i32
      %dma_start3A_402 = arith.constant 0 : i32
      %dma_start3A_403 = tpu.memref_slice %arg13[%dma_start3A_401, %dma_start3A_402] : memref<10240x128xf32, #tpu.memory_space<vmem_shared>> -> memref<10240x128xf32, #tpu.memory_space<vmem_shared>>
      tpu.enqueue_indirect_dma source(%dma_start3A_397 : memref<128x128xf32, #tpu.memory_space<vmem>>) target(%dma_start3A_403 : memref<10240x128xf32, #tpu.memory_space<vmem_shared>>) offsets(%dma_start3A_400 : memref<128xi32, #tpu.memory_space<vmem>>) semaphore(%arg16 : memref<!tpu.dma_semaphore, #tpu.memory_space<semaphore_mem>>) {add = true}
      %dma_start3A_404 = arith.constant 5 : i32
      %dma_start3A_405 = arith.constant 0 : i32
      %dma_start3A_406 = tpu.memref_slice %arg9[%dma_start3A_404, %dma_start3A_405] : memref<8x128xi32, #tpu.memory_space<vmem>> -> memref<1x128xi32, #tpu.memory_space<vmem>>
      %dma_start3A_407 = tpu.memref_squeeze %dma_start3A_406 : memref<1x128xi32, #tpu.memory_space<vmem>> -> memref<128xi32, #tpu.memory_space<vmem>>
      %dma_start3A_408 = arith.constant 0 : i32
      %dma_start3A_409 = tpu.memref_slice %arg14[%dma_start3A_408] : memref<10240xf32, #tpu.memory_space<vmem_shared>> -> memref<10240xf32, #tpu.memory_space<vmem_shared>>
      tpu.enqueue_indirect_dma source(%arg11 : memref<128xf32, #tpu.memory_space<vmem>>) target(%dma_start3A_409 : memref<10240xf32, #tpu.memory_space<vmem_shared>>) offsets(%dma_start3A_407 : memref<128xi32, #tpu.memory_space<vmem>>) semaphore(%arg17 : memref<!tpu.dma_semaphore, #tpu.memory_space<semaphore_mem>>) {add = true}
      %dma_wait3A_410 = arith.constant 0 : i32
      %dma_wait3A_411 = arith.constant 4 : i32
      %dma_wait3A_412 = arith.constant 0 : i32
      %dma_wait3A_413 = arith.constant 0 : i32
      %dma_wait3A_414 = tpu.memref_slice %arg10[%dma_wait3A_410, %dma_wait3A_412, %dma_wait3A_413] : memref<2x128x128xf32, #tpu.memory_space<vmem>> -> memref<1x128x128xf32, #tpu.memory_space<vmem>>
      %dma_wait3A_415 = tpu.memref_squeeze %dma_wait3A_414 : memref<1x128x128xf32, #tpu.memory_space<vmem>> -> memref<128x128xf32, #tpu.memory_space<vmem>>
      %dma_wait3A_416 = arith.constant 0 : i32
      %dma_wait3A_417 = tpu.memref_slice %arg9[%dma_wait3A_411, %dma_wait3A_416] : memref<8x128xi32, #tpu.memory_space<vmem>> -> memref<1x128xi32, #tpu.memory_space<vmem>>
      %dma_wait3A_418 = tpu.memref_squeeze %dma_wait3A_417 : memref<1x128xi32, #tpu.memory_space<vmem>> -> memref<128xi32, #tpu.memory_space<vmem>>
      %dma_wait3A_419 = arith.constant 0 : i32
      %dma_wait3A_420 = arith.constant 0 : i32
      %dma_wait3A_421 = tpu.memref_slice %arg13[%dma_wait3A_419, %dma_wait3A_420] : memref<10240x128xf32, #tpu.memory_space<vmem_shared>> -> memref<10240x128xf32, #tpu.memory_space<vmem_shared>>
      tpu.wait_indirect_dma semaphore(%arg16 : memref<!tpu.dma_semaphore, #tpu.memory_space<semaphore_mem>>) src(%dma_wait3A_415 : memref<128x128xf32, #tpu.memory_space<vmem>>) dst(%dma_wait3A_421 : memref<10240x128xf32, #tpu.memory_space<vmem_shared>>)
      %dma_start3A_422 = arith.constant 6 : i32
      %dma_start3A_423 = arith.constant 0 : i32
      %dma_start3A_424 = arith.constant 0 : i32
      %dma_start3A_425 = arith.constant 0 : i32
      %dma_start3A_426 = tpu.memref_slice %arg10[%dma_start3A_423, %dma_start3A_424, %dma_start3A_425] : memref<2x128x128xf32, #tpu.memory_space<vmem>> -> memref<1x128x128xf32, #tpu.memory_space<vmem>>
      %dma_start3A_427 = tpu.memref_squeeze %dma_start3A_426 : memref<1x128x128xf32, #tpu.memory_space<vmem>> -> memref<128x128xf32, #tpu.memory_space<vmem>>
      %dma_start3A_428 = arith.constant 0 : i32
      %dma_start3A_429 = tpu.memref_slice %arg8[%dma_start3A_422, %dma_start3A_428] : memref<8x128xi32, #tpu.memory_space<vmem>> -> memref<1x128xi32, #tpu.memory_space<vmem>>
      %dma_start3A_430 = tpu.memref_squeeze %dma_start3A_429 : memref<1x128xi32, #tpu.memory_space<vmem>> -> memref<128xi32, #tpu.memory_space<vmem>>
      %dma_start3A_431 = arith.constant 0 : i32
      %dma_start3A_432 = arith.constant 0 : i32
      %dma_start3A_433 = tpu.memref_slice %arg2[%dma_start3A_431, %dma_start3A_432] : memref<10000x128xf32, #tpu.memory_space<hbm>> -> memref<10000x128xf32, #tpu.memory_space<hbm>>
      tpu.enqueue_indirect_dma source(%dma_start3A_433 : memref<10000x128xf32, #tpu.memory_space<hbm>>) target(%dma_start3A_427 : memref<128x128xf32, #tpu.memory_space<vmem>>) offsets(%dma_start3A_430 : memref<128xi32, #tpu.memory_space<vmem>>) semaphore(%arg15 : memref<!tpu.dma_semaphore, #tpu.memory_space<semaphore_mem>>)
      %dma_wait3A_434 = arith.constant 6 : i32
      %dma_wait3A_435 = arith.constant 0 : i32
      %dma_wait3A_436 = arith.constant 0 : i32
      %dma_wait3A_437 = arith.constant 0 : i32
      %dma_wait3A_438 = tpu.memref_slice %arg10[%dma_wait3A_435, %dma_wait3A_436, %dma_wait3A_437] : memref<2x128x128xf32, #tpu.memory_space<vmem>> -> memref<1x128x128xf32, #tpu.memory_space<vmem>>
      %dma_wait3A_439 = tpu.memref_squeeze %dma_wait3A_438 : memref<1x128x128xf32, #tpu.memory_space<vmem>> -> memref<128x128xf32, #tpu.memory_space<vmem>>
      %dma_wait3A_440 = arith.constant 0 : i32
      %dma_wait3A_441 = tpu.memref_slice %arg8[%dma_wait3A_434, %dma_wait3A_440] : memref<8x128xi32, #tpu.memory_space<vmem>> -> memref<1x128xi32, #tpu.memory_space<vmem>>
      %dma_wait3A_442 = tpu.memref_squeeze %dma_wait3A_441 : memref<1x128xi32, #tpu.memory_space<vmem>> -> memref<128xi32, #tpu.memory_space<vmem>>
      %dma_wait3A_443 = arith.constant 0 : i32
      %dma_wait3A_444 = arith.constant 0 : i32
      %dma_wait3A_445 = tpu.memref_slice %arg2[%dma_wait3A_443, %dma_wait3A_444] : memref<10000x128xf32, #tpu.memory_space<hbm>> -> memref<10000x128xf32, #tpu.memory_space<hbm>>
      tpu.wait_indirect_dma semaphore(%arg15 : memref<!tpu.dma_semaphore, #tpu.memory_space<semaphore_mem>>) src(%dma_wait3A_445 : memref<10000x128xf32, #tpu.memory_space<hbm>>) dst(%dma_wait3A_439 : memref<128x128xf32, #tpu.memory_space<vmem>>)
      %dma_start3A_446 = arith.constant 0 : i32
      %dma_start3A_447 = arith.constant 6 : i32
      %dma_start3A_448 = arith.constant 0 : i32
      %dma_start3A_449 = arith.constant 0 : i32
      %dma_start3A_450 = tpu.memref_slice %arg10[%dma_start3A_446, %dma_start3A_448, %dma_start3A_449] : memref<2x128x128xf32, #tpu.memory_space<vmem>> -> memref<1x128x128xf32, #tpu.memory_space<vmem>>
      %dma_start3A_451 = tpu.memref_squeeze %dma_start3A_450 : memref<1x128x128xf32, #tpu.memory_space<vmem>> -> memref<128x128xf32, #tpu.memory_space<vmem>>
      %dma_start3A_452 = arith.constant 0 : i32
      %dma_start3A_453 = tpu.memref_slice %arg9[%dma_start3A_447, %dma_start3A_452] : memref<8x128xi32, #tpu.memory_space<vmem>> -> memref<1x128xi32, #tpu.memory_space<vmem>>
      %dma_start3A_454 = tpu.memref_squeeze %dma_start3A_453 : memref<1x128xi32, #tpu.memory_space<vmem>> -> memref<128xi32, #tpu.memory_space<vmem>>
      %dma_start3A_455 = arith.constant 0 : i32
      %dma_start3A_456 = arith.constant 0 : i32
      %dma_start3A_457 = tpu.memref_slice %arg13[%dma_start3A_455, %dma_start3A_456] : memref<10240x128xf32, #tpu.memory_space<vmem_shared>> -> memref<10240x128xf32, #tpu.memory_space<vmem_shared>>
      tpu.enqueue_indirect_dma source(%dma_start3A_451 : memref<128x128xf32, #tpu.memory_space<vmem>>) target(%dma_start3A_457 : memref<10240x128xf32, #tpu.memory_space<vmem_shared>>) offsets(%dma_start3A_454 : memref<128xi32, #tpu.memory_space<vmem>>) semaphore(%arg16 : memref<!tpu.dma_semaphore, #tpu.memory_space<semaphore_mem>>) {add = true}
      %dma_start3A_458 = arith.constant 6 : i32
      %dma_start3A_459 = arith.constant 0 : i32
      %dma_start3A_460 = tpu.memref_slice %arg9[%dma_start3A_458, %dma_start3A_459] : memref<8x128xi32, #tpu.memory_space<vmem>> -> memref<1x128xi32, #tpu.memory_space<vmem>>
      %dma_start3A_461 = tpu.memref_squeeze %dma_start3A_460 : memref<1x128xi32, #tpu.memory_space<vmem>> -> memref<128xi32, #tpu.memory_space<vmem>>
      %dma_start3A_462 = arith.constant 0 : i32
      %dma_start3A_463 = tpu.memref_slice %arg14[%dma_start3A_462] : memref<10240xf32, #tpu.memory_space<vmem_shared>> -> memref<10240xf32, #tpu.memory_space<vmem_shared>>
      tpu.enqueue_indirect_dma source(%arg11 : memref<128xf32, #tpu.memory_space<vmem>>) target(%dma_start3A_463 : memref<10240xf32, #tpu.memory_space<vmem_shared>>) offsets(%dma_start3A_461 : memref<128xi32, #tpu.memory_space<vmem>>) semaphore(%arg17 : memref<!tpu.dma_semaphore, #tpu.memory_space<semaphore_mem>>) {add = true}
      %dma_wait3A_464 = arith.constant 1 : i32
      %dma_wait3A_465 = arith.constant 5 : i32
      %dma_wait3A_466 = arith.constant 0 : i32
      %dma_wait3A_467 = arith.constant 0 : i32
      %dma_wait3A_468 = tpu.memref_slice %arg10[%dma_wait3A_464, %dma_wait3A_466, %dma_wait3A_467] : memref<2x128x128xf32, #tpu.memory_space<vmem>> -> memref<1x128x128xf32, #tpu.memory_space<vmem>>
      %dma_wait3A_469 = tpu.memref_squeeze %dma_wait3A_468 : memref<1x128x128xf32, #tpu.memory_space<vmem>> -> memref<128x128xf32, #tpu.memory_space<vmem>>
      %dma_wait3A_470 = arith.constant 0 : i32
      %dma_wait3A_471 = tpu.memref_slice %arg9[%dma_wait3A_465, %dma_wait3A_470] : memref<8x128xi32, #tpu.memory_space<vmem>> -> memref<1x128xi32, #tpu.memory_space<vmem>>
      %dma_wait3A_472 = tpu.memref_squeeze %dma_wait3A_471 : memref<1x128xi32, #tpu.memory_space<vmem>> -> memref<128xi32, #tpu.memory_space<vmem>>
      %dma_wait3A_473 = arith.constant 0 : i32
      %dma_wait3A_474 = arith.constant 0 : i32
      %dma_wait3A_475 = tpu.memref_slice %arg13[%dma_wait3A_473, %dma_wait3A_474] : memref<10240x128xf32, #tpu.memory_space<vmem_shared>> -> memref<10240x128xf32, #tpu.memory_space<vmem_shared>>
      tpu.wait_indirect_dma semaphore(%arg16 : memref<!tpu.dma_semaphore, #tpu.memory_space<semaphore_mem>>) src(%dma_wait3A_469 : memref<128x128xf32, #tpu.memory_space<vmem>>) dst(%dma_wait3A_475 : memref<10240x128xf32, #tpu.memory_space<vmem_shared>>)
      %dma_start3A_476 = arith.constant 7 : i32
      %dma_start3A_477 = arith.constant 1 : i32
      %dma_start3A_478 = arith.constant 0 : i32
      %dma_start3A_479 = arith.constant 0 : i32
      %dma_start3A_480 = tpu.memref_slice %arg10[%dma_start3A_477, %dma_start3A_478, %dma_start3A_479] : memref<2x128x128xf32, #tpu.memory_space<vmem>> -> memref<1x128x128xf32, #tpu.memory_space<vmem>>
      %dma_start3A_481 = tpu.memref_squeeze %dma_start3A_480 : memref<1x128x128xf32, #tpu.memory_space<vmem>> -> memref<128x128xf32, #tpu.memory_space<vmem>>
      %dma_start3A_482 = arith.constant 0 : i32
      %dma_start3A_483 = tpu.memref_slice %arg8[%dma_start3A_476, %dma_start3A_482] : memref<8x128xi32, #tpu.memory_space<vmem>> -> memref<1x128xi32, #tpu.memory_space<vmem>>
      %dma_start3A_484 = tpu.memref_squeeze %dma_start3A_483 : memref<1x128xi32, #tpu.memory_space<vmem>> -> memref<128xi32, #tpu.memory_space<vmem>>
      %dma_start3A_485 = arith.constant 0 : i32
      %dma_start3A_486 = arith.constant 0 : i32
      %dma_start3A_487 = tpu.memref_slice %arg2[%dma_start3A_485, %dma_start3A_486] : memref<10000x128xf32, #tpu.memory_space<hbm>> -> memref<10000x128xf32, #tpu.memory_space<hbm>>
      tpu.enqueue_indirect_dma source(%dma_start3A_487 : memref<10000x128xf32, #tpu.memory_space<hbm>>) target(%dma_start3A_481 : memref<128x128xf32, #tpu.memory_space<vmem>>) offsets(%dma_start3A_484 : memref<128xi32, #tpu.memory_space<vmem>>) semaphore(%arg15 : memref<!tpu.dma_semaphore, #tpu.memory_space<semaphore_mem>>)
      %dma_wait3A_488 = arith.constant 7 : i32
      %dma_wait3A_489 = arith.constant 1 : i32
      %dma_wait3A_490 = arith.constant 0 : i32
      %dma_wait3A_491 = arith.constant 0 : i32
      %dma_wait3A_492 = tpu.memref_slice %arg10[%dma_wait3A_489, %dma_wait3A_490, %dma_wait3A_491] : memref<2x128x128xf32, #tpu.memory_space<vmem>> -> memref<1x128x128xf32, #tpu.memory_space<vmem>>
      %dma_wait3A_493 = tpu.memref_squeeze %dma_wait3A_492 : memref<1x128x128xf32, #tpu.memory_space<vmem>> -> memref<128x128xf32, #tpu.memory_space<vmem>>
      %dma_wait3A_494 = arith.constant 0 : i32
      %dma_wait3A_495 = tpu.memref_slice %arg8[%dma_wait3A_488, %dma_wait3A_494] : memref<8x128xi32, #tpu.memory_space<vmem>> -> memref<1x128xi32, #tpu.memory_space<vmem>>
      %dma_wait3A_496 = tpu.memref_squeeze %dma_wait3A_495 : memref<1x128xi32, #tpu.memory_space<vmem>> -> memref<128xi32, #tpu.memory_space<vmem>>
      %dma_wait3A_497 = arith.constant 0 : i32
      %dma_wait3A_498 = arith.constant 0 : i32
      %dma_wait3A_499 = tpu.memref_slice %arg2[%dma_wait3A_497, %dma_wait3A_498] : memref<10000x128xf32, #tpu.memory_space<hbm>> -> memref<10000x128xf32, #tpu.memory_space<hbm>>
      tpu.wait_indirect_dma semaphore(%arg15 : memref<!tpu.dma_semaphore, #tpu.memory_space<semaphore_mem>>) src(%dma_wait3A_499 : memref<10000x128xf32, #tpu.memory_space<hbm>>) dst(%dma_wait3A_493 : memref<128x128xf32, #tpu.memory_space<vmem>>)
      %dma_start3A_500 = arith.constant 1 : i32
      %dma_start3A_501 = arith.constant 7 : i32
      %dma_start3A_502 = arith.constant 0 : i32
      %dma_start3A_503 = arith.constant 0 : i32
      %dma_start3A_504 = tpu.memref_slice %arg10[%dma_start3A_500, %dma_start3A_502, %dma_start3A_503] : memref<2x128x128xf32, #tpu.memory_space<vmem>> -> memref<1x128x128xf32, #tpu.memory_space<vmem>>
      %dma_start3A_505 = tpu.memref_squeeze %dma_start3A_504 : memref<1x128x128xf32, #tpu.memory_space<vmem>> -> memref<128x128xf32, #tpu.memory_space<vmem>>
      %dma_start3A_506 = arith.constant 0 : i32
      %dma_start3A_507 = tpu.memref_slice %arg9[%dma_start3A_501, %dma_start3A_506] : memref<8x128xi32, #tpu.memory_space<vmem>> -> memref<1x128xi32, #tpu.memory_space<vmem>>
      %dma_start3A_508 = tpu.memref_squeeze %dma_start3A_507 : memref<1x128xi32, #tpu.memory_space<vmem>> -> memref<128xi32, #tpu.memory_space<vmem>>
      %dma_start3A_509 = arith.constant 0 : i32
      %dma_start3A_510 = arith.constant 0 : i32
      %dma_start3A_511 = tpu.memref_slice %arg13[%dma_start3A_509, %dma_start3A_510] : memref<10240x128xf32, #tpu.memory_space<vmem_shared>> -> memref<10240x128xf32, #tpu.memory_space<vmem_shared>>
      tpu.enqueue_indirect_dma source(%dma_start3A_505 : memref<128x128xf32, #tpu.memory_space<vmem>>) target(%dma_start3A_511 : memref<10240x128xf32, #tpu.memory_space<vmem_shared>>) offsets(%dma_start3A_508 : memref<128xi32, #tpu.memory_space<vmem>>) semaphore(%arg16 : memref<!tpu.dma_semaphore, #tpu.memory_space<semaphore_mem>>) {add = true}
      %dma_start3A_512 = arith.constant 7 : i32
      %dma_start3A_513 = arith.constant 0 : i32
      %dma_start3A_514 = tpu.memref_slice %arg9[%dma_start3A_512, %dma_start3A_513] : memref<8x128xi32, #tpu.memory_space<vmem>> -> memref<1x128xi32, #tpu.memory_space<vmem>>
      %dma_start3A_515 = tpu.memref_squeeze %dma_start3A_514 : memref<1x128xi32, #tpu.memory_space<vmem>> -> memref<128xi32, #tpu.memory_space<vmem>>
      %dma_start3A_516 = arith.constant 0 : i32
      %dma_start3A_517 = tpu.memref_slice %arg14[%dma_start3A_516] : memref<10240xf32, #tpu.memory_space<vmem_shared>> -> memref<10240xf32, #tpu.memory_space<vmem_shared>>
      tpu.enqueue_indirect_dma source(%arg11 : memref<128xf32, #tpu.memory_space<vmem>>) target(%dma_start3A_517 : memref<10240xf32, #tpu.memory_space<vmem_shared>>) offsets(%dma_start3A_515 : memref<128xi32, #tpu.memory_space<vmem>>) semaphore(%arg17 : memref<!tpu.dma_semaphore, #tpu.memory_space<semaphore_mem>>) {add = true}
      %dma_wait3A_518 = arith.constant 0 : i32
      %dma_wait3A_519 = arith.constant 6 : i32
      %dma_wait3A_520 = arith.constant 0 : i32
      %dma_wait3A_521 = arith.constant 0 : i32
      %dma_wait3A_522 = tpu.memref_slice %arg10[%dma_wait3A_518, %dma_wait3A_520, %dma_wait3A_521] : memref<2x128x128xf32, #tpu.memory_space<vmem>> -> memref<1x128x128xf32, #tpu.memory_space<vmem>>
      %dma_wait3A_523 = tpu.memref_squeeze %dma_wait3A_522 : memref<1x128x128xf32, #tpu.memory_space<vmem>> -> memref<128x128xf32, #tpu.memory_space<vmem>>
      %dma_wait3A_524 = arith.constant 0 : i32
      %dma_wait3A_525 = tpu.memref_slice %arg9[%dma_wait3A_519, %dma_wait3A_524] : memref<8x128xi32, #tpu.memory_space<vmem>> -> memref<1x128xi32, #tpu.memory_space<vmem>>
      %dma_wait3A_526 = tpu.memref_squeeze %dma_wait3A_525 : memref<1x128xi32, #tpu.memory_space<vmem>> -> memref<128xi32, #tpu.memory_space<vmem>>
      %dma_wait3A_527 = arith.constant 0 : i32
      %dma_wait3A_528 = arith.constant 0 : i32
      %dma_wait3A_529 = tpu.memref_slice %arg13[%dma_wait3A_527, %dma_wait3A_528] : memref<10240x128xf32, #tpu.memory_space<vmem_shared>> -> memref<10240x128xf32, #tpu.memory_space<vmem_shared>>
      tpu.wait_indirect_dma semaphore(%arg16 : memref<!tpu.dma_semaphore, #tpu.memory_space<semaphore_mem>>) src(%dma_wait3A_523 : memref<128x128xf32, #tpu.memory_space<vmem>>) dst(%dma_wait3A_529 : memref<10240x128xf32, #tpu.memory_space<vmem_shared>>)
      %dma_wait3A_530 = arith.constant 1 : i32
      %dma_wait3A_531 = arith.constant 7 : i32
      %dma_wait3A_532 = arith.constant 0 : i32
      %dma_wait3A_533 = arith.constant 0 : i32
      %dma_wait3A_534 = tpu.memref_slice %arg10[%dma_wait3A_530, %dma_wait3A_532, %dma_wait3A_533] : memref<2x128x128xf32, #tpu.memory_space<vmem>> -> memref<1x128x128xf32, #tpu.memory_space<vmem>>
      %dma_wait3A_535 = tpu.memref_squeeze %dma_wait3A_534 : memref<1x128x128xf32, #tpu.memory_space<vmem>> -> memref<128x128xf32, #tpu.memory_space<vmem>>
      %dma_wait3A_536 = arith.constant 0 : i32
      %dma_wait3A_537 = tpu.memref_slice %arg9[%dma_wait3A_531, %dma_wait3A_536] : memref<8x128xi32, #tpu.memory_space<vmem>> -> memref<1x128xi32, #tpu.memory_space<vmem>>
      %dma_wait3A_538 = tpu.memref_squeeze %dma_wait3A_537 : memref<1x128xi32, #tpu.memory_space<vmem>> -> memref<128xi32, #tpu.memory_space<vmem>>
      %dma_wait3A_539 = arith.constant 0 : i32
      %dma_wait3A_540 = arith.constant 0 : i32
      %dma_wait3A_541 = tpu.memref_slice %arg13[%dma_wait3A_539, %dma_wait3A_540] : memref<10240x128xf32, #tpu.memory_space<vmem_shared>> -> memref<10240x128xf32, #tpu.memory_space<vmem_shared>>
      tpu.wait_indirect_dma semaphore(%arg16 : memref<!tpu.dma_semaphore, #tpu.memory_space<semaphore_mem>>) src(%dma_wait3A_535 : memref<128x128xf32, #tpu.memory_space<vmem>>) dst(%dma_wait3A_541 : memref<10240x128xf32, #tpu.memory_space<vmem_shared>>)
      %dma_wait3A_542 = arith.constant 0 : i32
      %dma_wait3A_543 = arith.constant 0 : i32
      %dma_wait3A_544 = tpu.memref_slice %arg9[%dma_wait3A_542, %dma_wait3A_543] : memref<8x128xi32, #tpu.memory_space<vmem>> -> memref<1x128xi32, #tpu.memory_space<vmem>>
      %dma_wait3A_545 = tpu.memref_squeeze %dma_wait3A_544 : memref<1x128xi32, #tpu.memory_space<vmem>> -> memref<128xi32, #tpu.memory_space<vmem>>
      %dma_wait3A_546 = arith.constant 0 : i32
      %dma_wait3A_547 = tpu.memref_slice %arg14[%dma_wait3A_546] : memref<10240xf32, #tpu.memory_space<vmem_shared>> -> memref<10240xf32, #tpu.memory_space<vmem_shared>>
      tpu.wait_indirect_dma semaphore(%arg17 : memref<!tpu.dma_semaphore, #tpu.memory_space<semaphore_mem>>) src(%arg11 : memref<128xf32, #tpu.memory_space<vmem>>) dst(%dma_wait3A_547 : memref<10240xf32, #tpu.memory_space<vmem_shared>>)
      %dma_wait3A_548 = arith.constant 1 : i32
      %dma_wait3A_549 = arith.constant 0 : i32
      %dma_wait3A_550 = tpu.memref_slice %arg9[%dma_wait3A_548, %dma_wait3A_549] : memref<8x128xi32, #tpu.memory_space<vmem>> -> memref<1x128xi32, #tpu.memory_space<vmem>>
      %dma_wait3A_551 = tpu.memref_squeeze %dma_wait3A_550 : memref<1x128xi32, #tpu.memory_space<vmem>> -> memref<128xi32, #tpu.memory_space<vmem>>
      %dma_wait3A_552 = arith.constant 0 : i32
      %dma_wait3A_553 = tpu.memref_slice %arg14[%dma_wait3A_552] : memref<10240xf32, #tpu.memory_space<vmem_shared>> -> memref<10240xf32, #tpu.memory_space<vmem_shared>>
      tpu.wait_indirect_dma semaphore(%arg17 : memref<!tpu.dma_semaphore, #tpu.memory_space<semaphore_mem>>) src(%arg11 : memref<128xf32, #tpu.memory_space<vmem>>) dst(%dma_wait3A_553 : memref<10240xf32, #tpu.memory_space<vmem_shared>>)
      %dma_wait3A_554 = arith.constant 2 : i32
      %dma_wait3A_555 = arith.constant 0 : i32
      %dma_wait3A_556 = tpu.memref_slice %arg9[%dma_wait3A_554, %dma_wait3A_555] : memref<8x128xi32, #tpu.memory_space<vmem>> -> memref<1x128xi32, #tpu.memory_space<vmem>>
      %dma_wait3A_557 = tpu.memref_squeeze %dma_wait3A_556 : memref<1x128xi32, #tpu.memory_space<vmem>> -> memref<128xi32, #tpu.memory_space<vmem>>
      %dma_wait3A_558 = arith.constant 0 : i32
      %dma_wait3A_559 = tpu.memref_slice %arg14[%dma_wait3A_558] : memref<10240xf32, #tpu.memory_space<vmem_shared>> -> memref<10240xf32, #tpu.memory_space<vmem_shared>>
      tpu.wait_indirect_dma semaphore(%arg17 : memref<!tpu.dma_semaphore, #tpu.memory_space<semaphore_mem>>) src(%arg11 : memref<128xf32, #tpu.memory_space<vmem>>) dst(%dma_wait3A_559 : memref<10240xf32, #tpu.memory_space<vmem_shared>>)
      %dma_wait3A_560 = arith.constant 3 : i32
      %dma_wait3A_561 = arith.constant 0 : i32
      %dma_wait3A_562 = tpu.memref_slice %arg9[%dma_wait3A_560, %dma_wait3A_561] : memref<8x128xi32, #tpu.memory_space<vmem>> -> memref<1x128xi32, #tpu.memory_space<vmem>>
      %dma_wait3A_563 = tpu.memref_squeeze %dma_wait3A_562 : memref<1x128xi32, #tpu.memory_space<vmem>> -> memref<128xi32, #tpu.memory_space<vmem>>
      %dma_wait3A_564 = arith.constant 0 : i32
      %dma_wait3A_565 = tpu.memref_slice %arg14[%dma_wait3A_564] : memref<10240xf32, #tpu.memory_space<vmem_shared>> -> memref<10240xf32, #tpu.memory_space<vmem_shared>>
      tpu.wait_indirect_dma semaphore(%arg17 : memref<!tpu.dma_semaphore, #tpu.memory_space<semaphore_mem>>) src(%arg11 : memref<128xf32, #tpu.memory_space<vmem>>) dst(%dma_wait3A_565 : memref<10240xf32, #tpu.memory_space<vmem_shared>>)
      %dma_wait3A_566 = arith.constant 4 : i32
      %dma_wait3A_567 = arith.constant 0 : i32
      %dma_wait3A_568 = tpu.memref_slice %arg9[%dma_wait3A_566, %dma_wait3A_567] : memref<8x128xi32, #tpu.memory_space<vmem>> -> memref<1x128xi32, #tpu.memory_space<vmem>>
      %dma_wait3A_569 = tpu.memref_squeeze %dma_wait3A_568 : memref<1x128xi32, #tpu.memory_space<vmem>> -> memref<128xi32, #tpu.memory_space<vmem>>
      %dma_wait3A_570 = arith.constant 0 : i32
      %dma_wait3A_571 = tpu.memref_slice %arg14[%dma_wait3A_570] : memref<10240xf32, #tpu.memory_space<vmem_shared>> -> memref<10240xf32, #tpu.memory_space<vmem_shared>>
      tpu.wait_indirect_dma semaphore(%arg17 : memref<!tpu.dma_semaphore, #tpu.memory_space<semaphore_mem>>) src(%arg11 : memref<128xf32, #tpu.memory_space<vmem>>) dst(%dma_wait3A_571 : memref<10240xf32, #tpu.memory_space<vmem_shared>>)
      %dma_wait3A_572 = arith.constant 5 : i32
      %dma_wait3A_573 = arith.constant 0 : i32
      %dma_wait3A_574 = tpu.memref_slice %arg9[%dma_wait3A_572, %dma_wait3A_573] : memref<8x128xi32, #tpu.memory_space<vmem>> -> memref<1x128xi32, #tpu.memory_space<vmem>>
      %dma_wait3A_575 = tpu.memref_squeeze %dma_wait3A_574 : memref<1x128xi32, #tpu.memory_space<vmem>> -> memref<128xi32, #tpu.memory_space<vmem>>
      %dma_wait3A_576 = arith.constant 0 : i32
      %dma_wait3A_577 = tpu.memref_slice %arg14[%dma_wait3A_576] : memref<10240xf32, #tpu.memory_space<vmem_shared>> -> memref<10240xf32, #tpu.memory_space<vmem_shared>>
      tpu.wait_indirect_dma semaphore(%arg17 : memref<!tpu.dma_semaphore, #tpu.memory_space<semaphore_mem>>) src(%arg11 : memref<128xf32, #tpu.memory_space<vmem>>) dst(%dma_wait3A_577 : memref<10240xf32, #tpu.memory_space<vmem_shared>>)
      %dma_wait3A_578 = arith.constant 6 : i32
      %dma_wait3A_579 = arith.constant 0 : i32
      %dma_wait3A_580 = tpu.memref_slice %arg9[%dma_wait3A_578, %dma_wait3A_579] : memref<8x128xi32, #tpu.memory_space<vmem>> -> memref<1x128xi32, #tpu.memory_space<vmem>>
      %dma_wait3A_581 = tpu.memref_squeeze %dma_wait3A_580 : memref<1x128xi32, #tpu.memory_space<vmem>> -> memref<128xi32, #tpu.memory_space<vmem>>
      %dma_wait3A_582 = arith.constant 0 : i32
      %dma_wait3A_583 = tpu.memref_slice %arg14[%dma_wait3A_582] : memref<10240xf32, #tpu.memory_space<vmem_shared>> -> memref<10240xf32, #tpu.memory_space<vmem_shared>>
      tpu.wait_indirect_dma semaphore(%arg17 : memref<!tpu.dma_semaphore, #tpu.memory_space<semaphore_mem>>) src(%arg11 : memref<128xf32, #tpu.memory_space<vmem>>) dst(%dma_wait3A_583 : memref<10240xf32, #tpu.memory_space<vmem_shared>>)
      %dma_wait3A_584 = arith.constant 7 : i32
      %dma_wait3A_585 = arith.constant 0 : i32
      %dma_wait3A_586 = tpu.memref_slice %arg9[%dma_wait3A_584, %dma_wait3A_585] : memref<8x128xi32, #tpu.memory_space<vmem>> -> memref<1x128xi32, #tpu.memory_space<vmem>>
      %dma_wait3A_587 = tpu.memref_squeeze %dma_wait3A_586 : memref<1x128xi32, #tpu.memory_space<vmem>> -> memref<128xi32, #tpu.memory_space<vmem>>
      %dma_wait3A_588 = arith.constant 0 : i32
      %dma_wait3A_589 = tpu.memref_slice %arg14[%dma_wait3A_588] : memref<10240xf32, #tpu.memory_space<vmem_shared>> -> memref<10240xf32, #tpu.memory_space<vmem_shared>>
      tpu.wait_indirect_dma semaphore(%arg17 : memref<!tpu.dma_semaphore, #tpu.memory_space<semaphore_mem>>) src(%arg11 : memref<128xf32, #tpu.memory_space<vmem>>) dst(%dma_wait3A_589 : memref<10240xf32, #tpu.memory_space<vmem_shared>>)
    }
    %scan3A_74 = arith.constant 10 : i32
    %barrier3A_75 = arith.constant 0 : index
    tpu.barrier barrier_id(%barrier3A_75)
    %add3A_76 = arith.constant 0 : i32
    %add3A_77 = arith.addi %mul3A_2, %add3A_76 : i32
    %run_scoped3A_78 = arith.constant 0 : i32
    "tpu.region"() ({
      %run_scoped3A_106 = tpu.sem_alloc : memref<!tpu.dma_semaphore, #tpu.memory_space<semaphore_mem>>
      %dma_start3A = arith.constant 0 : i32
      %dma_start3A_107 = arith.constant 0 : i32
      %dma_start3A_108 = tpu.memref_slice %arg10[%run_scoped3A_78, %dma_start3A, %dma_start3A_107] : memref<2x128x128xf32, #tpu.memory_space<vmem>> -> memref<1x128x128xf32, #tpu.memory_space<vmem>>
      %dma_start3A_109 = tpu.memref_squeeze %dma_start3A_108 : memref<1x128x128xf32, #tpu.memory_space<vmem>> -> memref<128x128xf32, #tpu.memory_space<vmem>>
      %dma_start3A_110 = arith.constant 0 : i32
      %dma_start3A_111 = tpu.memref_slice %arg13[%add3A_77, %dma_start3A_110] : memref<10240x128xf32, #tpu.memory_space<vmem_shared>> -> memref<128x128xf32, #tpu.memory_space<vmem_shared>>
      %dma_start3A_112 = arith.constant 0 : i32
      %dma_start3A_113 = arith.constant 0 : i32
      %dma_start3A_114 = tpu.memref_slice %arg10[%run_scoped3A_78, %dma_start3A_112, %dma_start3A_113] : memref<2x128x128xf32, #tpu.memory_space<vmem>> -> memref<1x128x128xf32, #tpu.memory_space<vmem>>
      %dma_start3A_115 = tpu.memref_squeeze %dma_start3A_114 : memref<1x128x128xf32, #tpu.memory_space<vmem>> -> memref<128x128xf32, #tpu.memory_space<vmem>>
      %dma_start3A_116 = arith.constant 0 : i32
      %dma_start3A_117 = tpu.memref_slice %arg13[%add3A_77, %dma_start3A_116] : memref<10240x128xf32, #tpu.memory_space<vmem_shared>> -> memref<128x128xf32, #tpu.memory_space<vmem_shared>>
      tpu.enqueue_dma source(%dma_start3A_117 : memref<128x128xf32, #tpu.memory_space<vmem_shared>>) target(%dma_start3A_115 : memref<128x128xf32, #tpu.memory_space<vmem>>) target_semaphore(%run_scoped3A_106 : memref<!tpu.dma_semaphore, #tpu.memory_space<semaphore_mem>>)
      %dma_wait3A = arith.constant 0 : i32
      %dma_wait3A_118 = arith.constant 0 : i32
      %dma_wait3A_119 = tpu.memref_slice %arg10[%run_scoped3A_78, %dma_wait3A, %dma_wait3A_118] : memref<2x128x128xf32, #tpu.memory_space<vmem>> -> memref<1x128x128xf32, #tpu.memory_space<vmem>>
      %dma_wait3A_120 = tpu.memref_squeeze %dma_wait3A_119 : memref<1x128x128xf32, #tpu.memory_space<vmem>> -> memref<128x128xf32, #tpu.memory_space<vmem>>
      %dma_wait3A_121 = arith.constant 0 : i32
      %dma_wait3A_122 = tpu.memref_slice %arg13[%add3A_77, %dma_wait3A_121] : memref<10240x128xf32, #tpu.memory_space<vmem_shared>> -> memref<128x128xf32, #tpu.memory_space<vmem_shared>>
      %dma_wait3A_123 = arith.constant 0 : i32
      %dma_wait3A_124 = arith.constant 0 : i32
      %dma_wait3A_125 = tpu.memref_slice %arg10[%run_scoped3A_78, %dma_wait3A_123, %dma_wait3A_124] : memref<2x128x128xf32, #tpu.memory_space<vmem>> -> memref<1x128x128xf32, #tpu.memory_space<vmem>>
      %dma_wait3A_126 = tpu.memref_squeeze %dma_wait3A_125 : memref<1x128x128xf32, #tpu.memory_space<vmem>> -> memref<128x128xf32, #tpu.memory_space<vmem>>
      %dma_wait3A_127 = arith.constant 0 : i32
      %dma_wait3A_128 = tpu.memref_slice %arg13[%add3A_77, %dma_wait3A_127] : memref<10240x128xf32, #tpu.memory_space<vmem_shared>> -> memref<128x128xf32, #tpu.memory_space<vmem_shared>>
      tpu.wait_dma2 semaphore(%run_scoped3A_106 : memref<!tpu.dma_semaphore, #tpu.memory_space<semaphore_mem>>) src(%dma_wait3A_128 : memref<128x128xf32, #tpu.memory_space<vmem_shared>>) dst(%dma_wait3A_126 : memref<128x128xf32, #tpu.memory_space<vmem>>)
      tpu.yield
    }) : () -> ()
    %add3A_79 = arith.constant 0 : i32
    %add3A_80 = arith.addi %mul3A_2, %add3A_79 : i32
    %run_scoped3A_81 = arith.constant 0 : i32
    "tpu.region"() ({
      %run_scoped3A_106 = tpu.sem_alloc : memref<!tpu.dma_semaphore, #tpu.memory_space<semaphore_mem>>
      %dma_start3A = arith.constant 0 : i32
      %dma_start3A_107 = arith.constant 0 : i32
      %dma_start3A_108 = tpu.memref_slice %arg10[%run_scoped3A_81, %dma_start3A, %dma_start3A_107] : memref<2x128x128xf32, #tpu.memory_space<vmem>> -> memref<1x128x128xf32, #tpu.memory_space<vmem>>
      %dma_start3A_109 = tpu.memref_squeeze %dma_start3A_108 : memref<1x128x128xf32, #tpu.memory_space<vmem>> -> memref<128x128xf32, #tpu.memory_space<vmem>>
      %dma_start3A_110 = arith.constant 0 : i32
      %dma_start3A_111 = tpu.memref_slice %arg6[%arg0, %add3A_80, %dma_start3A_110] : memref<2x10240x128xf32, #tpu.memory_space<hbm>> -> memref<1x128x128xf32, #tpu.memory_space<hbm>>
      %dma_start3A_112 = tpu.memref_squeeze %dma_start3A_111 : memref<1x128x128xf32, #tpu.memory_space<hbm>> -> memref<128x128xf32, #tpu.memory_space<hbm>>
      %dma_start3A_113 = arith.constant 0 : i32
      %dma_start3A_114 = tpu.memref_slice %arg6[%arg0, %add3A_80, %dma_start3A_113] : memref<2x10240x128xf32, #tpu.memory_space<hbm>> -> memref<1x128x128xf32, #tpu.memory_space<hbm>>
      %dma_start3A_115 = tpu.memref_squeeze %dma_start3A_114 : memref<1x128x128xf32, #tpu.memory_space<hbm>> -> memref<128x128xf32, #tpu.memory_space<hbm>>
      %dma_start3A_116 = arith.constant 0 : i32
      %dma_start3A_117 = arith.constant 0 : i32
      %dma_start3A_118 = tpu.memref_slice %arg10[%run_scoped3A_81, %dma_start3A_116, %dma_start3A_117] : memref<2x128x128xf32, #tpu.memory_space<vmem>> -> memref<1x128x128xf32, #tpu.memory_space<vmem>>
      %dma_start3A_119 = tpu.memref_squeeze %dma_start3A_118 : memref<1x128x128xf32, #tpu.memory_space<vmem>> -> memref<128x128xf32, #tpu.memory_space<vmem>>
      tpu.enqueue_dma source(%dma_start3A_119 : memref<128x128xf32, #tpu.memory_space<vmem>>) target(%dma_start3A_115 : memref<128x128xf32, #tpu.memory_space<hbm>>) target_semaphore(%run_scoped3A_106 : memref<!tpu.dma_semaphore, #tpu.memory_space<semaphore_mem>>)
      %dma_wait3A = arith.constant 0 : i32
      %dma_wait3A_120 = arith.constant 0 : i32
      %dma_wait3A_121 = tpu.memref_slice %arg10[%run_scoped3A_81, %dma_wait3A, %dma_wait3A_120] : memref<2x128x128xf32, #tpu.memory_space<vmem>> -> memref<1x128x128xf32, #tpu.memory_space<vmem>>
      %dma_wait3A_122 = tpu.memref_squeeze %dma_wait3A_121 : memref<1x128x128xf32, #tpu.memory_space<vmem>> -> memref<128x128xf32, #tpu.memory_space<vmem>>
      %dma_wait3A_123 = arith.constant 0 : i32
      %dma_wait3A_124 = tpu.memref_slice %arg6[%arg0, %add3A_80, %dma_wait3A_123] : memref<2x10240x128xf32, #tpu.memory_space<hbm>> -> memref<1x128x128xf32, #tpu.memory_space<hbm>>
      %dma_wait3A_125 = tpu.memref_squeeze %dma_wait3A_124 : memref<1x128x128xf32, #tpu.memory_space<hbm>> -> memref<128x128xf32, #tpu.memory_space<hbm>>
      %dma_wait3A_126 = arith.constant 0 : i32
      %dma_wait3A_127 = tpu.memref_slice %arg6[%arg0, %add3A_80, %dma_wait3A_126] : memref<2x10240x128xf32, #tpu.memory_space<hbm>> -> memref<1x128x128xf32, #tpu.memory_space<hbm>>
      %dma_wait3A_128 = tpu.memref_squeeze %dma_wait3A_127 : memref<1x128x128xf32, #tpu.memory_space<hbm>> -> memref<128x128xf32, #tpu.memory_space<hbm>>
      %dma_wait3A_129 = arith.constant 0 : i32
      %dma_wait3A_130 = arith.constant 0 : i32
      %dma_wait3A_131 = tpu.memref_slice %arg10[%run_scoped3A_81, %dma_wait3A_129, %dma_wait3A_130] : memref<2x128x128xf32, #tpu.memory_space<vmem>> -> memref<1x128x128xf32, #tpu.memory_space<vmem>>
      %dma_wait3A_132 = tpu.memref_squeeze %dma_wait3A_131 : memref<1x128x128xf32, #tpu.memory_space<vmem>> -> memref<128x128xf32, #tpu.memory_space<vmem>>
      tpu.wait_dma2 semaphore(%run_scoped3A_106 : memref<!tpu.dma_semaphore, #tpu.memory_space<semaphore_mem>>) src(%dma_wait3A_132 : memref<128x128xf32, #tpu.memory_space<vmem>>) dst(%dma_wait3A_128 : memref<128x128xf32, #tpu.memory_space<hbm>>)
      tpu.yield
    }) : () -> ()
    %add3A_82 = arith.constant 128 : i32
    %add3A_83 = arith.addi %mul3A_2, %add3A_82 : i32
    %run_scoped3A_84 = arith.constant 0 : i32
    "tpu.region"() ({
      %run_scoped3A_106 = tpu.sem_alloc : memref<!tpu.dma_semaphore, #tpu.memory_space<semaphore_mem>>
      %dma_start3A = arith.constant 0 : i32
      %dma_start3A_107 = arith.constant 0 : i32
      %dma_start3A_108 = tpu.memref_slice %arg10[%run_scoped3A_84, %dma_start3A, %dma_start3A_107] : memref<2x128x128xf32, #tpu.memory_space<vmem>> -> memref<1x128x128xf32, #tpu.memory_space<vmem>>
      %dma_start3A_109 = tpu.memref_squeeze %dma_start3A_108 : memref<1x128x128xf32, #tpu.memory_space<vmem>> -> memref<128x128xf32, #tpu.memory_space<vmem>>
      %dma_start3A_110 = arith.constant 0 : i32
      %dma_start3A_111 = tpu.memref_slice %arg13[%add3A_83, %dma_start3A_110] : memref<10240x128xf32, #tpu.memory_space<vmem_shared>> -> memref<128x128xf32, #tpu.memory_space<vmem_shared>>
      %dma_start3A_112 = arith.constant 0 : i32
      %dma_start3A_113 = arith.constant 0 : i32
      %dma_start3A_114 = tpu.memref_slice %arg10[%run_scoped3A_84, %dma_start3A_112, %dma_start3A_113] : memref<2x128x128xf32, #tpu.memory_space<vmem>> -> memref<1x128x128xf32, #tpu.memory_space<vmem>>
      %dma_start3A_115 = tpu.memref_squeeze %dma_start3A_114 : memref<1x128x128xf32, #tpu.memory_space<vmem>> -> memref<128x128xf32, #tpu.memory_space<vmem>>
      %dma_start3A_116 = arith.constant 0 : i32
      %dma_start3A_117 = tpu.memref_slice %arg13[%add3A_83, %dma_start3A_116] : memref<10240x128xf32, #tpu.memory_space<vmem_shared>> -> memref<128x128xf32, #tpu.memory_space<vmem_shared>>
      tpu.enqueue_dma source(%dma_start3A_117 : memref<128x128xf32, #tpu.memory_space<vmem_shared>>) target(%dma_start3A_115 : memref<128x128xf32, #tpu.memory_space<vmem>>) target_semaphore(%run_scoped3A_106 : memref<!tpu.dma_semaphore, #tpu.memory_space<semaphore_mem>>)
      %dma_wait3A = arith.constant 0 : i32
      %dma_wait3A_118 = arith.constant 0 : i32
      %dma_wait3A_119 = tpu.memref_slice %arg10[%run_scoped3A_84, %dma_wait3A, %dma_wait3A_118] : memref<2x128x128xf32, #tpu.memory_space<vmem>> -> memref<1x128x128xf32, #tpu.memory_space<vmem>>
      %dma_wait3A_120 = tpu.memref_squeeze %dma_wait3A_119 : memref<1x128x128xf32, #tpu.memory_space<vmem>> -> memref<128x128xf32, #tpu.memory_space<vmem>>
      %dma_wait3A_121 = arith.constant 0 : i32
      %dma_wait3A_122 = tpu.memref_slice %arg13[%add3A_83, %dma_wait3A_121] : memref<10240x128xf32, #tpu.memory_space<vmem_shared>> -> memref<128x128xf32, #tpu.memory_space<vmem_shared>>
      %dma_wait3A_123 = arith.constant 0 : i32
      %dma_wait3A_124 = arith.constant 0 : i32
      %dma_wait3A_125 = tpu.memref_slice %arg10[%run_scoped3A_84, %dma_wait3A_123, %dma_wait3A_124] : memref<2x128x128xf32, #tpu.memory_space<vmem>> -> memref<1x128x128xf32, #tpu.memory_space<vmem>>
      %dma_wait3A_126 = tpu.memref_squeeze %dma_wait3A_125 : memref<1x128x128xf32, #tpu.memory_space<vmem>> -> memref<128x128xf32, #tpu.memory_space<vmem>>
      %dma_wait3A_127 = arith.constant 0 : i32
      %dma_wait3A_128 = tpu.memref_slice %arg13[%add3A_83, %dma_wait3A_127] : memref<10240x128xf32, #tpu.memory_space<vmem_shared>> -> memref<128x128xf32, #tpu.memory_space<vmem_shared>>
      tpu.wait_dma2 semaphore(%run_scoped3A_106 : memref<!tpu.dma_semaphore, #tpu.memory_space<semaphore_mem>>) src(%dma_wait3A_128 : memref<128x128xf32, #tpu.memory_space<vmem_shared>>) dst(%dma_wait3A_126 : memref<128x128xf32, #tpu.memory_space<vmem>>)
      tpu.yield
    }) : () -> ()
    %add3A_85 = arith.constant 128 : i32
    %add3A_86 = arith.addi %mul3A_2, %add3A_85 : i32
    %run_scoped3A_87 = arith.constant 0 : i32
    "tpu.region"() ({
      %run_scoped3A_106 = tpu.sem_alloc : memref<!tpu.dma_semaphore, #tpu.memory_space<semaphore_mem>>
      %dma_start3A = arith.constant 0 : i32
      %dma_start3A_107 = arith.constant 0 : i32
      %dma_start3A_108 = tpu.memref_slice %arg10[%run_scoped3A_87, %dma_start3A, %dma_start3A_107] : memref<2x128x128xf32, #tpu.memory_space<vmem>> -> memref<1x128x128xf32, #tpu.memory_space<vmem>>
      %dma_start3A_109 = tpu.memref_squeeze %dma_start3A_108 : memref<1x128x128xf32, #tpu.memory_space<vmem>> -> memref<128x128xf32, #tpu.memory_space<vmem>>
      %dma_start3A_110 = arith.constant 0 : i32
      %dma_start3A_111 = tpu.memref_slice %arg6[%arg0, %add3A_86, %dma_start3A_110] : memref<2x10240x128xf32, #tpu.memory_space<hbm>> -> memref<1x128x128xf32, #tpu.memory_space<hbm>>
      %dma_start3A_112 = tpu.memref_squeeze %dma_start3A_111 : memref<1x128x128xf32, #tpu.memory_space<hbm>> -> memref<128x128xf32, #tpu.memory_space<hbm>>
      %dma_start3A_113 = arith.constant 0 : i32
      %dma_start3A_114 = tpu.memref_slice %arg6[%arg0, %add3A_86, %dma_start3A_113] : memref<2x10240x128xf32, #tpu.memory_space<hbm>> -> memref<1x128x128xf32, #tpu.memory_space<hbm>>
      %dma_start3A_115 = tpu.memref_squeeze %dma_start3A_114 : memref<1x128x128xf32, #tpu.memory_space<hbm>> -> memref<128x128xf32, #tpu.memory_space<hbm>>
      %dma_start3A_116 = arith.constant 0 : i32
      %dma_start3A_117 = arith.constant 0 : i32
      %dma_start3A_118 = tpu.memref_slice %arg10[%run_scoped3A_87, %dma_start3A_116, %dma_start3A_117] : memref<2x128x128xf32, #tpu.memory_space<vmem>> -> memref<1x128x128xf32, #tpu.memory_space<vmem>>
      %dma_start3A_119 = tpu.memref_squeeze %dma_start3A_118 : memref<1x128x128xf32, #tpu.memory_space<vmem>> -> memref<128x128xf32, #tpu.memory_space<vmem>>
      tpu.enqueue_dma source(%dma_start3A_119 : memref<128x128xf32, #tpu.memory_space<vmem>>) target(%dma_start3A_115 : memref<128x128xf32, #tpu.memory_space<hbm>>) target_semaphore(%run_scoped3A_106 : memref<!tpu.dma_semaphore, #tpu.memory_space<semaphore_mem>>)
      %dma_wait3A = arith.constant 0 : i32
      %dma_wait3A_120 = arith.constant 0 : i32
      %dma_wait3A_121 = tpu.memref_slice %arg10[%run_scoped3A_87, %dma_wait3A, %dma_wait3A_120] : memref<2x128x128xf32, #tpu.memory_space<vmem>> -> memref<1x128x128xf32, #tpu.memory_space<vmem>>
      %dma_wait3A_122 = tpu.memref_squeeze %dma_wait3A_121 : memref<1x128x128xf32, #tpu.memory_space<vmem>> -> memref<128x128xf32, #tpu.memory_space<vmem>>
      %dma_wait3A_123 = arith.constant 0 : i32
      %dma_wait3A_124 = tpu.memref_slice %arg6[%arg0, %add3A_86, %dma_wait3A_123] : memref<2x10240x128xf32, #tpu.memory_space<hbm>> -> memref<1x128x128xf32, #tpu.memory_space<hbm>>
      %dma_wait3A_125 = tpu.memref_squeeze %dma_wait3A_124 : memref<1x128x128xf32, #tpu.memory_space<hbm>> -> memref<128x128xf32, #tpu.memory_space<hbm>>
      %dma_wait3A_126 = arith.constant 0 : i32
      %dma_wait3A_127 = tpu.memref_slice %arg6[%arg0, %add3A_86, %dma_wait3A_126] : memref<2x10240x128xf32, #tpu.memory_space<hbm>> -> memref<1x128x128xf32, #tpu.memory_space<hbm>>
      %dma_wait3A_128 = tpu.memref_squeeze %dma_wait3A_127 : memref<1x128x128xf32, #tpu.memory_space<hbm>> -> memref<128x128xf32, #tpu.memory_space<hbm>>
      %dma_wait3A_129 = arith.constant 0 : i32
      %dma_wait3A_130 = arith.constant 0 : i32
      %dma_wait3A_131 = tpu.memref_slice %arg10[%run_scoped3A_87, %dma_wait3A_129, %dma_wait3A_130] : memref<2x128x128xf32, #tpu.memory_space<vmem>> -> memref<1x128x128xf32, #tpu.memory_space<vmem>>
      %dma_wait3A_132 = tpu.memref_squeeze %dma_wait3A_131 : memref<1x128x128xf32, #tpu.memory_space<vmem>> -> memref<128x128xf32, #tpu.memory_space<vmem>>
      tpu.wait_dma2 semaphore(%run_scoped3A_106 : memref<!tpu.dma_semaphore, #tpu.memory_space<semaphore_mem>>) src(%dma_wait3A_132 : memref<128x128xf32, #tpu.memory_space<vmem>>) dst(%dma_wait3A_128 : memref<128x128xf32, #tpu.memory_space<hbm>>)
      tpu.yield
    }) : () -> ()
    %add3A_88 = arith.constant 256 : i32
    %add3A_89 = arith.addi %mul3A_2, %add3A_88 : i32
    %run_scoped3A_90 = arith.constant 0 : i32
    "tpu.region"() ({
      %run_scoped3A_106 = tpu.sem_alloc : memref<!tpu.dma_semaphore, #tpu.memory_space<semaphore_mem>>
      %dma_start3A = arith.constant 0 : i32
      %dma_start3A_107 = arith.constant 0 : i32
      %dma_start3A_108 = tpu.memref_slice %arg10[%run_scoped3A_90, %dma_start3A, %dma_start3A_107] : memref<2x128x128xf32, #tpu.memory_space<vmem>> -> memref<1x128x128xf32, #tpu.memory_space<vmem>>
      %dma_start3A_109 = tpu.memref_squeeze %dma_start3A_108 : memref<1x128x128xf32, #tpu.memory_space<vmem>> -> memref<128x128xf32, #tpu.memory_space<vmem>>
      %dma_start3A_110 = arith.constant 0 : i32
      %dma_start3A_111 = tpu.memref_slice %arg13[%add3A_89, %dma_start3A_110] : memref<10240x128xf32, #tpu.memory_space<vmem_shared>> -> memref<128x128xf32, #tpu.memory_space<vmem_shared>>
      %dma_start3A_112 = arith.constant 0 : i32
      %dma_start3A_113 = arith.constant 0 : i32
      %dma_start3A_114 = tpu.memref_slice %arg10[%run_scoped3A_90, %dma_start3A_112, %dma_start3A_113] : memref<2x128x128xf32, #tpu.memory_space<vmem>> -> memref<1x128x128xf32, #tpu.memory_space<vmem>>
      %dma_start3A_115 = tpu.memref_squeeze %dma_start3A_114 : memref<1x128x128xf32, #tpu.memory_space<vmem>> -> memref<128x128xf32, #tpu.memory_space<vmem>>
      %dma_start3A_116 = arith.constant 0 : i32
      %dma_start3A_117 = tpu.memref_slice %arg13[%add3A_89, %dma_start3A_116] : memref<10240x128xf32, #tpu.memory_space<vmem_shared>> -> memref<128x128xf32, #tpu.memory_space<vmem_shared>>
      tpu.enqueue_dma source(%dma_start3A_117 : memref<128x128xf32, #tpu.memory_space<vmem_shared>>) target(%dma_start3A_115 : memref<128x128xf32, #tpu.memory_space<vmem>>) target_semaphore(%run_scoped3A_106 : memref<!tpu.dma_semaphore, #tpu.memory_space<semaphore_mem>>)
      %dma_wait3A = arith.constant 0 : i32
      %dma_wait3A_118 = arith.constant 0 : i32
      %dma_wait3A_119 = tpu.memref_slice %arg10[%run_scoped3A_90, %dma_wait3A, %dma_wait3A_118] : memref<2x128x128xf32, #tpu.memory_space<vmem>> -> memref<1x128x128xf32, #tpu.memory_space<vmem>>
      %dma_wait3A_120 = tpu.memref_squeeze %dma_wait3A_119 : memref<1x128x128xf32, #tpu.memory_space<vmem>> -> memref<128x128xf32, #tpu.memory_space<vmem>>
      %dma_wait3A_121 = arith.constant 0 : i32
      %dma_wait3A_122 = tpu.memref_slice %arg13[%add3A_89, %dma_wait3A_121] : memref<10240x128xf32, #tpu.memory_space<vmem_shared>> -> memref<128x128xf32, #tpu.memory_space<vmem_shared>>
      %dma_wait3A_123 = arith.constant 0 : i32
      %dma_wait3A_124 = arith.constant 0 : i32
      %dma_wait3A_125 = tpu.memref_slice %arg10[%run_scoped3A_90, %dma_wait3A_123, %dma_wait3A_124] : memref<2x128x128xf32, #tpu.memory_space<vmem>> -> memref<1x128x128xf32, #tpu.memory_space<vmem>>
      %dma_wait3A_126 = tpu.memref_squeeze %dma_wait3A_125 : memref<1x128x128xf32, #tpu.memory_space<vmem>> -> memref<128x128xf32, #tpu.memory_space<vmem>>
      %dma_wait3A_127 = arith.constant 0 : i32
      %dma_wait3A_128 = tpu.memref_slice %arg13[%add3A_89, %dma_wait3A_127] : memref<10240x128xf32, #tpu.memory_space<vmem_shared>> -> memref<128x128xf32, #tpu.memory_space<vmem_shared>>
      tpu.wait_dma2 semaphore(%run_scoped3A_106 : memref<!tpu.dma_semaphore, #tpu.memory_space<semaphore_mem>>) src(%dma_wait3A_128 : memref<128x128xf32, #tpu.memory_space<vmem_shared>>) dst(%dma_wait3A_126 : memref<128x128xf32, #tpu.memory_space<vmem>>)
      tpu.yield
    }) : () -> ()
    %add3A_91 = arith.constant 256 : i32
    %add3A_92 = arith.addi %mul3A_2, %add3A_91 : i32
    %run_scoped3A_93 = arith.constant 0 : i32
    "tpu.region"() ({
      %run_scoped3A_106 = tpu.sem_alloc : memref<!tpu.dma_semaphore, #tpu.memory_space<semaphore_mem>>
      %dma_start3A = arith.constant 0 : i32
      %dma_start3A_107 = arith.constant 0 : i32
      %dma_start3A_108 = tpu.memref_slice %arg10[%run_scoped3A_93, %dma_start3A, %dma_start3A_107] : memref<2x128x128xf32, #tpu.memory_space<vmem>> -> memref<1x128x128xf32, #tpu.memory_space<vmem>>
      %dma_start3A_109 = tpu.memref_squeeze %dma_start3A_108 : memref<1x128x128xf32, #tpu.memory_space<vmem>> -> memref<128x128xf32, #tpu.memory_space<vmem>>
      %dma_start3A_110 = arith.constant 0 : i32
      %dma_start3A_111 = tpu.memref_slice %arg6[%arg0, %add3A_92, %dma_start3A_110] : memref<2x10240x128xf32, #tpu.memory_space<hbm>> -> memref<1x128x128xf32, #tpu.memory_space<hbm>>
      %dma_start3A_112 = tpu.memref_squeeze %dma_start3A_111 : memref<1x128x128xf32, #tpu.memory_space<hbm>> -> memref<128x128xf32, #tpu.memory_space<hbm>>
      %dma_start3A_113 = arith.constant 0 : i32
      %dma_start3A_114 = tpu.memref_slice %arg6[%arg0, %add3A_92, %dma_start3A_113] : memref<2x10240x128xf32, #tpu.memory_space<hbm>> -> memref<1x128x128xf32, #tpu.memory_space<hbm>>
      %dma_start3A_115 = tpu.memref_squeeze %dma_start3A_114 : memref<1x128x128xf32, #tpu.memory_space<hbm>> -> memref<128x128xf32, #tpu.memory_space<hbm>>
      %dma_start3A_116 = arith.constant 0 : i32
      %dma_start3A_117 = arith.constant 0 : i32
      %dma_start3A_118 = tpu.memref_slice %arg10[%run_scoped3A_93, %dma_start3A_116, %dma_start3A_117] : memref<2x128x128xf32, #tpu.memory_space<vmem>> -> memref<1x128x128xf32, #tpu.memory_space<vmem>>
      %dma_start3A_119 = tpu.memref_squeeze %dma_start3A_118 : memref<1x128x128xf32, #tpu.memory_space<vmem>> -> memref<128x128xf32, #tpu.memory_space<vmem>>
      tpu.enqueue_dma source(%dma_start3A_119 : memref<128x128xf32, #tpu.memory_space<vmem>>) target(%dma_start3A_115 : memref<128x128xf32, #tpu.memory_space<hbm>>) target_semaphore(%run_scoped3A_106 : memref<!tpu.dma_semaphore, #tpu.memory_space<semaphore_mem>>)
      %dma_wait3A = arith.constant 0 : i32
      %dma_wait3A_120 = arith.constant 0 : i32
      %dma_wait3A_121 = tpu.memref_slice %arg10[%run_scoped3A_93, %dma_wait3A, %dma_wait3A_120] : memref<2x128x128xf32, #tpu.memory_space<vmem>> -> memref<1x128x128xf32, #tpu.memory_space<vmem>>
      %dma_wait3A_122 = tpu.memref_squeeze %dma_wait3A_121 : memref<1x128x128xf32, #tpu.memory_space<vmem>> -> memref<128x128xf32, #tpu.memory_space<vmem>>
      %dma_wait3A_123 = arith.constant 0 : i32
      %dma_wait3A_124 = tpu.memref_slice %arg6[%arg0, %add3A_92, %dma_wait3A_123] : memref<2x10240x128xf32, #tpu.memory_space<hbm>> -> memref<1x128x128xf32, #tpu.memory_space<hbm>>
      %dma_wait3A_125 = tpu.memref_squeeze %dma_wait3A_124 : memref<1x128x128xf32, #tpu.memory_space<hbm>> -> memref<128x128xf32, #tpu.memory_space<hbm>>
      %dma_wait3A_126 = arith.constant 0 : i32
      %dma_wait3A_127 = tpu.memref_slice %arg6[%arg0, %add3A_92, %dma_wait3A_126] : memref<2x10240x128xf32, #tpu.memory_space<hbm>> -> memref<1x128x128xf32, #tpu.memory_space<hbm>>
      %dma_wait3A_128 = tpu.memref_squeeze %dma_wait3A_127 : memref<1x128x128xf32, #tpu.memory_space<hbm>> -> memref<128x128xf32, #tpu.memory_space<hbm>>
      %dma_wait3A_129 = arith.constant 0 : i32
      %dma_wait3A_130 = arith.constant 0 : i32
      %dma_wait3A_131 = tpu.memref_slice %arg10[%run_scoped3A_93, %dma_wait3A_129, %dma_wait3A_130] : memref<2x128x128xf32, #tpu.memory_space<vmem>> -> memref<1x128x128xf32, #tpu.memory_space<vmem>>
      %dma_wait3A_132 = tpu.memref_squeeze %dma_wait3A_131 : memref<1x128x128xf32, #tpu.memory_space<vmem>> -> memref<128x128xf32, #tpu.memory_space<vmem>>
      tpu.wait_dma2 semaphore(%run_scoped3A_106 : memref<!tpu.dma_semaphore, #tpu.memory_space<semaphore_mem>>) src(%dma_wait3A_132 : memref<128x128xf32, #tpu.memory_space<vmem>>) dst(%dma_wait3A_128 : memref<128x128xf32, #tpu.memory_space<hbm>>)
      tpu.yield
    }) : () -> ()
    %add3A_94 = arith.constant 384 : i32
    %add3A_95 = arith.addi %mul3A_2, %add3A_94 : i32
    %run_scoped3A_96 = arith.constant 0 : i32
    "tpu.region"() ({
      %run_scoped3A_106 = tpu.sem_alloc : memref<!tpu.dma_semaphore, #tpu.memory_space<semaphore_mem>>
      %dma_start3A = arith.constant 0 : i32
      %dma_start3A_107 = arith.constant 0 : i32
      %dma_start3A_108 = tpu.memref_slice %arg10[%run_scoped3A_96, %dma_start3A, %dma_start3A_107] : memref<2x128x128xf32, #tpu.memory_space<vmem>> -> memref<1x128x128xf32, #tpu.memory_space<vmem>>
      %dma_start3A_109 = tpu.memref_squeeze %dma_start3A_108 : memref<1x128x128xf32, #tpu.memory_space<vmem>> -> memref<128x128xf32, #tpu.memory_space<vmem>>
      %dma_start3A_110 = arith.constant 0 : i32
      %dma_start3A_111 = tpu.memref_slice %arg13[%add3A_95, %dma_start3A_110] : memref<10240x128xf32, #tpu.memory_space<vmem_shared>> -> memref<128x128xf32, #tpu.memory_space<vmem_shared>>
      %dma_start3A_112 = arith.constant 0 : i32
      %dma_start3A_113 = arith.constant 0 : i32
      %dma_start3A_114 = tpu.memref_slice %arg10[%run_scoped3A_96, %dma_start3A_112, %dma_start3A_113] : memref<2x128x128xf32, #tpu.memory_space<vmem>> -> memref<1x128x128xf32, #tpu.memory_space<vmem>>
      %dma_start3A_115 = tpu.memref_squeeze %dma_start3A_114 : memref<1x128x128xf32, #tpu.memory_space<vmem>> -> memref<128x128xf32, #tpu.memory_space<vmem>>
      %dma_start3A_116 = arith.constant 0 : i32
      %dma_start3A_117 = tpu.memref_slice %arg13[%add3A_95, %dma_start3A_116] : memref<10240x128xf32, #tpu.memory_space<vmem_shared>> -> memref<128x128xf32, #tpu.memory_space<vmem_shared>>
      tpu.enqueue_dma source(%dma_start3A_117 : memref<128x128xf32, #tpu.memory_space<vmem_shared>>) target(%dma_start3A_115 : memref<128x128xf32, #tpu.memory_space<vmem>>) target_semaphore(%run_scoped3A_106 : memref<!tpu.dma_semaphore, #tpu.memory_space<semaphore_mem>>)
      %dma_wait3A = arith.constant 0 : i32
      %dma_wait3A_118 = arith.constant 0 : i32
      %dma_wait3A_119 = tpu.memref_slice %arg10[%run_scoped3A_96, %dma_wait3A, %dma_wait3A_118] : memref<2x128x128xf32, #tpu.memory_space<vmem>> -> memref<1x128x128xf32, #tpu.memory_space<vmem>>
      %dma_wait3A_120 = tpu.memref_squeeze %dma_wait3A_119 : memref<1x128x128xf32, #tpu.memory_space<vmem>> -> memref<128x128xf32, #tpu.memory_space<vmem>>
      %dma_wait3A_121 = arith.constant 0 : i32
      %dma_wait3A_122 = tpu.memref_slice %arg13[%add3A_95, %dma_wait3A_121] : memref<10240x128xf32, #tpu.memory_space<vmem_shared>> -> memref<128x128xf32, #tpu.memory_space<vmem_shared>>
      %dma_wait3A_123 = arith.constant 0 : i32
      %dma_wait3A_124 = arith.constant 0 : i32
      %dma_wait3A_125 = tpu.memref_slice %arg10[%run_scoped3A_96, %dma_wait3A_123, %dma_wait3A_124] : memref<2x128x128xf32, #tpu.memory_space<vmem>> -> memref<1x128x128xf32, #tpu.memory_space<vmem>>
      %dma_wait3A_126 = tpu.memref_squeeze %dma_wait3A_125 : memref<1x128x128xf32, #tpu.memory_space<vmem>> -> memref<128x128xf32, #tpu.memory_space<vmem>>
      %dma_wait3A_127 = arith.constant 0 : i32
      %dma_wait3A_128 = tpu.memref_slice %arg13[%add3A_95, %dma_wait3A_127] : memref<10240x128xf32, #tpu.memory_space<vmem_shared>> -> memref<128x128xf32, #tpu.memory_space<vmem_shared>>
      tpu.wait_dma2 semaphore(%run_scoped3A_106 : memref<!tpu.dma_semaphore, #tpu.memory_space<semaphore_mem>>) src(%dma_wait3A_128 : memref<128x128xf32, #tpu.memory_space<vmem_shared>>) dst(%dma_wait3A_126 : memref<128x128xf32, #tpu.memory_space<vmem>>)
      tpu.yield
    }) : () -> ()
    %add3A_97 = arith.constant 384 : i32
    %add3A_98 = arith.addi %mul3A_2, %add3A_97 : i32
    %run_scoped3A_99 = arith.constant 0 : i32
    "tpu.region"() ({
      %run_scoped3A_106 = tpu.sem_alloc : memref<!tpu.dma_semaphore, #tpu.memory_space<semaphore_mem>>
      %dma_start3A = arith.constant 0 : i32
      %dma_start3A_107 = arith.constant 0 : i32
      %dma_start3A_108 = tpu.memref_slice %arg10[%run_scoped3A_99, %dma_start3A, %dma_start3A_107] : memref<2x128x128xf32, #tpu.memory_space<vmem>> -> memref<1x128x128xf32, #tpu.memory_space<vmem>>
      %dma_start3A_109 = tpu.memref_squeeze %dma_start3A_108 : memref<1x128x128xf32, #tpu.memory_space<vmem>> -> memref<128x128xf32, #tpu.memory_space<vmem>>
      %dma_start3A_110 = arith.constant 0 : i32
      %dma_start3A_111 = tpu.memref_slice %arg6[%arg0, %add3A_98, %dma_start3A_110] : memref<2x10240x128xf32, #tpu.memory_space<hbm>> -> memref<1x128x128xf32, #tpu.memory_space<hbm>>
      %dma_start3A_112 = tpu.memref_squeeze %dma_start3A_111 : memref<1x128x128xf32, #tpu.memory_space<hbm>> -> memref<128x128xf32, #tpu.memory_space<hbm>>
      %dma_start3A_113 = arith.constant 0 : i32
      %dma_start3A_114 = tpu.memref_slice %arg6[%arg0, %add3A_98, %dma_start3A_113] : memref<2x10240x128xf32, #tpu.memory_space<hbm>> -> memref<1x128x128xf32, #tpu.memory_space<hbm>>
      %dma_start3A_115 = tpu.memref_squeeze %dma_start3A_114 : memref<1x128x128xf32, #tpu.memory_space<hbm>> -> memref<128x128xf32, #tpu.memory_space<hbm>>
      %dma_start3A_116 = arith.constant 0 : i32
      %dma_start3A_117 = arith.constant 0 : i32
      %dma_start3A_118 = tpu.memref_slice %arg10[%run_scoped3A_99, %dma_start3A_116, %dma_start3A_117] : memref<2x128x128xf32, #tpu.memory_space<vmem>> -> memref<1x128x128xf32, #tpu.memory_space<vmem>>
      %dma_start3A_119 = tpu.memref_squeeze %dma_start3A_118 : memref<1x128x128xf32, #tpu.memory_space<vmem>> -> memref<128x128xf32, #tpu.memory_space<vmem>>
      tpu.enqueue_dma source(%dma_start3A_119 : memref<128x128xf32, #tpu.memory_space<vmem>>) target(%dma_start3A_115 : memref<128x128xf32, #tpu.memory_space<hbm>>) target_semaphore(%run_scoped3A_106 : memref<!tpu.dma_semaphore, #tpu.memory_space<semaphore_mem>>)
      %dma_wait3A = arith.constant 0 : i32
      %dma_wait3A_120 = arith.constant 0 : i32
      %dma_wait3A_121 = tpu.memref_slice %arg10[%run_scoped3A_99, %dma_wait3A, %dma_wait3A_120] : memref<2x128x128xf32, #tpu.memory_space<vmem>> -> memref<1x128x128xf32, #tpu.memory_space<vmem>>
      %dma_wait3A_122 = tpu.memref_squeeze %dma_wait3A_121 : memref<1x128x128xf32, #tpu.memory_space<vmem>> -> memref<128x128xf32, #tpu.memory_space<vmem>>
      %dma_wait3A_123 = arith.constant 0 : i32
      %dma_wait3A_124 = tpu.memref_slice %arg6[%arg0, %add3A_98, %dma_wait3A_123] : memref<2x10240x128xf32, #tpu.memory_space<hbm>> -> memref<1x128x128xf32, #tpu.memory_space<hbm>>
      %dma_wait3A_125 = tpu.memref_squeeze %dma_wait3A_124 : memref<1x128x128xf32, #tpu.memory_space<hbm>> -> memref<128x128xf32, #tpu.memory_space<hbm>>
      %dma_wait3A_126 = arith.constant 0 : i32
      %dma_wait3A_127 = tpu.memref_slice %arg6[%arg0, %add3A_98, %dma_wait3A_126] : memref<2x10240x128xf32, #tpu.memory_space<hbm>> -> memref<1x128x128xf32, #tpu.memory_space<hbm>>
      %dma_wait3A_128 = tpu.memref_squeeze %dma_wait3A_127 : memref<1x128x128xf32, #tpu.memory_space<hbm>> -> memref<128x128xf32, #tpu.memory_space<hbm>>
      %dma_wait3A_129 = arith.constant 0 : i32
      %dma_wait3A_130 = arith.constant 0 : i32
      %dma_wait3A_131 = tpu.memref_slice %arg10[%run_scoped3A_99, %dma_wait3A_129, %dma_wait3A_130] : memref<2x128x128xf32, #tpu.memory_space<vmem>> -> memref<1x128x128xf32, #tpu.memory_space<vmem>>
      %dma_wait3A_132 = tpu.memref_squeeze %dma_wait3A_131 : memref<1x128x128xf32, #tpu.memory_space<vmem>> -> memref<128x128xf32, #tpu.memory_space<vmem>>
      tpu.wait_dma2 semaphore(%run_scoped3A_106 : memref<!tpu.dma_semaphore, #tpu.memory_space<semaphore_mem>>) src(%dma_wait3A_132 : memref<128x128xf32, #tpu.memory_space<vmem>>) dst(%dma_wait3A_128 : memref<128x128xf32, #tpu.memory_space<hbm>>)
      tpu.yield
    }) : () -> ()
    %add3A_100 = arith.constant 512 : i32
    %add3A_101 = arith.addi %mul3A_2, %add3A_100 : i32
    %run_scoped3A_102 = arith.constant 0 : i32
    "tpu.region"() ({
      %run_scoped3A_106 = tpu.sem_alloc : memref<!tpu.dma_semaphore, #tpu.memory_space<semaphore_mem>>
      %dma_start3A = arith.constant 0 : i32
      %dma_start3A_107 = arith.constant 0 : i32
      %dma_start3A_108 = tpu.memref_slice %arg10[%run_scoped3A_102, %dma_start3A, %dma_start3A_107] : memref<2x128x128xf32, #tpu.memory_space<vmem>> -> memref<1x128x128xf32, #tpu.memory_space<vmem>>
      %dma_start3A_109 = tpu.memref_squeeze %dma_start3A_108 : memref<1x128x128xf32, #tpu.memory_space<vmem>> -> memref<128x128xf32, #tpu.memory_space<vmem>>
      %dma_start3A_110 = arith.constant 0 : i32
      %dma_start3A_111 = tpu.memref_slice %arg13[%add3A_101, %dma_start3A_110] : memref<10240x128xf32, #tpu.memory_space<vmem_shared>> -> memref<128x128xf32, #tpu.memory_space<vmem_shared>>
      %dma_start3A_112 = arith.constant 0 : i32
      %dma_start3A_113 = arith.constant 0 : i32
      %dma_start3A_114 = tpu.memref_slice %arg10[%run_scoped3A_102, %dma_start3A_112, %dma_start3A_113] : memref<2x128x128xf32, #tpu.memory_space<vmem>> -> memref<1x128x128xf32, #tpu.memory_space<vmem>>
      %dma_start3A_115 = tpu.memref_squeeze %dma_start3A_114 : memref<1x128x128xf32, #tpu.memory_space<vmem>> -> memref<128x128xf32, #tpu.memory_space<vmem>>
      %dma_start3A_116 = arith.constant 0 : i32
      %dma_start3A_117 = tpu.memref_slice %arg13[%add3A_101, %dma_start3A_116] : memref<10240x128xf32, #tpu.memory_space<vmem_shared>> -> memref<128x128xf32, #tpu.memory_space<vmem_shared>>
      tpu.enqueue_dma source(%dma_start3A_117 : memref<128x128xf32, #tpu.memory_space<vmem_shared>>) target(%dma_start3A_115 : memref<128x128xf32, #tpu.memory_space<vmem>>) target_semaphore(%run_scoped3A_106 : memref<!tpu.dma_semaphore, #tpu.memory_space<semaphore_mem>>)
      %dma_wait3A = arith.constant 0 : i32
      %dma_wait3A_118 = arith.constant 0 : i32
      %dma_wait3A_119 = tpu.memref_slice %arg10[%run_scoped3A_102, %dma_wait3A, %dma_wait3A_118] : memref<2x128x128xf32, #tpu.memory_space<vmem>> -> memref<1x128x128xf32, #tpu.memory_space<vmem>>
      %dma_wait3A_120 = tpu.memref_squeeze %dma_wait3A_119 : memref<1x128x128xf32, #tpu.memory_space<vmem>> -> memref<128x128xf32, #tpu.memory_space<vmem>>
      %dma_wait3A_121 = arith.constant 0 : i32
      %dma_wait3A_122 = tpu.memref_slice %arg13[%add3A_101, %dma_wait3A_121] : memref<10240x128xf32, #tpu.memory_space<vmem_shared>> -> memref<128x128xf32, #tpu.memory_space<vmem_shared>>
      %dma_wait3A_123 = arith.constant 0 : i32
      %dma_wait3A_124 = arith.constant 0 : i32
      %dma_wait3A_125 = tpu.memref_slice %arg10[%run_scoped3A_102, %dma_wait3A_123, %dma_wait3A_124] : memref<2x128x128xf32, #tpu.memory_space<vmem>> -> memref<1x128x128xf32, #tpu.memory_space<vmem>>
      %dma_wait3A_126 = tpu.memref_squeeze %dma_wait3A_125 : memref<1x128x128xf32, #tpu.memory_space<vmem>> -> memref<128x128xf32, #tpu.memory_space<vmem>>
      %dma_wait3A_127 = arith.constant 0 : i32
      %dma_wait3A_128 = tpu.memref_slice %arg13[%add3A_101, %dma_wait3A_127] : memref<10240x128xf32, #tpu.memory_space<vmem_shared>> -> memref<128x128xf32, #tpu.memory_space<vmem_shared>>
      tpu.wait_dma2 semaphore(%run_scoped3A_106 : memref<!tpu.dma_semaphore, #tpu.memory_space<semaphore_mem>>) src(%dma_wait3A_128 : memref<128x128xf32, #tpu.memory_space<vmem_shared>>) dst(%dma_wait3A_126 : memref<128x128xf32, #tpu.memory_space<vmem>>)
      tpu.yield
    }) : () -> ()
    %add3A_103 = arith.constant 512 : i32
    %add3A_104 = arith.addi %mul3A_2, %add3A_103 : i32
    %run_scoped3A_105 = arith.constant 0 : i32
    "tpu.region"() ({
      %run_scoped3A_106 = tpu.sem_alloc : memref<!tpu.dma_semaphore, #tpu.memory_space<semaphore_mem>>
      %dma_start3A = arith.constant 0 : i32
      %dma_start3A_107 = arith.constant 0 : i32
      %dma_start3A_108 = tpu.memref_slice %arg10[%run_scoped3A_105, %dma_start3A, %dma_start3A_107] : memref<2x128x128xf32, #tpu.memory_space<vmem>> -> memref<1x128x128xf32, #tpu.memory_space<vmem>>
      %dma_start3A_109 = tpu.memref_squeeze %dma_start3A_108 : memref<1x128x128xf32, #tpu.memory_space<vmem>> -> memref<128x128xf32, #tpu.memory_space<vmem>>
      %dma_start3A_110 = arith.constant 0 : i32
      %dma_start3A_111 = tpu.memref_slice %arg6[%arg0, %add3A_104, %dma_start3A_110] : memref<2x10240x128xf32, #tpu.memory_space<hbm>> -> memref<1x128x128xf32, #tpu.memory_space<hbm>>
      %dma_start3A_112 = tpu.memref_squeeze %dma_start3A_111 : memref<1x128x128xf32, #tpu.memory_space<hbm>> -> memref<128x128xf32, #tpu.memory_space<hbm>>
      %dma_start3A_113 = arith.constant 0 : i32
      %dma_start3A_114 = tpu.memref_slice %arg6[%arg0, %add3A_104, %dma_start3A_113] : memref<2x10240x128xf32, #tpu.memory_space<hbm>> -> memref<1x128x128xf32, #tpu.memory_space<hbm>>
      %dma_start3A_115 = tpu.memref_squeeze %dma_start3A_114 : memref<1x128x128xf32, #tpu.memory_space<hbm>> -> memref<128x128xf32, #tpu.memory_space<hbm>>
      %dma_start3A_116 = arith.constant 0 : i32
      %dma_start3A_117 = arith.constant 0 : i32
      %dma_start3A_118 = tpu.memref_slice %arg10[%run_scoped3A_105, %dma_start3A_116, %dma_start3A_117] : memref<2x128x128xf32, #tpu.memory_space<vmem>> -> memref<1x128x128xf32, #tpu.memory_space<vmem>>
      %dma_start3A_119 = tpu.memref_squeeze %dma_start3A_118 : memref<1x128x128xf32, #tpu.memory_space<vmem>> -> memref<128x128xf32, #tpu.memory_space<vmem>>
      tpu.enqueue_dma source(%dma_start3A_119 : memref<128x128xf32, #tpu.memory_space<vmem>>) target(%dma_start3A_115 : memref<128x128xf32, #tpu.memory_space<hbm>>) target_semaphore(%run_scoped3A_106 : memref<!tpu.dma_semaphore, #tpu.memory_space<semaphore_mem>>)
      %dma_wait3A = arith.constant 0 : i32
      %dma_wait3A_120 = arith.constant 0 : i32
      %dma_wait3A_121 = tpu.memref_slice %arg10[%run_scoped3A_105, %dma_wait3A, %dma_wait3A_120] : memref<2x128x128xf32, #tpu.memory_space<vmem>> -> memref<1x128x128xf32, #tpu.memory_space<vmem>>
      %dma_wait3A_122 = tpu.memref_squeeze %dma_wait3A_121 : memref<1x128x128xf32, #tpu.memory_space<vmem>> -> memref<128x128xf32, #tpu.memory_space<vmem>>
      %dma_wait3A_123 = arith.constant 0 : i32
      %dma_wait3A_124 = tpu.memref_slice %arg6[%arg0, %add3A_104, %dma_wait3A_123] : memref<2x10240x128xf32, #tpu.memory_space<hbm>> -> memref<1x128x128xf32, #tpu.memory_space<hbm>>
      %dma_wait3A_125 = tpu.memref_squeeze %dma_wait3A_124 : memref<1x128x128xf32, #tpu.memory_space<hbm>> -> memref<128x128xf32, #tpu.memory_space<hbm>>
      %dma_wait3A_126 = arith.constant 0 : i32
      %dma_wait3A_127 = tpu.memref_slice %arg6[%arg0, %add3A_104, %dma_wait3A_126] : memref<2x10240x128xf32, #tpu.memory_space<hbm>> -> memref<1x128x128xf32, #tpu.memory_space<hbm>>
      %dma_wait3A_128 = tpu.memref_squeeze %dma_wait3A_127 : memref<1x128x128xf32, #tpu.memory_space<hbm>> -> memref<128x128xf32, #tpu.memory_space<hbm>>
      %dma_wait3A_129 = arith.constant 0 : i32
      %dma_wait3A_130 = arith.constant 0 : i32
      %dma_wait3A_131 = tpu.memref_slice %arg10[%run_scoped3A_105, %dma_wait3A_129, %dma_wait3A_130] : memref<2x128x128xf32, #tpu.memory_space<vmem>> -> memref<1x128x128xf32, #tpu.memory_space<vmem>>
      %dma_wait3A_132 = tpu.memref_squeeze %dma_wait3A_131 : memref<1x128x128xf32, #tpu.memory_space<vmem>> -> memref<128x128xf32, #tpu.memory_space<vmem>>
      tpu.wait_dma2 semaphore(%run_scoped3A_106 : memref<!tpu.dma_semaphore, #tpu.memory_space<semaphore_mem>>) src(%dma_wait3A_132 : memref<128x128xf32, #tpu.memory_space<vmem>>) dst(%dma_wait3A_128 : memref<128x128xf32, #tpu.memory_space<hbm>>)
      tpu.yield
    }) : () -> ()
    "tpu.region"() ({
      %run_scoped3A_106 = tpu.sem_alloc : memref<!tpu.dma_semaphore, #tpu.memory_space<semaphore_mem>>
      %dma_start3A = tpu.memref_slice %arg14[%mul3A_2] : memref<10240xf32, #tpu.memory_space<vmem_shared>> -> memref<640xf32, #tpu.memory_space<vmem_shared>>
      %dma_start3A_107 = tpu.memref_slice %arg14[%mul3A_2] : memref<10240xf32, #tpu.memory_space<vmem_shared>> -> memref<640xf32, #tpu.memory_space<vmem_shared>>
      tpu.enqueue_dma source(%dma_start3A_107 : memref<640xf32, #tpu.memory_space<vmem_shared>>) target(%arg12 : memref<640xf32, #tpu.memory_space<vmem>>) target_semaphore(%run_scoped3A_106 : memref<!tpu.dma_semaphore, #tpu.memory_space<semaphore_mem>>)
      %dma_wait3A = tpu.memref_slice %arg14[%mul3A_2] : memref<10240xf32, #tpu.memory_space<vmem_shared>> -> memref<640xf32, #tpu.memory_space<vmem_shared>>
      %dma_wait3A_108 = tpu.memref_slice %arg14[%mul3A_2] : memref<10240xf32, #tpu.memory_space<vmem_shared>> -> memref<640xf32, #tpu.memory_space<vmem_shared>>
      tpu.wait_dma2 semaphore(%run_scoped3A_106 : memref<!tpu.dma_semaphore, #tpu.memory_space<semaphore_mem>>) src(%dma_wait3A_108 : memref<640xf32, #tpu.memory_space<vmem_shared>>) dst(%arg12 : memref<640xf32, #tpu.memory_space<vmem>>)
      tpu.yield
    }) : () -> ()
    "tpu.region"() ({
      %run_scoped3A_106 = tpu.sem_alloc : memref<!tpu.dma_semaphore, #tpu.memory_space<semaphore_mem>>
      %dma_start3A = tpu.memref_slice %arg7[%arg0, %mul3A_2] : memref<2x10240xf32, #tpu.memory_space<hbm>> -> memref<1x640xf32, #tpu.memory_space<hbm>>
      %dma_start3A_107 = tpu.memref_squeeze %dma_start3A : memref<1x640xf32, #tpu.memory_space<hbm>> -> memref<640xf32, #tpu.memory_space<hbm>>
      %dma_start3A_108 = tpu.memref_slice %arg7[%arg0, %mul3A_2] : memref<2x10240xf32, #tpu.memory_space<hbm>> -> memref<1x640xf32, #tpu.memory_space<hbm>>
      %dma_start3A_109 = tpu.memref_squeeze %dma_start3A_108 : memref<1x640xf32, #tpu.memory_space<hbm>> -> memref<640xf32, #tpu.memory_space<hbm>>
      tpu.enqueue_dma source(%arg12 : memref<640xf32, #tpu.memory_space<vmem>>) target(%dma_start3A_109 : memref<640xf32, #tpu.memory_space<hbm>>) target_semaphore(%run_scoped3A_106 : memref<!tpu.dma_semaphore, #tpu.memory_space<semaphore_mem>>)
      %dma_wait3A = tpu.memref_slice %arg7[%arg0, %mul3A_2] : memref<2x10240xf32, #tpu.memory_space<hbm>> -> memref<1x640xf32, #tpu.memory_space<hbm>>
      %dma_wait3A_110 = tpu.memref_squeeze %dma_wait3A : memref<1x640xf32, #tpu.memory_space<hbm>> -> memref<640xf32, #tpu.memory_space<hbm>>
      %dma_wait3A_111 = tpu.memref_slice %arg7[%arg0, %mul3A_2] : memref<2x10240xf32, #tpu.memory_space<hbm>> -> memref<1x640xf32, #tpu.memory_space<hbm>>
      %dma_wait3A_112 = tpu.memref_squeeze %dma_wait3A_111 : memref<1x640xf32, #tpu.memory_space<hbm>> -> memref<640xf32, #tpu.memory_space<hbm>>
      tpu.wait_dma2 semaphore(%run_scoped3A_106 : memref<!tpu.dma_semaphore, #tpu.memory_space<semaphore_mem>>) src(%arg12 : memref<640xf32, #tpu.memory_space<vmem>>) dst(%dma_wait3A_112 : memref<640xf32, #tpu.memory_space<hbm>>)
      tpu.yield
    }) : () -> ()
    return
  }
}

#map = affine_map<(d0, d1) -> (0, 0)>
#map1 = affine_map<(d0, d1) -> (0, 0, 0)>
module attributes {stable_mosaic.version = 14 : i64} {
  func.func @body(%arg0: i32, %arg1: i32, %arg2: memref<10000x128xf32, #tpu.memory_space<hbm>>, %arg3: memref<2560x128xi32, #tpu.memory_space<hbm>>, %arg4: memref<2560x128xi32, #tpu.memory_space<hbm>>, %arg5: memref<128x128xf32, #tpu.memory_space<hbm>>, %arg6: memref<2x10240x128xf32, #tpu.memory_space<hbm>>, %arg7: memref<8x128xi32, #tpu.memory_space<vmem>>, %arg8: memref<8x128xi32, #tpu.memory_space<vmem>>, %arg9: memref<2x128x128xf32, #tpu.memory_space<vmem>>, %arg10: memref<128xf32, #tpu.memory_space<vmem>>, %arg11: memref<640xf32, #tpu.memory_space<vmem>>, %arg12: memref<10240x128xf32, #tpu.memory_space<vmem_shared>>, %arg13: memref<10240xf32, #tpu.memory_space<vmem_shared>>, %arg14: memref<!tpu.dma_semaphore, #tpu.memory_space<semaphore_mem>>, %arg15: memref<!tpu.dma_semaphore, #tpu.memory_space<semaphore_mem>>, %arg16: memref<!tpu.dma_semaphore, #tpu.memory_space<semaphore_mem>>) attributes {dimension_semantics = [#tpu.dimension_semantics<core_parallel>, #tpu.dimension_semantics<subcore_parallel>], iteration_bounds = array<i64: 2, 16>, scalar_prefetch = 0 : i64, scratch_operands = 10 : i64, tpu.core_type = #tpu.core_type<sc_vector_subcore>, window_params = [{transform_indices = #map}, {transform_indices = #map}, {transform_indices = #map}, {transform_indices = #map}, {transform_indices = #map1}]} {
    %mul3A = arith.constant 16 : i32
    %mul3A_0 = arith.muli %arg0, %mul3A : i32
    %add3A = arith.addi %mul3A_0, %arg1 : i32
    %mul3A_1 = arith.constant 640 : i32
    %mul3A_2 = arith.muli %arg1, %mul3A_1 : i32
    %run_scoped3A = arith.constant 0 : i32
    "tpu.region"() ({
      %run_scoped3A_54 = tpu.sem_alloc : memref<!tpu.dma_semaphore, #tpu.memory_space<semaphore_mem>>
      %dma_start3A = arith.constant 0 : i32
      %dma_start3A_55 = arith.constant 0 : i32
      %dma_start3A_56 = tpu.memref_slice %arg9[%run_scoped3A, %dma_start3A, %dma_start3A_55] : memref<2x128x128xf32, #tpu.memory_space<vmem>> -> memref<1x128x128xf32, #tpu.memory_space<vmem>>
      %dma_start3A_57 = tpu.memref_squeeze %dma_start3A_56 : memref<1x128x128xf32, #tpu.memory_space<vmem>> -> memref<128x128xf32, #tpu.memory_space<vmem>>
      %dma_start3A_58 = arith.constant 0 : i32
      %dma_start3A_59 = arith.constant 0 : i32
      %dma_start3A_60 = tpu.memref_slice %arg9[%run_scoped3A, %dma_start3A_58, %dma_start3A_59] : memref<2x128x128xf32, #tpu.memory_space<vmem>> -> memref<1x128x128xf32, #tpu.memory_space<vmem>>
      %dma_start3A_61 = tpu.memref_squeeze %dma_start3A_60 : memref<1x128x128xf32, #tpu.memory_space<vmem>> -> memref<128x128xf32, #tpu.memory_space<vmem>>
      tpu.enqueue_dma source(%arg5 : memref<128x128xf32, #tpu.memory_space<hbm>>) target(%dma_start3A_61 : memref<128x128xf32, #tpu.memory_space<vmem>>) target_semaphore(%run_scoped3A_54 : memref<!tpu.dma_semaphore, #tpu.memory_space<semaphore_mem>>)
      %dma_wait3A = arith.constant 0 : i32
      %dma_wait3A_62 = arith.constant 0 : i32
      %dma_wait3A_63 = tpu.memref_slice %arg9[%run_scoped3A, %dma_wait3A, %dma_wait3A_62] : memref<2x128x128xf32, #tpu.memory_space<vmem>> -> memref<1x128x128xf32, #tpu.memory_space<vmem>>
      %dma_wait3A_64 = tpu.memref_squeeze %dma_wait3A_63 : memref<1x128x128xf32, #tpu.memory_space<vmem>> -> memref<128x128xf32, #tpu.memory_space<vmem>>
      %dma_wait3A_65 = arith.constant 0 : i32
      %dma_wait3A_66 = arith.constant 0 : i32
      %dma_wait3A_67 = tpu.memref_slice %arg9[%run_scoped3A, %dma_wait3A_65, %dma_wait3A_66] : memref<2x128x128xf32, #tpu.memory_space<vmem>> -> memref<1x128x128xf32, #tpu.memory_space<vmem>>
      %dma_wait3A_68 = tpu.memref_squeeze %dma_wait3A_67 : memref<1x128x128xf32, #tpu.memory_space<vmem>> -> memref<128x128xf32, #tpu.memory_space<vmem>>
      tpu.wait_dma2 semaphore(%run_scoped3A_54 : memref<!tpu.dma_semaphore, #tpu.memory_space<semaphore_mem>>) src(%arg5 : memref<128x128xf32, #tpu.memory_space<hbm>>) dst(%dma_wait3A_68 : memref<128x128xf32, #tpu.memory_space<vmem>>)
      tpu.yield
    }) : () -> ()
    %add3A_3 = arith.constant 0 : i32
    %add3A_4 = arith.addi %mul3A_2, %add3A_3 : i32
    %run_scoped3A_5 = arith.constant 0 : i32
    "tpu.region"() ({
      %run_scoped3A_54 = tpu.sem_alloc : memref<!tpu.dma_semaphore, #tpu.memory_space<semaphore_mem>>
      %dma_start3A = arith.constant 0 : i32
      %dma_start3A_55 = arith.constant 0 : i32
      %dma_start3A_56 = tpu.memref_slice %arg9[%run_scoped3A_5, %dma_start3A, %dma_start3A_55] : memref<2x128x128xf32, #tpu.memory_space<vmem>> -> memref<1x128x128xf32, #tpu.memory_space<vmem>>
      %dma_start3A_57 = tpu.memref_squeeze %dma_start3A_56 : memref<1x128x128xf32, #tpu.memory_space<vmem>> -> memref<128x128xf32, #tpu.memory_space<vmem>>
      %dma_start3A_58 = arith.constant 0 : i32
      %dma_start3A_59 = tpu.memref_slice %arg12[%add3A_4, %dma_start3A_58] : memref<10240x128xf32, #tpu.memory_space<vmem_shared>> -> memref<128x128xf32, #tpu.memory_space<vmem_shared>>
      %dma_start3A_60 = arith.constant 0 : i32
      %dma_start3A_61 = tpu.memref_slice %arg12[%add3A_4, %dma_start3A_60] : memref<10240x128xf32, #tpu.memory_space<vmem_shared>> -> memref<128x128xf32, #tpu.memory_space<vmem_shared>>
      %dma_start3A_62 = arith.constant 0 : i32
      %dma_start3A_63 = arith.constant 0 : i32
      %dma_start3A_64 = tpu.memref_slice %arg9[%run_scoped3A_5, %dma_start3A_62, %dma_start3A_63] : memref<2x128x128xf32, #tpu.memory_space<vmem>> -> memref<1x128x128xf32, #tpu.memory_space<vmem>>
      %dma_start3A_65 = tpu.memref_squeeze %dma_start3A_64 : memref<1x128x128xf32, #tpu.memory_space<vmem>> -> memref<128x128xf32, #tpu.memory_space<vmem>>
      tpu.enqueue_dma source(%dma_start3A_65 : memref<128x128xf32, #tpu.memory_space<vmem>>) target(%dma_start3A_61 : memref<128x128xf32, #tpu.memory_space<vmem_shared>>) target_semaphore(%run_scoped3A_54 : memref<!tpu.dma_semaphore, #tpu.memory_space<semaphore_mem>>)
      %dma_wait3A = arith.constant 0 : i32
      %dma_wait3A_66 = arith.constant 0 : i32
      %dma_wait3A_67 = tpu.memref_slice %arg9[%run_scoped3A_5, %dma_wait3A, %dma_wait3A_66] : memref<2x128x128xf32, #tpu.memory_space<vmem>> -> memref<1x128x128xf32, #tpu.memory_space<vmem>>
      %dma_wait3A_68 = tpu.memref_squeeze %dma_wait3A_67 : memref<1x128x128xf32, #tpu.memory_space<vmem>> -> memref<128x128xf32, #tpu.memory_space<vmem>>
      %dma_wait3A_69 = arith.constant 0 : i32
      %dma_wait3A_70 = tpu.memref_slice %arg12[%add3A_4, %dma_wait3A_69] : memref<10240x128xf32, #tpu.memory_space<vmem_shared>> -> memref<128x128xf32, #tpu.memory_space<vmem_shared>>
      %dma_wait3A_71 = arith.constant 0 : i32
      %dma_wait3A_72 = tpu.memref_slice %arg12[%add3A_4, %dma_wait3A_71] : memref<10240x128xf32, #tpu.memory_space<vmem_shared>> -> memref<128x128xf32, #tpu.memory_space<vmem_shared>>
      %dma_wait3A_73 = arith.constant 0 : i32
      %dma_wait3A_74 = arith.constant 0 : i32
      %dma_wait3A_75 = tpu.memref_slice %arg9[%run_scoped3A_5, %dma_wait3A_73, %dma_wait3A_74] : memref<2x128x128xf32, #tpu.memory_space<vmem>> -> memref<1x128x128xf32, #tpu.memory_space<vmem>>
      %dma_wait3A_76 = tpu.memref_squeeze %dma_wait3A_75 : memref<1x128x128xf32, #tpu.memory_space<vmem>> -> memref<128x128xf32, #tpu.memory_space<vmem>>
      tpu.wait_dma2 semaphore(%run_scoped3A_54 : memref<!tpu.dma_semaphore, #tpu.memory_space<semaphore_mem>>) src(%dma_wait3A_76 : memref<128x128xf32, #tpu.memory_space<vmem>>) dst(%dma_wait3A_72 : memref<128x128xf32, #tpu.memory_space<vmem_shared>>)
      tpu.yield
    }) : () -> ()
    %add3A_6 = arith.constant 128 : i32
    %add3A_7 = arith.addi %mul3A_2, %add3A_6 : i32
    %run_scoped3A_8 = arith.constant 0 : i32
    "tpu.region"() ({
      %run_scoped3A_54 = tpu.sem_alloc : memref<!tpu.dma_semaphore, #tpu.memory_space<semaphore_mem>>
      %dma_start3A = arith.constant 0 : i32
      %dma_start3A_55 = arith.constant 0 : i32
      %dma_start3A_56 = tpu.memref_slice %arg9[%run_scoped3A_8, %dma_start3A, %dma_start3A_55] : memref<2x128x128xf32, #tpu.memory_space<vmem>> -> memref<1x128x128xf32, #tpu.memory_space<vmem>>
      %dma_start3A_57 = tpu.memref_squeeze %dma_start3A_56 : memref<1x128x128xf32, #tpu.memory_space<vmem>> -> memref<128x128xf32, #tpu.memory_space<vmem>>
      %dma_start3A_58 = arith.constant 0 : i32
      %dma_start3A_59 = tpu.memref_slice %arg12[%add3A_7, %dma_start3A_58] : memref<10240x128xf32, #tpu.memory_space<vmem_shared>> -> memref<128x128xf32, #tpu.memory_space<vmem_shared>>
      %dma_start3A_60 = arith.constant 0 : i32
      %dma_start3A_61 = tpu.memref_slice %arg12[%add3A_7, %dma_start3A_60] : memref<10240x128xf32, #tpu.memory_space<vmem_shared>> -> memref<128x128xf32, #tpu.memory_space<vmem_shared>>
      %dma_start3A_62 = arith.constant 0 : i32
      %dma_start3A_63 = arith.constant 0 : i32
      %dma_start3A_64 = tpu.memref_slice %arg9[%run_scoped3A_8, %dma_start3A_62, %dma_start3A_63] : memref<2x128x128xf32, #tpu.memory_space<vmem>> -> memref<1x128x128xf32, #tpu.memory_space<vmem>>
      %dma_start3A_65 = tpu.memref_squeeze %dma_start3A_64 : memref<1x128x128xf32, #tpu.memory_space<vmem>> -> memref<128x128xf32, #tpu.memory_space<vmem>>
      tpu.enqueue_dma source(%dma_start3A_65 : memref<128x128xf32, #tpu.memory_space<vmem>>) target(%dma_start3A_61 : memref<128x128xf32, #tpu.memory_space<vmem_shared>>) target_semaphore(%run_scoped3A_54 : memref<!tpu.dma_semaphore, #tpu.memory_space<semaphore_mem>>)
      %dma_wait3A = arith.constant 0 : i32
      %dma_wait3A_66 = arith.constant 0 : i32
      %dma_wait3A_67 = tpu.memref_slice %arg9[%run_scoped3A_8, %dma_wait3A, %dma_wait3A_66] : memref<2x128x128xf32, #tpu.memory_space<vmem>> -> memref<1x128x128xf32, #tpu.memory_space<vmem>>
      %dma_wait3A_68 = tpu.memref_squeeze %dma_wait3A_67 : memref<1x128x128xf32, #tpu.memory_space<vmem>> -> memref<128x128xf32, #tpu.memory_space<vmem>>
      %dma_wait3A_69 = arith.constant 0 : i32
      %dma_wait3A_70 = tpu.memref_slice %arg12[%add3A_7, %dma_wait3A_69] : memref<10240x128xf32, #tpu.memory_space<vmem_shared>> -> memref<128x128xf32, #tpu.memory_space<vmem_shared>>
      %dma_wait3A_71 = arith.constant 0 : i32
      %dma_wait3A_72 = tpu.memref_slice %arg12[%add3A_7, %dma_wait3A_71] : memref<10240x128xf32, #tpu.memory_space<vmem_shared>> -> memref<128x128xf32, #tpu.memory_space<vmem_shared>>
      %dma_wait3A_73 = arith.constant 0 : i32
      %dma_wait3A_74 = arith.constant 0 : i32
      %dma_wait3A_75 = tpu.memref_slice %arg9[%run_scoped3A_8, %dma_wait3A_73, %dma_wait3A_74] : memref<2x128x128xf32, #tpu.memory_space<vmem>> -> memref<1x128x128xf32, #tpu.memory_space<vmem>>
      %dma_wait3A_76 = tpu.memref_squeeze %dma_wait3A_75 : memref<1x128x128xf32, #tpu.memory_space<vmem>> -> memref<128x128xf32, #tpu.memory_space<vmem>>
      tpu.wait_dma2 semaphore(%run_scoped3A_54 : memref<!tpu.dma_semaphore, #tpu.memory_space<semaphore_mem>>) src(%dma_wait3A_76 : memref<128x128xf32, #tpu.memory_space<vmem>>) dst(%dma_wait3A_72 : memref<128x128xf32, #tpu.memory_space<vmem_shared>>)
      tpu.yield
    }) : () -> ()
    %add3A_9 = arith.constant 256 : i32
    %add3A_10 = arith.addi %mul3A_2, %add3A_9 : i32
    %run_scoped3A_11 = arith.constant 0 : i32
    "tpu.region"() ({
      %run_scoped3A_54 = tpu.sem_alloc : memref<!tpu.dma_semaphore, #tpu.memory_space<semaphore_mem>>
      %dma_start3A = arith.constant 0 : i32
      %dma_start3A_55 = arith.constant 0 : i32
      %dma_start3A_56 = tpu.memref_slice %arg9[%run_scoped3A_11, %dma_start3A, %dma_start3A_55] : memref<2x128x128xf32, #tpu.memory_space<vmem>> -> memref<1x128x128xf32, #tpu.memory_space<vmem>>
      %dma_start3A_57 = tpu.memref_squeeze %dma_start3A_56 : memref<1x128x128xf32, #tpu.memory_space<vmem>> -> memref<128x128xf32, #tpu.memory_space<vmem>>
      %dma_start3A_58 = arith.constant 0 : i32
      %dma_start3A_59 = tpu.memref_slice %arg12[%add3A_10, %dma_start3A_58] : memref<10240x128xf32, #tpu.memory_space<vmem_shared>> -> memref<128x128xf32, #tpu.memory_space<vmem_shared>>
      %dma_start3A_60 = arith.constant 0 : i32
      %dma_start3A_61 = tpu.memref_slice %arg12[%add3A_10, %dma_start3A_60] : memref<10240x128xf32, #tpu.memory_space<vmem_shared>> -> memref<128x128xf32, #tpu.memory_space<vmem_shared>>
      %dma_start3A_62 = arith.constant 0 : i32
      %dma_start3A_63 = arith.constant 0 : i32
      %dma_start3A_64 = tpu.memref_slice %arg9[%run_scoped3A_11, %dma_start3A_62, %dma_start3A_63] : memref<2x128x128xf32, #tpu.memory_space<vmem>> -> memref<1x128x128xf32, #tpu.memory_space<vmem>>
      %dma_start3A_65 = tpu.memref_squeeze %dma_start3A_64 : memref<1x128x128xf32, #tpu.memory_space<vmem>> -> memref<128x128xf32, #tpu.memory_space<vmem>>
      tpu.enqueue_dma source(%dma_start3A_65 : memref<128x128xf32, #tpu.memory_space<vmem>>) target(%dma_start3A_61 : memref<128x128xf32, #tpu.memory_space<vmem_shared>>) target_semaphore(%run_scoped3A_54 : memref<!tpu.dma_semaphore, #tpu.memory_space<semaphore_mem>>)
      %dma_wait3A = arith.constant 0 : i32
      %dma_wait3A_66 = arith.constant 0 : i32
      %dma_wait3A_67 = tpu.memref_slice %arg9[%run_scoped3A_11, %dma_wait3A, %dma_wait3A_66] : memref<2x128x128xf32, #tpu.memory_space<vmem>> -> memref<1x128x128xf32, #tpu.memory_space<vmem>>
      %dma_wait3A_68 = tpu.memref_squeeze %dma_wait3A_67 : memref<1x128x128xf32, #tpu.memory_space<vmem>> -> memref<128x128xf32, #tpu.memory_space<vmem>>
      %dma_wait3A_69 = arith.constant 0 : i32
      %dma_wait3A_70 = tpu.memref_slice %arg12[%add3A_10, %dma_wait3A_69] : memref<10240x128xf32, #tpu.memory_space<vmem_shared>> -> memref<128x128xf32, #tpu.memory_space<vmem_shared>>
      %dma_wait3A_71 = arith.constant 0 : i32
      %dma_wait3A_72 = tpu.memref_slice %arg12[%add3A_10, %dma_wait3A_71] : memref<10240x128xf32, #tpu.memory_space<vmem_shared>> -> memref<128x128xf32, #tpu.memory_space<vmem_shared>>
      %dma_wait3A_73 = arith.constant 0 : i32
      %dma_wait3A_74 = arith.constant 0 : i32
      %dma_wait3A_75 = tpu.memref_slice %arg9[%run_scoped3A_11, %dma_wait3A_73, %dma_wait3A_74] : memref<2x128x128xf32, #tpu.memory_space<vmem>> -> memref<1x128x128xf32, #tpu.memory_space<vmem>>
      %dma_wait3A_76 = tpu.memref_squeeze %dma_wait3A_75 : memref<1x128x128xf32, #tpu.memory_space<vmem>> -> memref<128x128xf32, #tpu.memory_space<vmem>>
      tpu.wait_dma2 semaphore(%run_scoped3A_54 : memref<!tpu.dma_semaphore, #tpu.memory_space<semaphore_mem>>) src(%dma_wait3A_76 : memref<128x128xf32, #tpu.memory_space<vmem>>) dst(%dma_wait3A_72 : memref<128x128xf32, #tpu.memory_space<vmem_shared>>)
      tpu.yield
    }) : () -> ()
    %add3A_12 = arith.constant 384 : i32
    %add3A_13 = arith.addi %mul3A_2, %add3A_12 : i32
    %run_scoped3A_14 = arith.constant 0 : i32
    "tpu.region"() ({
      %run_scoped3A_54 = tpu.sem_alloc : memref<!tpu.dma_semaphore, #tpu.memory_space<semaphore_mem>>
      %dma_start3A = arith.constant 0 : i32
      %dma_start3A_55 = arith.constant 0 : i32
      %dma_start3A_56 = tpu.memref_slice %arg9[%run_scoped3A_14, %dma_start3A, %dma_start3A_55] : memref<2x128x128xf32, #tpu.memory_space<vmem>> -> memref<1x128x128xf32, #tpu.memory_space<vmem>>
      %dma_start3A_57 = tpu.memref_squeeze %dma_start3A_56 : memref<1x128x128xf32, #tpu.memory_space<vmem>> -> memref<128x128xf32, #tpu.memory_space<vmem>>
      %dma_start3A_58 = arith.constant 0 : i32
      %dma_start3A_59 = tpu.memref_slice %arg12[%add3A_13, %dma_start3A_58] : memref<10240x128xf32, #tpu.memory_space<vmem_shared>> -> memref<128x128xf32, #tpu.memory_space<vmem_shared>>
      %dma_start3A_60 = arith.constant 0 : i32
      %dma_start3A_61 = tpu.memref_slice %arg12[%add3A_13, %dma_start3A_60] : memref<10240x128xf32, #tpu.memory_space<vmem_shared>> -> memref<128x128xf32, #tpu.memory_space<vmem_shared>>
      %dma_start3A_62 = arith.constant 0 : i32
      %dma_start3A_63 = arith.constant 0 : i32
      %dma_start3A_64 = tpu.memref_slice %arg9[%run_scoped3A_14, %dma_start3A_62, %dma_start3A_63] : memref<2x128x128xf32, #tpu.memory_space<vmem>> -> memref<1x128x128xf32, #tpu.memory_space<vmem>>
      %dma_start3A_65 = tpu.memref_squeeze %dma_start3A_64 : memref<1x128x128xf32, #tpu.memory_space<vmem>> -> memref<128x128xf32, #tpu.memory_space<vmem>>
      tpu.enqueue_dma source(%dma_start3A_65 : memref<128x128xf32, #tpu.memory_space<vmem>>) target(%dma_start3A_61 : memref<128x128xf32, #tpu.memory_space<vmem_shared>>) target_semaphore(%run_scoped3A_54 : memref<!tpu.dma_semaphore, #tpu.memory_space<semaphore_mem>>)
      %dma_wait3A = arith.constant 0 : i32
      %dma_wait3A_66 = arith.constant 0 : i32
      %dma_wait3A_67 = tpu.memref_slice %arg9[%run_scoped3A_14, %dma_wait3A, %dma_wait3A_66] : memref<2x128x128xf32, #tpu.memory_space<vmem>> -> memref<1x128x128xf32, #tpu.memory_space<vmem>>
      %dma_wait3A_68 = tpu.memref_squeeze %dma_wait3A_67 : memref<1x128x128xf32, #tpu.memory_space<vmem>> -> memref<128x128xf32, #tpu.memory_space<vmem>>
      %dma_wait3A_69 = arith.constant 0 : i32
      %dma_wait3A_70 = tpu.memref_slice %arg12[%add3A_13, %dma_wait3A_69] : memref<10240x128xf32, #tpu.memory_space<vmem_shared>> -> memref<128x128xf32, #tpu.memory_space<vmem_shared>>
      %dma_wait3A_71 = arith.constant 0 : i32
      %dma_wait3A_72 = tpu.memref_slice %arg12[%add3A_13, %dma_wait3A_71] : memref<10240x128xf32, #tpu.memory_space<vmem_shared>> -> memref<128x128xf32, #tpu.memory_space<vmem_shared>>
      %dma_wait3A_73 = arith.constant 0 : i32
      %dma_wait3A_74 = arith.constant 0 : i32
      %dma_wait3A_75 = tpu.memref_slice %arg9[%run_scoped3A_14, %dma_wait3A_73, %dma_wait3A_74] : memref<2x128x128xf32, #tpu.memory_space<vmem>> -> memref<1x128x128xf32, #tpu.memory_space<vmem>>
      %dma_wait3A_76 = tpu.memref_squeeze %dma_wait3A_75 : memref<1x128x128xf32, #tpu.memory_space<vmem>> -> memref<128x128xf32, #tpu.memory_space<vmem>>
      tpu.wait_dma2 semaphore(%run_scoped3A_54 : memref<!tpu.dma_semaphore, #tpu.memory_space<semaphore_mem>>) src(%dma_wait3A_76 : memref<128x128xf32, #tpu.memory_space<vmem>>) dst(%dma_wait3A_72 : memref<128x128xf32, #tpu.memory_space<vmem_shared>>)
      tpu.yield
    }) : () -> ()
    %add3A_15 = arith.constant 512 : i32
    %add3A_16 = arith.addi %mul3A_2, %add3A_15 : i32
    %run_scoped3A_17 = arith.constant 0 : i32
    "tpu.region"() ({
      %run_scoped3A_54 = tpu.sem_alloc : memref<!tpu.dma_semaphore, #tpu.memory_space<semaphore_mem>>
      %dma_start3A = arith.constant 0 : i32
      %dma_start3A_55 = arith.constant 0 : i32
      %dma_start3A_56 = tpu.memref_slice %arg9[%run_scoped3A_17, %dma_start3A, %dma_start3A_55] : memref<2x128x128xf32, #tpu.memory_space<vmem>> -> memref<1x128x128xf32, #tpu.memory_space<vmem>>
      %dma_start3A_57 = tpu.memref_squeeze %dma_start3A_56 : memref<1x128x128xf32, #tpu.memory_space<vmem>> -> memref<128x128xf32, #tpu.memory_space<vmem>>
      %dma_start3A_58 = arith.constant 0 : i32
      %dma_start3A_59 = tpu.memref_slice %arg12[%add3A_16, %dma_start3A_58] : memref<10240x128xf32, #tpu.memory_space<vmem_shared>> -> memref<128x128xf32, #tpu.memory_space<vmem_shared>>
      %dma_start3A_60 = arith.constant 0 : i32
      %dma_start3A_61 = tpu.memref_slice %arg12[%add3A_16, %dma_start3A_60] : memref<10240x128xf32, #tpu.memory_space<vmem_shared>> -> memref<128x128xf32, #tpu.memory_space<vmem_shared>>
      %dma_start3A_62 = arith.constant 0 : i32
      %dma_start3A_63 = arith.constant 0 : i32
      %dma_start3A_64 = tpu.memref_slice %arg9[%run_scoped3A_17, %dma_start3A_62, %dma_start3A_63] : memref<2x128x128xf32, #tpu.memory_space<vmem>> -> memref<1x128x128xf32, #tpu.memory_space<vmem>>
      %dma_start3A_65 = tpu.memref_squeeze %dma_start3A_64 : memref<1x128x128xf32, #tpu.memory_space<vmem>> -> memref<128x128xf32, #tpu.memory_space<vmem>>
      tpu.enqueue_dma source(%dma_start3A_65 : memref<128x128xf32, #tpu.memory_space<vmem>>) target(%dma_start3A_61 : memref<128x128xf32, #tpu.memory_space<vmem_shared>>) target_semaphore(%run_scoped3A_54 : memref<!tpu.dma_semaphore, #tpu.memory_space<semaphore_mem>>)
      %dma_wait3A = arith.constant 0 : i32
      %dma_wait3A_66 = arith.constant 0 : i32
      %dma_wait3A_67 = tpu.memref_slice %arg9[%run_scoped3A_17, %dma_wait3A, %dma_wait3A_66] : memref<2x128x128xf32, #tpu.memory_space<vmem>> -> memref<1x128x128xf32, #tpu.memory_space<vmem>>
      %dma_wait3A_68 = tpu.memref_squeeze %dma_wait3A_67 : memref<1x128x128xf32, #tpu.memory_space<vmem>> -> memref<128x128xf32, #tpu.memory_space<vmem>>
      %dma_wait3A_69 = arith.constant 0 : i32
      %dma_wait3A_70 = tpu.memref_slice %arg12[%add3A_16, %dma_wait3A_69] : memref<10240x128xf32, #tpu.memory_space<vmem_shared>> -> memref<128x128xf32, #tpu.memory_space<vmem_shared>>
      %dma_wait3A_71 = arith.constant 0 : i32
      %dma_wait3A_72 = tpu.memref_slice %arg12[%add3A_16, %dma_wait3A_71] : memref<10240x128xf32, #tpu.memory_space<vmem_shared>> -> memref<128x128xf32, #tpu.memory_space<vmem_shared>>
      %dma_wait3A_73 = arith.constant 0 : i32
      %dma_wait3A_74 = arith.constant 0 : i32
      %dma_wait3A_75 = tpu.memref_slice %arg9[%run_scoped3A_17, %dma_wait3A_73, %dma_wait3A_74] : memref<2x128x128xf32, #tpu.memory_space<vmem>> -> memref<1x128x128xf32, #tpu.memory_space<vmem>>
      %dma_wait3A_76 = tpu.memref_squeeze %dma_wait3A_75 : memref<1x128x128xf32, #tpu.memory_space<vmem>> -> memref<128x128xf32, #tpu.memory_space<vmem>>
      tpu.wait_dma2 semaphore(%run_scoped3A_54 : memref<!tpu.dma_semaphore, #tpu.memory_space<semaphore_mem>>) src(%dma_wait3A_76 : memref<128x128xf32, #tpu.memory_space<vmem>>) dst(%dma_wait3A_72 : memref<128x128xf32, #tpu.memory_space<vmem_shared>>)
      tpu.yield
    }) : () -> ()
    %barrier3A = arith.constant 0 : index
    tpu.barrier barrier_id(%barrier3A)
    %scan3A = arith.constant 0 : i32
    %scan3A_18 = arith.constant 0 : i32
    %scan3A_19 = arith.constant 10 : i32
    %scan3A_20 = arith.addi %scan3A_18, %scan3A_19 : i32
    %scan3A_21 = arith.constant 1 : i32
    scf.for %scan3A_54 = %scan3A_18 to %scan3A_20 step %scan3A_21  : i32 {
      %mul3A_55 = arith.constant 80 : i32
      %mul3A_56 = arith.muli %add3A, %mul3A_55 : i32
      %mul3A_57 = arith.constant 8 : i32
      %mul3A_58 = arith.muli %scan3A_54, %mul3A_57 : i32
      %add3A_59 = arith.addi %mul3A_56, %mul3A_58 : i32
      "tpu.region"() ({
        %run_scoped3A_442 = tpu.sem_alloc : memref<!tpu.dma_semaphore, #tpu.memory_space<semaphore_mem>>
        %dma_start3A_443 = arith.constant 0 : i32
        %dma_start3A_444 = tpu.memref_slice %arg3[%add3A_59, %dma_start3A_443] : memref<2560x128xi32, #tpu.memory_space<hbm>> -> memref<8x128xi32, #tpu.memory_space<hbm>>
        %dma_start3A_445 = arith.constant 0 : i32
        %dma_start3A_446 = tpu.memref_slice %arg3[%add3A_59, %dma_start3A_445] : memref<2560x128xi32, #tpu.memory_space<hbm>> -> memref<8x128xi32, #tpu.memory_space<hbm>>
        tpu.enqueue_dma source(%dma_start3A_446 : memref<8x128xi32, #tpu.memory_space<hbm>>) target(%arg7 : memref<8x128xi32, #tpu.memory_space<vmem>>) target_semaphore(%run_scoped3A_442 : memref<!tpu.dma_semaphore, #tpu.memory_space<semaphore_mem>>)
        %dma_wait3A_447 = arith.constant 0 : i32
        %dma_wait3A_448 = tpu.memref_slice %arg3[%add3A_59, %dma_wait3A_447] : memref<2560x128xi32, #tpu.memory_space<hbm>> -> memref<8x128xi32, #tpu.memory_space<hbm>>
        %dma_wait3A_449 = arith.constant 0 : i32
        %dma_wait3A_450 = tpu.memref_slice %arg3[%add3A_59, %dma_wait3A_449] : memref<2560x128xi32, #tpu.memory_space<hbm>> -> memref<8x128xi32, #tpu.memory_space<hbm>>
        tpu.wait_dma2 semaphore(%run_scoped3A_442 : memref<!tpu.dma_semaphore, #tpu.memory_space<semaphore_mem>>) src(%dma_wait3A_450 : memref<8x128xi32, #tpu.memory_space<hbm>>) dst(%arg7 : memref<8x128xi32, #tpu.memory_space<vmem>>)
        tpu.yield
      }) : () -> ()
      "tpu.region"() ({
        %run_scoped3A_442 = tpu.sem_alloc : memref<!tpu.dma_semaphore, #tpu.memory_space<semaphore_mem>>
        %dma_start3A_443 = arith.constant 0 : i32
        %dma_start3A_444 = tpu.memref_slice %arg4[%add3A_59, %dma_start3A_443] : memref<2560x128xi32, #tpu.memory_space<hbm>> -> memref<8x128xi32, #tpu.memory_space<hbm>>
        %dma_start3A_445 = arith.constant 0 : i32
        %dma_start3A_446 = tpu.memref_slice %arg4[%add3A_59, %dma_start3A_445] : memref<2560x128xi32, #tpu.memory_space<hbm>> -> memref<8x128xi32, #tpu.memory_space<hbm>>
        tpu.enqueue_dma source(%dma_start3A_446 : memref<8x128xi32, #tpu.memory_space<hbm>>) target(%arg8 : memref<8x128xi32, #tpu.memory_space<vmem>>) target_semaphore(%run_scoped3A_442 : memref<!tpu.dma_semaphore, #tpu.memory_space<semaphore_mem>>)
        %dma_wait3A_447 = arith.constant 0 : i32
        %dma_wait3A_448 = tpu.memref_slice %arg4[%add3A_59, %dma_wait3A_447] : memref<2560x128xi32, #tpu.memory_space<hbm>> -> memref<8x128xi32, #tpu.memory_space<hbm>>
        %dma_wait3A_449 = arith.constant 0 : i32
        %dma_wait3A_450 = tpu.memref_slice %arg4[%add3A_59, %dma_wait3A_449] : memref<2560x128xi32, #tpu.memory_space<hbm>> -> memref<8x128xi32, #tpu.memory_space<hbm>>
        tpu.wait_dma2 semaphore(%run_scoped3A_442 : memref<!tpu.dma_semaphore, #tpu.memory_space<semaphore_mem>>) src(%dma_wait3A_450 : memref<8x128xi32, #tpu.memory_space<hbm>>) dst(%arg8 : memref<8x128xi32, #tpu.memory_space<vmem>>)
        tpu.yield
      }) : () -> ()
      %dma_start3A = arith.constant 0 : i32
      %dma_start3A_60 = arith.constant 0 : i32
      %dma_start3A_61 = arith.constant 0 : i32
      %dma_start3A_62 = arith.constant 0 : i32
      %dma_start3A_63 = tpu.memref_slice %arg9[%dma_start3A_60, %dma_start3A_61, %dma_start3A_62] : memref<2x128x128xf32, #tpu.memory_space<vmem>> -> memref<1x128x128xf32, #tpu.memory_space<vmem>>
      %dma_start3A_64 = tpu.memref_squeeze %dma_start3A_63 : memref<1x128x128xf32, #tpu.memory_space<vmem>> -> memref<128x128xf32, #tpu.memory_space<vmem>>
      %dma_start3A_65 = arith.constant 0 : i32
      %dma_start3A_66 = tpu.memref_slice %arg7[%dma_start3A, %dma_start3A_65] : memref<8x128xi32, #tpu.memory_space<vmem>> -> memref<1x128xi32, #tpu.memory_space<vmem>>
      %dma_start3A_67 = tpu.memref_squeeze %dma_start3A_66 : memref<1x128xi32, #tpu.memory_space<vmem>> -> memref<128xi32, #tpu.memory_space<vmem>>
      %dma_start3A_68 = arith.constant 0 : i32
      %dma_start3A_69 = arith.constant 0 : i32
      %dma_start3A_70 = tpu.memref_slice %arg2[%dma_start3A_68, %dma_start3A_69] : memref<10000x128xf32, #tpu.memory_space<hbm>> -> memref<10000x128xf32, #tpu.memory_space<hbm>>
      tpu.enqueue_indirect_dma source(%dma_start3A_70 : memref<10000x128xf32, #tpu.memory_space<hbm>>) target(%dma_start3A_64 : memref<128x128xf32, #tpu.memory_space<vmem>>) offsets(%dma_start3A_67 : memref<128xi32, #tpu.memory_space<vmem>>) semaphore(%arg14 : memref<!tpu.dma_semaphore, #tpu.memory_space<semaphore_mem>>)
      %dma_wait3A = arith.constant 0 : i32
      %dma_wait3A_71 = arith.constant 0 : i32
      %dma_wait3A_72 = arith.constant 0 : i32
      %dma_wait3A_73 = arith.constant 0 : i32
      %dma_wait3A_74 = tpu.memref_slice %arg9[%dma_wait3A_71, %dma_wait3A_72, %dma_wait3A_73] : memref<2x128x128xf32, #tpu.memory_space<vmem>> -> memref<1x128x128xf32, #tpu.memory_space<vmem>>
      %dma_wait3A_75 = tpu.memref_squeeze %dma_wait3A_74 : memref<1x128x128xf32, #tpu.memory_space<vmem>> -> memref<128x128xf32, #tpu.memory_space<vmem>>
      %dma_wait3A_76 = arith.constant 0 : i32
      %dma_wait3A_77 = tpu.memref_slice %arg7[%dma_wait3A, %dma_wait3A_76] : memref<8x128xi32, #tpu.memory_space<vmem>> -> memref<1x128xi32, #tpu.memory_space<vmem>>
      %dma_wait3A_78 = tpu.memref_squeeze %dma_wait3A_77 : memref<1x128xi32, #tpu.memory_space<vmem>> -> memref<128xi32, #tpu.memory_space<vmem>>
      %dma_wait3A_79 = arith.constant 0 : i32
      %dma_wait3A_80 = arith.constant 0 : i32
      %dma_wait3A_81 = tpu.memref_slice %arg2[%dma_wait3A_79, %dma_wait3A_80] : memref<10000x128xf32, #tpu.memory_space<hbm>> -> memref<10000x128xf32, #tpu.memory_space<hbm>>
      tpu.wait_indirect_dma semaphore(%arg14 : memref<!tpu.dma_semaphore, #tpu.memory_space<semaphore_mem>>) src(%dma_wait3A_81 : memref<10000x128xf32, #tpu.memory_space<hbm>>) dst(%dma_wait3A_75 : memref<128x128xf32, #tpu.memory_space<vmem>>)
      %dma_start3A_82 = arith.constant 0 : i32
      %dma_start3A_83 = arith.constant 0 : i32
      %dma_start3A_84 = arith.constant 0 : i32
      %dma_start3A_85 = arith.constant 0 : i32
      %dma_start3A_86 = tpu.memref_slice %arg9[%dma_start3A_82, %dma_start3A_84, %dma_start3A_85] : memref<2x128x128xf32, #tpu.memory_space<vmem>> -> memref<1x128x128xf32, #tpu.memory_space<vmem>>
      %dma_start3A_87 = tpu.memref_squeeze %dma_start3A_86 : memref<1x128x128xf32, #tpu.memory_space<vmem>> -> memref<128x128xf32, #tpu.memory_space<vmem>>
      %dma_start3A_88 = arith.constant 0 : i32
      %dma_start3A_89 = tpu.memref_slice %arg8[%dma_start3A_83, %dma_start3A_88] : memref<8x128xi32, #tpu.memory_space<vmem>> -> memref<1x128xi32, #tpu.memory_space<vmem>>
      %dma_start3A_90 = tpu.memref_squeeze %dma_start3A_89 : memref<1x128xi32, #tpu.memory_space<vmem>> -> memref<128xi32, #tpu.memory_space<vmem>>
      %dma_start3A_91 = arith.constant 0 : i32
      %dma_start3A_92 = arith.constant 0 : i32
      %dma_start3A_93 = tpu.memref_slice %arg12[%dma_start3A_91, %dma_start3A_92] : memref<10240x128xf32, #tpu.memory_space<vmem_shared>> -> memref<10240x128xf32, #tpu.memory_space<vmem_shared>>
      tpu.enqueue_indirect_dma source(%dma_start3A_87 : memref<128x128xf32, #tpu.memory_space<vmem>>) target(%dma_start3A_93 : memref<10240x128xf32, #tpu.memory_space<vmem_shared>>) offsets(%dma_start3A_90 : memref<128xi32, #tpu.memory_space<vmem>>) semaphore(%arg15 : memref<!tpu.dma_semaphore, #tpu.memory_space<semaphore_mem>>) {add = true}
      %dma_start3A_94 = arith.constant 1 : i32
      %dma_start3A_95 = arith.constant 1 : i32
      %dma_start3A_96 = arith.constant 0 : i32
      %dma_start3A_97 = arith.constant 0 : i32
      %dma_start3A_98 = tpu.memref_slice %arg9[%dma_start3A_95, %dma_start3A_96, %dma_start3A_97] : memref<2x128x128xf32, #tpu.memory_space<vmem>> -> memref<1x128x128xf32, #tpu.memory_space<vmem>>
      %dma_start3A_99 = tpu.memref_squeeze %dma_start3A_98 : memref<1x128x128xf32, #tpu.memory_space<vmem>> -> memref<128x128xf32, #tpu.memory_space<vmem>>
      %dma_start3A_100 = arith.constant 0 : i32
      %dma_start3A_101 = tpu.memref_slice %arg7[%dma_start3A_94, %dma_start3A_100] : memref<8x128xi32, #tpu.memory_space<vmem>> -> memref<1x128xi32, #tpu.memory_space<vmem>>
      %dma_start3A_102 = tpu.memref_squeeze %dma_start3A_101 : memref<1x128xi32, #tpu.memory_space<vmem>> -> memref<128xi32, #tpu.memory_space<vmem>>
      %dma_start3A_103 = arith.constant 0 : i32
      %dma_start3A_104 = arith.constant 0 : i32
      %dma_start3A_105 = tpu.memref_slice %arg2[%dma_start3A_103, %dma_start3A_104] : memref<10000x128xf32, #tpu.memory_space<hbm>> -> memref<10000x128xf32, #tpu.memory_space<hbm>>
      tpu.enqueue_indirect_dma source(%dma_start3A_105 : memref<10000x128xf32, #tpu.memory_space<hbm>>) target(%dma_start3A_99 : memref<128x128xf32, #tpu.memory_space<vmem>>) offsets(%dma_start3A_102 : memref<128xi32, #tpu.memory_space<vmem>>) semaphore(%arg14 : memref<!tpu.dma_semaphore, #tpu.memory_space<semaphore_mem>>)
      %dma_wait3A_106 = arith.constant 1 : i32
      %dma_wait3A_107 = arith.constant 1 : i32
      %dma_wait3A_108 = arith.constant 0 : i32
      %dma_wait3A_109 = arith.constant 0 : i32
      %dma_wait3A_110 = tpu.memref_slice %arg9[%dma_wait3A_107, %dma_wait3A_108, %dma_wait3A_109] : memref<2x128x128xf32, #tpu.memory_space<vmem>> -> memref<1x128x128xf32, #tpu.memory_space<vmem>>
      %dma_wait3A_111 = tpu.memref_squeeze %dma_wait3A_110 : memref<1x128x128xf32, #tpu.memory_space<vmem>> -> memref<128x128xf32, #tpu.memory_space<vmem>>
      %dma_wait3A_112 = arith.constant 0 : i32
      %dma_wait3A_113 = tpu.memref_slice %arg7[%dma_wait3A_106, %dma_wait3A_112] : memref<8x128xi32, #tpu.memory_space<vmem>> -> memref<1x128xi32, #tpu.memory_space<vmem>>
      %dma_wait3A_114 = tpu.memref_squeeze %dma_wait3A_113 : memref<1x128xi32, #tpu.memory_space<vmem>> -> memref<128xi32, #tpu.memory_space<vmem>>
      %dma_wait3A_115 = arith.constant 0 : i32
      %dma_wait3A_116 = arith.constant 0 : i32
      %dma_wait3A_117 = tpu.memref_slice %arg2[%dma_wait3A_115, %dma_wait3A_116] : memref<10000x128xf32, #tpu.memory_space<hbm>> -> memref<10000x128xf32, #tpu.memory_space<hbm>>
      tpu.wait_indirect_dma semaphore(%arg14 : memref<!tpu.dma_semaphore, #tpu.memory_space<semaphore_mem>>) src(%dma_wait3A_117 : memref<10000x128xf32, #tpu.memory_space<hbm>>) dst(%dma_wait3A_111 : memref<128x128xf32, #tpu.memory_space<vmem>>)
      %dma_start3A_118 = arith.constant 1 : i32
      %dma_start3A_119 = arith.constant 1 : i32
      %dma_start3A_120 = arith.constant 0 : i32
      %dma_start3A_121 = arith.constant 0 : i32
      %dma_start3A_122 = tpu.memref_slice %arg9[%dma_start3A_118, %dma_start3A_120, %dma_start3A_121] : memref<2x128x128xf32, #tpu.memory_space<vmem>> -> memref<1x128x128xf32, #tpu.memory_space<vmem>>
      %dma_start3A_123 = tpu.memref_squeeze %dma_start3A_122 : memref<1x128x128xf32, #tpu.memory_space<vmem>> -> memref<128x128xf32, #tpu.memory_space<vmem>>
      %dma_start3A_124 = arith.constant 0 : i32
      %dma_start3A_125 = tpu.memref_slice %arg8[%dma_start3A_119, %dma_start3A_124] : memref<8x128xi32, #tpu.memory_space<vmem>> -> memref<1x128xi32, #tpu.memory_space<vmem>>
      %dma_start3A_126 = tpu.memref_squeeze %dma_start3A_125 : memref<1x128xi32, #tpu.memory_space<vmem>> -> memref<128xi32, #tpu.memory_space<vmem>>
      %dma_start3A_127 = arith.constant 0 : i32
      %dma_start3A_128 = arith.constant 0 : i32
      %dma_start3A_129 = tpu.memref_slice %arg12[%dma_start3A_127, %dma_start3A_128] : memref<10240x128xf32, #tpu.memory_space<vmem_shared>> -> memref<10240x128xf32, #tpu.memory_space<vmem_shared>>
      tpu.enqueue_indirect_dma source(%dma_start3A_123 : memref<128x128xf32, #tpu.memory_space<vmem>>) target(%dma_start3A_129 : memref<10240x128xf32, #tpu.memory_space<vmem_shared>>) offsets(%dma_start3A_126 : memref<128xi32, #tpu.memory_space<vmem>>) semaphore(%arg15 : memref<!tpu.dma_semaphore, #tpu.memory_space<semaphore_mem>>) {add = true}
      %dma_wait3A_130 = arith.constant 0 : i32
      %dma_wait3A_131 = arith.constant 0 : i32
      %dma_wait3A_132 = arith.constant 0 : i32
      %dma_wait3A_133 = arith.constant 0 : i32
      %dma_wait3A_134 = tpu.memref_slice %arg9[%dma_wait3A_130, %dma_wait3A_132, %dma_wait3A_133] : memref<2x128x128xf32, #tpu.memory_space<vmem>> -> memref<1x128x128xf32, #tpu.memory_space<vmem>>
      %dma_wait3A_135 = tpu.memref_squeeze %dma_wait3A_134 : memref<1x128x128xf32, #tpu.memory_space<vmem>> -> memref<128x128xf32, #tpu.memory_space<vmem>>
      %dma_wait3A_136 = arith.constant 0 : i32
      %dma_wait3A_137 = tpu.memref_slice %arg8[%dma_wait3A_131, %dma_wait3A_136] : memref<8x128xi32, #tpu.memory_space<vmem>> -> memref<1x128xi32, #tpu.memory_space<vmem>>
      %dma_wait3A_138 = tpu.memref_squeeze %dma_wait3A_137 : memref<1x128xi32, #tpu.memory_space<vmem>> -> memref<128xi32, #tpu.memory_space<vmem>>
      %dma_wait3A_139 = arith.constant 0 : i32
      %dma_wait3A_140 = arith.constant 0 : i32
      %dma_wait3A_141 = tpu.memref_slice %arg12[%dma_wait3A_139, %dma_wait3A_140] : memref<10240x128xf32, #tpu.memory_space<vmem_shared>> -> memref<10240x128xf32, #tpu.memory_space<vmem_shared>>
      tpu.wait_indirect_dma semaphore(%arg15 : memref<!tpu.dma_semaphore, #tpu.memory_space<semaphore_mem>>) src(%dma_wait3A_135 : memref<128x128xf32, #tpu.memory_space<vmem>>) dst(%dma_wait3A_141 : memref<10240x128xf32, #tpu.memory_space<vmem_shared>>)
      %dma_start3A_142 = arith.constant 2 : i32
      %dma_start3A_143 = arith.constant 0 : i32
      %dma_start3A_144 = arith.constant 0 : i32
      %dma_start3A_145 = arith.constant 0 : i32
      %dma_start3A_146 = tpu.memref_slice %arg9[%dma_start3A_143, %dma_start3A_144, %dma_start3A_145] : memref<2x128x128xf32, #tpu.memory_space<vmem>> -> memref<1x128x128xf32, #tpu.memory_space<vmem>>
      %dma_start3A_147 = tpu.memref_squeeze %dma_start3A_146 : memref<1x128x128xf32, #tpu.memory_space<vmem>> -> memref<128x128xf32, #tpu.memory_space<vmem>>
      %dma_start3A_148 = arith.constant 0 : i32
      %dma_start3A_149 = tpu.memref_slice %arg7[%dma_start3A_142, %dma_start3A_148] : memref<8x128xi32, #tpu.memory_space<vmem>> -> memref<1x128xi32, #tpu.memory_space<vmem>>
      %dma_start3A_150 = tpu.memref_squeeze %dma_start3A_149 : memref<1x128xi32, #tpu.memory_space<vmem>> -> memref<128xi32, #tpu.memory_space<vmem>>
      %dma_start3A_151 = arith.constant 0 : i32
      %dma_start3A_152 = arith.constant 0 : i32
      %dma_start3A_153 = tpu.memref_slice %arg2[%dma_start3A_151, %dma_start3A_152] : memref<10000x128xf32, #tpu.memory_space<hbm>> -> memref<10000x128xf32, #tpu.memory_space<hbm>>
      tpu.enqueue_indirect_dma source(%dma_start3A_153 : memref<10000x128xf32, #tpu.memory_space<hbm>>) target(%dma_start3A_147 : memref<128x128xf32, #tpu.memory_space<vmem>>) offsets(%dma_start3A_150 : memref<128xi32, #tpu.memory_space<vmem>>) semaphore(%arg14 : memref<!tpu.dma_semaphore, #tpu.memory_space<semaphore_mem>>)
      %dma_wait3A_154 = arith.constant 2 : i32
      %dma_wait3A_155 = arith.constant 0 : i32
      %dma_wait3A_156 = arith.constant 0 : i32
      %dma_wait3A_157 = arith.constant 0 : i32
      %dma_wait3A_158 = tpu.memref_slice %arg9[%dma_wait3A_155, %dma_wait3A_156, %dma_wait3A_157] : memref<2x128x128xf32, #tpu.memory_space<vmem>> -> memref<1x128x128xf32, #tpu.memory_space<vmem>>
      %dma_wait3A_159 = tpu.memref_squeeze %dma_wait3A_158 : memref<1x128x128xf32, #tpu.memory_space<vmem>> -> memref<128x128xf32, #tpu.memory_space<vmem>>
      %dma_wait3A_160 = arith.constant 0 : i32
      %dma_wait3A_161 = tpu.memref_slice %arg7[%dma_wait3A_154, %dma_wait3A_160] : memref<8x128xi32, #tpu.memory_space<vmem>> -> memref<1x128xi32, #tpu.memory_space<vmem>>
      %dma_wait3A_162 = tpu.memref_squeeze %dma_wait3A_161 : memref<1x128xi32, #tpu.memory_space<vmem>> -> memref<128xi32, #tpu.memory_space<vmem>>
      %dma_wait3A_163 = arith.constant 0 : i32
      %dma_wait3A_164 = arith.constant 0 : i32
      %dma_wait3A_165 = tpu.memref_slice %arg2[%dma_wait3A_163, %dma_wait3A_164] : memref<10000x128xf32, #tpu.memory_space<hbm>> -> memref<10000x128xf32, #tpu.memory_space<hbm>>
      tpu.wait_indirect_dma semaphore(%arg14 : memref<!tpu.dma_semaphore, #tpu.memory_space<semaphore_mem>>) src(%dma_wait3A_165 : memref<10000x128xf32, #tpu.memory_space<hbm>>) dst(%dma_wait3A_159 : memref<128x128xf32, #tpu.memory_space<vmem>>)
      %dma_start3A_166 = arith.constant 0 : i32
      %dma_start3A_167 = arith.constant 2 : i32
      %dma_start3A_168 = arith.constant 0 : i32
      %dma_start3A_169 = arith.constant 0 : i32
      %dma_start3A_170 = tpu.memref_slice %arg9[%dma_start3A_166, %dma_start3A_168, %dma_start3A_169] : memref<2x128x128xf32, #tpu.memory_space<vmem>> -> memref<1x128x128xf32, #tpu.memory_space<vmem>>
      %dma_start3A_171 = tpu.memref_squeeze %dma_start3A_170 : memref<1x128x128xf32, #tpu.memory_space<vmem>> -> memref<128x128xf32, #tpu.memory_space<vmem>>
      %dma_start3A_172 = arith.constant 0 : i32
      %dma_start3A_173 = tpu.memref_slice %arg8[%dma_start3A_167, %dma_start3A_172] : memref<8x128xi32, #tpu.memory_space<vmem>> -> memref<1x128xi32, #tpu.memory_space<vmem>>
      %dma_start3A_174 = tpu.memref_squeeze %dma_start3A_173 : memref<1x128xi32, #tpu.memory_space<vmem>> -> memref<128xi32, #tpu.memory_space<vmem>>
      %dma_start3A_175 = arith.constant 0 : i32
      %dma_start3A_176 = arith.constant 0 : i32
      %dma_start3A_177 = tpu.memref_slice %arg12[%dma_start3A_175, %dma_start3A_176] : memref<10240x128xf32, #tpu.memory_space<vmem_shared>> -> memref<10240x128xf32, #tpu.memory_space<vmem_shared>>
      tpu.enqueue_indirect_dma source(%dma_start3A_171 : memref<128x128xf32, #tpu.memory_space<vmem>>) target(%dma_start3A_177 : memref<10240x128xf32, #tpu.memory_space<vmem_shared>>) offsets(%dma_start3A_174 : memref<128xi32, #tpu.memory_space<vmem>>) semaphore(%arg15 : memref<!tpu.dma_semaphore, #tpu.memory_space<semaphore_mem>>) {add = true}
      %dma_wait3A_178 = arith.constant 1 : i32
      %dma_wait3A_179 = arith.constant 1 : i32
      %dma_wait3A_180 = arith.constant 0 : i32
      %dma_wait3A_181 = arith.constant 0 : i32
      %dma_wait3A_182 = tpu.memref_slice %arg9[%dma_wait3A_178, %dma_wait3A_180, %dma_wait3A_181] : memref<2x128x128xf32, #tpu.memory_space<vmem>> -> memref<1x128x128xf32, #tpu.memory_space<vmem>>
      %dma_wait3A_183 = tpu.memref_squeeze %dma_wait3A_182 : memref<1x128x128xf32, #tpu.memory_space<vmem>> -> memref<128x128xf32, #tpu.memory_space<vmem>>
      %dma_wait3A_184 = arith.constant 0 : i32
      %dma_wait3A_185 = tpu.memref_slice %arg8[%dma_wait3A_179, %dma_wait3A_184] : memref<8x128xi32, #tpu.memory_space<vmem>> -> memref<1x128xi32, #tpu.memory_space<vmem>>
      %dma_wait3A_186 = tpu.memref_squeeze %dma_wait3A_185 : memref<1x128xi32, #tpu.memory_space<vmem>> -> memref<128xi32, #tpu.memory_space<vmem>>
      %dma_wait3A_187 = arith.constant 0 : i32
      %dma_wait3A_188 = arith.constant 0 : i32
      %dma_wait3A_189 = tpu.memref_slice %arg12[%dma_wait3A_187, %dma_wait3A_188] : memref<10240x128xf32, #tpu.memory_space<vmem_shared>> -> memref<10240x128xf32, #tpu.memory_space<vmem_shared>>
      tpu.wait_indirect_dma semaphore(%arg15 : memref<!tpu.dma_semaphore, #tpu.memory_space<semaphore_mem>>) src(%dma_wait3A_183 : memref<128x128xf32, #tpu.memory_space<vmem>>) dst(%dma_wait3A_189 : memref<10240x128xf32, #tpu.memory_space<vmem_shared>>)
      %dma_start3A_190 = arith.constant 3 : i32
      %dma_start3A_191 = arith.constant 1 : i32
      %dma_start3A_192 = arith.constant 0 : i32
      %dma_start3A_193 = arith.constant 0 : i32
      %dma_start3A_194 = tpu.memref_slice %arg9[%dma_start3A_191, %dma_start3A_192, %dma_start3A_193] : memref<2x128x128xf32, #tpu.memory_space<vmem>> -> memref<1x128x128xf32, #tpu.memory_space<vmem>>
      %dma_start3A_195 = tpu.memref_squeeze %dma_start3A_194 : memref<1x128x128xf32, #tpu.memory_space<vmem>> -> memref<128x128xf32, #tpu.memory_space<vmem>>
      %dma_start3A_196 = arith.constant 0 : i32
      %dma_start3A_197 = tpu.memref_slice %arg7[%dma_start3A_190, %dma_start3A_196] : memref<8x128xi32, #tpu.memory_space<vmem>> -> memref<1x128xi32, #tpu.memory_space<vmem>>
      %dma_start3A_198 = tpu.memref_squeeze %dma_start3A_197 : memref<1x128xi32, #tpu.memory_space<vmem>> -> memref<128xi32, #tpu.memory_space<vmem>>
      %dma_start3A_199 = arith.constant 0 : i32
      %dma_start3A_200 = arith.constant 0 : i32
      %dma_start3A_201 = tpu.memref_slice %arg2[%dma_start3A_199, %dma_start3A_200] : memref<10000x128xf32, #tpu.memory_space<hbm>> -> memref<10000x128xf32, #tpu.memory_space<hbm>>
      tpu.enqueue_indirect_dma source(%dma_start3A_201 : memref<10000x128xf32, #tpu.memory_space<hbm>>) target(%dma_start3A_195 : memref<128x128xf32, #tpu.memory_space<vmem>>) offsets(%dma_start3A_198 : memref<128xi32, #tpu.memory_space<vmem>>) semaphore(%arg14 : memref<!tpu.dma_semaphore, #tpu.memory_space<semaphore_mem>>)
      %dma_wait3A_202 = arith.constant 3 : i32
      %dma_wait3A_203 = arith.constant 1 : i32
      %dma_wait3A_204 = arith.constant 0 : i32
      %dma_wait3A_205 = arith.constant 0 : i32
      %dma_wait3A_206 = tpu.memref_slice %arg9[%dma_wait3A_203, %dma_wait3A_204, %dma_wait3A_205] : memref<2x128x128xf32, #tpu.memory_space<vmem>> -> memref<1x128x128xf32, #tpu.memory_space<vmem>>
      %dma_wait3A_207 = tpu.memref_squeeze %dma_wait3A_206 : memref<1x128x128xf32, #tpu.memory_space<vmem>> -> memref<128x128xf32, #tpu.memory_space<vmem>>
      %dma_wait3A_208 = arith.constant 0 : i32
      %dma_wait3A_209 = tpu.memref_slice %arg7[%dma_wait3A_202, %dma_wait3A_208] : memref<8x128xi32, #tpu.memory_space<vmem>> -> memref<1x128xi32, #tpu.memory_space<vmem>>
      %dma_wait3A_210 = tpu.memref_squeeze %dma_wait3A_209 : memref<1x128xi32, #tpu.memory_space<vmem>> -> memref<128xi32, #tpu.memory_space<vmem>>
      %dma_wait3A_211 = arith.constant 0 : i32
      %dma_wait3A_212 = arith.constant 0 : i32
      %dma_wait3A_213 = tpu.memref_slice %arg2[%dma_wait3A_211, %dma_wait3A_212] : memref<10000x128xf32, #tpu.memory_space<hbm>> -> memref<10000x128xf32, #tpu.memory_space<hbm>>
      tpu.wait_indirect_dma semaphore(%arg14 : memref<!tpu.dma_semaphore, #tpu.memory_space<semaphore_mem>>) src(%dma_wait3A_213 : memref<10000x128xf32, #tpu.memory_space<hbm>>) dst(%dma_wait3A_207 : memref<128x128xf32, #tpu.memory_space<vmem>>)
      %dma_start3A_214 = arith.constant 1 : i32
      %dma_start3A_215 = arith.constant 3 : i32
      %dma_start3A_216 = arith.constant 0 : i32
      %dma_start3A_217 = arith.constant 0 : i32
      %dma_start3A_218 = tpu.memref_slice %arg9[%dma_start3A_214, %dma_start3A_216, %dma_start3A_217] : memref<2x128x128xf32, #tpu.memory_space<vmem>> -> memref<1x128x128xf32, #tpu.memory_space<vmem>>
      %dma_start3A_219 = tpu.memref_squeeze %dma_start3A_218 : memref<1x128x128xf32, #tpu.memory_space<vmem>> -> memref<128x128xf32, #tpu.memory_space<vmem>>
      %dma_start3A_220 = arith.constant 0 : i32
      %dma_start3A_221 = tpu.memref_slice %arg8[%dma_start3A_215, %dma_start3A_220] : memref<8x128xi32, #tpu.memory_space<vmem>> -> memref<1x128xi32, #tpu.memory_space<vmem>>
      %dma_start3A_222 = tpu.memref_squeeze %dma_start3A_221 : memref<1x128xi32, #tpu.memory_space<vmem>> -> memref<128xi32, #tpu.memory_space<vmem>>
      %dma_start3A_223 = arith.constant 0 : i32
      %dma_start3A_224 = arith.constant 0 : i32
      %dma_start3A_225 = tpu.memref_slice %arg12[%dma_start3A_223, %dma_start3A_224] : memref<10240x128xf32, #tpu.memory_space<vmem_shared>> -> memref<10240x128xf32, #tpu.memory_space<vmem_shared>>
      tpu.enqueue_indirect_dma source(%dma_start3A_219 : memref<128x128xf32, #tpu.memory_space<vmem>>) target(%dma_start3A_225 : memref<10240x128xf32, #tpu.memory_space<vmem_shared>>) offsets(%dma_start3A_222 : memref<128xi32, #tpu.memory_space<vmem>>) semaphore(%arg15 : memref<!tpu.dma_semaphore, #tpu.memory_space<semaphore_mem>>) {add = true}
      %dma_wait3A_226 = arith.constant 0 : i32
      %dma_wait3A_227 = arith.constant 2 : i32
      %dma_wait3A_228 = arith.constant 0 : i32
      %dma_wait3A_229 = arith.constant 0 : i32
      %dma_wait3A_230 = tpu.memref_slice %arg9[%dma_wait3A_226, %dma_wait3A_228, %dma_wait3A_229] : memref<2x128x128xf32, #tpu.memory_space<vmem>> -> memref<1x128x128xf32, #tpu.memory_space<vmem>>
      %dma_wait3A_231 = tpu.memref_squeeze %dma_wait3A_230 : memref<1x128x128xf32, #tpu.memory_space<vmem>> -> memref<128x128xf32, #tpu.memory_space<vmem>>
      %dma_wait3A_232 = arith.constant 0 : i32
      %dma_wait3A_233 = tpu.memref_slice %arg8[%dma_wait3A_227, %dma_wait3A_232] : memref<8x128xi32, #tpu.memory_space<vmem>> -> memref<1x128xi32, #tpu.memory_space<vmem>>
      %dma_wait3A_234 = tpu.memref_squeeze %dma_wait3A_233 : memref<1x128xi32, #tpu.memory_space<vmem>> -> memref<128xi32, #tpu.memory_space<vmem>>
      %dma_wait3A_235 = arith.constant 0 : i32
      %dma_wait3A_236 = arith.constant 0 : i32
      %dma_wait3A_237 = tpu.memref_slice %arg12[%dma_wait3A_235, %dma_wait3A_236] : memref<10240x128xf32, #tpu.memory_space<vmem_shared>> -> memref<10240x128xf32, #tpu.memory_space<vmem_shared>>
      tpu.wait_indirect_dma semaphore(%arg15 : memref<!tpu.dma_semaphore, #tpu.memory_space<semaphore_mem>>) src(%dma_wait3A_231 : memref<128x128xf32, #tpu.memory_space<vmem>>) dst(%dma_wait3A_237 : memref<10240x128xf32, #tpu.memory_space<vmem_shared>>)
      %dma_start3A_238 = arith.constant 4 : i32
      %dma_start3A_239 = arith.constant 0 : i32
      %dma_start3A_240 = arith.constant 0 : i32
      %dma_start3A_241 = arith.constant 0 : i32
      %dma_start3A_242 = tpu.memref_slice %arg9[%dma_start3A_239, %dma_start3A_240, %dma_start3A_241] : memref<2x128x128xf32, #tpu.memory_space<vmem>> -> memref<1x128x128xf32, #tpu.memory_space<vmem>>
      %dma_start3A_243 = tpu.memref_squeeze %dma_start3A_242 : memref<1x128x128xf32, #tpu.memory_space<vmem>> -> memref<128x128xf32, #tpu.memory_space<vmem>>
      %dma_start3A_244 = arith.constant 0 : i32
      %dma_start3A_245 = tpu.memref_slice %arg7[%dma_start3A_238, %dma_start3A_244] : memref<8x128xi32, #tpu.memory_space<vmem>> -> memref<1x128xi32, #tpu.memory_space<vmem>>
      %dma_start3A_246 = tpu.memref_squeeze %dma_start3A_245 : memref<1x128xi32, #tpu.memory_space<vmem>> -> memref<128xi32, #tpu.memory_space<vmem>>
      %dma_start3A_247 = arith.constant 0 : i32
      %dma_start3A_248 = arith.constant 0 : i32
      %dma_start3A_249 = tpu.memref_slice %arg2[%dma_start3A_247, %dma_start3A_248] : memref<10000x128xf32, #tpu.memory_space<hbm>> -> memref<10000x128xf32, #tpu.memory_space<hbm>>
      tpu.enqueue_indirect_dma source(%dma_start3A_249 : memref<10000x128xf32, #tpu.memory_space<hbm>>) target(%dma_start3A_243 : memref<128x128xf32, #tpu.memory_space<vmem>>) offsets(%dma_start3A_246 : memref<128xi32, #tpu.memory_space<vmem>>) semaphore(%arg14 : memref<!tpu.dma_semaphore, #tpu.memory_space<semaphore_mem>>)
      %dma_wait3A_250 = arith.constant 4 : i32
      %dma_wait3A_251 = arith.constant 0 : i32
      %dma_wait3A_252 = arith.constant 0 : i32
      %dma_wait3A_253 = arith.constant 0 : i32
      %dma_wait3A_254 = tpu.memref_slice %arg9[%dma_wait3A_251, %dma_wait3A_252, %dma_wait3A_253] : memref<2x128x128xf32, #tpu.memory_space<vmem>> -> memref<1x128x128xf32, #tpu.memory_space<vmem>>
      %dma_wait3A_255 = tpu.memref_squeeze %dma_wait3A_254 : memref<1x128x128xf32, #tpu.memory_space<vmem>> -> memref<128x128xf32, #tpu.memory_space<vmem>>
      %dma_wait3A_256 = arith.constant 0 : i32
      %dma_wait3A_257 = tpu.memref_slice %arg7[%dma_wait3A_250, %dma_wait3A_256] : memref<8x128xi32, #tpu.memory_space<vmem>> -> memref<1x128xi32, #tpu.memory_space<vmem>>
      %dma_wait3A_258 = tpu.memref_squeeze %dma_wait3A_257 : memref<1x128xi32, #tpu.memory_space<vmem>> -> memref<128xi32, #tpu.memory_space<vmem>>
      %dma_wait3A_259 = arith.constant 0 : i32
      %dma_wait3A_260 = arith.constant 0 : i32
      %dma_wait3A_261 = tpu.memref_slice %arg2[%dma_wait3A_259, %dma_wait3A_260] : memref<10000x128xf32, #tpu.memory_space<hbm>> -> memref<10000x128xf32, #tpu.memory_space<hbm>>
      tpu.wait_indirect_dma semaphore(%arg14 : memref<!tpu.dma_semaphore, #tpu.memory_space<semaphore_mem>>) src(%dma_wait3A_261 : memref<10000x128xf32, #tpu.memory_space<hbm>>) dst(%dma_wait3A_255 : memref<128x128xf32, #tpu.memory_space<vmem>>)
      %dma_start3A_262 = arith.constant 0 : i32
      %dma_start3A_263 = arith.constant 4 : i32
      %dma_start3A_264 = arith.constant 0 : i32
      %dma_start3A_265 = arith.constant 0 : i32
      %dma_start3A_266 = tpu.memref_slice %arg9[%dma_start3A_262, %dma_start3A_264, %dma_start3A_265] : memref<2x128x128xf32, #tpu.memory_space<vmem>> -> memref<1x128x128xf32, #tpu.memory_space<vmem>>
      %dma_start3A_267 = tpu.memref_squeeze %dma_start3A_266 : memref<1x128x128xf32, #tpu.memory_space<vmem>> -> memref<128x128xf32, #tpu.memory_space<vmem>>
      %dma_start3A_268 = arith.constant 0 : i32
      %dma_start3A_269 = tpu.memref_slice %arg8[%dma_start3A_263, %dma_start3A_268] : memref<8x128xi32, #tpu.memory_space<vmem>> -> memref<1x128xi32, #tpu.memory_space<vmem>>
      %dma_start3A_270 = tpu.memref_squeeze %dma_start3A_269 : memref<1x128xi32, #tpu.memory_space<vmem>> -> memref<128xi32, #tpu.memory_space<vmem>>
      %dma_start3A_271 = arith.constant 0 : i32
      %dma_start3A_272 = arith.constant 0 : i32
      %dma_start3A_273 = tpu.memref_slice %arg12[%dma_start3A_271, %dma_start3A_272] : memref<10240x128xf32, #tpu.memory_space<vmem_shared>> -> memref<10240x128xf32, #tpu.memory_space<vmem_shared>>
      tpu.enqueue_indirect_dma source(%dma_start3A_267 : memref<128x128xf32, #tpu.memory_space<vmem>>) target(%dma_start3A_273 : memref<10240x128xf32, #tpu.memory_space<vmem_shared>>) offsets(%dma_start3A_270 : memref<128xi32, #tpu.memory_space<vmem>>) semaphore(%arg15 : memref<!tpu.dma_semaphore, #tpu.memory_space<semaphore_mem>>) {add = true}
      %dma_wait3A_274 = arith.constant 1 : i32
      %dma_wait3A_275 = arith.constant 3 : i32
      %dma_wait3A_276 = arith.constant 0 : i32
      %dma_wait3A_277 = arith.constant 0 : i32
      %dma_wait3A_278 = tpu.memref_slice %arg9[%dma_wait3A_274, %dma_wait3A_276, %dma_wait3A_277] : memref<2x128x128xf32, #tpu.memory_space<vmem>> -> memref<1x128x128xf32, #tpu.memory_space<vmem>>
      %dma_wait3A_279 = tpu.memref_squeeze %dma_wait3A_278 : memref<1x128x128xf32, #tpu.memory_space<vmem>> -> memref<128x128xf32, #tpu.memory_space<vmem>>
      %dma_wait3A_280 = arith.constant 0 : i32
      %dma_wait3A_281 = tpu.memref_slice %arg8[%dma_wait3A_275, %dma_wait3A_280] : memref<8x128xi32, #tpu.memory_space<vmem>> -> memref<1x128xi32, #tpu.memory_space<vmem>>
      %dma_wait3A_282 = tpu.memref_squeeze %dma_wait3A_281 : memref<1x128xi32, #tpu.memory_space<vmem>> -> memref<128xi32, #tpu.memory_space<vmem>>
      %dma_wait3A_283 = arith.constant 0 : i32
      %dma_wait3A_284 = arith.constant 0 : i32
      %dma_wait3A_285 = tpu.memref_slice %arg12[%dma_wait3A_283, %dma_wait3A_284] : memref<10240x128xf32, #tpu.memory_space<vmem_shared>> -> memref<10240x128xf32, #tpu.memory_space<vmem_shared>>
      tpu.wait_indirect_dma semaphore(%arg15 : memref<!tpu.dma_semaphore, #tpu.memory_space<semaphore_mem>>) src(%dma_wait3A_279 : memref<128x128xf32, #tpu.memory_space<vmem>>) dst(%dma_wait3A_285 : memref<10240x128xf32, #tpu.memory_space<vmem_shared>>)
      %dma_start3A_286 = arith.constant 5 : i32
      %dma_start3A_287 = arith.constant 1 : i32
      %dma_start3A_288 = arith.constant 0 : i32
      %dma_start3A_289 = arith.constant 0 : i32
      %dma_start3A_290 = tpu.memref_slice %arg9[%dma_start3A_287, %dma_start3A_288, %dma_start3A_289] : memref<2x128x128xf32, #tpu.memory_space<vmem>> -> memref<1x128x128xf32, #tpu.memory_space<vmem>>
      %dma_start3A_291 = tpu.memref_squeeze %dma_start3A_290 : memref<1x128x128xf32, #tpu.memory_space<vmem>> -> memref<128x128xf32, #tpu.memory_space<vmem>>
      %dma_start3A_292 = arith.constant 0 : i32
      %dma_start3A_293 = tpu.memref_slice %arg7[%dma_start3A_286, %dma_start3A_292] : memref<8x128xi32, #tpu.memory_space<vmem>> -> memref<1x128xi32, #tpu.memory_space<vmem>>
      %dma_start3A_294 = tpu.memref_squeeze %dma_start3A_293 : memref<1x128xi32, #tpu.memory_space<vmem>> -> memref<128xi32, #tpu.memory_space<vmem>>
      %dma_start3A_295 = arith.constant 0 : i32
      %dma_start3A_296 = arith.constant 0 : i32
      %dma_start3A_297 = tpu.memref_slice %arg2[%dma_start3A_295, %dma_start3A_296] : memref<10000x128xf32, #tpu.memory_space<hbm>> -> memref<10000x128xf32, #tpu.memory_space<hbm>>
      tpu.enqueue_indirect_dma source(%dma_start3A_297 : memref<10000x128xf32, #tpu.memory_space<hbm>>) target(%dma_start3A_291 : memref<128x128xf32, #tpu.memory_space<vmem>>) offsets(%dma_start3A_294 : memref<128xi32, #tpu.memory_space<vmem>>) semaphore(%arg14 : memref<!tpu.dma_semaphore, #tpu.memory_space<semaphore_mem>>)
      %dma_wait3A_298 = arith.constant 5 : i32
      %dma_wait3A_299 = arith.constant 1 : i32
      %dma_wait3A_300 = arith.constant 0 : i32
      %dma_wait3A_301 = arith.constant 0 : i32
      %dma_wait3A_302 = tpu.memref_slice %arg9[%dma_wait3A_299, %dma_wait3A_300, %dma_wait3A_301] : memref<2x128x128xf32, #tpu.memory_space<vmem>> -> memref<1x128x128xf32, #tpu.memory_space<vmem>>
      %dma_wait3A_303 = tpu.memref_squeeze %dma_wait3A_302 : memref<1x128x128xf32, #tpu.memory_space<vmem>> -> memref<128x128xf32, #tpu.memory_space<vmem>>
      %dma_wait3A_304 = arith.constant 0 : i32
      %dma_wait3A_305 = tpu.memref_slice %arg7[%dma_wait3A_298, %dma_wait3A_304] : memref<8x128xi32, #tpu.memory_space<vmem>> -> memref<1x128xi32, #tpu.memory_space<vmem>>
      %dma_wait3A_306 = tpu.memref_squeeze %dma_wait3A_305 : memref<1x128xi32, #tpu.memory_space<vmem>> -> memref<128xi32, #tpu.memory_space<vmem>>
      %dma_wait3A_307 = arith.constant 0 : i32
      %dma_wait3A_308 = arith.constant 0 : i32
      %dma_wait3A_309 = tpu.memref_slice %arg2[%dma_wait3A_307, %dma_wait3A_308] : memref<10000x128xf32, #tpu.memory_space<hbm>> -> memref<10000x128xf32, #tpu.memory_space<hbm>>
      tpu.wait_indirect_dma semaphore(%arg14 : memref<!tpu.dma_semaphore, #tpu.memory_space<semaphore_mem>>) src(%dma_wait3A_309 : memref<10000x128xf32, #tpu.memory_space<hbm>>) dst(%dma_wait3A_303 : memref<128x128xf32, #tpu.memory_space<vmem>>)
      %dma_start3A_310 = arith.constant 1 : i32
      %dma_start3A_311 = arith.constant 5 : i32
      %dma_start3A_312 = arith.constant 0 : i32
      %dma_start3A_313 = arith.constant 0 : i32
      %dma_start3A_314 = tpu.memref_slice %arg9[%dma_start3A_310, %dma_start3A_312, %dma_start3A_313] : memref<2x128x128xf32, #tpu.memory_space<vmem>> -> memref<1x128x128xf32, #tpu.memory_space<vmem>>
      %dma_start3A_315 = tpu.memref_squeeze %dma_start3A_314 : memref<1x128x128xf32, #tpu.memory_space<vmem>> -> memref<128x128xf32, #tpu.memory_space<vmem>>
      %dma_start3A_316 = arith.constant 0 : i32
      %dma_start3A_317 = tpu.memref_slice %arg8[%dma_start3A_311, %dma_start3A_316] : memref<8x128xi32, #tpu.memory_space<vmem>> -> memref<1x128xi32, #tpu.memory_space<vmem>>
      %dma_start3A_318 = tpu.memref_squeeze %dma_start3A_317 : memref<1x128xi32, #tpu.memory_space<vmem>> -> memref<128xi32, #tpu.memory_space<vmem>>
      %dma_start3A_319 = arith.constant 0 : i32
      %dma_start3A_320 = arith.constant 0 : i32
      %dma_start3A_321 = tpu.memref_slice %arg12[%dma_start3A_319, %dma_start3A_320] : memref<10240x128xf32, #tpu.memory_space<vmem_shared>> -> memref<10240x128xf32, #tpu.memory_space<vmem_shared>>
      tpu.enqueue_indirect_dma source(%dma_start3A_315 : memref<128x128xf32, #tpu.memory_space<vmem>>) target(%dma_start3A_321 : memref<10240x128xf32, #tpu.memory_space<vmem_shared>>) offsets(%dma_start3A_318 : memref<128xi32, #tpu.memory_space<vmem>>) semaphore(%arg15 : memref<!tpu.dma_semaphore, #tpu.memory_space<semaphore_mem>>) {add = true}
      %dma_wait3A_322 = arith.constant 0 : i32
      %dma_wait3A_323 = arith.constant 4 : i32
      %dma_wait3A_324 = arith.constant 0 : i32
      %dma_wait3A_325 = arith.constant 0 : i32
      %dma_wait3A_326 = tpu.memref_slice %arg9[%dma_wait3A_322, %dma_wait3A_324, %dma_wait3A_325] : memref<2x128x128xf32, #tpu.memory_space<vmem>> -> memref<1x128x128xf32, #tpu.memory_space<vmem>>
      %dma_wait3A_327 = tpu.memref_squeeze %dma_wait3A_326 : memref<1x128x128xf32, #tpu.memory_space<vmem>> -> memref<128x128xf32, #tpu.memory_space<vmem>>
      %dma_wait3A_328 = arith.constant 0 : i32
      %dma_wait3A_329 = tpu.memref_slice %arg8[%dma_wait3A_323, %dma_wait3A_328] : memref<8x128xi32, #tpu.memory_space<vmem>> -> memref<1x128xi32, #tpu.memory_space<vmem>>
      %dma_wait3A_330 = tpu.memref_squeeze %dma_wait3A_329 : memref<1x128xi32, #tpu.memory_space<vmem>> -> memref<128xi32, #tpu.memory_space<vmem>>
      %dma_wait3A_331 = arith.constant 0 : i32
      %dma_wait3A_332 = arith.constant 0 : i32
      %dma_wait3A_333 = tpu.memref_slice %arg12[%dma_wait3A_331, %dma_wait3A_332] : memref<10240x128xf32, #tpu.memory_space<vmem_shared>> -> memref<10240x128xf32, #tpu.memory_space<vmem_shared>>
      tpu.wait_indirect_dma semaphore(%arg15 : memref<!tpu.dma_semaphore, #tpu.memory_space<semaphore_mem>>) src(%dma_wait3A_327 : memref<128x128xf32, #tpu.memory_space<vmem>>) dst(%dma_wait3A_333 : memref<10240x128xf32, #tpu.memory_space<vmem_shared>>)
      %dma_start3A_334 = arith.constant 6 : i32
      %dma_start3A_335 = arith.constant 0 : i32
      %dma_start3A_336 = arith.constant 0 : i32
      %dma_start3A_337 = arith.constant 0 : i32
      %dma_start3A_338 = tpu.memref_slice %arg9[%dma_start3A_335, %dma_start3A_336, %dma_start3A_337] : memref<2x128x128xf32, #tpu.memory_space<vmem>> -> memref<1x128x128xf32, #tpu.memory_space<vmem>>
      %dma_start3A_339 = tpu.memref_squeeze %dma_start3A_338 : memref<1x128x128xf32, #tpu.memory_space<vmem>> -> memref<128x128xf32, #tpu.memory_space<vmem>>
      %dma_start3A_340 = arith.constant 0 : i32
      %dma_start3A_341 = tpu.memref_slice %arg7[%dma_start3A_334, %dma_start3A_340] : memref<8x128xi32, #tpu.memory_space<vmem>> -> memref<1x128xi32, #tpu.memory_space<vmem>>
      %dma_start3A_342 = tpu.memref_squeeze %dma_start3A_341 : memref<1x128xi32, #tpu.memory_space<vmem>> -> memref<128xi32, #tpu.memory_space<vmem>>
      %dma_start3A_343 = arith.constant 0 : i32
      %dma_start3A_344 = arith.constant 0 : i32
      %dma_start3A_345 = tpu.memref_slice %arg2[%dma_start3A_343, %dma_start3A_344] : memref<10000x128xf32, #tpu.memory_space<hbm>> -> memref<10000x128xf32, #tpu.memory_space<hbm>>
      tpu.enqueue_indirect_dma source(%dma_start3A_345 : memref<10000x128xf32, #tpu.memory_space<hbm>>) target(%dma_start3A_339 : memref<128x128xf32, #tpu.memory_space<vmem>>) offsets(%dma_start3A_342 : memref<128xi32, #tpu.memory_space<vmem>>) semaphore(%arg14 : memref<!tpu.dma_semaphore, #tpu.memory_space<semaphore_mem>>)
      %dma_wait3A_346 = arith.constant 6 : i32
      %dma_wait3A_347 = arith.constant 0 : i32
      %dma_wait3A_348 = arith.constant 0 : i32
      %dma_wait3A_349 = arith.constant 0 : i32
      %dma_wait3A_350 = tpu.memref_slice %arg9[%dma_wait3A_347, %dma_wait3A_348, %dma_wait3A_349] : memref<2x128x128xf32, #tpu.memory_space<vmem>> -> memref<1x128x128xf32, #tpu.memory_space<vmem>>
      %dma_wait3A_351 = tpu.memref_squeeze %dma_wait3A_350 : memref<1x128x128xf32, #tpu.memory_space<vmem>> -> memref<128x128xf32, #tpu.memory_space<vmem>>
      %dma_wait3A_352 = arith.constant 0 : i32
      %dma_wait3A_353 = tpu.memref_slice %arg7[%dma_wait3A_346, %dma_wait3A_352] : memref<8x128xi32, #tpu.memory_space<vmem>> -> memref<1x128xi32, #tpu.memory_space<vmem>>
      %dma_wait3A_354 = tpu.memref_squeeze %dma_wait3A_353 : memref<1x128xi32, #tpu.memory_space<vmem>> -> memref<128xi32, #tpu.memory_space<vmem>>
      %dma_wait3A_355 = arith.constant 0 : i32
      %dma_wait3A_356 = arith.constant 0 : i32
      %dma_wait3A_357 = tpu.memref_slice %arg2[%dma_wait3A_355, %dma_wait3A_356] : memref<10000x128xf32, #tpu.memory_space<hbm>> -> memref<10000x128xf32, #tpu.memory_space<hbm>>
      tpu.wait_indirect_dma semaphore(%arg14 : memref<!tpu.dma_semaphore, #tpu.memory_space<semaphore_mem>>) src(%dma_wait3A_357 : memref<10000x128xf32, #tpu.memory_space<hbm>>) dst(%dma_wait3A_351 : memref<128x128xf32, #tpu.memory_space<vmem>>)
      %dma_start3A_358 = arith.constant 0 : i32
      %dma_start3A_359 = arith.constant 6 : i32
      %dma_start3A_360 = arith.constant 0 : i32
      %dma_start3A_361 = arith.constant 0 : i32
      %dma_start3A_362 = tpu.memref_slice %arg9[%dma_start3A_358, %dma_start3A_360, %dma_start3A_361] : memref<2x128x128xf32, #tpu.memory_space<vmem>> -> memref<1x128x128xf32, #tpu.memory_space<vmem>>
      %dma_start3A_363 = tpu.memref_squeeze %dma_start3A_362 : memref<1x128x128xf32, #tpu.memory_space<vmem>> -> memref<128x128xf32, #tpu.memory_space<vmem>>
      %dma_start3A_364 = arith.constant 0 : i32
      %dma_start3A_365 = tpu.memref_slice %arg8[%dma_start3A_359, %dma_start3A_364] : memref<8x128xi32, #tpu.memory_space<vmem>> -> memref<1x128xi32, #tpu.memory_space<vmem>>
      %dma_start3A_366 = tpu.memref_squeeze %dma_start3A_365 : memref<1x128xi32, #tpu.memory_space<vmem>> -> memref<128xi32, #tpu.memory_space<vmem>>
      %dma_start3A_367 = arith.constant 0 : i32
      %dma_start3A_368 = arith.constant 0 : i32
      %dma_start3A_369 = tpu.memref_slice %arg12[%dma_start3A_367, %dma_start3A_368] : memref<10240x128xf32, #tpu.memory_space<vmem_shared>> -> memref<10240x128xf32, #tpu.memory_space<vmem_shared>>
      tpu.enqueue_indirect_dma source(%dma_start3A_363 : memref<128x128xf32, #tpu.memory_space<vmem>>) target(%dma_start3A_369 : memref<10240x128xf32, #tpu.memory_space<vmem_shared>>) offsets(%dma_start3A_366 : memref<128xi32, #tpu.memory_space<vmem>>) semaphore(%arg15 : memref<!tpu.dma_semaphore, #tpu.memory_space<semaphore_mem>>) {add = true}
      %dma_wait3A_370 = arith.constant 1 : i32
      %dma_wait3A_371 = arith.constant 5 : i32
      %dma_wait3A_372 = arith.constant 0 : i32
      %dma_wait3A_373 = arith.constant 0 : i32
      %dma_wait3A_374 = tpu.memref_slice %arg9[%dma_wait3A_370, %dma_wait3A_372, %dma_wait3A_373] : memref<2x128x128xf32, #tpu.memory_space<vmem>> -> memref<1x128x128xf32, #tpu.memory_space<vmem>>
      %dma_wait3A_375 = tpu.memref_squeeze %dma_wait3A_374 : memref<1x128x128xf32, #tpu.memory_space<vmem>> -> memref<128x128xf32, #tpu.memory_space<vmem>>
      %dma_wait3A_376 = arith.constant 0 : i32
      %dma_wait3A_377 = tpu.memref_slice %arg8[%dma_wait3A_371, %dma_wait3A_376] : memref<8x128xi32, #tpu.memory_space<vmem>> -> memref<1x128xi32, #tpu.memory_space<vmem>>
      %dma_wait3A_378 = tpu.memref_squeeze %dma_wait3A_377 : memref<1x128xi32, #tpu.memory_space<vmem>> -> memref<128xi32, #tpu.memory_space<vmem>>
      %dma_wait3A_379 = arith.constant 0 : i32
      %dma_wait3A_380 = arith.constant 0 : i32
      %dma_wait3A_381 = tpu.memref_slice %arg12[%dma_wait3A_379, %dma_wait3A_380] : memref<10240x128xf32, #tpu.memory_space<vmem_shared>> -> memref<10240x128xf32, #tpu.memory_space<vmem_shared>>
      tpu.wait_indirect_dma semaphore(%arg15 : memref<!tpu.dma_semaphore, #tpu.memory_space<semaphore_mem>>) src(%dma_wait3A_375 : memref<128x128xf32, #tpu.memory_space<vmem>>) dst(%dma_wait3A_381 : memref<10240x128xf32, #tpu.memory_space<vmem_shared>>)
      %dma_start3A_382 = arith.constant 7 : i32
      %dma_start3A_383 = arith.constant 1 : i32
      %dma_start3A_384 = arith.constant 0 : i32
      %dma_start3A_385 = arith.constant 0 : i32
      %dma_start3A_386 = tpu.memref_slice %arg9[%dma_start3A_383, %dma_start3A_384, %dma_start3A_385] : memref<2x128x128xf32, #tpu.memory_space<vmem>> -> memref<1x128x128xf32, #tpu.memory_space<vmem>>
      %dma_start3A_387 = tpu.memref_squeeze %dma_start3A_386 : memref<1x128x128xf32, #tpu.memory_space<vmem>> -> memref<128x128xf32, #tpu.memory_space<vmem>>
      %dma_start3A_388 = arith.constant 0 : i32
      %dma_start3A_389 = tpu.memref_slice %arg7[%dma_start3A_382, %dma_start3A_388] : memref<8x128xi32, #tpu.memory_space<vmem>> -> memref<1x128xi32, #tpu.memory_space<vmem>>
      %dma_start3A_390 = tpu.memref_squeeze %dma_start3A_389 : memref<1x128xi32, #tpu.memory_space<vmem>> -> memref<128xi32, #tpu.memory_space<vmem>>
      %dma_start3A_391 = arith.constant 0 : i32
      %dma_start3A_392 = arith.constant 0 : i32
      %dma_start3A_393 = tpu.memref_slice %arg2[%dma_start3A_391, %dma_start3A_392] : memref<10000x128xf32, #tpu.memory_space<hbm>> -> memref<10000x128xf32, #tpu.memory_space<hbm>>
      tpu.enqueue_indirect_dma source(%dma_start3A_393 : memref<10000x128xf32, #tpu.memory_space<hbm>>) target(%dma_start3A_387 : memref<128x128xf32, #tpu.memory_space<vmem>>) offsets(%dma_start3A_390 : memref<128xi32, #tpu.memory_space<vmem>>) semaphore(%arg14 : memref<!tpu.dma_semaphore, #tpu.memory_space<semaphore_mem>>)
      %dma_wait3A_394 = arith.constant 7 : i32
      %dma_wait3A_395 = arith.constant 1 : i32
      %dma_wait3A_396 = arith.constant 0 : i32
      %dma_wait3A_397 = arith.constant 0 : i32
      %dma_wait3A_398 = tpu.memref_slice %arg9[%dma_wait3A_395, %dma_wait3A_396, %dma_wait3A_397] : memref<2x128x128xf32, #tpu.memory_space<vmem>> -> memref<1x128x128xf32, #tpu.memory_space<vmem>>
      %dma_wait3A_399 = tpu.memref_squeeze %dma_wait3A_398 : memref<1x128x128xf32, #tpu.memory_space<vmem>> -> memref<128x128xf32, #tpu.memory_space<vmem>>
      %dma_wait3A_400 = arith.constant 0 : i32
      %dma_wait3A_401 = tpu.memref_slice %arg7[%dma_wait3A_394, %dma_wait3A_400] : memref<8x128xi32, #tpu.memory_space<vmem>> -> memref<1x128xi32, #tpu.memory_space<vmem>>
      %dma_wait3A_402 = tpu.memref_squeeze %dma_wait3A_401 : memref<1x128xi32, #tpu.memory_space<vmem>> -> memref<128xi32, #tpu.memory_space<vmem>>
      %dma_wait3A_403 = arith.constant 0 : i32
      %dma_wait3A_404 = arith.constant 0 : i32
      %dma_wait3A_405 = tpu.memref_slice %arg2[%dma_wait3A_403, %dma_wait3A_404] : memref<10000x128xf32, #tpu.memory_space<hbm>> -> memref<10000x128xf32, #tpu.memory_space<hbm>>
      tpu.wait_indirect_dma semaphore(%arg14 : memref<!tpu.dma_semaphore, #tpu.memory_space<semaphore_mem>>) src(%dma_wait3A_405 : memref<10000x128xf32, #tpu.memory_space<hbm>>) dst(%dma_wait3A_399 : memref<128x128xf32, #tpu.memory_space<vmem>>)
      %dma_start3A_406 = arith.constant 1 : i32
      %dma_start3A_407 = arith.constant 7 : i32
      %dma_start3A_408 = arith.constant 0 : i32
      %dma_start3A_409 = arith.constant 0 : i32
      %dma_start3A_410 = tpu.memref_slice %arg9[%dma_start3A_406, %dma_start3A_408, %dma_start3A_409] : memref<2x128x128xf32, #tpu.memory_space<vmem>> -> memref<1x128x128xf32, #tpu.memory_space<vmem>>
      %dma_start3A_411 = tpu.memref_squeeze %dma_start3A_410 : memref<1x128x128xf32, #tpu.memory_space<vmem>> -> memref<128x128xf32, #tpu.memory_space<vmem>>
      %dma_start3A_412 = arith.constant 0 : i32
      %dma_start3A_413 = tpu.memref_slice %arg8[%dma_start3A_407, %dma_start3A_412] : memref<8x128xi32, #tpu.memory_space<vmem>> -> memref<1x128xi32, #tpu.memory_space<vmem>>
      %dma_start3A_414 = tpu.memref_squeeze %dma_start3A_413 : memref<1x128xi32, #tpu.memory_space<vmem>> -> memref<128xi32, #tpu.memory_space<vmem>>
      %dma_start3A_415 = arith.constant 0 : i32
      %dma_start3A_416 = arith.constant 0 : i32
      %dma_start3A_417 = tpu.memref_slice %arg12[%dma_start3A_415, %dma_start3A_416] : memref<10240x128xf32, #tpu.memory_space<vmem_shared>> -> memref<10240x128xf32, #tpu.memory_space<vmem_shared>>
      tpu.enqueue_indirect_dma source(%dma_start3A_411 : memref<128x128xf32, #tpu.memory_space<vmem>>) target(%dma_start3A_417 : memref<10240x128xf32, #tpu.memory_space<vmem_shared>>) offsets(%dma_start3A_414 : memref<128xi32, #tpu.memory_space<vmem>>) semaphore(%arg15 : memref<!tpu.dma_semaphore, #tpu.memory_space<semaphore_mem>>) {add = true}
      %dma_wait3A_418 = arith.constant 0 : i32
      %dma_wait3A_419 = arith.constant 6 : i32
      %dma_wait3A_420 = arith.constant 0 : i32
      %dma_wait3A_421 = arith.constant 0 : i32
      %dma_wait3A_422 = tpu.memref_slice %arg9[%dma_wait3A_418, %dma_wait3A_420, %dma_wait3A_421] : memref<2x128x128xf32, #tpu.memory_space<vmem>> -> memref<1x128x128xf32, #tpu.memory_space<vmem>>
      %dma_wait3A_423 = tpu.memref_squeeze %dma_wait3A_422 : memref<1x128x128xf32, #tpu.memory_space<vmem>> -> memref<128x128xf32, #tpu.memory_space<vmem>>
      %dma_wait3A_424 = arith.constant 0 : i32
      %dma_wait3A_425 = tpu.memref_slice %arg8[%dma_wait3A_419, %dma_wait3A_424] : memref<8x128xi32, #tpu.memory_space<vmem>> -> memref<1x128xi32, #tpu.memory_space<vmem>>
      %dma_wait3A_426 = tpu.memref_squeeze %dma_wait3A_425 : memref<1x128xi32, #tpu.memory_space<vmem>> -> memref<128xi32, #tpu.memory_space<vmem>>
      %dma_wait3A_427 = arith.constant 0 : i32
      %dma_wait3A_428 = arith.constant 0 : i32
      %dma_wait3A_429 = tpu.memref_slice %arg12[%dma_wait3A_427, %dma_wait3A_428] : memref<10240x128xf32, #tpu.memory_space<vmem_shared>> -> memref<10240x128xf32, #tpu.memory_space<vmem_shared>>
      tpu.wait_indirect_dma semaphore(%arg15 : memref<!tpu.dma_semaphore, #tpu.memory_space<semaphore_mem>>) src(%dma_wait3A_423 : memref<128x128xf32, #tpu.memory_space<vmem>>) dst(%dma_wait3A_429 : memref<10240x128xf32, #tpu.memory_space<vmem_shared>>)
      %dma_wait3A_430 = arith.constant 1 : i32
      %dma_wait3A_431 = arith.constant 7 : i32
      %dma_wait3A_432 = arith.constant 0 : i32
      %dma_wait3A_433 = arith.constant 0 : i32
      %dma_wait3A_434 = tpu.memref_slice %arg9[%dma_wait3A_430, %dma_wait3A_432, %dma_wait3A_433] : memref<2x128x128xf32, #tpu.memory_space<vmem>> -> memref<1x128x128xf32, #tpu.memory_space<vmem>>
      %dma_wait3A_435 = tpu.memref_squeeze %dma_wait3A_434 : memref<1x128x128xf32, #tpu.memory_space<vmem>> -> memref<128x128xf32, #tpu.memory_space<vmem>>
      %dma_wait3A_436 = arith.constant 0 : i32
      %dma_wait3A_437 = tpu.memref_slice %arg8[%dma_wait3A_431, %dma_wait3A_436] : memref<8x128xi32, #tpu.memory_space<vmem>> -> memref<1x128xi32, #tpu.memory_space<vmem>>
      %dma_wait3A_438 = tpu.memref_squeeze %dma_wait3A_437 : memref<1x128xi32, #tpu.memory_space<vmem>> -> memref<128xi32, #tpu.memory_space<vmem>>
      %dma_wait3A_439 = arith.constant 0 : i32
      %dma_wait3A_440 = arith.constant 0 : i32
      %dma_wait3A_441 = tpu.memref_slice %arg12[%dma_wait3A_439, %dma_wait3A_440] : memref<10240x128xf32, #tpu.memory_space<vmem_shared>> -> memref<10240x128xf32, #tpu.memory_space<vmem_shared>>
      tpu.wait_indirect_dma semaphore(%arg15 : memref<!tpu.dma_semaphore, #tpu.memory_space<semaphore_mem>>) src(%dma_wait3A_435 : memref<128x128xf32, #tpu.memory_space<vmem>>) dst(%dma_wait3A_441 : memref<10240x128xf32, #tpu.memory_space<vmem_shared>>)
    }
    %scan3A_22 = arith.constant 10 : i32
    %barrier3A_23 = arith.constant 0 : index
    tpu.barrier barrier_id(%barrier3A_23)
    %add3A_24 = arith.constant 0 : i32
    %add3A_25 = arith.addi %mul3A_2, %add3A_24 : i32
    %run_scoped3A_26 = arith.constant 0 : i32
    "tpu.region"() ({
      %run_scoped3A_54 = tpu.sem_alloc : memref<!tpu.dma_semaphore, #tpu.memory_space<semaphore_mem>>
      %dma_start3A = arith.constant 0 : i32
      %dma_start3A_55 = arith.constant 0 : i32
      %dma_start3A_56 = tpu.memref_slice %arg9[%run_scoped3A_26, %dma_start3A, %dma_start3A_55] : memref<2x128x128xf32, #tpu.memory_space<vmem>> -> memref<1x128x128xf32, #tpu.memory_space<vmem>>
      %dma_start3A_57 = tpu.memref_squeeze %dma_start3A_56 : memref<1x128x128xf32, #tpu.memory_space<vmem>> -> memref<128x128xf32, #tpu.memory_space<vmem>>
      %dma_start3A_58 = arith.constant 0 : i32
      %dma_start3A_59 = tpu.memref_slice %arg12[%add3A_25, %dma_start3A_58] : memref<10240x128xf32, #tpu.memory_space<vmem_shared>> -> memref<128x128xf32, #tpu.memory_space<vmem_shared>>
      %dma_start3A_60 = arith.constant 0 : i32
      %dma_start3A_61 = arith.constant 0 : i32
      %dma_start3A_62 = tpu.memref_slice %arg9[%run_scoped3A_26, %dma_start3A_60, %dma_start3A_61] : memref<2x128x128xf32, #tpu.memory_space<vmem>> -> memref<1x128x128xf32, #tpu.memory_space<vmem>>
      %dma_start3A_63 = tpu.memref_squeeze %dma_start3A_62 : memref<1x128x128xf32, #tpu.memory_space<vmem>> -> memref<128x128xf32, #tpu.memory_space<vmem>>
      %dma_start3A_64 = arith.constant 0 : i32
      %dma_start3A_65 = tpu.memref_slice %arg12[%add3A_25, %dma_start3A_64] : memref<10240x128xf32, #tpu.memory_space<vmem_shared>> -> memref<128x128xf32, #tpu.memory_space<vmem_shared>>
      tpu.enqueue_dma source(%dma_start3A_65 : memref<128x128xf32, #tpu.memory_space<vmem_shared>>) target(%dma_start3A_63 : memref<128x128xf32, #tpu.memory_space<vmem>>) target_semaphore(%run_scoped3A_54 : memref<!tpu.dma_semaphore, #tpu.memory_space<semaphore_mem>>)
      %dma_wait3A = arith.constant 0 : i32
      %dma_wait3A_66 = arith.constant 0 : i32
      %dma_wait3A_67 = tpu.memref_slice %arg9[%run_scoped3A_26, %dma_wait3A, %dma_wait3A_66] : memref<2x128x128xf32, #tpu.memory_space<vmem>> -> memref<1x128x128xf32, #tpu.memory_space<vmem>>
      %dma_wait3A_68 = tpu.memref_squeeze %dma_wait3A_67 : memref<1x128x128xf32, #tpu.memory_space<vmem>> -> memref<128x128xf32, #tpu.memory_space<vmem>>
      %dma_wait3A_69 = arith.constant 0 : i32
      %dma_wait3A_70 = tpu.memref_slice %arg12[%add3A_25, %dma_wait3A_69] : memref<10240x128xf32, #tpu.memory_space<vmem_shared>> -> memref<128x128xf32, #tpu.memory_space<vmem_shared>>
      %dma_wait3A_71 = arith.constant 0 : i32
      %dma_wait3A_72 = arith.constant 0 : i32
      %dma_wait3A_73 = tpu.memref_slice %arg9[%run_scoped3A_26, %dma_wait3A_71, %dma_wait3A_72] : memref<2x128x128xf32, #tpu.memory_space<vmem>> -> memref<1x128x128xf32, #tpu.memory_space<vmem>>
      %dma_wait3A_74 = tpu.memref_squeeze %dma_wait3A_73 : memref<1x128x128xf32, #tpu.memory_space<vmem>> -> memref<128x128xf32, #tpu.memory_space<vmem>>
      %dma_wait3A_75 = arith.constant 0 : i32
      %dma_wait3A_76 = tpu.memref_slice %arg12[%add3A_25, %dma_wait3A_75] : memref<10240x128xf32, #tpu.memory_space<vmem_shared>> -> memref<128x128xf32, #tpu.memory_space<vmem_shared>>
      tpu.wait_dma2 semaphore(%run_scoped3A_54 : memref<!tpu.dma_semaphore, #tpu.memory_space<semaphore_mem>>) src(%dma_wait3A_76 : memref<128x128xf32, #tpu.memory_space<vmem_shared>>) dst(%dma_wait3A_74 : memref<128x128xf32, #tpu.memory_space<vmem>>)
      tpu.yield
    }) : () -> ()
    %add3A_27 = arith.constant 0 : i32
    %add3A_28 = arith.addi %mul3A_2, %add3A_27 : i32
    %run_scoped3A_29 = arith.constant 0 : i32
    "tpu.region"() ({
      %run_scoped3A_54 = tpu.sem_alloc : memref<!tpu.dma_semaphore, #tpu.memory_space<semaphore_mem>>
      %dma_start3A = arith.constant 0 : i32
      %dma_start3A_55 = arith.constant 0 : i32
      %dma_start3A_56 = tpu.memref_slice %arg9[%run_scoped3A_29, %dma_start3A, %dma_start3A_55] : memref<2x128x128xf32, #tpu.memory_space<vmem>> -> memref<1x128x128xf32, #tpu.memory_space<vmem>>
      %dma_start3A_57 = tpu.memref_squeeze %dma_start3A_56 : memref<1x128x128xf32, #tpu.memory_space<vmem>> -> memref<128x128xf32, #tpu.memory_space<vmem>>
      %dma_start3A_58 = arith.constant 0 : i32
      %dma_start3A_59 = tpu.memref_slice %arg6[%arg0, %add3A_28, %dma_start3A_58] : memref<2x10240x128xf32, #tpu.memory_space<hbm>> -> memref<1x128x128xf32, #tpu.memory_space<hbm>>
      %dma_start3A_60 = tpu.memref_squeeze %dma_start3A_59 : memref<1x128x128xf32, #tpu.memory_space<hbm>> -> memref<128x128xf32, #tpu.memory_space<hbm>>
      %dma_start3A_61 = arith.constant 0 : i32
      %dma_start3A_62 = tpu.memref_slice %arg6[%arg0, %add3A_28, %dma_start3A_61] : memref<2x10240x128xf32, #tpu.memory_space<hbm>> -> memref<1x128x128xf32, #tpu.memory_space<hbm>>
      %dma_start3A_63 = tpu.memref_squeeze %dma_start3A_62 : memref<1x128x128xf32, #tpu.memory_space<hbm>> -> memref<128x128xf32, #tpu.memory_space<hbm>>
      %dma_start3A_64 = arith.constant 0 : i32
      %dma_start3A_65 = arith.constant 0 : i32
      %dma_start3A_66 = tpu.memref_slice %arg9[%run_scoped3A_29, %dma_start3A_64, %dma_start3A_65] : memref<2x128x128xf32, #tpu.memory_space<vmem>> -> memref<1x128x128xf32, #tpu.memory_space<vmem>>
      %dma_start3A_67 = tpu.memref_squeeze %dma_start3A_66 : memref<1x128x128xf32, #tpu.memory_space<vmem>> -> memref<128x128xf32, #tpu.memory_space<vmem>>
      tpu.enqueue_dma source(%dma_start3A_67 : memref<128x128xf32, #tpu.memory_space<vmem>>) target(%dma_start3A_63 : memref<128x128xf32, #tpu.memory_space<hbm>>) target_semaphore(%run_scoped3A_54 : memref<!tpu.dma_semaphore, #tpu.memory_space<semaphore_mem>>)
      %dma_wait3A = arith.constant 0 : i32
      %dma_wait3A_68 = arith.constant 0 : i32
      %dma_wait3A_69 = tpu.memref_slice %arg9[%run_scoped3A_29, %dma_wait3A, %dma_wait3A_68] : memref<2x128x128xf32, #tpu.memory_space<vmem>> -> memref<1x128x128xf32, #tpu.memory_space<vmem>>
      %dma_wait3A_70 = tpu.memref_squeeze %dma_wait3A_69 : memref<1x128x128xf32, #tpu.memory_space<vmem>> -> memref<128x128xf32, #tpu.memory_space<vmem>>
      %dma_wait3A_71 = arith.constant 0 : i32
      %dma_wait3A_72 = tpu.memref_slice %arg6[%arg0, %add3A_28, %dma_wait3A_71] : memref<2x10240x128xf32, #tpu.memory_space<hbm>> -> memref<1x128x128xf32, #tpu.memory_space<hbm>>
      %dma_wait3A_73 = tpu.memref_squeeze %dma_wait3A_72 : memref<1x128x128xf32, #tpu.memory_space<hbm>> -> memref<128x128xf32, #tpu.memory_space<hbm>>
      %dma_wait3A_74 = arith.constant 0 : i32
      %dma_wait3A_75 = tpu.memref_slice %arg6[%arg0, %add3A_28, %dma_wait3A_74] : memref<2x10240x128xf32, #tpu.memory_space<hbm>> -> memref<1x128x128xf32, #tpu.memory_space<hbm>>
      %dma_wait3A_76 = tpu.memref_squeeze %dma_wait3A_75 : memref<1x128x128xf32, #tpu.memory_space<hbm>> -> memref<128x128xf32, #tpu.memory_space<hbm>>
      %dma_wait3A_77 = arith.constant 0 : i32
      %dma_wait3A_78 = arith.constant 0 : i32
      %dma_wait3A_79 = tpu.memref_slice %arg9[%run_scoped3A_29, %dma_wait3A_77, %dma_wait3A_78] : memref<2x128x128xf32, #tpu.memory_space<vmem>> -> memref<1x128x128xf32, #tpu.memory_space<vmem>>
      %dma_wait3A_80 = tpu.memref_squeeze %dma_wait3A_79 : memref<1x128x128xf32, #tpu.memory_space<vmem>> -> memref<128x128xf32, #tpu.memory_space<vmem>>
      tpu.wait_dma2 semaphore(%run_scoped3A_54 : memref<!tpu.dma_semaphore, #tpu.memory_space<semaphore_mem>>) src(%dma_wait3A_80 : memref<128x128xf32, #tpu.memory_space<vmem>>) dst(%dma_wait3A_76 : memref<128x128xf32, #tpu.memory_space<hbm>>)
      tpu.yield
    }) : () -> ()
    %add3A_30 = arith.constant 128 : i32
    %add3A_31 = arith.addi %mul3A_2, %add3A_30 : i32
    %run_scoped3A_32 = arith.constant 0 : i32
    "tpu.region"() ({
      %run_scoped3A_54 = tpu.sem_alloc : memref<!tpu.dma_semaphore, #tpu.memory_space<semaphore_mem>>
      %dma_start3A = arith.constant 0 : i32
      %dma_start3A_55 = arith.constant 0 : i32
      %dma_start3A_56 = tpu.memref_slice %arg9[%run_scoped3A_32, %dma_start3A, %dma_start3A_55] : memref<2x128x128xf32, #tpu.memory_space<vmem>> -> memref<1x128x128xf32, #tpu.memory_space<vmem>>
      %dma_start3A_57 = tpu.memref_squeeze %dma_start3A_56 : memref<1x128x128xf32, #tpu.memory_space<vmem>> -> memref<128x128xf32, #tpu.memory_space<vmem>>
      %dma_start3A_58 = arith.constant 0 : i32
      %dma_start3A_59 = tpu.memref_slice %arg12[%add3A_31, %dma_start3A_58] : memref<10240x128xf32, #tpu.memory_space<vmem_shared>> -> memref<128x128xf32, #tpu.memory_space<vmem_shared>>
      %dma_start3A_60 = arith.constant 0 : i32
      %dma_start3A_61 = arith.constant 0 : i32
      %dma_start3A_62 = tpu.memref_slice %arg9[%run_scoped3A_32, %dma_start3A_60, %dma_start3A_61] : memref<2x128x128xf32, #tpu.memory_space<vmem>> -> memref<1x128x128xf32, #tpu.memory_space<vmem>>
      %dma_start3A_63 = tpu.memref_squeeze %dma_start3A_62 : memref<1x128x128xf32, #tpu.memory_space<vmem>> -> memref<128x128xf32, #tpu.memory_space<vmem>>
      %dma_start3A_64 = arith.constant 0 : i32
      %dma_start3A_65 = tpu.memref_slice %arg12[%add3A_31, %dma_start3A_64] : memref<10240x128xf32, #tpu.memory_space<vmem_shared>> -> memref<128x128xf32, #tpu.memory_space<vmem_shared>>
      tpu.enqueue_dma source(%dma_start3A_65 : memref<128x128xf32, #tpu.memory_space<vmem_shared>>) target(%dma_start3A_63 : memref<128x128xf32, #tpu.memory_space<vmem>>) target_semaphore(%run_scoped3A_54 : memref<!tpu.dma_semaphore, #tpu.memory_space<semaphore_mem>>)
      %dma_wait3A = arith.constant 0 : i32
      %dma_wait3A_66 = arith.constant 0 : i32
      %dma_wait3A_67 = tpu.memref_slice %arg9[%run_scoped3A_32, %dma_wait3A, %dma_wait3A_66] : memref<2x128x128xf32, #tpu.memory_space<vmem>> -> memref<1x128x128xf32, #tpu.memory_space<vmem>>
      %dma_wait3A_68 = tpu.memref_squeeze %dma_wait3A_67 : memref<1x128x128xf32, #tpu.memory_space<vmem>> -> memref<128x128xf32, #tpu.memory_space<vmem>>
      %dma_wait3A_69 = arith.constant 0 : i32
      %dma_wait3A_70 = tpu.memref_slice %arg12[%add3A_31, %dma_wait3A_69] : memref<10240x128xf32, #tpu.memory_space<vmem_shared>> -> memref<128x128xf32, #tpu.memory_space<vmem_shared>>
      %dma_wait3A_71 = arith.constant 0 : i32
      %dma_wait3A_72 = arith.constant 0 : i32
      %dma_wait3A_73 = tpu.memref_slice %arg9[%run_scoped3A_32, %dma_wait3A_71, %dma_wait3A_72] : memref<2x128x128xf32, #tpu.memory_space<vmem>> -> memref<1x128x128xf32, #tpu.memory_space<vmem>>
      %dma_wait3A_74 = tpu.memref_squeeze %dma_wait3A_73 : memref<1x128x128xf32, #tpu.memory_space<vmem>> -> memref<128x128xf32, #tpu.memory_space<vmem>>
      %dma_wait3A_75 = arith.constant 0 : i32
      %dma_wait3A_76 = tpu.memref_slice %arg12[%add3A_31, %dma_wait3A_75] : memref<10240x128xf32, #tpu.memory_space<vmem_shared>> -> memref<128x128xf32, #tpu.memory_space<vmem_shared>>
      tpu.wait_dma2 semaphore(%run_scoped3A_54 : memref<!tpu.dma_semaphore, #tpu.memory_space<semaphore_mem>>) src(%dma_wait3A_76 : memref<128x128xf32, #tpu.memory_space<vmem_shared>>) dst(%dma_wait3A_74 : memref<128x128xf32, #tpu.memory_space<vmem>>)
      tpu.yield
    }) : () -> ()
    %add3A_33 = arith.constant 128 : i32
    %add3A_34 = arith.addi %mul3A_2, %add3A_33 : i32
    %run_scoped3A_35 = arith.constant 0 : i32
    "tpu.region"() ({
      %run_scoped3A_54 = tpu.sem_alloc : memref<!tpu.dma_semaphore, #tpu.memory_space<semaphore_mem>>
      %dma_start3A = arith.constant 0 : i32
      %dma_start3A_55 = arith.constant 0 : i32
      %dma_start3A_56 = tpu.memref_slice %arg9[%run_scoped3A_35, %dma_start3A, %dma_start3A_55] : memref<2x128x128xf32, #tpu.memory_space<vmem>> -> memref<1x128x128xf32, #tpu.memory_space<vmem>>
      %dma_start3A_57 = tpu.memref_squeeze %dma_start3A_56 : memref<1x128x128xf32, #tpu.memory_space<vmem>> -> memref<128x128xf32, #tpu.memory_space<vmem>>
      %dma_start3A_58 = arith.constant 0 : i32
      %dma_start3A_59 = tpu.memref_slice %arg6[%arg0, %add3A_34, %dma_start3A_58] : memref<2x10240x128xf32, #tpu.memory_space<hbm>> -> memref<1x128x128xf32, #tpu.memory_space<hbm>>
      %dma_start3A_60 = tpu.memref_squeeze %dma_start3A_59 : memref<1x128x128xf32, #tpu.memory_space<hbm>> -> memref<128x128xf32, #tpu.memory_space<hbm>>
      %dma_start3A_61 = arith.constant 0 : i32
      %dma_start3A_62 = tpu.memref_slice %arg6[%arg0, %add3A_34, %dma_start3A_61] : memref<2x10240x128xf32, #tpu.memory_space<hbm>> -> memref<1x128x128xf32, #tpu.memory_space<hbm>>
      %dma_start3A_63 = tpu.memref_squeeze %dma_start3A_62 : memref<1x128x128xf32, #tpu.memory_space<hbm>> -> memref<128x128xf32, #tpu.memory_space<hbm>>
      %dma_start3A_64 = arith.constant 0 : i32
      %dma_start3A_65 = arith.constant 0 : i32
      %dma_start3A_66 = tpu.memref_slice %arg9[%run_scoped3A_35, %dma_start3A_64, %dma_start3A_65] : memref<2x128x128xf32, #tpu.memory_space<vmem>> -> memref<1x128x128xf32, #tpu.memory_space<vmem>>
      %dma_start3A_67 = tpu.memref_squeeze %dma_start3A_66 : memref<1x128x128xf32, #tpu.memory_space<vmem>> -> memref<128x128xf32, #tpu.memory_space<vmem>>
      tpu.enqueue_dma source(%dma_start3A_67 : memref<128x128xf32, #tpu.memory_space<vmem>>) target(%dma_start3A_63 : memref<128x128xf32, #tpu.memory_space<hbm>>) target_semaphore(%run_scoped3A_54 : memref<!tpu.dma_semaphore, #tpu.memory_space<semaphore_mem>>)
      %dma_wait3A = arith.constant 0 : i32
      %dma_wait3A_68 = arith.constant 0 : i32
      %dma_wait3A_69 = tpu.memref_slice %arg9[%run_scoped3A_35, %dma_wait3A, %dma_wait3A_68] : memref<2x128x128xf32, #tpu.memory_space<vmem>> -> memref<1x128x128xf32, #tpu.memory_space<vmem>>
      %dma_wait3A_70 = tpu.memref_squeeze %dma_wait3A_69 : memref<1x128x128xf32, #tpu.memory_space<vmem>> -> memref<128x128xf32, #tpu.memory_space<vmem>>
      %dma_wait3A_71 = arith.constant 0 : i32
      %dma_wait3A_72 = tpu.memref_slice %arg6[%arg0, %add3A_34, %dma_wait3A_71] : memref<2x10240x128xf32, #tpu.memory_space<hbm>> -> memref<1x128x128xf32, #tpu.memory_space<hbm>>
      %dma_wait3A_73 = tpu.memref_squeeze %dma_wait3A_72 : memref<1x128x128xf32, #tpu.memory_space<hbm>> -> memref<128x128xf32, #tpu.memory_space<hbm>>
      %dma_wait3A_74 = arith.constant 0 : i32
      %dma_wait3A_75 = tpu.memref_slice %arg6[%arg0, %add3A_34, %dma_wait3A_74] : memref<2x10240x128xf32, #tpu.memory_space<hbm>> -> memref<1x128x128xf32, #tpu.memory_space<hbm>>
      %dma_wait3A_76 = tpu.memref_squeeze %dma_wait3A_75 : memref<1x128x128xf32, #tpu.memory_space<hbm>> -> memref<128x128xf32, #tpu.memory_space<hbm>>
      %dma_wait3A_77 = arith.constant 0 : i32
      %dma_wait3A_78 = arith.constant 0 : i32
      %dma_wait3A_79 = tpu.memref_slice %arg9[%run_scoped3A_35, %dma_wait3A_77, %dma_wait3A_78] : memref<2x128x128xf32, #tpu.memory_space<vmem>> -> memref<1x128x128xf32, #tpu.memory_space<vmem>>
      %dma_wait3A_80 = tpu.memref_squeeze %dma_wait3A_79 : memref<1x128x128xf32, #tpu.memory_space<vmem>> -> memref<128x128xf32, #tpu.memory_space<vmem>>
      tpu.wait_dma2 semaphore(%run_scoped3A_54 : memref<!tpu.dma_semaphore, #tpu.memory_space<semaphore_mem>>) src(%dma_wait3A_80 : memref<128x128xf32, #tpu.memory_space<vmem>>) dst(%dma_wait3A_76 : memref<128x128xf32, #tpu.memory_space<hbm>>)
      tpu.yield
    }) : () -> ()
    %add3A_36 = arith.constant 256 : i32
    %add3A_37 = arith.addi %mul3A_2, %add3A_36 : i32
    %run_scoped3A_38 = arith.constant 0 : i32
    "tpu.region"() ({
      %run_scoped3A_54 = tpu.sem_alloc : memref<!tpu.dma_semaphore, #tpu.memory_space<semaphore_mem>>
      %dma_start3A = arith.constant 0 : i32
      %dma_start3A_55 = arith.constant 0 : i32
      %dma_start3A_56 = tpu.memref_slice %arg9[%run_scoped3A_38, %dma_start3A, %dma_start3A_55] : memref<2x128x128xf32, #tpu.memory_space<vmem>> -> memref<1x128x128xf32, #tpu.memory_space<vmem>>
      %dma_start3A_57 = tpu.memref_squeeze %dma_start3A_56 : memref<1x128x128xf32, #tpu.memory_space<vmem>> -> memref<128x128xf32, #tpu.memory_space<vmem>>
      %dma_start3A_58 = arith.constant 0 : i32
      %dma_start3A_59 = tpu.memref_slice %arg12[%add3A_37, %dma_start3A_58] : memref<10240x128xf32, #tpu.memory_space<vmem_shared>> -> memref<128x128xf32, #tpu.memory_space<vmem_shared>>
      %dma_start3A_60 = arith.constant 0 : i32
      %dma_start3A_61 = arith.constant 0 : i32
      %dma_start3A_62 = tpu.memref_slice %arg9[%run_scoped3A_38, %dma_start3A_60, %dma_start3A_61] : memref<2x128x128xf32, #tpu.memory_space<vmem>> -> memref<1x128x128xf32, #tpu.memory_space<vmem>>
      %dma_start3A_63 = tpu.memref_squeeze %dma_start3A_62 : memref<1x128x128xf32, #tpu.memory_space<vmem>> -> memref<128x128xf32, #tpu.memory_space<vmem>>
      %dma_start3A_64 = arith.constant 0 : i32
      %dma_start3A_65 = tpu.memref_slice %arg12[%add3A_37, %dma_start3A_64] : memref<10240x128xf32, #tpu.memory_space<vmem_shared>> -> memref<128x128xf32, #tpu.memory_space<vmem_shared>>
      tpu.enqueue_dma source(%dma_start3A_65 : memref<128x128xf32, #tpu.memory_space<vmem_shared>>) target(%dma_start3A_63 : memref<128x128xf32, #tpu.memory_space<vmem>>) target_semaphore(%run_scoped3A_54 : memref<!tpu.dma_semaphore, #tpu.memory_space<semaphore_mem>>)
      %dma_wait3A = arith.constant 0 : i32
      %dma_wait3A_66 = arith.constant 0 : i32
      %dma_wait3A_67 = tpu.memref_slice %arg9[%run_scoped3A_38, %dma_wait3A, %dma_wait3A_66] : memref<2x128x128xf32, #tpu.memory_space<vmem>> -> memref<1x128x128xf32, #tpu.memory_space<vmem>>
      %dma_wait3A_68 = tpu.memref_squeeze %dma_wait3A_67 : memref<1x128x128xf32, #tpu.memory_space<vmem>> -> memref<128x128xf32, #tpu.memory_space<vmem>>
      %dma_wait3A_69 = arith.constant 0 : i32
      %dma_wait3A_70 = tpu.memref_slice %arg12[%add3A_37, %dma_wait3A_69] : memref<10240x128xf32, #tpu.memory_space<vmem_shared>> -> memref<128x128xf32, #tpu.memory_space<vmem_shared>>
      %dma_wait3A_71 = arith.constant 0 : i32
      %dma_wait3A_72 = arith.constant 0 : i32
      %dma_wait3A_73 = tpu.memref_slice %arg9[%run_scoped3A_38, %dma_wait3A_71, %dma_wait3A_72] : memref<2x128x128xf32, #tpu.memory_space<vmem>> -> memref<1x128x128xf32, #tpu.memory_space<vmem>>
      %dma_wait3A_74 = tpu.memref_squeeze %dma_wait3A_73 : memref<1x128x128xf32, #tpu.memory_space<vmem>> -> memref<128x128xf32, #tpu.memory_space<vmem>>
      %dma_wait3A_75 = arith.constant 0 : i32
      %dma_wait3A_76 = tpu.memref_slice %arg12[%add3A_37, %dma_wait3A_75] : memref<10240x128xf32, #tpu.memory_space<vmem_shared>> -> memref<128x128xf32, #tpu.memory_space<vmem_shared>>
      tpu.wait_dma2 semaphore(%run_scoped3A_54 : memref<!tpu.dma_semaphore, #tpu.memory_space<semaphore_mem>>) src(%dma_wait3A_76 : memref<128x128xf32, #tpu.memory_space<vmem_shared>>) dst(%dma_wait3A_74 : memref<128x128xf32, #tpu.memory_space<vmem>>)
      tpu.yield
    }) : () -> ()
    %add3A_39 = arith.constant 256 : i32
    %add3A_40 = arith.addi %mul3A_2, %add3A_39 : i32
    %run_scoped3A_41 = arith.constant 0 : i32
    "tpu.region"() ({
      %run_scoped3A_54 = tpu.sem_alloc : memref<!tpu.dma_semaphore, #tpu.memory_space<semaphore_mem>>
      %dma_start3A = arith.constant 0 : i32
      %dma_start3A_55 = arith.constant 0 : i32
      %dma_start3A_56 = tpu.memref_slice %arg9[%run_scoped3A_41, %dma_start3A, %dma_start3A_55] : memref<2x128x128xf32, #tpu.memory_space<vmem>> -> memref<1x128x128xf32, #tpu.memory_space<vmem>>
      %dma_start3A_57 = tpu.memref_squeeze %dma_start3A_56 : memref<1x128x128xf32, #tpu.memory_space<vmem>> -> memref<128x128xf32, #tpu.memory_space<vmem>>
      %dma_start3A_58 = arith.constant 0 : i32
      %dma_start3A_59 = tpu.memref_slice %arg6[%arg0, %add3A_40, %dma_start3A_58] : memref<2x10240x128xf32, #tpu.memory_space<hbm>> -> memref<1x128x128xf32, #tpu.memory_space<hbm>>
      %dma_start3A_60 = tpu.memref_squeeze %dma_start3A_59 : memref<1x128x128xf32, #tpu.memory_space<hbm>> -> memref<128x128xf32, #tpu.memory_space<hbm>>
      %dma_start3A_61 = arith.constant 0 : i32
      %dma_start3A_62 = tpu.memref_slice %arg6[%arg0, %add3A_40, %dma_start3A_61] : memref<2x10240x128xf32, #tpu.memory_space<hbm>> -> memref<1x128x128xf32, #tpu.memory_space<hbm>>
      %dma_start3A_63 = tpu.memref_squeeze %dma_start3A_62 : memref<1x128x128xf32, #tpu.memory_space<hbm>> -> memref<128x128xf32, #tpu.memory_space<hbm>>
      %dma_start3A_64 = arith.constant 0 : i32
      %dma_start3A_65 = arith.constant 0 : i32
      %dma_start3A_66 = tpu.memref_slice %arg9[%run_scoped3A_41, %dma_start3A_64, %dma_start3A_65] : memref<2x128x128xf32, #tpu.memory_space<vmem>> -> memref<1x128x128xf32, #tpu.memory_space<vmem>>
      %dma_start3A_67 = tpu.memref_squeeze %dma_start3A_66 : memref<1x128x128xf32, #tpu.memory_space<vmem>> -> memref<128x128xf32, #tpu.memory_space<vmem>>
      tpu.enqueue_dma source(%dma_start3A_67 : memref<128x128xf32, #tpu.memory_space<vmem>>) target(%dma_start3A_63 : memref<128x128xf32, #tpu.memory_space<hbm>>) target_semaphore(%run_scoped3A_54 : memref<!tpu.dma_semaphore, #tpu.memory_space<semaphore_mem>>)
      %dma_wait3A = arith.constant 0 : i32
      %dma_wait3A_68 = arith.constant 0 : i32
      %dma_wait3A_69 = tpu.memref_slice %arg9[%run_scoped3A_41, %dma_wait3A, %dma_wait3A_68] : memref<2x128x128xf32, #tpu.memory_space<vmem>> -> memref<1x128x128xf32, #tpu.memory_space<vmem>>
      %dma_wait3A_70 = tpu.memref_squeeze %dma_wait3A_69 : memref<1x128x128xf32, #tpu.memory_space<vmem>> -> memref<128x128xf32, #tpu.memory_space<vmem>>
      %dma_wait3A_71 = arith.constant 0 : i32
      %dma_wait3A_72 = tpu.memref_slice %arg6[%arg0, %add3A_40, %dma_wait3A_71] : memref<2x10240x128xf32, #tpu.memory_space<hbm>> -> memref<1x128x128xf32, #tpu.memory_space<hbm>>
      %dma_wait3A_73 = tpu.memref_squeeze %dma_wait3A_72 : memref<1x128x128xf32, #tpu.memory_space<hbm>> -> memref<128x128xf32, #tpu.memory_space<hbm>>
      %dma_wait3A_74 = arith.constant 0 : i32
      %dma_wait3A_75 = tpu.memref_slice %arg6[%arg0, %add3A_40, %dma_wait3A_74] : memref<2x10240x128xf32, #tpu.memory_space<hbm>> -> memref<1x128x128xf32, #tpu.memory_space<hbm>>
      %dma_wait3A_76 = tpu.memref_squeeze %dma_wait3A_75 : memref<1x128x128xf32, #tpu.memory_space<hbm>> -> memref<128x128xf32, #tpu.memory_space<hbm>>
      %dma_wait3A_77 = arith.constant 0 : i32
      %dma_wait3A_78 = arith.constant 0 : i32
      %dma_wait3A_79 = tpu.memref_slice %arg9[%run_scoped3A_41, %dma_wait3A_77, %dma_wait3A_78] : memref<2x128x128xf32, #tpu.memory_space<vmem>> -> memref<1x128x128xf32, #tpu.memory_space<vmem>>
      %dma_wait3A_80 = tpu.memref_squeeze %dma_wait3A_79 : memref<1x128x128xf32, #tpu.memory_space<vmem>> -> memref<128x128xf32, #tpu.memory_space<vmem>>
      tpu.wait_dma2 semaphore(%run_scoped3A_54 : memref<!tpu.dma_semaphore, #tpu.memory_space<semaphore_mem>>) src(%dma_wait3A_80 : memref<128x128xf32, #tpu.memory_space<vmem>>) dst(%dma_wait3A_76 : memref<128x128xf32, #tpu.memory_space<hbm>>)
      tpu.yield
    }) : () -> ()
    %add3A_42 = arith.constant 384 : i32
    %add3A_43 = arith.addi %mul3A_2, %add3A_42 : i32
    %run_scoped3A_44 = arith.constant 0 : i32
    "tpu.region"() ({
      %run_scoped3A_54 = tpu.sem_alloc : memref<!tpu.dma_semaphore, #tpu.memory_space<semaphore_mem>>
      %dma_start3A = arith.constant 0 : i32
      %dma_start3A_55 = arith.constant 0 : i32
      %dma_start3A_56 = tpu.memref_slice %arg9[%run_scoped3A_44, %dma_start3A, %dma_start3A_55] : memref<2x128x128xf32, #tpu.memory_space<vmem>> -> memref<1x128x128xf32, #tpu.memory_space<vmem>>
      %dma_start3A_57 = tpu.memref_squeeze %dma_start3A_56 : memref<1x128x128xf32, #tpu.memory_space<vmem>> -> memref<128x128xf32, #tpu.memory_space<vmem>>
      %dma_start3A_58 = arith.constant 0 : i32
      %dma_start3A_59 = tpu.memref_slice %arg12[%add3A_43, %dma_start3A_58] : memref<10240x128xf32, #tpu.memory_space<vmem_shared>> -> memref<128x128xf32, #tpu.memory_space<vmem_shared>>
      %dma_start3A_60 = arith.constant 0 : i32
      %dma_start3A_61 = arith.constant 0 : i32
      %dma_start3A_62 = tpu.memref_slice %arg9[%run_scoped3A_44, %dma_start3A_60, %dma_start3A_61] : memref<2x128x128xf32, #tpu.memory_space<vmem>> -> memref<1x128x128xf32, #tpu.memory_space<vmem>>
      %dma_start3A_63 = tpu.memref_squeeze %dma_start3A_62 : memref<1x128x128xf32, #tpu.memory_space<vmem>> -> memref<128x128xf32, #tpu.memory_space<vmem>>
      %dma_start3A_64 = arith.constant 0 : i32
      %dma_start3A_65 = tpu.memref_slice %arg12[%add3A_43, %dma_start3A_64] : memref<10240x128xf32, #tpu.memory_space<vmem_shared>> -> memref<128x128xf32, #tpu.memory_space<vmem_shared>>
      tpu.enqueue_dma source(%dma_start3A_65 : memref<128x128xf32, #tpu.memory_space<vmem_shared>>) target(%dma_start3A_63 : memref<128x128xf32, #tpu.memory_space<vmem>>) target_semaphore(%run_scoped3A_54 : memref<!tpu.dma_semaphore, #tpu.memory_space<semaphore_mem>>)
      %dma_wait3A = arith.constant 0 : i32
      %dma_wait3A_66 = arith.constant 0 : i32
      %dma_wait3A_67 = tpu.memref_slice %arg9[%run_scoped3A_44, %dma_wait3A, %dma_wait3A_66] : memref<2x128x128xf32, #tpu.memory_space<vmem>> -> memref<1x128x128xf32, #tpu.memory_space<vmem>>
      %dma_wait3A_68 = tpu.memref_squeeze %dma_wait3A_67 : memref<1x128x128xf32, #tpu.memory_space<vmem>> -> memref<128x128xf32, #tpu.memory_space<vmem>>
      %dma_wait3A_69 = arith.constant 0 : i32
      %dma_wait3A_70 = tpu.memref_slice %arg12[%add3A_43, %dma_wait3A_69] : memref<10240x128xf32, #tpu.memory_space<vmem_shared>> -> memref<128x128xf32, #tpu.memory_space<vmem_shared>>
      %dma_wait3A_71 = arith.constant 0 : i32
      %dma_wait3A_72 = arith.constant 0 : i32
      %dma_wait3A_73 = tpu.memref_slice %arg9[%run_scoped3A_44, %dma_wait3A_71, %dma_wait3A_72] : memref<2x128x128xf32, #tpu.memory_space<vmem>> -> memref<1x128x128xf32, #tpu.memory_space<vmem>>
      %dma_wait3A_74 = tpu.memref_squeeze %dma_wait3A_73 : memref<1x128x128xf32, #tpu.memory_space<vmem>> -> memref<128x128xf32, #tpu.memory_space<vmem>>
      %dma_wait3A_75 = arith.constant 0 : i32
      %dma_wait3A_76 = tpu.memref_slice %arg12[%add3A_43, %dma_wait3A_75] : memref<10240x128xf32, #tpu.memory_space<vmem_shared>> -> memref<128x128xf32, #tpu.memory_space<vmem_shared>>
      tpu.wait_dma2 semaphore(%run_scoped3A_54 : memref<!tpu.dma_semaphore, #tpu.memory_space<semaphore_mem>>) src(%dma_wait3A_76 : memref<128x128xf32, #tpu.memory_space<vmem_shared>>) dst(%dma_wait3A_74 : memref<128x128xf32, #tpu.memory_space<vmem>>)
      tpu.yield
    }) : () -> ()
    %add3A_45 = arith.constant 384 : i32
    %add3A_46 = arith.addi %mul3A_2, %add3A_45 : i32
    %run_scoped3A_47 = arith.constant 0 : i32
    "tpu.region"() ({
      %run_scoped3A_54 = tpu.sem_alloc : memref<!tpu.dma_semaphore, #tpu.memory_space<semaphore_mem>>
      %dma_start3A = arith.constant 0 : i32
      %dma_start3A_55 = arith.constant 0 : i32
      %dma_start3A_56 = tpu.memref_slice %arg9[%run_scoped3A_47, %dma_start3A, %dma_start3A_55] : memref<2x128x128xf32, #tpu.memory_space<vmem>> -> memref<1x128x128xf32, #tpu.memory_space<vmem>>
      %dma_start3A_57 = tpu.memref_squeeze %dma_start3A_56 : memref<1x128x128xf32, #tpu.memory_space<vmem>> -> memref<128x128xf32, #tpu.memory_space<vmem>>
      %dma_start3A_58 = arith.constant 0 : i32
      %dma_start3A_59 = tpu.memref_slice %arg6[%arg0, %add3A_46, %dma_start3A_58] : memref<2x10240x128xf32, #tpu.memory_space<hbm>> -> memref<1x128x128xf32, #tpu.memory_space<hbm>>
      %dma_start3A_60 = tpu.memref_squeeze %dma_start3A_59 : memref<1x128x128xf32, #tpu.memory_space<hbm>> -> memref<128x128xf32, #tpu.memory_space<hbm>>
      %dma_start3A_61 = arith.constant 0 : i32
      %dma_start3A_62 = tpu.memref_slice %arg6[%arg0, %add3A_46, %dma_start3A_61] : memref<2x10240x128xf32, #tpu.memory_space<hbm>> -> memref<1x128x128xf32, #tpu.memory_space<hbm>>
      %dma_start3A_63 = tpu.memref_squeeze %dma_start3A_62 : memref<1x128x128xf32, #tpu.memory_space<hbm>> -> memref<128x128xf32, #tpu.memory_space<hbm>>
      %dma_start3A_64 = arith.constant 0 : i32
      %dma_start3A_65 = arith.constant 0 : i32
      %dma_start3A_66 = tpu.memref_slice %arg9[%run_scoped3A_47, %dma_start3A_64, %dma_start3A_65] : memref<2x128x128xf32, #tpu.memory_space<vmem>> -> memref<1x128x128xf32, #tpu.memory_space<vmem>>
      %dma_start3A_67 = tpu.memref_squeeze %dma_start3A_66 : memref<1x128x128xf32, #tpu.memory_space<vmem>> -> memref<128x128xf32, #tpu.memory_space<vmem>>
      tpu.enqueue_dma source(%dma_start3A_67 : memref<128x128xf32, #tpu.memory_space<vmem>>) target(%dma_start3A_63 : memref<128x128xf32, #tpu.memory_space<hbm>>) target_semaphore(%run_scoped3A_54 : memref<!tpu.dma_semaphore, #tpu.memory_space<semaphore_mem>>)
      %dma_wait3A = arith.constant 0 : i32
      %dma_wait3A_68 = arith.constant 0 : i32
      %dma_wait3A_69 = tpu.memref_slice %arg9[%run_scoped3A_47, %dma_wait3A, %dma_wait3A_68] : memref<2x128x128xf32, #tpu.memory_space<vmem>> -> memref<1x128x128xf32, #tpu.memory_space<vmem>>
      %dma_wait3A_70 = tpu.memref_squeeze %dma_wait3A_69 : memref<1x128x128xf32, #tpu.memory_space<vmem>> -> memref<128x128xf32, #tpu.memory_space<vmem>>
      %dma_wait3A_71 = arith.constant 0 : i32
      %dma_wait3A_72 = tpu.memref_slice %arg6[%arg0, %add3A_46, %dma_wait3A_71] : memref<2x10240x128xf32, #tpu.memory_space<hbm>> -> memref<1x128x128xf32, #tpu.memory_space<hbm>>
      %dma_wait3A_73 = tpu.memref_squeeze %dma_wait3A_72 : memref<1x128x128xf32, #tpu.memory_space<hbm>> -> memref<128x128xf32, #tpu.memory_space<hbm>>
      %dma_wait3A_74 = arith.constant 0 : i32
      %dma_wait3A_75 = tpu.memref_slice %arg6[%arg0, %add3A_46, %dma_wait3A_74] : memref<2x10240x128xf32, #tpu.memory_space<hbm>> -> memref<1x128x128xf32, #tpu.memory_space<hbm>>
      %dma_wait3A_76 = tpu.memref_squeeze %dma_wait3A_75 : memref<1x128x128xf32, #tpu.memory_space<hbm>> -> memref<128x128xf32, #tpu.memory_space<hbm>>
      %dma_wait3A_77 = arith.constant 0 : i32
      %dma_wait3A_78 = arith.constant 0 : i32
      %dma_wait3A_79 = tpu.memref_slice %arg9[%run_scoped3A_47, %dma_wait3A_77, %dma_wait3A_78] : memref<2x128x128xf32, #tpu.memory_space<vmem>> -> memref<1x128x128xf32, #tpu.memory_space<vmem>>
      %dma_wait3A_80 = tpu.memref_squeeze %dma_wait3A_79 : memref<1x128x128xf32, #tpu.memory_space<vmem>> -> memref<128x128xf32, #tpu.memory_space<vmem>>
      tpu.wait_dma2 semaphore(%run_scoped3A_54 : memref<!tpu.dma_semaphore, #tpu.memory_space<semaphore_mem>>) src(%dma_wait3A_80 : memref<128x128xf32, #tpu.memory_space<vmem>>) dst(%dma_wait3A_76 : memref<128x128xf32, #tpu.memory_space<hbm>>)
      tpu.yield
    }) : () -> ()
    %add3A_48 = arith.constant 512 : i32
    %add3A_49 = arith.addi %mul3A_2, %add3A_48 : i32
    %run_scoped3A_50 = arith.constant 0 : i32
    "tpu.region"() ({
      %run_scoped3A_54 = tpu.sem_alloc : memref<!tpu.dma_semaphore, #tpu.memory_space<semaphore_mem>>
      %dma_start3A = arith.constant 0 : i32
      %dma_start3A_55 = arith.constant 0 : i32
      %dma_start3A_56 = tpu.memref_slice %arg9[%run_scoped3A_50, %dma_start3A, %dma_start3A_55] : memref<2x128x128xf32, #tpu.memory_space<vmem>> -> memref<1x128x128xf32, #tpu.memory_space<vmem>>
      %dma_start3A_57 = tpu.memref_squeeze %dma_start3A_56 : memref<1x128x128xf32, #tpu.memory_space<vmem>> -> memref<128x128xf32, #tpu.memory_space<vmem>>
      %dma_start3A_58 = arith.constant 0 : i32
      %dma_start3A_59 = tpu.memref_slice %arg12[%add3A_49, %dma_start3A_58] : memref<10240x128xf32, #tpu.memory_space<vmem_shared>> -> memref<128x128xf32, #tpu.memory_space<vmem_shared>>
      %dma_start3A_60 = arith.constant 0 : i32
      %dma_start3A_61 = arith.constant 0 : i32
      %dma_start3A_62 = tpu.memref_slice %arg9[%run_scoped3A_50, %dma_start3A_60, %dma_start3A_61] : memref<2x128x128xf32, #tpu.memory_space<vmem>> -> memref<1x128x128xf32, #tpu.memory_space<vmem>>
      %dma_start3A_63 = tpu.memref_squeeze %dma_start3A_62 : memref<1x128x128xf32, #tpu.memory_space<vmem>> -> memref<128x128xf32, #tpu.memory_space<vmem>>
      %dma_start3A_64 = arith.constant 0 : i32
      %dma_start3A_65 = tpu.memref_slice %arg12[%add3A_49, %dma_start3A_64] : memref<10240x128xf32, #tpu.memory_space<vmem_shared>> -> memref<128x128xf32, #tpu.memory_space<vmem_shared>>
      tpu.enqueue_dma source(%dma_start3A_65 : memref<128x128xf32, #tpu.memory_space<vmem_shared>>) target(%dma_start3A_63 : memref<128x128xf32, #tpu.memory_space<vmem>>) target_semaphore(%run_scoped3A_54 : memref<!tpu.dma_semaphore, #tpu.memory_space<semaphore_mem>>)
      %dma_wait3A = arith.constant 0 : i32
      %dma_wait3A_66 = arith.constant 0 : i32
      %dma_wait3A_67 = tpu.memref_slice %arg9[%run_scoped3A_50, %dma_wait3A, %dma_wait3A_66] : memref<2x128x128xf32, #tpu.memory_space<vmem>> -> memref<1x128x128xf32, #tpu.memory_space<vmem>>
      %dma_wait3A_68 = tpu.memref_squeeze %dma_wait3A_67 : memref<1x128x128xf32, #tpu.memory_space<vmem>> -> memref<128x128xf32, #tpu.memory_space<vmem>>
      %dma_wait3A_69 = arith.constant 0 : i32
      %dma_wait3A_70 = tpu.memref_slice %arg12[%add3A_49, %dma_wait3A_69] : memref<10240x128xf32, #tpu.memory_space<vmem_shared>> -> memref<128x128xf32, #tpu.memory_space<vmem_shared>>
      %dma_wait3A_71 = arith.constant 0 : i32
      %dma_wait3A_72 = arith.constant 0 : i32
      %dma_wait3A_73 = tpu.memref_slice %arg9[%run_scoped3A_50, %dma_wait3A_71, %dma_wait3A_72] : memref<2x128x128xf32, #tpu.memory_space<vmem>> -> memref<1x128x128xf32, #tpu.memory_space<vmem>>
      %dma_wait3A_74 = tpu.memref_squeeze %dma_wait3A_73 : memref<1x128x128xf32, #tpu.memory_space<vmem>> -> memref<128x128xf32, #tpu.memory_space<vmem>>
      %dma_wait3A_75 = arith.constant 0 : i32
      %dma_wait3A_76 = tpu.memref_slice %arg12[%add3A_49, %dma_wait3A_75] : memref<10240x128xf32, #tpu.memory_space<vmem_shared>> -> memref<128x128xf32, #tpu.memory_space<vmem_shared>>
      tpu.wait_dma2 semaphore(%run_scoped3A_54 : memref<!tpu.dma_semaphore, #tpu.memory_space<semaphore_mem>>) src(%dma_wait3A_76 : memref<128x128xf32, #tpu.memory_space<vmem_shared>>) dst(%dma_wait3A_74 : memref<128x128xf32, #tpu.memory_space<vmem>>)
      tpu.yield
    }) : () -> ()
    %add3A_51 = arith.constant 512 : i32
    %add3A_52 = arith.addi %mul3A_2, %add3A_51 : i32
    %run_scoped3A_53 = arith.constant 0 : i32
    "tpu.region"() ({
      %run_scoped3A_54 = tpu.sem_alloc : memref<!tpu.dma_semaphore, #tpu.memory_space<semaphore_mem>>
      %dma_start3A = arith.constant 0 : i32
      %dma_start3A_55 = arith.constant 0 : i32
      %dma_start3A_56 = tpu.memref_slice %arg9[%run_scoped3A_53, %dma_start3A, %dma_start3A_55] : memref<2x128x128xf32, #tpu.memory_space<vmem>> -> memref<1x128x128xf32, #tpu.memory_space<vmem>>
      %dma_start3A_57 = tpu.memref_squeeze %dma_start3A_56 : memref<1x128x128xf32, #tpu.memory_space<vmem>> -> memref<128x128xf32, #tpu.memory_space<vmem>>
      %dma_start3A_58 = arith.constant 0 : i32
      %dma_start3A_59 = tpu.memref_slice %arg6[%arg0, %add3A_52, %dma_start3A_58] : memref<2x10240x128xf32, #tpu.memory_space<hbm>> -> memref<1x128x128xf32, #tpu.memory_space<hbm>>
      %dma_start3A_60 = tpu.memref_squeeze %dma_start3A_59 : memref<1x128x128xf32, #tpu.memory_space<hbm>> -> memref<128x128xf32, #tpu.memory_space<hbm>>
      %dma_start3A_61 = arith.constant 0 : i32
      %dma_start3A_62 = tpu.memref_slice %arg6[%arg0, %add3A_52, %dma_start3A_61] : memref<2x10240x128xf32, #tpu.memory_space<hbm>> -> memref<1x128x128xf32, #tpu.memory_space<hbm>>
      %dma_start3A_63 = tpu.memref_squeeze %dma_start3A_62 : memref<1x128x128xf32, #tpu.memory_space<hbm>> -> memref<128x128xf32, #tpu.memory_space<hbm>>
      %dma_start3A_64 = arith.constant 0 : i32
      %dma_start3A_65 = arith.constant 0 : i32
      %dma_start3A_66 = tpu.memref_slice %arg9[%run_scoped3A_53, %dma_start3A_64, %dma_start3A_65] : memref<2x128x128xf32, #tpu.memory_space<vmem>> -> memref<1x128x128xf32, #tpu.memory_space<vmem>>
      %dma_start3A_67 = tpu.memref_squeeze %dma_start3A_66 : memref<1x128x128xf32, #tpu.memory_space<vmem>> -> memref<128x128xf32, #tpu.memory_space<vmem>>
      tpu.enqueue_dma source(%dma_start3A_67 : memref<128x128xf32, #tpu.memory_space<vmem>>) target(%dma_start3A_63 : memref<128x128xf32, #tpu.memory_space<hbm>>) target_semaphore(%run_scoped3A_54 : memref<!tpu.dma_semaphore, #tpu.memory_space<semaphore_mem>>)
      %dma_wait3A = arith.constant 0 : i32
      %dma_wait3A_68 = arith.constant 0 : i32
      %dma_wait3A_69 = tpu.memref_slice %arg9[%run_scoped3A_53, %dma_wait3A, %dma_wait3A_68] : memref<2x128x128xf32, #tpu.memory_space<vmem>> -> memref<1x128x128xf32, #tpu.memory_space<vmem>>
      %dma_wait3A_70 = tpu.memref_squeeze %dma_wait3A_69 : memref<1x128x128xf32, #tpu.memory_space<vmem>> -> memref<128x128xf32, #tpu.memory_space<vmem>>
      %dma_wait3A_71 = arith.constant 0 : i32
      %dma_wait3A_72 = tpu.memref_slice %arg6[%arg0, %add3A_52, %dma_wait3A_71] : memref<2x10240x128xf32, #tpu.memory_space<hbm>> -> memref<1x128x128xf32, #tpu.memory_space<hbm>>
      %dma_wait3A_73 = tpu.memref_squeeze %dma_wait3A_72 : memref<1x128x128xf32, #tpu.memory_space<hbm>> -> memref<128x128xf32, #tpu.memory_space<hbm>>
      %dma_wait3A_74 = arith.constant 0 : i32
      %dma_wait3A_75 = tpu.memref_slice %arg6[%arg0, %add3A_52, %dma_wait3A_74] : memref<2x10240x128xf32, #tpu.memory_space<hbm>> -> memref<1x128x128xf32, #tpu.memory_space<hbm>>
      %dma_wait3A_76 = tpu.memref_squeeze %dma_wait3A_75 : memref<1x128x128xf32, #tpu.memory_space<hbm>> -> memref<128x128xf32, #tpu.memory_space<hbm>>
      %dma_wait3A_77 = arith.constant 0 : i32
      %dma_wait3A_78 = arith.constant 0 : i32
      %dma_wait3A_79 = tpu.memref_slice %arg9[%run_scoped3A_53, %dma_wait3A_77, %dma_wait3A_78] : memref<2x128x128xf32, #tpu.memory_space<vmem>> -> memref<1x128x128xf32, #tpu.memory_space<vmem>>
      %dma_wait3A_80 = tpu.memref_squeeze %dma_wait3A_79 : memref<1x128x128xf32, #tpu.memory_space<vmem>> -> memref<128x128xf32, #tpu.memory_space<vmem>>
      tpu.wait_dma2 semaphore(%run_scoped3A_54 : memref<!tpu.dma_semaphore, #tpu.memory_space<semaphore_mem>>) src(%dma_wait3A_80 : memref<128x128xf32, #tpu.memory_space<vmem>>) dst(%dma_wait3A_76 : memref<128x128xf32, #tpu.memory_space<hbm>>)
      tpu.yield
    }) : () -> ()
    return
  }
}

module attributes {stable_mosaic.version = 14 : i64} {
  func.func @_tc1_body(%arg0: i32, %arg1: memref<2x1000x128xf32, #tpu.memory_space<vmem>>, %arg2: memref<1x2x1000xf32, #tpu.memory_space<vmem>>, %arg3: memref<1000x128xf32, #tpu.memory_space<vmem>>, %arg4: memref<128x128xf32, #tpu.memory_space<vmem>>, %arg5: memref<128x128xf32, #tpu.memory_space<vmem>>, %arg6: memref<1x128xf32, #tpu.memory_space<vmem>>, %arg7: memref<128x64xf32, #tpu.memory_space<vmem>>, %arg8: memref<1x64xf32, #tpu.memory_space<vmem>>, %arg9: memref<1000x128xf32, #tpu.memory_space<vmem>>, %arg10: memref<1000x64xf32, #tpu.memory_space<vmem>>) attributes {dimension_semantics = [#tpu.dimension_semantics<arbitrary>], iteration_bounds = array<i64: 10>, scalar_prefetch = 0 : i64, scratch_operands = 0 : i64, tpu.core_type = #tpu.core_type<tc>, window_params = [{transform_indices = @transform_0, window_bounds = array<i64: 2, 1000, 128>}, {transform_indices = @transform_1, window_bounds = array<i64: 1, 2, 1000>}, {transform_indices = @transform_2, window_bounds = array<i64: 1000, 128>}, {pipeline_mode = #tpu.pipeline_mode<synchronous>, transform_indices = @transform_3, window_bounds = array<i64: 128, 128>}, {pipeline_mode = #tpu.pipeline_mode<synchronous>, transform_indices = @transform_4, window_bounds = array<i64: 128, 128>}, {pipeline_mode = #tpu.pipeline_mode<synchronous>, transform_indices = @transform_5, window_bounds = array<i64: 1, 128>}, {pipeline_mode = #tpu.pipeline_mode<synchronous>, transform_indices = @transform_6, window_bounds = array<i64: 128, 64>}, {pipeline_mode = #tpu.pipeline_mode<synchronous>, transform_indices = @transform_7, window_bounds = array<i64: 1, 64>}, {transform_indices = @transform_8, window_bounds = array<i64: 1000, 128>}, {transform_indices = @transform_9, window_bounds = array<i64: 1000, 64>}]} {
    %get3A = arith.constant 0 : index
    %get3A_0 = arith.constant 0 : index
    %get3A_1 = arith.constant 0 : index
    %get3A_2 = vector.load %arg2[%get3A, %get3A_0, %get3A_1] : memref<1x2x1000xf32, #tpu.memory_space<vmem>>, vector<1x1x1000xf32>
    %get3A_3 = vector.shape_cast %get3A_2 : vector<1x1x1000xf32> to vector<1000xf32>
    %get3A_4 = arith.constant 0 : index
    %get3A_5 = arith.constant 1 : index
    %get3A_6 = arith.constant 0 : index
    %get3A_7 = vector.load %arg2[%get3A_4, %get3A_5, %get3A_6] : memref<1x2x1000xf32, #tpu.memory_space<vmem>>, vector<1x1x1000xf32>
    %get3A_8 = vector.shape_cast %get3A_7 : vector<1x1x1000xf32> to vector<1000xf32>
    %add3A = arith.addf %get3A_3, %get3A_8 : vector<1000xf32>
    %max3A = arith.constant 1.000000e+00 : f32
    %max3A_9 = vector.broadcast %max3A : f32 to vector<1000xf32>
    %max3A_10 = arith.maximumf %add3A, %max3A_9 : vector<1000xf32>
    %div3A = arith.constant 1.000000e+00 : f32
    %div3A_11 = vector.broadcast %div3A : f32 to vector<1000xf32>
    %div3A_12 = arith.divf %div3A_11, %max3A_10 : vector<1000xf32>
    %get3A_13 = arith.constant 0 : index
    %get3A_14 = arith.constant 0 : index
    %get3A_15 = arith.constant 0 : index
    %get3A_16 = vector.load %arg1[%get3A_13, %get3A_14, %get3A_15] : memref<2x1000x128xf32, #tpu.memory_space<vmem>>, vector<1x1000x128xf32>
    %get3A_17 = vector.shape_cast %get3A_16 : vector<1x1000x128xf32> to vector<1000x128xf32>
    %get3A_18 = arith.constant 1 : index
    %get3A_19 = arith.constant 0 : index
    %get3A_20 = arith.constant 0 : index
    %get3A_21 = vector.load %arg1[%get3A_18, %get3A_19, %get3A_20] : memref<2x1000x128xf32, #tpu.memory_space<vmem>>, vector<1x1000x128xf32>
    %get3A_22 = vector.shape_cast %get3A_21 : vector<1x1000x128xf32> to vector<1000x128xf32>
    %add3A_23 = arith.addf %get3A_17, %get3A_22 : vector<1000x128xf32>
    %broadcast_in_dim3A = vector.shape_cast %div3A_12 : vector<1000xf32> to vector<1000x1xf32>
    %mul3A = vector.broadcast %broadcast_in_dim3A : vector<1000x1xf32> to vector<1000x128xf32>
    %mul3A_24 = arith.mulf %add3A_23, %mul3A : vector<1000x128xf32>
    %get3A_25 = arith.constant 0 : index
    %get3A_26 = arith.constant 0 : index
    %get3A_27 = vector.load %arg4[%get3A_25, %get3A_26] : memref<128x128xf32, #tpu.memory_space<vmem>>, vector<128x128xf32>
    %dot_general3A = arith.constant dense<0.000000e+00> : vector<1000x128xf32>
    %dot_general3A_28 = tpu.matmul %mul3A_24, %get3A_27, %dot_general3A {dimension_numbers = #tpu.dot_dimension_numbers<[1], [0], [0], [1], [0, 0, 1, 1], [], []>, transpose_lhs_hint = false} : vector<1000x128xf32>, vector<128x128xf32>, vector<1000x128xf32> -> vector<1000x128xf32>
    %get3A_29 = arith.constant 0 : index
    %get3A_30 = arith.constant 0 : index
    %get3A_31 = vector.load %arg3[%get3A_29, %get3A_30] : memref<1000x128xf32, #tpu.memory_space<vmem>>, vector<1000x128xf32>
    %get3A_32 = arith.constant 0 : index
    %get3A_33 = arith.constant 0 : index
    %get3A_34 = vector.load %arg5[%get3A_32, %get3A_33] : memref<128x128xf32, #tpu.memory_space<vmem>>, vector<128x128xf32>
    %dot_general3A_35 = arith.constant dense<0.000000e+00> : vector<1000x128xf32>
    %dot_general3A_36 = tpu.matmul %get3A_31, %get3A_34, %dot_general3A_35 {dimension_numbers = #tpu.dot_dimension_numbers<[1], [0], [0], [1], [0, 0, 1, 1], [], []>, transpose_lhs_hint = false} : vector<1000x128xf32>, vector<128x128xf32>, vector<1000x128xf32> -> vector<1000x128xf32>
    %add3A_37 = arith.addf %dot_general3A_28, %dot_general3A_36 : vector<1000x128xf32>
    %get3A_38 = arith.constant 0 : index
    %get3A_39 = arith.constant 0 : index
    %get3A_40 = vector.load %arg6[%get3A_38, %get3A_39] : memref<1x128xf32, #tpu.memory_space<vmem>>, vector<1x128xf32>
    %add3A_41 = vector.broadcast %get3A_40 : vector<1x128xf32> to vector<1000x128xf32>
    %add3A_42 = arith.addf %add3A_37, %add3A_41 : vector<1000x128xf32>
    %max3A_43 = arith.constant 0.000000e+00 : f32
    %max3A_44 = vector.broadcast %max3A_43 : f32 to vector<1000x128xf32>
    %max3A_45 = arith.maximumf %add3A_42, %max3A_44 : vector<1000x128xf32>
    %swap3A = arith.constant 0 : index
    %swap3A_46 = arith.constant 0 : index
    %swap3A_47 = vector.load %arg9[%swap3A, %swap3A_46] : memref<1000x128xf32, #tpu.memory_space<vmem>>, vector<1000x128xf32>
    tpu.vector_store %arg9[%swap3A, %swap3A_46], %max3A_45 {strides = array<i32>} : memref<1000x128xf32, #tpu.memory_space<vmem>>, vector<1000x128xf32>,
    %get3A_48 = arith.constant 0 : index
    %get3A_49 = arith.constant 0 : index
    %get3A_50 = vector.load %arg7[%get3A_48, %get3A_49] : memref<128x64xf32, #tpu.memory_space<vmem>>, vector<128x64xf32>
    %dot_general3A_51 = arith.constant dense<0.000000e+00> : vector<1000x64xf32>
    %dot_general3A_52 = tpu.matmul %max3A_45, %get3A_50, %dot_general3A_51 {dimension_numbers = #tpu.dot_dimension_numbers<[1], [0], [0], [1], [0, 0, 1, 1], [], []>, transpose_lhs_hint = false} : vector<1000x128xf32>, vector<128x64xf32>, vector<1000x64xf32> -> vector<1000x64xf32>
    %get3A_53 = arith.constant 0 : index
    %get3A_54 = arith.constant 0 : index
    %get3A_55 = vector.load %arg8[%get3A_53, %get3A_54] : memref<1x64xf32, #tpu.memory_space<vmem>>, vector<1x64xf32>
    %add3A_56 = vector.broadcast %get3A_55 : vector<1x64xf32> to vector<1000x64xf32>
    %add3A_57 = arith.addf %dot_general3A_52, %add3A_56 : vector<1000x64xf32>
    %swap3A_58 = arith.constant 0 : index
    %swap3A_59 = arith.constant 0 : index
    %swap3A_60 = vector.load %arg10[%swap3A_58, %swap3A_59] : memref<1000x64xf32, #tpu.memory_space<vmem>>, vector<1000x64xf32>
    tpu.vector_store %arg10[%swap3A_58, %swap3A_59], %add3A_57 {strides = array<i32>} : memref<1000x64xf32, #tpu.memory_space<vmem>>, vector<1000x64xf32>,
    return
  }
  func.func @transform_0(%arg0: i32) -> (i32, i32, i32) {
    %c0_i32 = arith.constant 0 : i32
    %c0_i32_0 = arith.constant 0 : i32
    %c0_i32_1 = arith.constant 0 : i32
    return %c0_i32, %arg0, %c0_i32_0 : i32, i32, i32
  }
  func.func @transform_1(%arg0: i32) -> (i32, i32, i32) {
    %c0_i32 = arith.constant 0 : i32
    %c0_i32_0 = arith.constant 0 : i32
    %c0_i32_1 = arith.constant 0 : i32
    return %arg0, %c0_i32, %c0_i32_0 : i32, i32, i32
  }
  func.func @transform_2(%arg0: i32) -> (i32, i32) {
    %c0_i32 = arith.constant 0 : i32
    %c0_i32_0 = arith.constant 0 : i32
    return %arg0, %c0_i32 : i32, i32
  }
  func.func @transform_3(%arg0: i32) -> (i32, i32) {
    %c0_i32 = arith.constant 0 : i32
    %c0_i32_0 = arith.constant 0 : i32
    %c0_i32_1 = arith.constant 0 : i32
    return %c0_i32, %c0_i32_0 : i32, i32
  }
  func.func @transform_4(%arg0: i32) -> (i32, i32) {
    %c0_i32 = arith.constant 0 : i32
    %c0_i32_0 = arith.constant 0 : i32
    %c0_i32_1 = arith.constant 0 : i32
    return %c0_i32, %c0_i32_0 : i32, i32
  }
  func.func @transform_5(%arg0: i32) -> (i32, i32) {
    %c0_i32 = arith.constant 0 : i32
    %c0_i32_0 = arith.constant 0 : i32
    %c0_i32_1 = arith.constant 0 : i32
    return %c0_i32, %c0_i32_0 : i32, i32
  }
  func.func @transform_6(%arg0: i32) -> (i32, i32) {
    %c0_i32 = arith.constant 0 : i32
    %c0_i32_0 = arith.constant 0 : i32
    %c0_i32_1 = arith.constant 0 : i32
    return %c0_i32, %c0_i32_0 : i32, i32
  }
  func.func @transform_7(%arg0: i32) -> (i32, i32) {
    %c0_i32 = arith.constant 0 : i32
    %c0_i32_0 = arith.constant 0 : i32
    %c0_i32_1 = arith.constant 0 : i32
    return %c0_i32, %c0_i32_0 : i32, i32
  }
  func.func @transform_8(%arg0: i32) -> (i32, i32) {
    %c0_i32 = arith.constant 0 : i32
    %c0_i32_0 = arith.constant 0 : i32
    return %arg0, %c0_i32 : i32, i32
  }
  func.func @transform_9(%arg0: i32) -> (i32, i32) {
    %c0_i32 = arith.constant 0 : i32
    %c0_i32_0 = arith.constant 0 : i32
    return %arg0, %c0_i32 : i32, i32
  }
}

module attributes {stable_mosaic.version = 14 : i64} {
  func.func @_tc2_body(%arg0: i32, %arg1: memref<2x1000x128xf32, #tpu.memory_space<vmem>>, %arg2: memref<1x2x1000xf32, #tpu.memory_space<vmem>>, %arg3: memref<128x64xf32, #tpu.memory_space<vmem>>, %arg4: memref<1000x64xf32, #tpu.memory_space<vmem>>, %arg5: memref<1000x64xf32, #tpu.memory_space<vmem>>, %arg6: memref<1000x64xf32, #tpu.memory_space<vmem>>) attributes {dimension_semantics = [#tpu.dimension_semantics<arbitrary>], iteration_bounds = array<i64: 10>, scalar_prefetch = 0 : i64, scratch_operands = 0 : i64, tpu.core_type = #tpu.core_type<tc>, window_params = [{transform_indices = @transform_0, window_bounds = array<i64: 2, 1000, 128>}, {transform_indices = @transform_1, window_bounds = array<i64: 1, 2, 1000>}, {pipeline_mode = #tpu.pipeline_mode<synchronous>, transform_indices = @transform_2, window_bounds = array<i64: 128, 64>}, {transform_indices = @transform_3, window_bounds = array<i64: 1000, 64>}, {transform_indices = @transform_4, window_bounds = array<i64: 1000, 64>}, {transform_indices = @transform_5, window_bounds = array<i64: 1000, 64>}]} {
    %get3A = arith.constant 0 : index
    %get3A_0 = arith.constant 0 : index
    %get3A_1 = arith.constant 0 : index
    %get3A_2 = vector.load %arg2[%get3A, %get3A_0, %get3A_1] : memref<1x2x1000xf32, #tpu.memory_space<vmem>>, vector<1x1x1000xf32>
    %get3A_3 = vector.shape_cast %get3A_2 : vector<1x1x1000xf32> to vector<1000xf32>
    %get3A_4 = arith.constant 0 : index
    %get3A_5 = arith.constant 1 : index
    %get3A_6 = arith.constant 0 : index
    %get3A_7 = vector.load %arg2[%get3A_4, %get3A_5, %get3A_6] : memref<1x2x1000xf32, #tpu.memory_space<vmem>>, vector<1x1x1000xf32>
    %get3A_8 = vector.shape_cast %get3A_7 : vector<1x1x1000xf32> to vector<1000xf32>
    %add3A = arith.addf %get3A_3, %get3A_8 : vector<1000xf32>
    %max3A = arith.constant 1.000000e+00 : f32
    %max3A_9 = vector.broadcast %max3A : f32 to vector<1000xf32>
    %max3A_10 = arith.maximumf %add3A, %max3A_9 : vector<1000xf32>
    %div3A = arith.constant 1.000000e+00 : f32
    %div3A_11 = vector.broadcast %div3A : f32 to vector<1000xf32>
    %div3A_12 = arith.divf %div3A_11, %max3A_10 : vector<1000xf32>
    %get3A_13 = arith.constant 0 : index
    %get3A_14 = arith.constant 0 : index
    %get3A_15 = arith.constant 0 : index
    %get3A_16 = vector.load %arg1[%get3A_13, %get3A_14, %get3A_15] : memref<2x1000x128xf32, #tpu.memory_space<vmem>>, vector<1x1000x128xf32>
    %get3A_17 = vector.shape_cast %get3A_16 : vector<1x1000x128xf32> to vector<1000x128xf32>
    %get3A_18 = arith.constant 1 : index
    %get3A_19 = arith.constant 0 : index
    %get3A_20 = arith.constant 0 : index
    %get3A_21 = vector.load %arg1[%get3A_18, %get3A_19, %get3A_20] : memref<2x1000x128xf32, #tpu.memory_space<vmem>>, vector<1x1000x128xf32>
    %get3A_22 = vector.shape_cast %get3A_21 : vector<1x1000x128xf32> to vector<1000x128xf32>
    %add3A_23 = arith.addf %get3A_17, %get3A_22 : vector<1000x128xf32>
    %broadcast_in_dim3A = vector.shape_cast %div3A_12 : vector<1000xf32> to vector<1000x1xf32>
    %mul3A = vector.broadcast %broadcast_in_dim3A : vector<1000x1xf32> to vector<1000x128xf32>
    %mul3A_24 = arith.mulf %add3A_23, %mul3A : vector<1000x128xf32>
    %get3A_25 = arith.constant 0 : index
    %get3A_26 = arith.constant 0 : index
    %get3A_27 = vector.load %arg3[%get3A_25, %get3A_26] : memref<128x64xf32, #tpu.memory_space<vmem>>, vector<128x64xf32>
    %dot_general3A = arith.constant dense<0.000000e+00> : vector<1000x64xf32>
    %dot_general3A_28 = tpu.matmul %mul3A_24, %get3A_27, %dot_general3A {dimension_numbers = #tpu.dot_dimension_numbers<[1], [0], [0], [1], [0, 0, 1, 1], [], []>, transpose_lhs_hint = false} : vector<1000x128xf32>, vector<128x64xf32>, vector<1000x64xf32> -> vector<1000x64xf32>
    %get3A_29 = arith.constant 0 : index
    %get3A_30 = arith.constant 0 : index
    %get3A_31 = vector.load %arg4[%get3A_29, %get3A_30] : memref<1000x64xf32, #tpu.memory_space<vmem>>, vector<1000x64xf32>
    %add3A_32 = arith.addf %dot_general3A_28, %get3A_31 : vector<1000x64xf32>
    %reduce_max3A = arith.constant dense<0xFF800000> : vector<1000xf32>
    %reduce_max3A_33 = vector.multi_reduction <maximumf>, %add3A_32, %reduce_max3A [1] : vector<1000x64xf32> to vector<1000xf32>
    %broadcast_in_dim3A_34 = vector.shape_cast %reduce_max3A_33 : vector<1000xf32> to vector<1000x1xf32>
    %sub3A = vector.broadcast %broadcast_in_dim3A_34 : vector<1000x1xf32> to vector<1000x64xf32>
    %sub3A_35 = arith.subf %add3A_32, %sub3A : vector<1000x64xf32>
    %exp3A = math.exp %sub3A_35 : vector<1000x64xf32>
    %reduce_sum3A = arith.constant dense<0.000000e+00> : vector<1000xf32>
    %reduce_sum3A_36 = vector.multi_reduction <add>, %exp3A, %reduce_sum3A [1] : vector<1000x64xf32> to vector<1000xf32>
    %broadcast_in_dim3A_37 = vector.shape_cast %reduce_sum3A_36 : vector<1000xf32> to vector<1000x1xf32>
    %div3A_38 = vector.broadcast %broadcast_in_dim3A_37 : vector<1000x1xf32> to vector<1000x64xf32>
    %div3A_39 = arith.divf %exp3A, %div3A_38 : vector<1000x64xf32>
    %swap3A = arith.constant 0 : index
    %swap3A_40 = arith.constant 0 : index
    %swap3A_41 = vector.load %arg5[%swap3A, %swap3A_40] : memref<1000x64xf32, #tpu.memory_space<vmem>>, vector<1000x64xf32>
    tpu.vector_store %arg5[%swap3A, %swap3A_40], %div3A_39 {strides = array<i32>} : memref<1000x64xf32, #tpu.memory_space<vmem>>, vector<1000x64xf32>,
    %swap3A_42 = arith.constant 0 : index
    %swap3A_43 = arith.constant 0 : index
    %swap3A_44 = vector.load %arg6[%swap3A_42, %swap3A_43] : memref<1000x64xf32, #tpu.memory_space<vmem>>, vector<1000x64xf32>
    tpu.vector_store %arg6[%swap3A_42, %swap3A_43], %add3A_32 {strides = array<i32>} : memref<1000x64xf32, #tpu.memory_space<vmem>>, vector<1000x64xf32>,
    return
  }
  func.func @transform_0(%arg0: i32) -> (i32, i32, i32) {
    %c0_i32 = arith.constant 0 : i32
    %c0_i32_0 = arith.constant 0 : i32
    %c0_i32_1 = arith.constant 0 : i32
    return %c0_i32, %arg0, %c0_i32_0 : i32, i32, i32
  }
  func.func @transform_1(%arg0: i32) -> (i32, i32, i32) {
    %c0_i32 = arith.constant 0 : i32
    %c0_i32_0 = arith.constant 0 : i32
    %c0_i32_1 = arith.constant 0 : i32
    return %arg0, %c0_i32, %c0_i32_0 : i32, i32, i32
  }
  func.func @transform_2(%arg0: i32) -> (i32, i32) {
    %c0_i32 = arith.constant 0 : i32
    %c0_i32_0 = arith.constant 0 : i32
    %c0_i32_1 = arith.constant 0 : i32
    return %c0_i32, %c0_i32_0 : i32, i32
  }
  func.func @transform_3(%arg0: i32) -> (i32, i32) {
    %c0_i32 = arith.constant 0 : i32
    %c0_i32_0 = arith.constant 0 : i32
    return %arg0, %c0_i32 : i32, i32
  }
  func.func @transform_4(%arg0: i32) -> (i32, i32) {
    %c0_i32 = arith.constant 0 : i32
    %c0_i32_0 = arith.constant 0 : i32
    return %arg0, %c0_i32 : i32, i32
  }
  func.func @transform_5(%arg0: i32) -> (i32, i32) {
    %c0_i32 = arith.constant 0 : i32
    %c0_i32_0 = arith.constant 0 : i32
    return %arg0, %c0_i32 : i32, i32
  }
}

</mosaic_0001>

<sc_bundles>
// kernel: kernel.6.cloned.1.call-start
scs
__scs_entry_jumppad:
0x0: {  	(pc) =	sbr.rel $0x88, $3  }
0x1: {  	(tag) =	ssettag $0x0;
	lr =	simm.s32 $0x1  }
0x2: {  	[smem:$0x3F99] =	sst lr;
	_ =	strace $0xD0000000  }
0x3: {  	_ = 	snop  }
0x4: {  	_ = 	snop  }
0x5: {  	_ = 	snop  }
0x6: {  	_ = 	snop  }
0x7: {  	_ = 	snop  }
__scs_overlays_trampoline_lowered:
0x8: {  	[smem:$0x3FA8] =	sst s0  }
0x9: {  	[smem:$0x3FA9] =	sst s1  }
0xa: {  	[smem:$0x3FAA] =	sst s2  }
0xb: {  	[smem:$0x3FAB] =	sst s3  }
0xc: {  	[smem:$0x3FAC] =	sst s4  }
0xd: {  	[smem:$0x3FAD] =	sst s5  }
0xe: {  	[smem:$0x3FAE] =	sst s6  }
0xf: {  	[smem:$0x3FAF] =	sst s7  }
0x10: {  	[smem:$0x3FB0] =	sst s8  }
0x11: {  	[smem:$0x3FB1] =	sst s9;
	s0 =	simm.s32 @!p0 $0x0  }
0x12: {  	s1 =	sld [smem:$0x3F97];
	s0 =	simm.s32 @p0 $0x1  }
0x13: {  	[smem:$0x3FB2] =	sst s0;
	s0 =	simm.s32 @!p1 $0x0  }
0x14: {  	s2 =	sld [smem:$0x3F96];
	s0 =	simm.s32 @p1 $0x1  }
0x15: {  	[smem:$0x3FB3] =	sst s0;
	s0 =	simm.s32 @!p2 $0x0  }
0x16: {  	s3 =	sld [smem:$0x3FDB];
	s0 =	simm.s32 @p2 $0x1  }
0x17: {  	s4 =	simm.s32 $0x1BF5;
	[smem:$0x3FB5] =	sst s0  }
0x18: {  	s0 =	sld [smem:$0x3F98];
	_ =	swait.ge [sflag:s4], $0x0  }
0x19: {  	s7 =	sld [smem:$0x3F99]  }
0x1a: {  	s8 =	sadd.s32 $0xFFFFE003, lr  }
0x1b: {  	s9 =	sadd.s32 $0xFFFFFEF7, lr;
	s5 =	simm.s32 $0xFFFFFFFF;
	p2 =	slt.u32 s8, $0xFFFFF086  }
0x1c: {  	p1 =	slt.u32 s9, $0xF7A;
	s5 =	simm.s32 @!p2 $0x0  }
0x1d: {  	s5 =	simm.s32 @p1 $0x1;
	p0 =	seq.s32 s7, s2  }
0x1e: {  	s7 =	smul.u32 @!p0 $0xF7A, s2;
	p2 =	seq.s32 @!p0 s5, $0x0  }
0x1f: {  	s9 =	smul.u32 $0xF7A, s1;
	s8 =	simm.s32 @!p0 $0x1BF5;
	p2 =	por !p2, p0  }
0x20: {  	[sflag:s8] =	ssyncset.s32 @!p0 $0xFFFFF086;
	s6 =	sadd.s32 @!p0 s3, s7;
	s7 =	simm.s32 @!p0 $0x108  }
0x21: {  	s3 =	sadd.s32 s3, s9;
	s6 =	sadd.s32 @!p0 $0x88, s6;
	s7 =	simm.s32 @p2 $0x1082  }
0x22: {  	[simem:s7], [sflag:s8] =	dma.local @!p0 [hbm:s6], $0xF7A  }
0x23: {  	s9 =	sor.u32 $0xD0000000, s2;
	s6 =	simm.s32 $0x108;
	_ =	swait.ge @!p0 [sflag:s8], $0x0  }
0x24: {  	s3 =	sadd.s32 $0x88, s3;
	s6 =	simm.s32 @!p1 $0x1082;
	[sflag:s4] =	ssyncset.s32 $0xFFFFF086  }
0x25: {  	[simem:s6], [sflag:s4] =	dma.local [hbm:s3], $0xF7A  }
0x26: {  	[smem:$0x3F99] =	sst s1;
	(tag) =	ssettag s2;
	_ =	strace s9  }
0x27: {  	s1 =	sld [smem:$0x3FA9]  }
0x28: {  	s2 =	sld [smem:$0x3FAA]  }
0x29: {  	s4 =	sld [smem:$0x3FAC]  }
0x2a: {  	p0 =	seq.s32 s5, $0x0;
	s5 =	sld [smem:$0x3FAD]  }
0x2b: {  	s6 =	sld [smem:$0x3FAE]  }
0x2c: {  	s7 =	sld [smem:$0x3FAF]  }
0x2d: {  	s3 =	simm.s32 $0x108;
	s8 =	sld [smem:$0x3FB0]  }
0x2e: {  	s3 =	simm.s32 @!p0 $0x1082;
	s9 =	sld [smem:$0x3FB1]  }
0x2f: {  	lr =	sadd.s32 s0, s3;
	s0 =	sld [smem:$0x3FA8]  }
0x30: {  	s3 =	sld [smem:$0x3FAB]  }
0x31: {  	[smem:$0x3FB4] =	sst s10  }
0x32: {  	s10 =	sld [smem:$0x3FB2];
	_ =	sdelay $0x3  }
0x33: {  	p0 =	seq.s32 s10, $0x1;
	s10 =	sld [smem:$0x3FB4];
	_ =	sdelay $0x3  }
0x34: {  	[smem:$0x3FB4] =	sst s10  }
0x35: {  	s10 =	sld [smem:$0x3FB3];
	_ =	sdelay $0x3  }
0x36: {  	p1 =	seq.s32 s10, $0x1;
	s10 =	sld [smem:$0x3FB4];
	_ =	sdelay $0x3  }
0x37: {  	[smem:$0x3FB4] =	sst s10  }
0x38: {  	s10 =	sld [smem:$0x3FB5]  }
0x39: {  	_ = 	snop;
	(pc) =	sbr.ind lr, $3  }
0x3a: {  	_ = 	snop  }
0x3b: {  	_ = 	snop  }
0x3c: {  	p2 =	seq.s32 s10, $0x1;
	s10 =	sld [smem:$0x3FB4]  }
0x3d: {  	_ =	shalt  }
0x3e: {  	_ =	shalt  }
0x3f: {  	_ =	shalt  }
0x40: {  	_ =	shalt  }
0x41: {  	_ =	shalt  }
0x42: {  	_ =	shalt  }
0x43: {  	_ =	shalt  }
0x44: {  	_ =	shalt  }
0x45: {  	_ =	shalt  }
0x46: {  	_ =	shalt  }
0x47: {  	_ =	shalt  }
0x48: {  	_ =	shalt  }
0x49: {  	_ =	shalt  }
0x4a: {  	_ =	shalt  }
0x4b: {  	_ =	shalt  }
0x4c: {  	_ =	shalt  }
0x4d: {  	_ =	shalt  }
0x4e: {  	_ =	shalt  }
0x4f: {  	_ =	shalt  }
0x50: {  	_ =	shalt  }
0x51: {  	_ =	shalt  }
0x52: {  	_ =	shalt  }
0x53: {  	_ =	shalt  }
0x54: {  	_ =	shalt  }
0x55: {  	_ =	shalt  }
0x56: {  	_ =	shalt  }
0x57: {  	_ =	shalt  }
0x58: {  	_ =	shalt  }
0x59: {  	_ =	shalt  }
0x5a: {  	_ =	shalt  }
0x5b: {  	_ =	shalt  }
0x5c: {  	_ =	shalt  }
0x5d: {  	_ =	shalt  }
0x5e: {  	_ =	shalt  }
0x5f: {  	_ =	shalt  }
0x60: {  	_ =	shalt  }
0x61: {  	_ =	shalt  }
0x62: {  	_ =	shalt  }
0x63: {  	_ =	shalt  }
0x64: {  	_ =	shalt  }
0x65: {  	_ =	shalt  }
0x66: {  	_ =	shalt  }
0x67: {  	_ =	shalt  }
0x68: {  	_ =	shalt  }
0x69: {  	_ =	shalt  }
0x6a: {  	_ =	shalt  }
0x6b: {  	_ =	shalt  }
0x6c: {  	_ =	shalt  }
0x6d: {  	_ =	shalt  }
0x6e: {  	_ =	shalt  }
0x6f: {  	_ =	shalt  }
0x70: {  	_ =	shalt  }
0x71: {  	_ =	shalt  }
0x72: {  	_ =	shalt  }
0x73: {  	_ =	shalt  }
0x74: {  	_ =	shalt  }
0x75: {  	_ =	shalt  }
0x76: {  	_ =	shalt  }
0x77: {  	_ =	shalt  }
0x78: {  	_ =	shalt  }
0x79: {  	_ =	shalt  }
0x7a: {  	_ =	shalt  }
0x7b: {  	_ =	shalt  }
0x7c: {  	_ =	shalt  }
0x7d: {  	_ =	shalt  }
0x7e: {  	_ =	shalt  }
0x7f: {  	_ =	shalt  }
0x80: {  	_ =	shalt  }
0x81: {  	_ =	shalt  }
0x82: {  	_ =	shalt  }
0x83: {  	_ =	shalt  }
0x84: {  	_ =	shalt  }
0x85: {  	_ =	shalt  }
0x86: {  	_ =	shalt  }
0x87: {  	_ =	shalt  }
.Lfunc_end0:
.L_simem_size_0:
called_computation_lowered:
.L_overlay_start_0:
0x88: {  	s2 =	sld [smem:$0x3FD9]  }
0x89: {  	s3 =	sld [smem:$0x3FFE];
	_ =	sdelay $0x1  }
0x8a: {  	s1 =	srdreg.scid  }
0x8b: {  	s0 =	sand.u32 $0x1, s1  }
0x8c: {  	s14 =	sshll.u32 s0, $0xA;
	s2 =	sadd.s32 s3, s2  }
0x8d: {  	s2 =	sadd.s32 s2, s14  }
0x8e: {  	[smem:$0x3FC0] =	sst s2  }
0x8f: {  	_ = 	snop  }
0x90: {  	s2 =	sld [smem:$0x3FD0];
	_ =	sdelay $0x2  }
0x91: {  	s4 =	simm.s32 $0xA;
	s5 =	simm.s32 $0x10;
	s15 =	sld [smem:$0x3FC9]  }
0x92: {  	[smem:s5], [sflag:s4] =	dma.local [hbm:s2], $0x1  }
0x93: {  	_ =	swait.eq [sflag:s4], $0x1  }
0x94: {  	[sflag:s4] =	ssyncset.done $0x0  }
0x95: {  	s16 =	sld [smem:$0x10];
	[sflag:s4] =	ssyncadd.s32 $0xFFFFFFFF  }
0x96: {  	s17 =	sld [smem:$0x11];
	(tm) =	ssettm $0x1  }
0x97: {  	s18 =	sld [smem:$0x3FFB];
	_ =	sdelay $0x3  }
0x98: {  	_ =	strace s18  }
0x99: {  	s5 =	sld [smem:$0x3FFC];
	_ =	sdelay $0x3  }
0x9a: {  	_ =	strace s5  }
0x9b: {  	s5 =	sld [smem:$0x3FFD];
	_ =	sdelay $0x3  }
0x9c: {  	_ =	strace s5  }
0x9d: {  	_ =	strace $0x8FFFFFFF  }
0x9e: {  	s19 =	sld [smem:$0x3FDB];
	_ =	sdelay $0x1  }
0x9f: {  	s6 =	simm.s32 $_scs_section_size  }
0xa0: {  	s7 =	simm.s32 $_size__tile_overlayer_lowered;
	s8 =	simm.s32 $_tile_overlayer_lowered  }
0xa1: {  	s22 =	simm.s32 $0x1BFF;
	s21 =	sshll.u32 s8, $0x1;
	s5 =	sadd.s32 s6, s19  }
0xa2: {  	s9 =	simm.s32 $0x0;
	s20 =	sshll.u32 s7, $0x1;
	s7 =	sadd.s32 s21, s5  }
0xa3: {  	[timem:s9], [sflag:s22] =	dma.local [hbm:s7], s20  }
0xa4: {  	_ =	swait.ge [sflag:s22], s20  }
0xa5: {  	s6 =	ssub.s32 $0x0, s20;
	[sflag:s22] =	ssyncset.done $0x0  }
0xa6: {  	[sflag:s22] =	ssyncadd.s32 s6;
	_ =	sdelay $0x1  }
0xa7: {  	s23 =	simm.s32 $0x1B8B  }
0xa8: {  	_ =	swait.ge [sflag:s23], $0x1  }
0xa9: {  	[sflag:s23] =	ssyncset.done $0x0  }
0xaa: {  	s25 =	simm.s32 $0x1B8E;
	s24 =	sld [smem:$0x3FFE];
	[sflag:s23] =	ssyncadd.s32 $0xFFFFFFFF  }
0xab: {  	s26 =	simm.s32 $execute0_lowered;
	[smem:$0x3FD2] =	sst s25  }
0xac: {  	s7 =	sshll.u32 s26, $0x1;
	_ =	strace $0x80000046;
	[dreg:$0x1] =	wrdreg $0xFFFFFFFF  }
0xad: {  	s28 =	simm.s32 $_size_execute0_lowered;
	s5 =	sadd.s32 s5, s7;
	[dreg:$0x0] =	wrdreg $0x0  }
0xae: {  	s7 =	sshll.u32 s28, $0x1;
	[dreg:$0x2] =	wrdreg s5  }
0xaf: {  	[dreg:$0x3] =	wrdreg s7  }
0xb0: {  	[dreg:$0x4] =	wrdreg $0xC0  }
0xb1: {  	_ =	task [dreg:s9], $0x5FFFF  }
0xb2: {  	[dreg:$0x1] =	wrdreg $0xFFFFFFFF  }
0xb3: {  	[dreg:$0x0] =	wrdreg $0x60  }
0xb4: {  	[dreg:$0x2] =	wrdreg s15  }
0xb5: {  	[dreg:$0x3] =	wrdreg s16  }
0xb6: {  	[dreg:$0x4] =	wrdreg s17  }
0xb7: {  	[dreg:$0x5] =	wrdreg s24  }
0xb8: {  	[dreg:$0x6] =	wrdreg $0x8B000  }
0xb9: {  	[dreg:$0x7] =	wrdreg $0x1CB000  }
0xba: {  	[dreg:$0x8] =	wrdreg $0x9  }
0xbb: {  	_ =	task.clear_ibuf [dreg:s9], $0x9FFFF;
	_ =	strace $0x90000046  }
0xbc: {  	s29 =	simm.s32 $0x9;
	_ =	strace $0x80000048  }
0xbd: {  	_ =	swait.ge [sflag:s29], $0x1  }
0xbe: {  	[sflag:s29] =	ssyncadd.s32 $0xFFFFFFFF  }
0xbf: {  	_ =	strace $0x90000048  }
0xc0: {  	_ =	sfence  }
0xc1: {  	s30 =	sld [smem:$0x0];
	_ =	sdelay $0x2  }
0xc2: {  	s31 =	sshll.u32 s1, $0xD;
	s1 =	sshrl.u32 s1, $0x2  }
0xc3: {  	s3 =	sand.u32 $0x4000, s31;
	s1 =	sadd.s32 s1, s30  }
0xc4: {  	s0 =	sor.u32 s3, s0;
	s1 =	sshll.u32 s1, $0x11  }
0xc5: {  	s0 =	sor.u32 s1, s0  }
0xc6: {  	s0 =	sadd.s32 $0x8F2B, s0  }
0xc7: {  	[sflag:s0] =	ssyncadd.remote.s32 $0x1  }
0xc8: {  	_ =	sfence.sel $0xFFFF  }
0xc9: {  	[dreg:$0x0] =	wrdreg $0xFFFFFFFF;
	(pc) =	sbr.abs _section_cstart, $3  }
0xca: {  	[dreg:$0x1] =	wrdreg $0xFFFFFFFF  }
0xcb: {  	_ =	task.clear_ibuf [dreg:s9], $0x2FFFF;
	_ =	strace $0x9FFFFFFF  }
0xcc: {  	(tm) =	ssettm $0x7FFFFFFF  }
0xcd: {  	_ =	shalt  }
tec
execute0_lowered:
.L_overlay_start_1:
0x0: {  	(tag) =	ssettag $0x1  }
0x1: {  	s1 =	rddreg [dreg:$0x0]  }
0x2: {  	s0 =	rddreg [dreg:$0x1]  }
0x3: {  	s2 =	rddreg [dreg:$0x2]  }
0x4: {  	s6 =	rddreg [dreg:$0x3]  }
0x5: {  	s3 =	rddreg [dreg:$0x4]  }
0x6: {  	s4 =	rddreg [dreg:$0x5]  }
0x7: {  	s7 =	srdreg.scid;
	s17 =	stileid.u32;
	s5 =	simm.s32 $0x0  }
0x8: {  	s28 =	simm.s32 $0x8800;
	s29 =	simm.s32 $0x4800;
	s8 =	smul.u32 $0x500, s17  }
0x9: {  	s30 =	simm.s32 $0x480;
	s31 =	simm.s32 $0x2;
	s10 =	smul.u32 $0x280, s17  }
0xa: {  	s7 =	sand.u32 $0x1, s7;
	[smem:$0x7FF] =	sst s5;
	s21 =	smul.u32 $0x50000, s17  }
0xb: {  	s11 =	sadd.s32 $0x2000, s6;
	s12 =	sadd.s32 $0x3200, s6;
	s17 =	smul.u32 $0x14000, s17  }
0xc: {  	s9 =	sshll.u32 s7, $0x7;
	_ =	strace $0x80000047;
	s15 =	smul.u32 $0x140000, s7  }
0xd: {  	[dreg:$0x8] =	wrdreg s11;
	s22 =	ssub.s32 $0x2, s7;
	s7 =	smul.u32 $0x5000, s7  }
0xe: {  	s9 =	sor.u32 s9, s8;
	s13 =	sshrl.u32 s22, $0x1;
	s11 =	sshrl.u32 s21, $0x2  }
0xf: {  	s14 =	sshll.u32 s10, $0x7;
	s10 =	sadd.s32 s10, s4;
	s9 =	sshrl.u32 s9, $0x3  }
0x10: {  	s18 =	sadd.s32 s11, s3;
	s23 =	sadd.s32 $0x4000, s14;
	s25 =	sadd.s32 $0x8000, s14  }
0x11: {  	s16 =	sadd.s32 $0xC000, s14;
	s14 =	sadd.s32 $0x10000, s14;
	[dreg:$0xe] =	wrdreg s10  }
0x12: {  	s26 =	sadd.s32 s17, s15;
	s2 =	sadd.s32 s7, s2;
	s0 =	sadd.s32 s7, s0  }
0x13: {  	s7 =	simm.s32 $0x780;
	s6 =	sadd.s32 s9, s6;
	s9 =	ssub.s32 s22, s13  }
0x14: {  	s24 =	sadd.s32 s23, s3;
	s20 =	sadd.s32 s25, s3;
	s21 =	sadd.s32 s16, s3  }
0x15: {  	s22 =	sadd.s32 s14, s3;
	s11 =	sadd.s32 s15, s23;
	s10 =	sshrl.u32 s26, $0x3  }
0x16: {  	s13 =	sadd.s32 s15, s25;
	s23 =	sadd.s32 s15, s14;
	[dreg:$0xa] =	wrdreg s24  }
0x17: {  	s2 =	sadd.s32 s8, s2;
	s14 =	simm.s32 $0x200;
	[dreg:$0xd] =	wrdreg s22  }
0x18: {  	s11 =	sshrl.u32 s11, $0x3;
	s10 =	sadd.s32 s12, s10;
	s19 =	sshrl.u32 s13, $0x3  }
0x19: {  	s22 =	sadd.s32 s15, s16;
	s25 =	sshrl.u32 s23, $0x3;
	s6 =	sadd.s32 $0x2800, s6  }
0x1a: {  	s26 =	smax.u32 s9, $0x1;
	s9 =	smov.u32 s18;
	[dreg:$0x7] =	wrdreg s2  }
0x1b: {  	s2 =	simm.s32 $0x500;
	s13 =	simm.s32 $0x580;
	s15 =	simm.s32 $0x600  }
0x1c: {  	s16 =	simm.s32 $0x280;
	s18 =	simm.s32 $0x300;
	[dreg:$0xf] =	wrdreg s10  }
0x1d: {  	s23 =	simm.s32 $0x380;
	s17 =	sadd.s32 s12, s11;
	[dreg:$0x14] =	wrdreg s6  }
0x1e: {  	s10 =	sadd.s32 s12, s19;
	s24 =	sshrl.u32 s22, $0x3;
	[dreg:$0x15] =	wrdreg s26  }
0x1f: {  	s11 =	sadd.s32 s12, s25;
	s22 =	simm.s32 $0x4;
	[dreg:$0x9] =	wrdreg s9  }
0x20: {  	s25 =	simm.s32 $0x80;
	s26 =	simm.s32 $0x1;
	[dreg:$0x10] =	wrdreg s17  }
0x21: {  	s6 =	simm.s32 $0x100;
	s19 =	simm.s32 $0x700;
	[dreg:$0x11] =	wrdreg s10  }
0x22: {  	s10 =	sadd.s32 s12, s24;
	[dreg:$0x13] =	wrdreg s11;
	s11 =	smov.u32 s20  }
0x23: {  	s20 =	sadd.s32 s8, s0;
	s0 =	simm.s32 $0x0;
	[dreg:$0x12] =	wrdreg s10  }
0x24: {  	s12 =	smov.u32 s21;
	s21 =	simm.s32 $0x800;
	[dreg:$0x16] =	wrdreg s0  }
0x25: {  	s24 =	simm.s32 $0x400;
	s17 =	simm.s32 $0x680;
	[dreg:$0xb] =	wrdreg s11  }
0x26: {  	v0 =	vimm.f32 $0.0e+00;
	v1 =	vimm.f32 $1.000000000e+00;
	s8 =	simm.s32 $0x3;
	s10 =	simm.s32 $0x8880;
	[dreg:$0xc] =	wrdreg s12  }
.LBB2_1:
0x27: {  	s0 =	rddreg [dreg:$0x8]  }
0x28: {  	[tilespmem:s21], [sflag:$0x4] =	stream.linear.gather [hbm4b:s0+s5], $0x4000, $0x38;
	[tilespmem:$0x1CD80] =	vst v63  }
0x29: {  	_ =	swait.ge [sflag:s22], $0x4000  }
0x2a: {  	[sflag:s22] =	ssyncset.done $0x0  }
0x2b: {  	[sflag:s22] =	ssyncadd.s32 $0xFFFFC000  }
0x2c: {  	[spmem:s9] =	stream.linear.scatter [tilespmem:s21], [sflag:$0x4], $0x4000, $0x38;
	[tilespmem:$0x1CD80] =	vst v63  }
0x2d: {  	_ =	swait.ge [sflag:s22], $0x4000  }
0x2e: {  	[sflag:s22] =	ssyncset.done $0x0  }
0x2f: {  	s9 =	rddreg [dreg:$0xa];
	[sflag:s22] =	ssyncadd.s32 $0xFFFFC000  }
0x30: {  	[spmem:s9] =	stream.linear.scatter [tilespmem:s21], [sflag:$0x4], $0x4000, $0x38;
	[tilespmem:$0x1CD80] =	vst v63  }
0x31: {  	_ =	swait.ge [sflag:s22], $0x4000  }
0x32: {  	[sflag:s22] =	ssyncset.done $0x0  }
0x33: {  	[sflag:s22] =	ssyncadd.s32 $0xFFFFC000  }
0x34: {  	[spmem:s11] =	stream.linear.scatter [tilespmem:s21], [sflag:$0x4], $0x4000, $0x38;
	[tilespmem:$0x1CD80] =	vst v63  }
0x35: {  	_ =	swait.ge [sflag:s22], $0x4000  }
0x36: {  	[sflag:s22] =	ssyncset.done $0x0  }
0x37: {  	[sflag:s22] =	ssyncadd.s32 $0xFFFFC000  }
0x38: {  	[spmem:s12] =	stream.linear.scatter [tilespmem:s21], [sflag:$0x4], $0x4000, $0x38;
	[tilespmem:$0x1CD80] =	vst v63  }
0x39: {  	_ =	swait.ge [sflag:s22], $0x4000  }
0x3a: {  	[sflag:s22] =	ssyncset.done $0x0  }
0x3b: {  	s11 =	rddreg [dreg:$0xd];
	[sflag:s22] =	ssyncadd.s32 $0xFFFFC000  }
0x3c: {  	[spmem:s11] =	stream.linear.scatter [tilespmem:s21], [sflag:$0x4], $0x4000, $0x38;
	[tilespmem:$0x1CD80] =	vst v63  }
0x3d: {  	_ =	swait.ge [sflag:s22], $0x4000  }
0x3e: {  	[sflag:s22] =	ssyncset.done $0x0  }
0x3f: {  	[sflag:s22] =	ssyncadd.s32 $0xFFFFC000  }
0x40: {  	[tilespmem:$0x8880] =	vst v0  }
0x41: {  	[tilespmem:$0x8890] =	vst v0  }
0x42: {  	[tilespmem:$0x88A0] =	vst v0  }
0x43: {  	[tilespmem:$0x88B0] =	vst v0  }
0x44: {  	[tilespmem:$0x88C0] =	vst v0  }
0x45: {  	[tilespmem:$0x88D0] =	vst v0  }
0x46: {  	[tilespmem:$0x88E0] =	vst v0  }
0x47: {  	[tilespmem:$0x88F0] =	vst v0  }
0x48: {  	[tilespmem:$0x8900] =	vst v0  }
0x49: {  	[tilespmem:$0x8910] =	vst v0  }
0x4a: {  	[tilespmem:$0x8920] =	vst v0  }
0x4b: {  	[tilespmem:$0x8930] =	vst v0  }
0x4c: {  	[tilespmem:$0x8940] =	vst v0  }
0x4d: {  	[tilespmem:$0x8950] =	vst v0  }
0x4e: {  	[tilespmem:$0x8960] =	vst v0  }
0x4f: {  	[tilespmem:$0x8970] =	vst v0  }
0x50: {  	[tilespmem:$0x8980] =	vst v0  }
0x51: {  	[tilespmem:$0x8990] =	vst v0  }
0x52: {  	[tilespmem:$0x89A0] =	vst v0  }
0x53: {  	[tilespmem:$0x89B0] =	vst v0  }
0x54: {  	[tilespmem:$0x89C0] =	vst v0  }
0x55: {  	[tilespmem:$0x89D0] =	vst v0  }
0x56: {  	[tilespmem:$0x89E0] =	vst v0  }
0x57: {  	[tilespmem:$0x89F0] =	vst v0  }
0x58: {  	[tilespmem:$0x8A00] =	vst v0  }
0x59: {  	[tilespmem:$0x8A10] =	vst v0  }
0x5a: {  	[tilespmem:$0x8A20] =	vst v0  }
0x5b: {  	[tilespmem:$0x8A30] =	vst v0  }
0x5c: {  	[tilespmem:$0x8A40] =	vst v0  }
0x5d: {  	[tilespmem:$0x8A50] =	vst v0  }
0x5e: {  	[tilespmem:$0x8A60] =	vst v0  }
0x5f: {  	[tilespmem:$0x8A70] =	vst v0  }
0x60: {  	[tilespmem:$0x8A80] =	vst v0  }
0x61: {  	[tilespmem:$0x8A90] =	vst v0  }
0x62: {  	[tilespmem:$0x8AA0] =	vst v0  }
0x63: {  	[tilespmem:$0x8AB0] =	vst v0  }
0x64: {  	[tilespmem:$0x8AC0] =	vst v0  }
0x65: {  	[tilespmem:$0x8AD0] =	vst v0  }
0x66: {  	[tilespmem:$0x8AE0] =	vst v0  }
0x67: {  	s12 =	rddreg [dreg:$0xe];
	[tilespmem:$0x8AF0] =	vst v0  }
0x68: {  	[spmem:s12] =	stream.linear.scatter [tilespmem:s10], [sflag:$0x4], $0x280, $0x38;
	[tilespmem:$0x1CD80] =	vst v63  }
0x69: {  	_ =	swait.ge [sflag:s22], $0x280  }
0x6a: {  	[sflag:s22] =	ssyncset.done $0x0  }
0x6b: {  	[sflag:s22] =	ssyncadd.s32 $0xFFFFFD80  }
0x6c: {  	[tilespmem:$0x8800] =	vst v1  }
0x6d: {  	[tilespmem:$0x8810] =	vst v1  }
0x6e: {  	[tilespmem:$0x8820] =	vst v1  }
0x6f: {  	[tilespmem:$0x8830] =	vst v1  }
0x70: {  	[tilespmem:$0x8840] =	vst v1  }
0x71: {  	[tilespmem:$0x8850] =	vst v1  }
0x72: {  	[tilespmem:$0x8860] =	vst v1  }
0x73: {  	[tilespmem:$0x8870] =	vst v1  }
0x74: {  	s9 =	sadd.s32 $0x0, s20;
	[bflag:$0x0] =	sbarrier.arrive $0xFFFF  }
0x75: {  	[tilespmem:s5], [sflag:$0x4] =	stream.linear.gather [hbm4b:s9+s5], $0x400, $0x38;
	[tilespmem:$0x1CD80] =	vst v63  }
0x76: {  	_ =	swait.ge [sflag:s22], $0x400  }
0x77: {  	s11 =	rddreg [dreg:$0x7];
	[sflag:s22] =	ssyncset.done $0x0  }
0x78: {  	[sflag:s22] =	ssyncadd.s32 $0xFFFFFC00;
	s10 =	sadd.s32 $0x0, s11  }
0x79: {  	[tilespmem:s24], [sflag:$0x4] =	stream.linear.gather [hbm4b:s10+s5], $0x400, $0x38;
	[tilespmem:$0x1CD80] =	vst v63  }
0x7a: {  	_ =	swait.ge [sflag:s22], $0x400  }
0x7b: {  	[sflag:s22] =	ssyncset.done $0x0  }
0x7c: {  	[sflag:s22] =	ssyncadd.s32 $0xFFFFFC00  }
0x7d: {  	[tilespmem:s21], [sflag:$0x1] =	stream.indirect.gather [hbm4b:s1+s25], $0x80, s5, s25, $0xb8;
	[tilespmem:$0x1CD80] =	vst v63  }
0x7e: {  	_ =	swait.ge [sflag:s26], $0x4000  }
0x7f: {  	[sflag:s26] =	ssyncset.done $0x0  }
0x80: {  	[sflag:s26] =	ssyncadd.s32 $0xFFFFC000  }
0x81: {  	[spmem:s3] =	stream.indirect.scatter.add.f32 [tilespmem:s21], [sflag:$0x2], $0x80, s24, s25, $0xb8;
	[tilespmem:$0x1CD80] =	vst v63  }
0x82: {  	_ = 	snop  }
0x83: {  	[spmem:s4] =	stream.indirect.scatter.add.f32 [tilespmem:s28], [sflag:$0x3], $0x1, s24, s25, $0xb8;
	[tilespmem:$0x1CD80] =	vst v63  }
0x84: {  	_ = 	snop  }
0x85: {  	[tilespmem:s29], [sflag:$0x1] =	stream.indirect.gather [hbm4b:s1+s25], $0x80, s25, s25, $0xb8;
	[tilespmem:$0x1CD80] =	vst v63  }
0x86: {  	_ =	swait.ge [sflag:s26], $0x4000  }
0x87: {  	[sflag:s26] =	ssyncset.done $0x0  }
0x88: {  	[sflag:s26] =	ssyncadd.s32 $0xFFFFC000  }
0x89: {  	[spmem:s3] =	stream.indirect.scatter.add.f32 [tilespmem:s29], [sflag:$0x2], $0x80, s30, s25, $0xb8;
	[tilespmem:$0x1CD80] =	vst v63  }
0x8a: {  	_ = 	snop  }
0x8b: {  	[spmem:s4] =	stream.indirect.scatter.add.f32 [tilespmem:s28], [sflag:$0x3], $0x1, s30, s25, $0xb8;
	[tilespmem:$0x1CD80] =	vst v63  }
0x8c: {  	_ =	swait.ge [sflag:s31], $0x4000  }
0x8d: {  	[sflag:s31] =	ssyncset.done $0x0  }
0x8e: {  	[sflag:s31] =	ssyncadd.s32 $0xFFFFC000  }
0x8f: {  	[tilespmem:s21], [sflag:$0x1] =	stream.indirect.gather [hbm4b:s1+s25], $0x80, s6, s25, $0xb8;
	[tilespmem:$0x1CD80] =	vst v63  }
0x90: {  	_ =	swait.ge [sflag:s26], $0x4000  }
0x91: {  	[sflag:s26] =	ssyncset.done $0x0  }
0x92: {  	[sflag:s26] =	ssyncadd.s32 $0xFFFFC000  }
0x93: {  	[spmem:s3] =	stream.indirect.scatter.add.f32 [tilespmem:s21], [sflag:$0x2], $0x80, s2, s25, $0xb8;
	[tilespmem:$0x1CD80] =	vst v63  }
0x94: {  	_ = 	snop  }
0x95: {  	[spmem:s4] =	stream.indirect.scatter.add.f32 [tilespmem:s28], [sflag:$0x3], $0x1, s2, s25, $0xb8;
	[tilespmem:$0x1CD80] =	vst v63  }
0x96: {  	_ =	swait.ge [sflag:s31], $0x4000  }
0x97: {  	[sflag:s31] =	ssyncset.done $0x0  }
0x98: {  	s12 =	simm.s32 $0x180;
	[sflag:s31] =	ssyncadd.s32 $0xFFFFC000  }
0x99: {  	[tilespmem:s29], [sflag:$0x1] =	stream.indirect.gather [hbm4b:s1+s25], $0x80, s12, s25, $0xb8;
	[tilespmem:$0x1CD80] =	vst v63  }
0x9a: {  	_ =	swait.ge [sflag:s26], $0x4000  }
0x9b: {  	[sflag:s26] =	ssyncset.done $0x0  }
0x9c: {  	[sflag:s26] =	ssyncadd.s32 $0xFFFFC000  }
0x9d: {  	[spmem:s3] =	stream.indirect.scatter.add.f32 [tilespmem:s29], [sflag:$0x2], $0x80, s13, s25, $0xb8;
	[tilespmem:$0x1CD80] =	vst v63  }
0x9e: {  	_ = 	snop  }
0x9f: {  	[spmem:s4] =	stream.indirect.scatter.add.f32 [tilespmem:s28], [sflag:$0x3], $0x1, s13, s25, $0xb8;
	[tilespmem:$0x1CD80] =	vst v63  }
0xa0: {  	_ =	swait.ge [sflag:s31], $0x4000  }
0xa1: {  	[sflag:s31] =	ssyncset.done $0x0  }
0xa2: {  	[sflag:s31] =	ssyncadd.s32 $0xFFFFC000  }
0xa3: {  	[tilespmem:s21], [sflag:$0x1] =	stream.indirect.gather [hbm4b:s1+s25], $0x80, s14, s25, $0xb8;
	[tilespmem:$0x1CD80] =	vst v63  }
0xa4: {  	_ =	swait.ge [sflag:s26], $0x4000  }
0xa5: {  	[sflag:s26] =	ssyncset.done $0x0  }
0xa6: {  	[sflag:s26] =	ssyncadd.s32 $0xFFFFC000  }
0xa7: {  	[spmem:s3] =	stream.indirect.scatter.add.f32 [tilespmem:s21], [sflag:$0x2], $0x80, s15, s25, $0xb8;
	[tilespmem:$0x1CD80] =	vst v63  }
0xa8: {  	_ = 	snop  }
0xa9: {  	[spmem:s4] =	stream.indirect.scatter.add.f32 [tilespmem:s28], [sflag:$0x3], $0x1, s15, s25, $0xb8;
	[tilespmem:$0x1CD80] =	vst v63  }
0xaa: {  	_ =	swait.ge [sflag:s31], $0x4000  }
0xab: {  	[sflag:s31] =	ssyncset.done $0x0  }
0xac: {  	[sflag:s31] =	ssyncadd.s32 $0xFFFFC000  }
0xad: {  	[tilespmem:s29], [sflag:$0x1] =	stream.indirect.gather [hbm4b:s1+s25], $0x80, s16, s25, $0xb8;
	[tilespmem:$0x1CD80] =	vst v63  }
0xae: {  	_ =	swait.ge [sflag:s26], $0x4000  }
0xaf: {  	[sflag:s26] =	ssyncset.done $0x0  }
0xb0: {  	[sflag:s26] =	ssyncadd.s32 $0xFFFFC000  }
0xb1: {  	[spmem:s3] =	stream.indirect.scatter.add.f32 [tilespmem:s29], [sflag:$0x2], $0x80, s17, s25, $0xb8;
	[tilespmem:$0x1CD80] =	vst v63  }
0xb2: {  	_ = 	snop  }
0xb3: {  	[spmem:s4] =	stream.indirect.scatter.add.f32 [tilespmem:s28], [sflag:$0x3], $0x1, s17, s25, $0xb8;
	[tilespmem:$0x1CD80] =	vst v63  }
0xb4: {  	_ =	swait.ge [sflag:s31], $0x4000  }
0xb5: {  	[sflag:s31] =	ssyncset.done $0x0  }
0xb6: {  	[sflag:s31] =	ssyncadd.s32 $0xFFFFC000  }
0xb7: {  	[tilespmem:s21], [sflag:$0x1] =	stream.indirect.gather [hbm4b:s1+s25], $0x80, s18, s25, $0xb8;
	[tilespmem:$0x1CD80] =	vst v63  }
0xb8: {  	_ =	swait.ge [sflag:s26], $0x4000  }
0xb9: {  	[sflag:s26] =	ssyncset.done $0x0  }
0xba: {  	[sflag:s26] =	ssyncadd.s32 $0xFFFFC000  }
0xbb: {  	[spmem:s3] =	stream.indirect.scatter.add.f32 [tilespmem:s21], [sflag:$0x2], $0x80, s19, s25, $0xb8;
	[tilespmem:$0x1CD80] =	vst v63  }
0xbc: {  	_ = 	snop  }
0xbd: {  	[spmem:s4] =	stream.indirect.scatter.add.f32 [tilespmem:s28], [sflag:$0x3], $0x1, s19, s25, $0xb8;
	[tilespmem:$0x1CD80] =	vst v63  }
0xbe: {  	_ =	swait.ge [sflag:s31], $0x4000  }
0xbf: {  	[sflag:s31] =	ssyncset.done $0x0  }
0xc0: {  	[sflag:s31] =	ssyncadd.s32 $0xFFFFC000  }
0xc1: {  	[tilespmem:s29], [sflag:$0x1] =	stream.indirect.gather [hbm4b:s1+s25], $0x80, s23, s25, $0xb8;
	[tilespmem:$0x1CD80] =	vst v63  }
0xc2: {  	_ =	swait.ge [sflag:s26], $0x4000  }
0xc3: {  	[sflag:s26] =	ssyncset.done $0x0  }
0xc4: {  	[sflag:s26] =	ssyncadd.s32 $0xFFFFC000  }
0xc5: {  	[spmem:s3] =	stream.indirect.scatter.add.f32 [tilespmem:s29], [sflag:$0x2], $0x80, s7, s25, $0xb8;
	[tilespmem:$0x1CD80] =	vst v63  }
0xc6: {  	_ = 	snop  }
0xc7: {  	[spmem:s4] =	stream.indirect.scatter.add.f32 [tilespmem:s28], [sflag:$0x3], $0x1, s7, s25, $0xb8;
	[tilespmem:$0x1CD80] =	vst v63  }
0xc8: {  	_ =	swait.ge [sflag:s31], $0x4000  }
0xc9: {  	[sflag:s31] =	ssyncset.done $0x0  }
0xca: {  	[sflag:s31] =	ssyncadd.s32 $0xFFFFC000  }
0xcb: {  	_ =	swait.ge [sflag:s31], $0x4000  }
0xcc: {  	[sflag:s31] =	ssyncset.done $0x0  }
0xcd: {  	[sflag:s31] =	ssyncadd.s32 $0xFFFFC000  }
0xce: {  	_ =	swait.ge [sflag:s8], $0x80  }
0xcf: {  	[sflag:s8] =	ssyncset.done $0x0  }
0xd0: {  	[sflag:s8] =	ssyncadd.s32 $0xFFFFFF80  }
0xd1: {  	_ =	swait.ge [sflag:s8], $0x80  }
0xd2: {  	[sflag:s8] =	ssyncset.done $0x0  }
0xd3: {  	[sflag:s8] =	ssyncadd.s32 $0xFFFFFF80  }
0xd4: {  	_ =	swait.ge [sflag:s8], $0x80  }
0xd5: {  	[sflag:s8] =	ssyncset.done $0x0  }
0xd6: {  	[sflag:s8] =	ssyncadd.s32 $0xFFFFFF80  }
0xd7: {  	_ =	swait.ge [sflag:s8], $0x80  }
0xd8: {  	[sflag:s8] =	ssyncset.done $0x0  }
0xd9: {  	[sflag:s8] =	ssyncadd.s32 $0xFFFFFF80  }
0xda: {  	_ =	swait.ge [sflag:s8], $0x80  }
0xdb: {  	[sflag:s8] =	ssyncset.done $0x0  }
0xdc: {  	[sflag:s8] =	ssyncadd.s32 $0xFFFFFF80  }
0xdd: {  	_ =	swait.ge [sflag:s8], $0x80  }
0xde: {  	[sflag:s8] =	ssyncset.done $0x0  }
0xdf: {  	[sflag:s8] =	ssyncadd.s32 $0xFFFFFF80  }
0xe0: {  	_ =	swait.ge [sflag:s8], $0x80  }
0xe1: {  	[sflag:s8] =	ssyncset.done $0x0  }
0xe2: {  	[sflag:s8] =	ssyncadd.s32 $0xFFFFFF80  }
0xe3: {  	_ =	swait.ge [sflag:s8], $0x80  }
0xe4: {  	s11 =	simm.s32 $0x100;
	s10 =	simm.s32 $0x80;
	[sflag:s8] =	ssyncset.done $0x0  }
.LBB2_2:
0xe5: {  	s9 =	sadd.s32 s10, s20;
	[sflag:s8] =	ssyncadd.s32 $0xFFFFFF80  }
0xe6: {  	[tilespmem:s5], [sflag:$0x4] =	stream.linear.gather [hbm4b:s9+s5], $0x400, $0x38;
	[tilespmem:$0x1CD80] =	vst v63  }
0xe7: {  	s0 =	smov.u32 s11;
	s12 =	sadd.s32 $0x80, s11;
	_ =	swait.ge [sflag:s22], $0x400  }
0xe8: {  	p0 =	sne.s32 s11, $0x480;
	s11 =	rddreg [dreg:$0x7];
	[sflag:s22] =	ssyncset.done $0x0  }
0xe9: {  	[sflag:s22] =	ssyncadd.s32 $0xFFFFFC00;
	s9 =	sadd.s32 s10, s11  }
0xea: {  	[tilespmem:s24], [sflag:$0x4] =	stream.linear.gather [hbm4b:s9+s5], $0x400, $0x38;
	[tilespmem:$0x1CD80] =	vst v63  }
0xeb: {  	_ =	swait.ge [sflag:s22], $0x400  }
0xec: {  	[sflag:s22] =	ssyncset.done $0x0  }
0xed: {  	[sflag:s22] =	ssyncadd.s32 $0xFFFFFC00  }
0xee: {  	[tilespmem:s21], [sflag:$0x1] =	stream.indirect.gather [hbm4b:s1+s25], $0x80, s5, s25, $0xb8;
	[tilespmem:$0x1CD80] =	vst v63  }
0xef: {  	_ =	swait.ge [sflag:s26], $0x4000  }
0xf0: {  	[sflag:s26] =	ssyncset.done $0x0  }
0xf1: {  	[sflag:s26] =	ssyncadd.s32 $0xFFFFC000  }
0xf2: {  	[spmem:s3] =	stream.indirect.scatter.add.f32 [tilespmem:s21], [sflag:$0x2], $0x80, s24, s25, $0xb8;
	[tilespmem:$0x1CD80] =	vst v63  }
0xf3: {  	_ = 	snop  }
0xf4: {  	[spmem:s4] =	stream.indirect.scatter.add.f32 [tilespmem:s28], [sflag:$0x3], $0x1, s24, s25, $0xb8;
	[tilespmem:$0x1CD80] =	vst v63  }
0xf5: {  	_ = 	snop  }
0xf6: {  	[tilespmem:s29], [sflag:$0x1] =	stream.indirect.gather [hbm4b:s1+s25], $0x80, s25, s25, $0xb8;
	[tilespmem:$0x1CD80] =	vst v63  }
0xf7: {  	_ =	swait.ge [sflag:s26], $0x4000  }
0xf8: {  	[sflag:s26] =	ssyncset.done $0x0  }
0xf9: {  	[sflag:s26] =	ssyncadd.s32 $0xFFFFC000  }
0xfa: {  	[spmem:s3] =	stream.indirect.scatter.add.f32 [tilespmem:s29], [sflag:$0x2], $0x80, s30, s25, $0xb8;
	[tilespmem:$0x1CD80] =	vst v63  }
0xfb: {  	_ = 	snop  }
0xfc: {  	[spmem:s4] =	stream.indirect.scatter.add.f32 [tilespmem:s28], [sflag:$0x3], $0x1, s30, s25, $0xb8;
	[tilespmem:$0x1CD80] =	vst v63  }
0xfd: {  	_ =	swait.ge [sflag:s31], $0x4000  }
0xfe: {  	[sflag:s31] =	ssyncset.done $0x0  }
0xff: {  	[sflag:s31] =	ssyncadd.s32 $0xFFFFC000  }
0x100: {  	[tilespmem:s21], [sflag:$0x1] =	stream.indirect.gather [hbm4b:s1+s25], $0x80, s6, s25, $0xb8;
	[tilespmem:$0x1CD80] =	vst v63  }
0x101: {  	_ =	swait.ge [sflag:s26], $0x4000  }
0x102: {  	[sflag:s26] =	ssyncset.done $0x0  }
0x103: {  	[sflag:s26] =	ssyncadd.s32 $0xFFFFC000  }
0x104: {  	[spmem:s3] =	stream.indirect.scatter.add.f32 [tilespmem:s21], [sflag:$0x2], $0x80, s2, s25, $0xb8;
	[tilespmem:$0x1CD80] =	vst v63  }
0x105: {  	_ = 	snop  }
0x106: {  	[spmem:s4] =	stream.indirect.scatter.add.f32 [tilespmem:s28], [sflag:$0x3], $0x1, s2, s25, $0xb8;
	[tilespmem:$0x1CD80] =	vst v63  }
0x107: {  	_ =	swait.ge [sflag:s31], $0x4000  }
0x108: {  	[sflag:s31] =	ssyncset.done $0x0  }
0x109: {  	s11 =	simm.s32 $0x180;
	[sflag:s31] =	ssyncadd.s32 $0xFFFFC000  }
0x10a: {  	[tilespmem:s29], [sflag:$0x1] =	stream.indirect.gather [hbm4b:s1+s25], $0x80, s11, s25, $0xb8;
	[tilespmem:$0x1CD80] =	vst v63  }
0x10b: {  	_ =	swait.ge [sflag:s26], $0x4000  }
0x10c: {  	[sflag:s26] =	ssyncset.done $0x0  }
0x10d: {  	[sflag:s26] =	ssyncadd.s32 $0xFFFFC000  }
0x10e: {  	[spmem:s3] =	stream.indirect.scatter.add.f32 [tilespmem:s29], [sflag:$0x2], $0x80, s13, s25, $0xb8;
	[tilespmem:$0x1CD80] =	vst v63  }
0x10f: {  	_ = 	snop  }
0x110: {  	[spmem:s4] =	stream.indirect.scatter.add.f32 [tilespmem:s28], [sflag:$0x3], $0x1, s13, s25, $0xb8;
	[tilespmem:$0x1CD80] =	vst v63  }
0x111: {  	_ =	swait.ge [sflag:s31], $0x4000  }
0x112: {  	[sflag:s31] =	ssyncset.done $0x0  }
0x113: {  	[sflag:s31] =	ssyncadd.s32 $0xFFFFC000  }
0x114: {  	[tilespmem:s21], [sflag:$0x1] =	stream.indirect.gather [hbm4b:s1+s25], $0x80, s14, s25, $0xb8;
	[tilespmem:$0x1CD80] =	vst v63  }
0x115: {  	_ =	swait.ge [sflag:s26], $0x4000  }
0x116: {  	[sflag:s26] =	ssyncset.done $0x0  }
0x117: {  	[sflag:s26] =	ssyncadd.s32 $0xFFFFC000  }
0x118: {  	[spmem:s3] =	stream.indirect.scatter.add.f32 [tilespmem:s21], [sflag:$0x2], $0x80, s15, s25, $0xb8;
	[tilespmem:$0x1CD80] =	vst v63  }
0x119: {  	_ = 	snop  }
0x11a: {  	[spmem:s4] =	stream.indirect.scatter.add.f32 [tilespmem:s28], [sflag:$0x3], $0x1, s15, s25, $0xb8;
	[tilespmem:$0x1CD80] =	vst v63  }
0x11b: {  	_ =	swait.ge [sflag:s31], $0x4000  }
0x11c: {  	[sflag:s31] =	ssyncset.done $0x0  }
0x11d: {  	[sflag:s31] =	ssyncadd.s32 $0xFFFFC000  }
0x11e: {  	[tilespmem:s29], [sflag:$0x1] =	stream.indirect.gather [hbm4b:s1+s25], $0x80, s16, s25, $0xb8;
	[tilespmem:$0x1CD80] =	vst v63  }
0x11f: {  	_ =	swait.ge [sflag:s26], $0x4000  }
0x120: {  	[sflag:s26] =	ssyncset.done $0x0  }
0x121: {  	[sflag:s26] =	ssyncadd.s32 $0xFFFFC000  }
0x122: {  	[spmem:s3] =	stream.indirect.scatter.add.f32 [tilespmem:s29], [sflag:$0x2], $0x80, s17, s25, $0xb8;
	[tilespmem:$0x1CD80] =	vst v63  }
0x123: {  	_ = 	snop  }
0x124: {  	[spmem:s4] =	stream.indirect.scatter.add.f32 [tilespmem:s28], [sflag:$0x3], $0x1, s17, s25, $0xb8;
	[tilespmem:$0x1CD80] =	vst v63  }
0x125: {  	_ =	swait.ge [sflag:s31], $0x4000  }
0x126: {  	[sflag:s31] =	ssyncset.done $0x0  }
0x127: {  	[sflag:s31] =	ssyncadd.s32 $0xFFFFC000  }
0x128: {  	[tilespmem:s21], [sflag:$0x1] =	stream.indirect.gather [hbm4b:s1+s25], $0x80, s18, s25, $0xb8;
	[tilespmem:$0x1CD80] =	vst v63  }
0x129: {  	_ =	swait.ge [sflag:s26], $0x4000  }
0x12a: {  	[sflag:s26] =	ssyncset.done $0x0  }
0x12b: {  	[sflag:s26] =	ssyncadd.s32 $0xFFFFC000  }
0x12c: {  	[spmem:s3] =	stream.indirect.scatter.add.f32 [tilespmem:s21], [sflag:$0x2], $0x80, s19, s25, $0xb8;
	[tilespmem:$0x1CD80] =	vst v63  }
0x12d: {  	_ = 	snop  }
0x12e: {  	[spmem:s4] =	stream.indirect.scatter.add.f32 [tilespmem:s28], [sflag:$0x3], $0x1, s19, s25, $0xb8;
	[tilespmem:$0x1CD80] =	vst v63  }
0x12f: {  	_ =	swait.ge [sflag:s31], $0x4000  }
0x130: {  	[sflag:s31] =	ssyncset.done $0x0  }
0x131: {  	[sflag:s31] =	ssyncadd.s32 $0xFFFFC000  }
0x132: {  	[tilespmem:s29], [sflag:$0x1] =	stream.indirect.gather [hbm4b:s1+s25], $0x80, s23, s25, $0xb8;
	[tilespmem:$0x1CD80] =	vst v63  }
0x133: {  	_ =	swait.ge [sflag:s26], $0x4000  }
0x134: {  	[sflag:s26] =	ssyncset.done $0x0  }
0x135: {  	[sflag:s26] =	ssyncadd.s32 $0xFFFFC000  }
0x136: {  	[spmem:s3] =	stream.indirect.scatter.add.f32 [tilespmem:s29], [sflag:$0x2], $0x80, s7, s25, $0xb8;
	[tilespmem:$0x1CD80] =	vst v63  }
0x137: {  	_ = 	snop  }
0x138: {  	[spmem:s4] =	stream.indirect.scatter.add.f32 [tilespmem:s28], [sflag:$0x3], $0x1, s7, s25, $0xb8;
	[tilespmem:$0x1CD80] =	vst v63  }
0x139: {  	_ =	swait.ge [sflag:s31], $0x4000  }
0x13a: {  	[sflag:s31] =	ssyncset.done $0x0  }
0x13b: {  	[sflag:s31] =	ssyncadd.s32 $0xFFFFC000  }
0x13c: {  	_ =	swait.ge [sflag:s31], $0x4000  }
0x13d: {  	[sflag:s31] =	ssyncset.done $0x0  }
0x13e: {  	[sflag:s31] =	ssyncadd.s32 $0xFFFFC000  }
0x13f: {  	_ =	swait.ge [sflag:s8], $0x80  }
0x140: {  	[sflag:s8] =	ssyncset.done $0x0  }
0x141: {  	[sflag:s8] =	ssyncadd.s32 $0xFFFFFF80  }
0x142: {  	_ =	swait.ge [sflag:s8], $0x80  }
0x143: {  	[sflag:s8] =	ssyncset.done $0x0  }
0x144: {  	[sflag:s8] =	ssyncadd.s32 $0xFFFFFF80  }
0x145: {  	_ =	swait.ge [sflag:s8], $0x80  }
0x146: {  	[sflag:s8] =	ssyncset.done $0x0  }
0x147: {  	[sflag:s8] =	ssyncadd.s32 $0xFFFFFF80  }
0x148: {  	_ =	swait.ge [sflag:s8], $0x80  }
0x149: {  	[sflag:s8] =	ssyncset.done $0x0  }
0x14a: {  	[sflag:s8] =	ssyncadd.s32 $0xFFFFFF80  }
0x14b: {  	_ =	swait.ge [sflag:s8], $0x80  }
0x14c: {  	[sflag:s8] =	ssyncset.done $0x0  }
0x14d: {  	[sflag:s8] =	ssyncadd.s32 $0xFFFFFF80  }
0x14e: {  	_ =	swait.ge [sflag:s8], $0x80  }
0x14f: {  	[sflag:s8] =	ssyncset.done $0x0  }
0x150: {  	[sflag:s8] =	ssyncadd.s32 $0xFFFFFF80  }
.Ltmp0:
0x151: {  	_ =	swait.ge [sflag:s8], $0x80;
	(pc) =	sbr.rel @p0 .LBB2_2-.Ltmp0, $4  }
0x152: {  	[sflag:s8] =	ssyncset.done $0x0  }
0x153: {  	[sflag:s8] =	ssyncadd.s32 $0xFFFFFF80  }
0x154: {  	_ =	swait.ge [sflag:s8], $0x80  }
0x155: {  	s10 =	smov.u32 s0;
	s11 =	smov.u32 s12;
	[sflag:s8] =	ssyncset.done $0x0  }
0x156: {  	s0 =	sadd.s32 s10, s20;
	[sflag:s8] =	ssyncadd.s32 $0xFFFFFF80  }
0x157: {  	[tilespmem:s5], [sflag:$0x4] =	stream.linear.gather [hbm4b:s0+s5], $0x400, $0x38;
	[tilespmem:$0x1CD80] =	vst v63  }
0x158: {  	_ =	swait.ge [sflag:s22], $0x400  }
0x159: {  	s12 =	rddreg [dreg:$0x7];
	[sflag:s22] =	ssyncset.done $0x0  }
0x15a: {  	s0 =	sadd.s32 s10, s12;
	[sflag:s22] =	ssyncadd.s32 $0xFFFFFC00  }
0x15b: {  	[tilespmem:s24], [sflag:$0x4] =	stream.linear.gather [hbm4b:s0+s5], $0x400, $0x38;
	[tilespmem:$0x1CD80] =	vst v63  }
0x15c: {  	_ =	swait.ge [sflag:s22], $0x400  }
0x15d: {  	[sflag:s22] =	ssyncset.done $0x0  }
0x15e: {  	[sflag:s22] =	ssyncadd.s32 $0xFFFFFC00  }
0x15f: {  	[tilespmem:s21], [sflag:$0x1] =	stream.indirect.gather [hbm4b:s1+s25], $0x80, s5, s25, $0xb8;
	[tilespmem:$0x1CD80] =	vst v63  }
0x160: {  	_ =	swait.ge [sflag:s26], $0x4000  }
0x161: {  	[sflag:s26] =	ssyncset.done $0x0  }
0x162: {  	[sflag:s26] =	ssyncadd.s32 $0xFFFFC000  }
0x163: {  	[spmem:s3] =	stream.indirect.scatter.add.f32 [tilespmem:s21], [sflag:$0x2], $0x80, s24, s25, $0xb8;
	[tilespmem:$0x1CD80] =	vst v63  }
0x164: {  	_ = 	snop  }
0x165: {  	[spmem:s4] =	stream.indirect.scatter.add.f32 [tilespmem:s28], [sflag:$0x3], $0x1, s24, s25, $0xb8;
	[tilespmem:$0x1CD80] =	vst v63  }
0x166: {  	_ = 	snop  }
0x167: {  	[tilespmem:s29], [sflag:$0x1] =	stream.indirect.gather [hbm4b:s1+s25], $0x80, s25, s25, $0xb8;
	[tilespmem:$0x1CD80] =	vst v63  }
0x168: {  	_ =	swait.ge [sflag:s26], $0x4000  }
0x169: {  	[sflag:s26] =	ssyncset.done $0x0  }
0x16a: {  	[sflag:s26] =	ssyncadd.s32 $0xFFFFC000  }
0x16b: {  	[spmem:s3] =	stream.indirect.scatter.add.f32 [tilespmem:s29], [sflag:$0x2], $0x80, s30, s25, $0xb8;
	[tilespmem:$0x1CD80] =	vst v63  }
0x16c: {  	_ = 	snop  }
0x16d: {  	[spmem:s4] =	stream.indirect.scatter.add.f32 [tilespmem:s28], [sflag:$0x3], $0x1, s30, s25, $0xb8;
	[tilespmem:$0x1CD80] =	vst v63  }
0x16e: {  	_ =	swait.ge [sflag:s31], $0x4000  }
0x16f: {  	[sflag:s31] =	ssyncset.done $0x0  }
0x170: {  	s6 =	simm.s32 $0x100;
	[sflag:s31] =	ssyncadd.s32 $0xFFFFC000  }
0x171: {  	[tilespmem:s21], [sflag:$0x1] =	stream.indirect.gather [hbm4b:s1+s25], $0x80, s6, s25, $0xb8;
	[tilespmem:$0x1CD80] =	vst v63  }
0x172: {  	_ =	swait.ge [sflag:s26], $0x4000  }
0x173: {  	[sflag:s26] =	ssyncset.done $0x0  }
0x174: {  	[sflag:s26] =	ssyncadd.s32 $0xFFFFC000  }
0x175: {  	[spmem:s3] =	stream.indirect.scatter.add.f32 [tilespmem:s21], [sflag:$0x2], $0x80, s2, s25, $0xb8;
	[tilespmem:$0x1CD80] =	vst v63  }
0x176: {  	_ = 	snop  }
0x177: {  	[spmem:s4] =	stream.indirect.scatter.add.f32 [tilespmem:s28], [sflag:$0x3], $0x1, s2, s25, $0xb8;
	[tilespmem:$0x1CD80] =	vst v63  }
0x178: {  	_ =	swait.ge [sflag:s31], $0x4000  }
0x179: {  	[sflag:s31] =	ssyncset.done $0x0  }
0x17a: {  	s9 =	simm.s32 $0x180;
	[sflag:s31] =	ssyncadd.s32 $0xFFFFC000  }
0x17b: {  	[tilespmem:s29], [sflag:$0x1] =	stream.indirect.gather [hbm4b:s1+s25], $0x80, s9, s25, $0xb8;
	[tilespmem:$0x1CD80] =	vst v63  }
0x17c: {  	_ =	swait.ge [sflag:s26], $0x4000  }
0x17d: {  	[sflag:s26] =	ssyncset.done $0x0  }
0x17e: {  	[sflag:s26] =	ssyncadd.s32 $0xFFFFC000  }
0x17f: {  	[spmem:s3] =	stream.indirect.scatter.add.f32 [tilespmem:s29], [sflag:$0x2], $0x80, s13, s25, $0xb8;
	[tilespmem:$0x1CD80] =	vst v63  }
0x180: {  	_ = 	snop  }
0x181: {  	[spmem:s4] =	stream.indirect.scatter.add.f32 [tilespmem:s28], [sflag:$0x3], $0x1, s13, s25, $0xb8;
	[tilespmem:$0x1CD80] =	vst v63  }
0x182: {  	_ =	swait.ge [sflag:s31], $0x4000  }
0x183: {  	[sflag:s31] =	ssyncset.done $0x0  }
0x184: {  	[sflag:s31] =	ssyncadd.s32 $0xFFFFC000  }
0x185: {  	[tilespmem:s21], [sflag:$0x1] =	stream.indirect.gather [hbm4b:s1+s25], $0x80, s14, s25, $0xb8;
	[tilespmem:$0x1CD80] =	vst v63  }
0x186: {  	_ =	swait.ge [sflag:s26], $0x4000  }
0x187: {  	[sflag:s26] =	ssyncset.done $0x0  }
0x188: {  	[sflag:s26] =	ssyncadd.s32 $0xFFFFC000  }
0x189: {  	[spmem:s3] =	stream.indirect.scatter.add.f32 [tilespmem:s21], [sflag:$0x2], $0x80, s15, s25, $0xb8;
	[tilespmem:$0x1CD80] =	vst v63  }
0x18a: {  	_ = 	snop  }
0x18b: {  	[spmem:s4] =	stream.indirect.scatter.add.f32 [tilespmem:s28], [sflag:$0x3], $0x1, s15, s25, $0xb8;
	[tilespmem:$0x1CD80] =	vst v63  }
0x18c: {  	_ =	swait.ge [sflag:s31], $0x4000  }
0x18d: {  	[sflag:s31] =	ssyncset.done $0x0  }
0x18e: {  	[sflag:s31] =	ssyncadd.s32 $0xFFFFC000  }
0x18f: {  	[tilespmem:s29], [sflag:$0x1] =	stream.indirect.gather [hbm4b:s1+s25], $0x80, s16, s25, $0xb8;
	[tilespmem:$0x1CD80] =	vst v63  }
0x190: {  	_ =	swait.ge [sflag:s26], $0x4000  }
0x191: {  	[sflag:s26] =	ssyncset.done $0x0  }
0x192: {  	[sflag:s26] =	ssyncadd.s32 $0xFFFFC000  }
0x193: {  	[spmem:s3] =	stream.indirect.scatter.add.f32 [tilespmem:s29], [sflag:$0x2], $0x80, s17, s25, $0xb8;
	[tilespmem:$0x1CD80] =	vst v63  }
0x194: {  	_ = 	snop  }
0x195: {  	[spmem:s4] =	stream.indirect.scatter.add.f32 [tilespmem:s28], [sflag:$0x3], $0x1, s17, s25, $0xb8;
	[tilespmem:$0x1CD80] =	vst v63  }
0x196: {  	_ =	swait.ge [sflag:s31], $0x4000  }
0x197: {  	[sflag:s31] =	ssyncset.done $0x0  }
0x198: {  	[sflag:s31] =	ssyncadd.s32 $0xFFFFC000  }
0x199: {  	[tilespmem:s21], [sflag:$0x1] =	stream.indirect.gather [hbm4b:s1+s25], $0x80, s18, s25, $0xb8;
	[tilespmem:$0x1CD80] =	vst v63  }
0x19a: {  	_ =	swait.ge [sflag:s26], $0x4000  }
0x19b: {  	[sflag:s26] =	ssyncset.done $0x0  }
0x19c: {  	[sflag:s26] =	ssyncadd.s32 $0xFFFFC000  }
0x19d: {  	[spmem:s3] =	stream.indirect.scatter.add.f32 [tilespmem:s21], [sflag:$0x2], $0x80, s19, s25, $0xb8;
	[tilespmem:$0x1CD80] =	vst v63  }
0x19e: {  	_ = 	snop  }
0x19f: {  	[spmem:s4] =	stream.indirect.scatter.add.f32 [tilespmem:s28], [sflag:$0x3], $0x1, s19, s25, $0xb8;
	[tilespmem:$0x1CD80] =	vst v63  }
0x1a0: {  	_ =	swait.ge [sflag:s31], $0x4000  }
0x1a1: {  	[sflag:s31] =	ssyncset.done $0x0  }
0x1a2: {  	[sflag:s31] =	ssyncadd.s32 $0xFFFFC000  }
0x1a3: {  	[tilespmem:s29], [sflag:$0x1] =	stream.indirect.gather [hbm4b:s1+s25], $0x80, s23, s25, $0xb8;
	[tilespmem:$0x1CD80] =	vst v63  }
0x1a4: {  	_ =	swait.ge [sflag:s26], $0x4000  }
0x1a5: {  	[sflag:s26] =	ssyncset.done $0x0  }
0x1a6: {  	[sflag:s26] =	ssyncadd.s32 $0xFFFFC000  }
0x1a7: {  	[spmem:s3] =	stream.indirect.scatter.add.f32 [tilespmem:s29], [sflag:$0x2], $0x80, s7, s25, $0xb8;
	[tilespmem:$0x1CD80] =	vst v63  }
0x1a8: {  	_ = 	snop  }
0x1a9: {  	[spmem:s4] =	stream.indirect.scatter.add.f32 [tilespmem:s28], [sflag:$0x3], $0x1, s7, s25, $0xb8;
	[tilespmem:$0x1CD80] =	vst v63  }
0x1aa: {  	_ =	swait.ge [sflag:s31], $0x4000  }
0x1ab: {  	[sflag:s31] =	ssyncset.done $0x0  }
0x1ac: {  	[sflag:s31] =	ssyncadd.s32 $0xFFFFC000  }
0x1ad: {  	_ =	swait.ge [sflag:s31], $0x4000  }
0x1ae: {  	[sflag:s31] =	ssyncset.done $0x0  }
0x1af: {  	[sflag:s31] =	ssyncadd.s32 $0xFFFFC000  }
0x1b0: {  	_ =	swait.ge [sflag:s8], $0x80  }
0x1b1: {  	[sflag:s8] =	ssyncset.done $0x0  }
0x1b2: {  	[sflag:s8] =	ssyncadd.s32 $0xFFFFFF80  }
0x1b3: {  	_ =	swait.ge [sflag:s8], $0x80  }
0x1b4: {  	[sflag:s8] =	ssyncset.done $0x0  }
0x1b5: {  	[sflag:s8] =	ssyncadd.s32 $0xFFFFFF80  }
0x1b6: {  	_ =	swait.ge [sflag:s8], $0x80  }
0x1b7: {  	[sflag:s8] =	ssyncset.done $0x0  }
0x1b8: {  	[sflag:s8] =	ssyncadd.s32 $0xFFFFFF80  }
0x1b9: {  	_ =	swait.ge [sflag:s8], $0x80  }
0x1ba: {  	[sflag:s8] =	ssyncset.done $0x0  }
0x1bb: {  	[sflag:s8] =	ssyncadd.s32 $0xFFFFFF80  }
0x1bc: {  	_ =	swait.ge [sflag:s8], $0x80  }
0x1bd: {  	[sflag:s8] =	ssyncset.done $0x0  }
0x1be: {  	[sflag:s8] =	ssyncadd.s32 $0xFFFFFF80  }
0x1bf: {  	_ =	swait.ge [sflag:s8], $0x80  }
0x1c0: {  	[sflag:s8] =	ssyncset.done $0x0  }
0x1c1: {  	[sflag:s8] =	ssyncadd.s32 $0xFFFFFF80  }
0x1c2: {  	_ =	swait.ge [sflag:s8], $0x80  }
0x1c3: {  	[sflag:s8] =	ssyncset.done $0x0  }
0x1c4: {  	[sflag:s8] =	ssyncadd.s32 $0xFFFFFF80  }
0x1c5: {  	_ =	swait.ge [sflag:s8], $0x80  }
0x1c6: {  	[sflag:s8] =	ssyncset.done $0x0  }
0x1c7: {  	[sflag:s8] =	ssyncadd.s32 $0xFFFFFF80  }
0x1c8: {  	[bflag:$0x0] =	sbarrier.arrive $0xFFFF  }
0x1c9: {  	s10 =	rddreg [dreg:$0x9]  }
0x1ca: {  	[tilespmem:s21], [sflag:$0x4] =	stream.linear.gather [spmem:s10], $0x4000, $0x38;
	[tilespmem:$0x1CD80] =	vst v63  }
0x1cb: {  	_ =	swait.ge [sflag:s22], $0x4000  }
0x1cc: {  	[sflag:s22] =	ssyncset.done $0x0  }
0x1cd: {  	s11 =	rddreg [dreg:$0xf];
	[sflag:s22] =	ssyncadd.s32 $0xFFFFC000  }
0x1ce: {  	[hbm4b:s11+s5] =	stream.linear.scatter [tilespmem:s21], [sflag:$0x4], $0x4000, $0x38;
	[tilespmem:$0x1CD80] =	vst v63  }
0x1cf: {  	_ =	swait.ge [sflag:s22], $0x4000  }
0x1d0: {  	[sflag:s22] =	ssyncset.done $0x0  }
0x1d1: {  	s12 =	rddreg [dreg:$0xa];
	[sflag:s22] =	ssyncadd.s32 $0xFFFFC000  }
0x1d2: {  	[tilespmem:s21], [sflag:$0x4] =	stream.linear.gather [spmem:s12], $0x4000, $0x38;
	[tilespmem:$0x1CD80] =	vst v63  }
0x1d3: {  	_ =	swait.ge [sflag:s22], $0x4000  }
0x1d4: {  	[sflag:s22] =	ssyncset.done $0x0  }
0x1d5: {  	s6 =	rddreg [dreg:$0x10];
	[sflag:s22] =	ssyncadd.s32 $0xFFFFC000  }
0x1d6: {  	[hbm4b:s6+s5] =	stream.linear.scatter [tilespmem:s21], [sflag:$0x4], $0x4000, $0x38;
	[tilespmem:$0x1CD80] =	vst v63  }
0x1d7: {  	_ =	swait.ge [sflag:s22], $0x4000  }
0x1d8: {  	[sflag:s22] =	ssyncset.done $0x0  }
0x1d9: {  	s11 =	rddreg [dreg:$0xb];
	[sflag:s22] =	ssyncadd.s32 $0xFFFFC000  }
0x1da: {  	[tilespmem:s21], [sflag:$0x4] =	stream.linear.gather [spmem:s11], $0x4000, $0x38;
	[tilespmem:$0x1CD80] =	vst v63  }
0x1db: {  	_ =	swait.ge [sflag:s22], $0x4000  }
0x1dc: {  	[sflag:s22] =	ssyncset.done $0x0  }
0x1dd: {  	s9 =	rddreg [dreg:$0x11];
	[sflag:s22] =	ssyncadd.s32 $0xFFFFC000  }
0x1de: {  	[hbm4b:s9+s5] =	stream.linear.scatter [tilespmem:s21], [sflag:$0x4], $0x4000, $0x38;
	[tilespmem:$0x1CD80] =	vst v63  }
0x1df: {  	_ =	swait.ge [sflag:s22], $0x4000  }
0x1e0: {  	[sflag:s22] =	ssyncset.done $0x0  }
0x1e1: {  	s12 =	rddreg [dreg:$0xc];
	[sflag:s22] =	ssyncadd.s32 $0xFFFFC000  }
0x1e2: {  	[tilespmem:s21], [sflag:$0x4] =	stream.linear.gather [spmem:s12], $0x4000, $0x38;
	[tilespmem:$0x1CD80] =	vst v63  }
0x1e3: {  	_ =	swait.ge [sflag:s22], $0x4000  }
0x1e4: {  	[sflag:s22] =	ssyncset.done $0x0  }
0x1e5: {  	s10 =	rddreg [dreg:$0x12];
	[sflag:s22] =	ssyncadd.s32 $0xFFFFC000  }
0x1e6: {  	[hbm4b:s10+s5] =	stream.linear.scatter [tilespmem:s21], [sflag:$0x4], $0x4000, $0x38;
	[tilespmem:$0x1CD80] =	vst v63  }
0x1e7: {  	_ =	swait.ge [sflag:s22], $0x4000  }
0x1e8: {  	[sflag:s22] =	ssyncset.done $0x0  }
0x1e9: {  	s6 =	rddreg [dreg:$0xd];
	[sflag:s22] =	ssyncadd.s32 $0xFFFFC000  }
0x1ea: {  	[tilespmem:s21], [sflag:$0x4] =	stream.linear.gather [spmem:s6], $0x4000, $0x38;
	[tilespmem:$0x1CD80] =	vst v63  }
0x1eb: {  	_ =	swait.ge [sflag:s22], $0x4000  }
0x1ec: {  	[sflag:s22] =	ssyncset.done $0x0  }
0x1ed: {  	s9 =	rddreg [dreg:$0x13];
	[sflag:s22] =	ssyncadd.s32 $0xFFFFC000  }
0x1ee: {  	[hbm4b:s9+s5] =	stream.linear.scatter [tilespmem:s21], [sflag:$0x4], $0x4000, $0x38;
	[tilespmem:$0x1CD80] =	vst v63  }
0x1ef: {  	_ =	swait.ge [sflag:s22], $0x4000  }
0x1f0: {  	[sflag:s22] =	ssyncset.done $0x0  }
0x1f1: {  	s6 =	simm.s32 $0x8880;
	s10 =	rddreg [dreg:$0xe];
	[sflag:s22] =	ssyncadd.s32 $0xFFFFC000  }
0x1f2: {  	[tilespmem:s6], [sflag:$0x4] =	stream.linear.gather [spmem:s10], $0x280, $0x38;
	[tilespmem:$0x1CD80] =	vst v63  }
0x1f3: {  	_ =	swait.ge [sflag:s22], $0x280  }
0x1f4: {  	s9 =	simm.s32 $0x8880;
	[sflag:s22] =	ssyncset.done $0x0  }
0x1f5: {  	s10 =	simm.s32 $0x100;
	s0 =	rddreg [dreg:$0x14];
	[sflag:s22] =	ssyncadd.s32 $0xFFFFFD80  }
0x1f6: {  	[hbm4b:s0+s25] =	stream.strided.scatter [tilespmem:s9], [sflag:$0x4], $0x280, s10, s25, $0x38;
	[tilespmem:$0x1CD80] =	vst v63  }
0x1f7: {  	s9 =	rddreg [dreg:$0x9];
	_ =	swait.ge [sflag:s22], $0x280  }
0x1f8: {  	s0 =	rddreg [dreg:$0x16]  }
0x1f9: {  	s10 =	sadd.s32 $0x1, s0;
	s0 =	rddreg [dreg:$0x15]  }
0x1fa: {  	p0 =	sne.s32 s10, s0  }
.Ltmp1:
0x1fb: {  	_ = 	snop;
	(pc) =	sbr.rel @p0 .LBB2_1-.Ltmp1, $3  }
0x1fc: {  	_ =	sdelay $0x1  }
0x1fd: {  	s6 =	simm.s32 $0x100;
	[sflag:s22] =	ssyncset.done $0x0  }
0x1fe: {  	[sflag:s22] =	ssyncadd.s32 $0xFFFFFD80;
	[dreg:$0x16] =	wrdreg s10;
	s10 =	simm.s32 $0x8880  }
0x1ff: {  	_ =	sfence.sel $0x180000  }
0x200: {  	[bflag:$0x0] =	sbarrier.arrive $0xFFFF  }
0x201: {  	_ =	strace $0x90000047  }
0x202: {  	s0 =	stileid.u32;
	[bflag:$0x2] =	sbarrier.arrive $0xFFFF  }
0x203: {  	p0 =	sne.s32 s0, $0x0;
	s0 =	rddreg [dreg:$0x6]  }
0x204: {  	s0 =	sadd.s32 @!p0 $0x100000, s0  }
0x205: {  	[sflag:s0] =	ssyncadd.tile.s32 @!p0 $0x1;
	_ =	shalt  }
.Lfunc_end2:
_tile_overlayer_lowered:
.L_overlay_start_2:
0x206: {  	(tag) =	ssettag $0x2  }
0x207: {  	s0 =	rddreg [dreg:$0x0];
	s2 =	stileid.u32  }
0x208: {  	s1 =	rddreg [dreg:$0x1];
	p0 =	sne.s32 s2, $0x0  }
0x209: {  	s3 =	rddreg [dreg:$0x2];
	[bflag:$0x3] =	sbarrier.arrive $0xFFFF;
	s2 =	simm.s32 @!p0 $0x1C04  }
0x20a: {  	[timem:s3], [sflag:s2] =	dma.local @!p0 [hbm:s0], s1  }
0x20b: {  	s0 =	simm.s32 @!p0 $0x4  }
0x20c: {  	_ =	swait.ge @!p0 [sflag:s0], s1  }
0x20d: {  	s1 =	ssub.s32 @!p0 $0x0, s1;
	[sflag:s0] =	ssyncset.done @!p0 $0x0  }
0x20e: {  	[sflag:s0] =	ssyncadd.s32 @!p0 s1  }
0x20f: {  	[bflag:$0x3] =	sbarrier.arrive $0xFFFF  }
0x210: {  	_ =	shalt  }

// kernel: kernel.9.cloned.1.call-start
scs
__scs_entry_jumppad:
0x0: {  	(pc) =	sbr.rel $0x88, $3  }
0x1: {  	(tag) =	ssettag $0x0;
	lr =	simm.s32 $0x1  }
0x2: {  	[smem:$0x3F99] =	sst lr;
	_ =	strace $0xD0000000  }
0x3: {  	_ = 	snop  }
0x4: {  	_ = 	snop  }
0x5: {  	_ = 	snop  }
0x6: {  	_ = 	snop  }
0x7: {  	_ = 	snop  }
__scs_overlays_trampoline_lowered:
0x8: {  	[smem:$0x3FA8] =	sst s0  }
0x9: {  	[smem:$0x3FA9] =	sst s1  }
0xa: {  	[smem:$0x3FAA] =	sst s2  }
0xb: {  	[smem:$0x3FAB] =	sst s3  }
0xc: {  	[smem:$0x3FAC] =	sst s4  }
0xd: {  	[smem:$0x3FAD] =	sst s5  }
0xe: {  	[smem:$0x3FAE] =	sst s6  }
0xf: {  	[smem:$0x3FAF] =	sst s7  }
0x10: {  	[smem:$0x3FB0] =	sst s8  }
0x11: {  	[smem:$0x3FB1] =	sst s9;
	s0 =	simm.s32 @!p0 $0x0  }
0x12: {  	s1 =	sld [smem:$0x3F97];
	s0 =	simm.s32 @p0 $0x1  }
0x13: {  	[smem:$0x3FB2] =	sst s0;
	s0 =	simm.s32 @!p1 $0x0  }
0x14: {  	s2 =	sld [smem:$0x3F96];
	s0 =	simm.s32 @p1 $0x1  }
0x15: {  	[smem:$0x3FB3] =	sst s0;
	s0 =	simm.s32 @!p2 $0x0  }
0x16: {  	s3 =	sld [smem:$0x3FDB];
	s0 =	simm.s32 @p2 $0x1  }
0x17: {  	s4 =	simm.s32 $0x1BF5;
	[smem:$0x3FB5] =	sst s0  }
0x18: {  	s0 =	sld [smem:$0x3F98];
	_ =	swait.ge [sflag:s4], $0x0  }
0x19: {  	s7 =	sld [smem:$0x3F99]  }
0x1a: {  	s8 =	sadd.s32 $0xFFFFE003, lr  }
0x1b: {  	s9 =	sadd.s32 $0xFFFFFEF7, lr;
	s5 =	simm.s32 $0xFFFFFFFF;
	p2 =	slt.u32 s8, $0xFFFFF086  }
0x1c: {  	p1 =	slt.u32 s9, $0xF7A;
	s5 =	simm.s32 @!p2 $0x0  }
0x1d: {  	s5 =	simm.s32 @p1 $0x1;
	p0 =	seq.s32 s7, s2  }
0x1e: {  	s7 =	smul.u32 @!p0 $0xF7A, s2;
	p2 =	seq.s32 @!p0 s5, $0x0  }
0x1f: {  	s9 =	smul.u32 $0xF7A, s1;
	s8 =	simm.s32 @!p0 $0x1BF5;
	p2 =	por !p2, p0  }
0x20: {  	[sflag:s8] =	ssyncset.s32 @!p0 $0xFFFFF086;
	s6 =	sadd.s32 @!p0 s3, s7;
	s7 =	simm.s32 @!p0 $0x108  }
0x21: {  	s3 =	sadd.s32 s3, s9;
	s6 =	sadd.s32 @!p0 $0x88, s6;
	s7 =	simm.s32 @p2 $0x1082  }
0x22: {  	[simem:s7], [sflag:s8] =	dma.local @!p0 [hbm:s6], $0xF7A  }
0x23: {  	s9 =	sor.u32 $0xD0000000, s2;
	s6 =	simm.s32 $0x108;
	_ =	swait.ge @!p0 [sflag:s8], $0x0  }
0x24: {  	s3 =	sadd.s32 $0x88, s3;
	s6 =	simm.s32 @!p1 $0x1082;
	[sflag:s4] =	ssyncset.s32 $0xFFFFF086  }
0x25: {  	[simem:s6], [sflag:s4] =	dma.local [hbm:s3], $0xF7A  }
0x26: {  	[smem:$0x3F99] =	sst s1;
	(tag) =	ssettag s2;
	_ =	strace s9  }
0x27: {  	s1 =	sld [smem:$0x3FA9]  }
0x28: {  	s2 =	sld [smem:$0x3FAA]  }
0x29: {  	s4 =	sld [smem:$0x3FAC]  }
0x2a: {  	p0 =	seq.s32 s5, $0x0;
	s5 =	sld [smem:$0x3FAD]  }
0x2b: {  	s6 =	sld [smem:$0x3FAE]  }
0x2c: {  	s7 =	sld [smem:$0x3FAF]  }
0x2d: {  	s3 =	simm.s32 $0x108;
	s8 =	sld [smem:$0x3FB0]  }
0x2e: {  	s3 =	simm.s32 @!p0 $0x1082;
	s9 =	sld [smem:$0x3FB1]  }
0x2f: {  	lr =	sadd.s32 s0, s3;
	s0 =	sld [smem:$0x3FA8]  }
0x30: {  	s3 =	sld [smem:$0x3FAB]  }
0x31: {  	[smem:$0x3FB4] =	sst s10  }
0x32: {  	s10 =	sld [smem:$0x3FB2];
	_ =	sdelay $0x3  }
0x33: {  	p0 =	seq.s32 s10, $0x1;
	s10 =	sld [smem:$0x3FB4];
	_ =	sdelay $0x3  }
0x34: {  	[smem:$0x3FB4] =	sst s10  }
0x35: {  	s10 =	sld [smem:$0x3FB3];
	_ =	sdelay $0x3  }
0x36: {  	p1 =	seq.s32 s10, $0x1;
	s10 =	sld [smem:$0x3FB4];
	_ =	sdelay $0x3  }
0x37: {  	[smem:$0x3FB4] =	sst s10  }
0x38: {  	s10 =	sld [smem:$0x3FB5]  }
0x39: {  	_ = 	snop;
	(pc) =	sbr.ind lr, $3  }
0x3a: {  	_ = 	snop  }
0x3b: {  	_ = 	snop  }
0x3c: {  	p2 =	seq.s32 s10, $0x1;
	s10 =	sld [smem:$0x3FB4]  }
0x3d: {  	_ =	shalt  }
0x3e: {  	_ =	shalt  }
0x3f: {  	_ =	shalt  }
0x40: {  	_ =	shalt  }
0x41: {  	_ =	shalt  }
0x42: {  	_ =	shalt  }
0x43: {  	_ =	shalt  }
0x44: {  	_ =	shalt  }
0x45: {  	_ =	shalt  }
0x46: {  	_ =	shalt  }
0x47: {  	_ =	shalt  }
0x48: {  	_ =	shalt  }
0x49: {  	_ =	shalt  }
0x4a: {  	_ =	shalt  }
0x4b: {  	_ =	shalt  }
0x4c: {  	_ =	shalt  }
0x4d: {  	_ =	shalt  }
0x4e: {  	_ =	shalt  }
0x4f: {  	_ =	shalt  }
0x50: {  	_ =	shalt  }
0x51: {  	_ =	shalt  }
0x52: {  	_ =	shalt  }
0x53: {  	_ =	shalt  }
0x54: {  	_ =	shalt  }
0x55: {  	_ =	shalt  }
0x56: {  	_ =	shalt  }
0x57: {  	_ =	shalt  }
0x58: {  	_ =	shalt  }
0x59: {  	_ =	shalt  }
0x5a: {  	_ =	shalt  }
0x5b: {  	_ =	shalt  }
0x5c: {  	_ =	shalt  }
0x5d: {  	_ =	shalt  }
0x5e: {  	_ =	shalt  }
0x5f: {  	_ =	shalt  }
0x60: {  	_ =	shalt  }
0x61: {  	_ =	shalt  }
0x62: {  	_ =	shalt  }
0x63: {  	_ =	shalt  }
0x64: {  	_ =	shalt  }
0x65: {  	_ =	shalt  }
0x66: {  	_ =	shalt  }
0x67: {  	_ =	shalt  }
0x68: {  	_ =	shalt  }
0x69: {  	_ =	shalt  }
0x6a: {  	_ =	shalt  }
0x6b: {  	_ =	shalt  }
0x6c: {  	_ =	shalt  }
0x6d: {  	_ =	shalt  }
0x6e: {  	_ =	shalt  }
0x6f: {  	_ =	shalt  }
0x70: {  	_ =	shalt  }
0x71: {  	_ =	shalt  }
0x72: {  	_ =	shalt  }
0x73: {  	_ =	shalt  }
0x74: {  	_ =	shalt  }
0x75: {  	_ =	shalt  }
0x76: {  	_ =	shalt  }
0x77: {  	_ =	shalt  }
0x78: {  	_ =	shalt  }
0x79: {  	_ =	shalt  }
0x7a: {  	_ =	shalt  }
0x7b: {  	_ =	shalt  }
0x7c: {  	_ =	shalt  }
0x7d: {  	_ =	shalt  }
0x7e: {  	_ =	shalt  }
0x7f: {  	_ =	shalt  }
0x80: {  	_ =	shalt  }
0x81: {  	_ =	shalt  }
0x82: {  	_ =	shalt  }
0x83: {  	_ =	shalt  }
0x84: {  	_ =	shalt  }
0x85: {  	_ =	shalt  }
0x86: {  	_ =	shalt  }
0x87: {  	_ =	shalt  }
.Lfunc_end0:
.L_simem_size_0:
called_computation.1_lowered:
.L_overlay_start_0:
0x88: {  	s2 =	sld [smem:$0x3FD9]  }
0x89: {  	s3 =	sld [smem:$0x3FFE];
	_ =	sdelay $0x1  }
0x8a: {  	s1 =	srdreg.scid  }
0x8b: {  	s0 =	sand.u32 $0x1, s1  }
0x8c: {  	s14 =	sshll.u32 s0, $0xA;
	s2 =	sadd.s32 s3, s2  }
0x8d: {  	s2 =	sadd.s32 s2, s14  }
0x8e: {  	[smem:$0x3FC0] =	sst s2  }
0x8f: {  	_ = 	snop  }
0x90: {  	s2 =	sld [smem:$0x3FD0];
	_ =	sdelay $0x2  }
0x91: {  	s15 =	simm.s32 $0xA;
	s4 =	simm.s32 $0x10  }
0x92: {  	[smem:s4], [sflag:s15] =	dma.local [hbm:s2], $0x1  }
0x93: {  	_ =	swait.eq [sflag:s15], $0x1  }
0x94: {  	[sflag:s15] =	ssyncset.done $0x0  }
0x95: {  	s16 =	sld [smem:$0x10];
	[sflag:s15] =	ssyncadd.s32 $0xFFFFFFFF  }
0x96: {  	s17 =	sld [smem:$0x11];
	(tm) =	ssettm $0x1  }
0x97: {  	s18 =	sld [smem:$0x3FFB];
	_ =	sdelay $0x3  }
0x98: {  	_ =	strace s18  }
0x99: {  	s4 =	sld [smem:$0x3FFC];
	_ =	sdelay $0x3  }
0x9a: {  	_ =	strace s4  }
0x9b: {  	s4 =	sld [smem:$0x3FFD];
	_ =	sdelay $0x3  }
0x9c: {  	_ =	strace s4  }
0x9d: {  	_ =	strace $0x8FFFFFFF  }
0x9e: {  	s19 =	sld [smem:$0x3FDB];
	_ =	sdelay $0x1  }
0x9f: {  	s5 =	simm.s32 $_scs_section_size  }
0xa0: {  	s6 =	simm.s32 $_size__tile_overlayer_lowered;
	s7 =	simm.s32 $_tile_overlayer_lowered  }
0xa1: {  	s22 =	simm.s32 $0x1BFF;
	s21 =	sshll.u32 s7, $0x1;
	s4 =	sadd.s32 s5, s19  }
0xa2: {  	s8 =	simm.s32 $0x0;
	s20 =	sshll.u32 s6, $0x1;
	s6 =	sadd.s32 s21, s4  }
0xa3: {  	[timem:s8], [sflag:s22] =	dma.local [hbm:s6], s20  }
0xa4: {  	_ =	swait.ge [sflag:s22], s20  }
0xa5: {  	s5 =	ssub.s32 $0x0, s20;
	[sflag:s22] =	ssyncset.done $0x0  }
0xa6: {  	[sflag:s22] =	ssyncadd.s32 s5;
	_ =	sdelay $0x1  }
0xa7: {  	s23 =	simm.s32 $0x1B8B  }
0xa8: {  	_ =	swait.ge [sflag:s23], $0x1  }
0xa9: {  	[sflag:s23] =	ssyncset.done $0x0  }
0xaa: {  	s25 =	simm.s32 $0x1B8E;
	s24 =	sld [smem:$0x3FFE];
	[sflag:s23] =	ssyncadd.s32 $0xFFFFFFFF  }
0xab: {  	s26 =	simm.s32 $execute0_lowered;
	[smem:$0x3FD2] =	sst s25  }
0xac: {  	s6 =	sshll.u32 s26, $0x1;
	_ =	strace $0x80000049;
	[dreg:$0x1] =	wrdreg $0xFFFFFFFF  }
0xad: {  	s28 =	simm.s32 $_size_execute0_lowered;
	s4 =	sadd.s32 s4, s6;
	[dreg:$0x0] =	wrdreg $0x0  }
0xae: {  	s6 =	sshll.u32 s28, $0x1;
	[dreg:$0x2] =	wrdreg s4  }
0xaf: {  	[dreg:$0x3] =	wrdreg s6  }
0xb0: {  	[dreg:$0x4] =	wrdreg $0xC0  }
0xb1: {  	_ =	task [dreg:s8], $0x5FFFF  }
0xb2: {  	[dreg:$0x1] =	wrdreg $0xFFFFFFFF  }
0xb3: {  	[dreg:$0x0] =	wrdreg $0x60  }
0xb4: {  	[dreg:$0x2] =	wrdreg s24  }
0xb5: {  	[dreg:$0x3] =	wrdreg s16  }
0xb6: {  	[dreg:$0x4] =	wrdreg s17  }
0xb7: {  	[dreg:$0x5] =	wrdreg $0x88000  }
0xb8: {  	[dreg:$0x6] =	wrdreg $0x9  }
0xb9: {  	_ =	task.clear_ibuf [dreg:s8], $0x7FFFF;
	_ =	strace $0x90000049  }
0xba: {  	s29 =	simm.s32 $0x9;
	_ =	strace $0x8000004B  }
0xbb: {  	_ =	swait.ge [sflag:s29], $0x1  }
0xbc: {  	[sflag:s29] =	ssyncadd.s32 $0xFFFFFFFF  }
0xbd: {  	_ =	strace $0x9000004B  }
0xbe: {  	_ =	sfence  }
0xbf: {  	s30 =	sld [smem:$0x0];
	_ =	sdelay $0x2  }
0xc0: {  	s31 =	sshll.u32 s1, $0xD;
	s1 =	sshrl.u32 s1, $0x2  }
0xc1: {  	s3 =	sand.u32 $0x4000, s31;
	s1 =	sadd.s32 s1, s30  }
0xc2: {  	s0 =	sor.u32 s3, s0;
	s1 =	sshll.u32 s1, $0x11  }
0xc3: {  	s0 =	sor.u32 s1, s0  }
0xc4: {  	s0 =	sadd.s32 $0x8F2B, s0  }
0xc5: {  	[sflag:s0] =	ssyncadd.remote.s32 $0x1  }
0xc6: {  	_ =	sfence.sel $0xFFFF  }
0xc7: {  	[dreg:$0x0] =	wrdreg $0xFFFFFFFF;
	(pc) =	sbr.abs _section_cstart, $3  }
0xc8: {  	[dreg:$0x1] =	wrdreg $0xFFFFFFFF  }
0xc9: {  	_ =	task.clear_ibuf [dreg:s8], $0x2FFFF;
	_ =	strace $0x9FFFFFFF  }
0xca: {  	(tm) =	ssettm $0x7FFFFFFF  }
0xcb: {  	_ =	shalt  }
tec
execute0_lowered:
.L_overlay_start_1:
0x0: {  	(tag) =	ssettag $0x1  }
0x1: {  	s0 =	rddreg [dreg:$0x0]  }
0x2: {  	s2 =	rddreg [dreg:$0x1]  }
0x3: {  	s5 =	rddreg [dreg:$0x2]  }
0x4: {  	s1 =	rddreg [dreg:$0x3]  }
0x5: {  	s3 =	simm.s32 $0x0;
	s6 =	srdreg.scid;
	s10 =	stileid.u32  }
0x6: {  	s28 =	simm.s32 $0x100;
	s29 =	simm.s32 $0x500;
	s30 =	simm.s32 $0x180  }
0x7: {  	s31 =	simm.s32 $0x580;
	[smem:$0x7FF] =	sst s3;
	s7 =	smul.u32 $0x50000, s10  }
0x8: {  	s4 =	sadd.s32 $0x2800, s0;
	s6 =	sand.u32 $0x1, s6;
	s11 =	smul.u32 $0x14000, s10  }
0x9: {  	s8 =	sadd.s32 $0x2000, s0;
	s0 =	sadd.s32 $0x29A00, s0;
	s24 =	smul.u32 $0x500, s10  }
0xa: {  	_ =	strace $0x8000004A;
	s25 =	ssub.s32 $0x2, s6;
	s13 =	smul.u32 $0x140000, s6  }
0xb: {  	[dreg:$0x5] =	wrdreg s8;
	s6 =	smul.u32 $0x5000, s6;
	s9 =	sshrl.u32 s25, $0x1  }
0xc: {  	s7 =	sshrl.u32 s7, $0x2;
	s26 =	sadd.s32 $0x4000, s11;
	s12 =	sadd.s32 $0x8000, s11  }
0xd: {  	s14 =	sadd.s32 $0xC000, s11;
	s15 =	sadd.s32 $0x10000, s11;
	s8 =	ssub.s32 s25, s9  }
0xe: {  	s9 =	sadd.s32 s7, s1;
	s19 =	sadd.s32 s26, s1;
	s17 =	sadd.s32 s12, s1  }
0xf: {  	s18 =	sadd.s32 s14, s1;
	s16 =	sadd.s32 s15, s1;
	s11 =	sadd.s32 s11, s13  }
0x10: {  	s7 =	sadd.s32 s13, s26;
	s12 =	sadd.s32 s13, s12;
	s21 =	sadd.s32 s13, s14  }
0x11: {  	s22 =	sadd.s32 s13, s15;
	s25 =	sadd.s32 s6, s5;
	s2 =	sadd.s32 s6, s2  }
0x12: {  	s5 =	simm.s32 $0x280;
	s13 =	simm.s32 $0x700;
	s14 =	simm.s32 $0x380  }
0x13: {  	s15 =	simm.s32 $0x780;
	s6 =	simm.s32 $0x0;
	s11 =	sshrl.u32 s11, $0x3  }
0x14: {  	s7 =	sshrl.u32 s7, $0x3;
	s12 =	sshrl.u32 s12, $0x3;
	[dreg:$0x11] =	wrdreg s6  }
0x15: {  	s23 =	sshrl.u32 s22, $0x3;
	s10 =	smov.u32 s18;
	[dreg:$0x6] =	wrdreg s9  }
0x16: {  	s26 =	smax.u32 s8, $0x1;
	s8 =	smov.u32 s17;
	[dreg:$0xa] =	wrdreg s16  }
0x17: {  	s17 =	sadd.s32 s24, s25;
	s18 =	sadd.s32 s24, s2;
	[dreg:$0x10] =	wrdreg s26  }
0x18: {  	s22 =	simm.s32 $0x80;
	s24 =	simm.s32 $0x4800;
	[dreg:$0x8] =	wrdreg s8  }
0x19: {  	s25 =	simm.s32 $0x480;
	s11 =	sadd.s32 s0, s11;
	[dreg:$0x9] =	wrdreg s10  }
0x1a: {  	s2 =	simm.s32 $0x600;
	s7 =	sadd.s32 s0, s7;
	[dreg:$0xb] =	wrdreg s11  }
0x1b: {  	s20 =	sadd.s32 s0, s12;
	s26 =	simm.s32 $0x2;
	[dreg:$0xc] =	wrdreg s7  }
0x1c: {  	s12 =	simm.s32 $0x300;
	[dreg:$0xd] =	wrdreg s20;
	s7 =	sshrl.u32 s21, $0x3  }
0x1d: {  	s20 =	simm.s32 $0x3;
	s21 =	simm.s32 $0x400;
	s7 =	sadd.s32 s0, s7  }
0x1e: {  	s11 =	simm.s32 $0x680;
	s0 =	sadd.s32 s0, s23;
	[dreg:$0xe] =	wrdreg s7  }
0x1f: {  	s23 =	simm.s32 $0x1;
	[dreg:$0xf] =	wrdreg s0;
	s7 =	smov.u32 s19  }
0x20: {  	s19 =	simm.s32 $0x800;
	s0 =	simm.s32 $0x200;
	[dreg:$0x7] =	wrdreg s7  }
.LBB2_1:
0x21: {  	s6 =	rddreg [dreg:$0x5]  }
0x22: {  	[tilespmem:s19], [sflag:$0x3] =	stream.linear.gather [hbm4b:s6+s3], $0x4000, $0x38;
	[tilespmem:$0x1C800] =	vst v63  }
0x23: {  	_ =	swait.ge [sflag:s20], $0x4000  }
0x24: {  	[sflag:s20] =	ssyncset.done $0x0  }
0x25: {  	[sflag:s20] =	ssyncadd.s32 $0xFFFFC000  }
0x26: {  	[spmem:s9] =	stream.linear.scatter [tilespmem:s19], [sflag:$0x3], $0x4000, $0x38;
	[tilespmem:$0x1C800] =	vst v63  }
0x27: {  	_ =	swait.ge [sflag:s20], $0x4000  }
0x28: {  	[sflag:s20] =	ssyncset.done $0x0  }
0x29: {  	[sflag:s20] =	ssyncadd.s32 $0xFFFFC000  }
0x2a: {  	[spmem:s7] =	stream.linear.scatter [tilespmem:s19], [sflag:$0x3], $0x4000, $0x38;
	[tilespmem:$0x1C800] =	vst v63  }
0x2b: {  	_ =	swait.ge [sflag:s20], $0x4000  }
0x2c: {  	[sflag:s20] =	ssyncset.done $0x0  }
0x2d: {  	[sflag:s20] =	ssyncadd.s32 $0xFFFFC000  }
0x2e: {  	[spmem:s8] =	stream.linear.scatter [tilespmem:s19], [sflag:$0x3], $0x4000, $0x38;
	[tilespmem:$0x1C800] =	vst v63  }
0x2f: {  	_ =	swait.ge [sflag:s20], $0x4000  }
0x30: {  	[sflag:s20] =	ssyncset.done $0x0  }
0x31: {  	[sflag:s20] =	ssyncadd.s32 $0xFFFFC000  }
0x32: {  	[spmem:s10] =	stream.linear.scatter [tilespmem:s19], [sflag:$0x3], $0x4000, $0x38;
	[tilespmem:$0x1C800] =	vst v63  }
0x33: {  	_ =	swait.ge [sflag:s20], $0x4000  }
0x34: {  	[sflag:s20] =	ssyncset.done $0x0  }
0x35: {  	[sflag:s20] =	ssyncadd.s32 $0xFFFFC000  }
0x36: {  	[spmem:s16] =	stream.linear.scatter [tilespmem:s19], [sflag:$0x3], $0x4000, $0x38;
	[tilespmem:$0x1C800] =	vst v63  }
0x37: {  	_ =	swait.ge [sflag:s20], $0x4000  }
0x38: {  	[sflag:s20] =	ssyncset.done $0x0  }
0x39: {  	[sflag:s20] =	ssyncadd.s32 $0xFFFFC000  }
0x3a: {  	s10 =	sadd.s32 $0x0, s18;
	[bflag:$0x0] =	sbarrier.arrive $0xFFFF  }
0x3b: {  	[tilespmem:s3], [sflag:$0x3] =	stream.linear.gather [hbm4b:s10+s3], $0x400, $0x38;
	[tilespmem:$0x1C800] =	vst v63  }
0x3c: {  	_ =	swait.ge [sflag:s20], $0x400  }
0x3d: {  	[sflag:s20] =	ssyncset.done $0x0  }
0x3e: {  	s16 =	sadd.s32 $0x0, s17;
	[sflag:s20] =	ssyncadd.s32 $0xFFFFFC00  }
0x3f: {  	[tilespmem:s21], [sflag:$0x3] =	stream.linear.gather [hbm4b:s16+s3], $0x400, $0x38;
	[tilespmem:$0x1C800] =	vst v63  }
0x40: {  	_ =	swait.ge [sflag:s20], $0x400  }
0x41: {  	[sflag:s20] =	ssyncset.done $0x0  }
0x42: {  	[sflag:s20] =	ssyncadd.s32 $0xFFFFFC00  }
0x43: {  	[tilespmem:s19], [sflag:$0x1] =	stream.indirect.gather [hbm4b:s4+s22], $0x80, s3, s22, $0xb8;
	[tilespmem:$0x1C800] =	vst v63  }
0x44: {  	_ =	swait.ge [sflag:s23], $0x4000  }
0x45: {  	[sflag:s23] =	ssyncset.done $0x0  }
0x46: {  	[sflag:s23] =	ssyncadd.s32 $0xFFFFC000  }
0x47: {  	[spmem:s1] =	stream.indirect.scatter.add.f32 [tilespmem:s19], [sflag:$0x2], $0x80, s21, s22, $0xb8;
	[tilespmem:$0x1C800] =	vst v63  }
0x48: {  	_ = 	snop  }
0x49: {  	[tilespmem:s24], [sflag:$0x1] =	stream.indirect.gather [hbm4b:s4+s22], $0x80, s22, s22, $0xb8;
	[tilespmem:$0x1C800] =	vst v63  }
0x4a: {  	_ =	swait.ge [sflag:s23], $0x4000  }
0x4b: {  	[sflag:s23] =	ssyncset.done $0x0  }
0x4c: {  	[sflag:s23] =	ssyncadd.s32 $0xFFFFC000  }
0x4d: {  	[spmem:s1] =	stream.indirect.scatter.add.f32 [tilespmem:s24], [sflag:$0x2], $0x80, s25, s22, $0xb8;
	[tilespmem:$0x1C800] =	vst v63  }
0x4e: {  	_ =	swait.ge [sflag:s26], $0x4000  }
0x4f: {  	[sflag:s26] =	ssyncset.done $0x0  }
0x50: {  	[sflag:s26] =	ssyncadd.s32 $0xFFFFC000  }
0x51: {  	[tilespmem:s19], [sflag:$0x1] =	stream.indirect.gather [hbm4b:s4+s22], $0x80, s28, s22, $0xb8;
	[tilespmem:$0x1C800] =	vst v63  }
0x52: {  	_ =	swait.ge [sflag:s23], $0x4000  }
0x53: {  	[sflag:s23] =	ssyncset.done $0x0  }
0x54: {  	[sflag:s23] =	ssyncadd.s32 $0xFFFFC000  }
0x55: {  	[spmem:s1] =	stream.indirect.scatter.add.f32 [tilespmem:s19], [sflag:$0x2], $0x80, s29, s22, $0xb8;
	[tilespmem:$0x1C800] =	vst v63  }
0x56: {  	_ =	swait.ge [sflag:s26], $0x4000  }
0x57: {  	[sflag:s26] =	ssyncset.done $0x0  }
0x58: {  	[sflag:s26] =	ssyncadd.s32 $0xFFFFC000  }
0x59: {  	[tilespmem:s24], [sflag:$0x1] =	stream.indirect.gather [hbm4b:s4+s22], $0x80, s30, s22, $0xb8;
	[tilespmem:$0x1C800] =	vst v63  }
0x5a: {  	_ =	swait.ge [sflag:s23], $0x4000  }
0x5b: {  	[sflag:s23] =	ssyncset.done $0x0  }
0x5c: {  	[sflag:s23] =	ssyncadd.s32 $0xFFFFC000  }
0x5d: {  	[spmem:s1] =	stream.indirect.scatter.add.f32 [tilespmem:s24], [sflag:$0x2], $0x80, s31, s22, $0xb8;
	[tilespmem:$0x1C800] =	vst v63  }
0x5e: {  	_ =	swait.ge [sflag:s26], $0x4000  }
0x5f: {  	[sflag:s26] =	ssyncset.done $0x0  }
0x60: {  	[sflag:s26] =	ssyncadd.s32 $0xFFFFC000  }
0x61: {  	[tilespmem:s19], [sflag:$0x1] =	stream.indirect.gather [hbm4b:s4+s22], $0x80, s0, s22, $0xb8;
	[tilespmem:$0x1C800] =	vst v63  }
0x62: {  	_ =	swait.ge [sflag:s23], $0x4000  }
0x63: {  	[sflag:s23] =	ssyncset.done $0x0  }
0x64: {  	[sflag:s23] =	ssyncadd.s32 $0xFFFFC000  }
0x65: {  	[spmem:s1] =	stream.indirect.scatter.add.f32 [tilespmem:s19], [sflag:$0x2], $0x80, s2, s22, $0xb8;
	[tilespmem:$0x1C800] =	vst v63  }
0x66: {  	_ =	swait.ge [sflag:s26], $0x4000  }
0x67: {  	[sflag:s26] =	ssyncset.done $0x0  }
0x68: {  	[sflag:s26] =	ssyncadd.s32 $0xFFFFC000  }
0x69: {  	[tilespmem:s24], [sflag:$0x1] =	stream.indirect.gather [hbm4b:s4+s22], $0x80, s5, s22, $0xb8;
	[tilespmem:$0x1C800] =	vst v63  }
0x6a: {  	_ =	swait.ge [sflag:s23], $0x4000  }
0x6b: {  	[sflag:s23] =	ssyncset.done $0x0  }
0x6c: {  	[sflag:s23] =	ssyncadd.s32 $0xFFFFC000  }
0x6d: {  	[spmem:s1] =	stream.indirect.scatter.add.f32 [tilespmem:s24], [sflag:$0x2], $0x80, s11, s22, $0xb8;
	[tilespmem:$0x1C800] =	vst v63  }
0x6e: {  	_ =	swait.ge [sflag:s26], $0x4000  }
0x6f: {  	[sflag:s26] =	ssyncset.done $0x0  }
0x70: {  	[sflag:s26] =	ssyncadd.s32 $0xFFFFC000  }
0x71: {  	[tilespmem:s19], [sflag:$0x1] =	stream.indirect.gather [hbm4b:s4+s22], $0x80, s12, s22, $0xb8;
	[tilespmem:$0x1C800] =	vst v63  }
0x72: {  	_ =	swait.ge [sflag:s23], $0x4000  }
0x73: {  	[sflag:s23] =	ssyncset.done $0x0  }
0x74: {  	[sflag:s23] =	ssyncadd.s32 $0xFFFFC000  }
0x75: {  	[spmem:s1] =	stream.indirect.scatter.add.f32 [tilespmem:s19], [sflag:$0x2], $0x80, s13, s22, $0xb8;
	[tilespmem:$0x1C800] =	vst v63  }
0x76: {  	_ =	swait.ge [sflag:s26], $0x4000  }
0x77: {  	[sflag:s26] =	ssyncset.done $0x0  }
0x78: {  	[sflag:s26] =	ssyncadd.s32 $0xFFFFC000  }
0x79: {  	[tilespmem:s24], [sflag:$0x1] =	stream.indirect.gather [hbm4b:s4+s22], $0x80, s14, s22, $0xb8;
	[tilespmem:$0x1C800] =	vst v63  }
0x7a: {  	_ =	swait.ge [sflag:s23], $0x4000  }
0x7b: {  	[sflag:s23] =	ssyncset.done $0x0  }
0x7c: {  	[sflag:s23] =	ssyncadd.s32 $0xFFFFC000  }
0x7d: {  	[spmem:s1] =	stream.indirect.scatter.add.f32 [tilespmem:s24], [sflag:$0x2], $0x80, s15, s22, $0xb8;
	[tilespmem:$0x1C800] =	vst v63  }
0x7e: {  	_ =	swait.ge [sflag:s26], $0x4000  }
0x7f: {  	[sflag:s26] =	ssyncset.done $0x0  }
0x80: {  	[sflag:s26] =	ssyncadd.s32 $0xFFFFC000  }
0x81: {  	_ =	swait.ge [sflag:s26], $0x4000  }
0x82: {  	s6 =	simm.s32 $0x80;
	s7 =	simm.s32 $0x100;
	[sflag:s26] =	ssyncset.done $0x0  }
.LBB2_2:
0x83: {  	s9 =	sadd.s32 s6, s18  }
0x84: {  	[sflag:s26] =	ssyncadd.s32 $0xFFFFC000;
	s10 =	smov.u32 s7;
	s8 =	sadd.s32 $0x80, s7  }
0x85: {  	[tilespmem:s3], [sflag:$0x3] =	stream.linear.gather [hbm4b:s9+s3], $0x400, $0x38;
	[tilespmem:$0x1C800] =	vst v63  }
0x86: {  	p0 =	sne.s32 s7, $0x480;
	_ =	swait.ge [sflag:s20], $0x400  }
0x87: {  	[sflag:s20] =	ssyncset.done $0x0  }
0x88: {  	s7 =	sadd.s32 s6, s17;
	s6 =	smov.u32 s10;
	[sflag:s20] =	ssyncadd.s32 $0xFFFFFC00  }
0x89: {  	[tilespmem:s21], [sflag:$0x3] =	stream.linear.gather [hbm4b:s7+s3], $0x400, $0x38;
	[tilespmem:$0x1C800] =	vst v63  }
0x8a: {  	_ =	swait.ge [sflag:s20], $0x400  }
0x8b: {  	[sflag:s20] =	ssyncset.done $0x0  }
0x8c: {  	[sflag:s20] =	ssyncadd.s32 $0xFFFFFC00  }
0x8d: {  	[tilespmem:s19], [sflag:$0x1] =	stream.indirect.gather [hbm4b:s4+s22], $0x80, s3, s22, $0xb8;
	[tilespmem:$0x1C800] =	vst v63  }
0x8e: {  	_ =	swait.ge [sflag:s23], $0x4000  }
0x8f: {  	[sflag:s23] =	ssyncset.done $0x0  }
0x90: {  	[sflag:s23] =	ssyncadd.s32 $0xFFFFC000  }
0x91: {  	[spmem:s1] =	stream.indirect.scatter.add.f32 [tilespmem:s19], [sflag:$0x2], $0x80, s21, s22, $0xb8;
	[tilespmem:$0x1C800] =	vst v63  }
0x92: {  	_ = 	snop  }
0x93: {  	[tilespmem:s24], [sflag:$0x1] =	stream.indirect.gather [hbm4b:s4+s22], $0x80, s22, s22, $0xb8;
	[tilespmem:$0x1C800] =	vst v63  }
0x94: {  	_ =	swait.ge [sflag:s23], $0x4000  }
0x95: {  	[sflag:s23] =	ssyncset.done $0x0  }
0x96: {  	[sflag:s23] =	ssyncadd.s32 $0xFFFFC000  }
0x97: {  	[spmem:s1] =	stream.indirect.scatter.add.f32 [tilespmem:s24], [sflag:$0x2], $0x80, s25, s22, $0xb8;
	[tilespmem:$0x1C800] =	vst v63  }
0x98: {  	_ =	swait.ge [sflag:s26], $0x4000  }
0x99: {  	[sflag:s26] =	ssyncset.done $0x0  }
0x9a: {  	[sflag:s26] =	ssyncadd.s32 $0xFFFFC000  }
0x9b: {  	[tilespmem:s19], [sflag:$0x1] =	stream.indirect.gather [hbm4b:s4+s22], $0x80, s28, s22, $0xb8;
	[tilespmem:$0x1C800] =	vst v63  }
0x9c: {  	_ =	swait.ge [sflag:s23], $0x4000  }
0x9d: {  	[sflag:s23] =	ssyncset.done $0x0  }
0x9e: {  	[sflag:s23] =	ssyncadd.s32 $0xFFFFC000  }
0x9f: {  	[spmem:s1] =	stream.indirect.scatter.add.f32 [tilespmem:s19], [sflag:$0x2], $0x80, s29, s22, $0xb8;
	[tilespmem:$0x1C800] =	vst v63  }
0xa0: {  	_ =	swait.ge [sflag:s26], $0x4000  }
0xa1: {  	[sflag:s26] =	ssyncset.done $0x0  }
0xa2: {  	[sflag:s26] =	ssyncadd.s32 $0xFFFFC000  }
0xa3: {  	[tilespmem:s24], [sflag:$0x1] =	stream.indirect.gather [hbm4b:s4+s22], $0x80, s30, s22, $0xb8;
	[tilespmem:$0x1C800] =	vst v63  }
0xa4: {  	_ =	swait.ge [sflag:s23], $0x4000  }
0xa5: {  	[sflag:s23] =	ssyncset.done $0x0  }
0xa6: {  	[sflag:s23] =	ssyncadd.s32 $0xFFFFC000  }
0xa7: {  	[spmem:s1] =	stream.indirect.scatter.add.f32 [tilespmem:s24], [sflag:$0x2], $0x80, s31, s22, $0xb8;
	[tilespmem:$0x1C800] =	vst v63  }
0xa8: {  	_ =	swait.ge [sflag:s26], $0x4000  }
0xa9: {  	[sflag:s26] =	ssyncset.done $0x0  }
0xaa: {  	[sflag:s26] =	ssyncadd.s32 $0xFFFFC000  }
0xab: {  	[tilespmem:s19], [sflag:$0x1] =	stream.indirect.gather [hbm4b:s4+s22], $0x80, s0, s22, $0xb8;
	[tilespmem:$0x1C800] =	vst v63  }
0xac: {  	_ =	swait.ge [sflag:s23], $0x4000  }
0xad: {  	[sflag:s23] =	ssyncset.done $0x0  }
0xae: {  	[sflag:s23] =	ssyncadd.s32 $0xFFFFC000  }
0xaf: {  	[spmem:s1] =	stream.indirect.scatter.add.f32 [tilespmem:s19], [sflag:$0x2], $0x80, s2, s22, $0xb8;
	[tilespmem:$0x1C800] =	vst v63  }
0xb0: {  	_ =	swait.ge [sflag:s26], $0x4000  }
0xb1: {  	[sflag:s26] =	ssyncset.done $0x0  }
0xb2: {  	[sflag:s26] =	ssyncadd.s32 $0xFFFFC000  }
0xb3: {  	[tilespmem:s24], [sflag:$0x1] =	stream.indirect.gather [hbm4b:s4+s22], $0x80, s5, s22, $0xb8;
	[tilespmem:$0x1C800] =	vst v63  }
0xb4: {  	_ =	swait.ge [sflag:s23], $0x4000  }
0xb5: {  	[sflag:s23] =	ssyncset.done $0x0  }
0xb6: {  	[sflag:s23] =	ssyncadd.s32 $0xFFFFC000  }
0xb7: {  	[spmem:s1] =	stream.indirect.scatter.add.f32 [tilespmem:s24], [sflag:$0x2], $0x80, s11, s22, $0xb8;
	[tilespmem:$0x1C800] =	vst v63  }
0xb8: {  	_ =	swait.ge [sflag:s26], $0x4000  }
0xb9: {  	[sflag:s26] =	ssyncset.done $0x0  }
0xba: {  	[sflag:s26] =	ssyncadd.s32 $0xFFFFC000  }
0xbb: {  	[tilespmem:s19], [sflag:$0x1] =	stream.indirect.gather [hbm4b:s4+s22], $0x80, s12, s22, $0xb8;
	[tilespmem:$0x1C800] =	vst v63  }
0xbc: {  	_ =	swait.ge [sflag:s23], $0x4000  }
0xbd: {  	[sflag:s23] =	ssyncset.done $0x0  }
0xbe: {  	[sflag:s23] =	ssyncadd.s32 $0xFFFFC000  }
0xbf: {  	[spmem:s1] =	stream.indirect.scatter.add.f32 [tilespmem:s19], [sflag:$0x2], $0x80, s13, s22, $0xb8;
	[tilespmem:$0x1C800] =	vst v63  }
0xc0: {  	_ =	swait.ge [sflag:s26], $0x4000  }
0xc1: {  	[sflag:s26] =	ssyncset.done $0x0  }
0xc2: {  	[sflag:s26] =	ssyncadd.s32 $0xFFFFC000  }
0xc3: {  	[tilespmem:s24], [sflag:$0x1] =	stream.indirect.gather [hbm4b:s4+s22], $0x80, s14, s22, $0xb8;
	[tilespmem:$0x1C800] =	vst v63  }
0xc4: {  	_ =	swait.ge [sflag:s23], $0x4000  }
0xc5: {  	[sflag:s23] =	ssyncset.done $0x0  }
0xc6: {  	[sflag:s23] =	ssyncadd.s32 $0xFFFFC000  }
0xc7: {  	[spmem:s1] =	stream.indirect.scatter.add.f32 [tilespmem:s24], [sflag:$0x2], $0x80, s15, s22, $0xb8;
	[tilespmem:$0x1C800] =	vst v63  }
.Ltmp0:
0xc8: {  	_ =	swait.ge [sflag:s26], $0x4000;
	(pc) =	sbr.rel @p0 .LBB2_2-.Ltmp0, $4  }
0xc9: {  	[sflag:s26] =	ssyncset.done $0x0  }
0xca: {  	[sflag:s26] =	ssyncadd.s32 $0xFFFFC000  }
0xcb: {  	_ =	swait.ge [sflag:s26], $0x4000  }
0xcc: {  	s7 =	smov.u32 s8;
	[sflag:s26] =	ssyncset.done $0x0  }
0xcd: {  	s7 =	sadd.s32 s6, s18;
	[sflag:s26] =	ssyncadd.s32 $0xFFFFC000  }
0xce: {  	[tilespmem:s3], [sflag:$0x3] =	stream.linear.gather [hbm4b:s7+s3], $0x400, $0x38;
	[tilespmem:$0x1C800] =	vst v63  }
0xcf: {  	_ =	swait.ge [sflag:s20], $0x400  }
0xd0: {  	[sflag:s20] =	ssyncset.done $0x0  }
0xd1: {  	s16 =	sadd.s32 s6, s17;
	[sflag:s20] =	ssyncadd.s32 $0xFFFFFC00  }
0xd2: {  	[tilespmem:s21], [sflag:$0x3] =	stream.linear.gather [hbm4b:s16+s3], $0x400, $0x38;
	[tilespmem:$0x1C800] =	vst v63  }
0xd3: {  	_ =	swait.ge [sflag:s20], $0x400  }
0xd4: {  	[sflag:s20] =	ssyncset.done $0x0  }
0xd5: {  	[sflag:s20] =	ssyncadd.s32 $0xFFFFFC00  }
0xd6: {  	[tilespmem:s19], [sflag:$0x1] =	stream.indirect.gather [hbm4b:s4+s22], $0x80, s3, s22, $0xb8;
	[tilespmem:$0x1C800] =	vst v63  }
0xd7: {  	_ =	swait.ge [sflag:s23], $0x4000  }
0xd8: {  	[sflag:s23] =	ssyncset.done $0x0  }
0xd9: {  	[sflag:s23] =	ssyncadd.s32 $0xFFFFC000  }
0xda: {  	[spmem:s1] =	stream.indirect.scatter.add.f32 [tilespmem:s19], [sflag:$0x2], $0x80, s21, s22, $0xb8;
	[tilespmem:$0x1C800] =	vst v63  }
0xdb: {  	_ = 	snop  }
0xdc: {  	[tilespmem:s24], [sflag:$0x1] =	stream.indirect.gather [hbm4b:s4+s22], $0x80, s22, s22, $0xb8;
	[tilespmem:$0x1C800] =	vst v63  }
0xdd: {  	_ =	swait.ge [sflag:s23], $0x4000  }
0xde: {  	[sflag:s23] =	ssyncset.done $0x0  }
0xdf: {  	[sflag:s23] =	ssyncadd.s32 $0xFFFFC000  }
0xe0: {  	[spmem:s1] =	stream.indirect.scatter.add.f32 [tilespmem:s24], [sflag:$0x2], $0x80, s25, s22, $0xb8;
	[tilespmem:$0x1C800] =	vst v63  }
0xe1: {  	_ =	swait.ge [sflag:s26], $0x4000  }
0xe2: {  	[sflag:s26] =	ssyncset.done $0x0  }
0xe3: {  	[sflag:s26] =	ssyncadd.s32 $0xFFFFC000  }
0xe4: {  	[tilespmem:s19], [sflag:$0x1] =	stream.indirect.gather [hbm4b:s4+s22], $0x80, s28, s22, $0xb8;
	[tilespmem:$0x1C800] =	vst v63  }
0xe5: {  	_ =	swait.ge [sflag:s23], $0x4000  }
0xe6: {  	[sflag:s23] =	ssyncset.done $0x0  }
0xe7: {  	[sflag:s23] =	ssyncadd.s32 $0xFFFFC000  }
0xe8: {  	[spmem:s1] =	stream.indirect.scatter.add.f32 [tilespmem:s19], [sflag:$0x2], $0x80, s29, s22, $0xb8;
	[tilespmem:$0x1C800] =	vst v63  }
0xe9: {  	_ =	swait.ge [sflag:s26], $0x4000  }
0xea: {  	[sflag:s26] =	ssyncset.done $0x0  }
0xeb: {  	[sflag:s26] =	ssyncadd.s32 $0xFFFFC000  }
0xec: {  	[tilespmem:s24], [sflag:$0x1] =	stream.indirect.gather [hbm4b:s4+s22], $0x80, s30, s22, $0xb8;
	[tilespmem:$0x1C800] =	vst v63  }
0xed: {  	_ =	swait.ge [sflag:s23], $0x4000  }
0xee: {  	[sflag:s23] =	ssyncset.done $0x0  }
0xef: {  	[sflag:s23] =	ssyncadd.s32 $0xFFFFC000  }
0xf0: {  	[spmem:s1] =	stream.indirect.scatter.add.f32 [tilespmem:s24], [sflag:$0x2], $0x80, s31, s22, $0xb8;
	[tilespmem:$0x1C800] =	vst v63  }
0xf1: {  	_ =	swait.ge [sflag:s26], $0x4000  }
0xf2: {  	[sflag:s26] =	ssyncset.done $0x0  }
0xf3: {  	[sflag:s26] =	ssyncadd.s32 $0xFFFFC000  }
0xf4: {  	[tilespmem:s19], [sflag:$0x1] =	stream.indirect.gather [hbm4b:s4+s22], $0x80, s0, s22, $0xb8;
	[tilespmem:$0x1C800] =	vst v63  }
0xf5: {  	_ =	swait.ge [sflag:s23], $0x4000  }
0xf6: {  	[sflag:s23] =	ssyncset.done $0x0  }
0xf7: {  	[sflag:s23] =	ssyncadd.s32 $0xFFFFC000  }
0xf8: {  	[spmem:s1] =	stream.indirect.scatter.add.f32 [tilespmem:s19], [sflag:$0x2], $0x80, s2, s22, $0xb8;
	[tilespmem:$0x1C800] =	vst v63  }
0xf9: {  	_ =	swait.ge [sflag:s26], $0x4000  }
0xfa: {  	[sflag:s26] =	ssyncset.done $0x0  }
0xfb: {  	[sflag:s26] =	ssyncadd.s32 $0xFFFFC000  }
0xfc: {  	[tilespmem:s24], [sflag:$0x1] =	stream.indirect.gather [hbm4b:s4+s22], $0x80, s5, s22, $0xb8;
	[tilespmem:$0x1C800] =	vst v63  }
0xfd: {  	_ =	swait.ge [sflag:s23], $0x4000  }
0xfe: {  	[sflag:s23] =	ssyncset.done $0x0  }
0xff: {  	[sflag:s23] =	ssyncadd.s32 $0xFFFFC000  }
0x100: {  	[spmem:s1] =	stream.indirect.scatter.add.f32 [tilespmem:s24], [sflag:$0x2], $0x80, s11, s22, $0xb8;
	[tilespmem:$0x1C800] =	vst v63  }
0x101: {  	_ =	swait.ge [sflag:s26], $0x4000  }
0x102: {  	[sflag:s26] =	ssyncset.done $0x0  }
0x103: {  	[sflag:s26] =	ssyncadd.s32 $0xFFFFC000  }
0x104: {  	[tilespmem:s19], [sflag:$0x1] =	stream.indirect.gather [hbm4b:s4+s22], $0x80, s12, s22, $0xb8;
	[tilespmem:$0x1C800] =	vst v63  }
0x105: {  	_ =	swait.ge [sflag:s23], $0x4000  }
0x106: {  	[sflag:s23] =	ssyncset.done $0x0  }
0x107: {  	[sflag:s23] =	ssyncadd.s32 $0xFFFFC000  }
0x108: {  	[spmem:s1] =	stream.indirect.scatter.add.f32 [tilespmem:s19], [sflag:$0x2], $0x80, s13, s22, $0xb8;
	[tilespmem:$0x1C800] =	vst v63  }
0x109: {  	_ =	swait.ge [sflag:s26], $0x4000  }
0x10a: {  	[sflag:s26] =	ssyncset.done $0x0  }
0x10b: {  	[sflag:s26] =	ssyncadd.s32 $0xFFFFC000  }
0x10c: {  	[tilespmem:s24], [sflag:$0x1] =	stream.indirect.gather [hbm4b:s4+s22], $0x80, s14, s22, $0xb8;
	[tilespmem:$0x1C800] =	vst v63  }
0x10d: {  	_ =	swait.ge [sflag:s23], $0x4000  }
0x10e: {  	[sflag:s23] =	ssyncset.done $0x0  }
0x10f: {  	[sflag:s23] =	ssyncadd.s32 $0xFFFFC000  }
0x110: {  	[spmem:s1] =	stream.indirect.scatter.add.f32 [tilespmem:s24], [sflag:$0x2], $0x80, s15, s22, $0xb8;
	[tilespmem:$0x1C800] =	vst v63  }
0x111: {  	_ =	swait.ge [sflag:s26], $0x4000  }
0x112: {  	[sflag:s26] =	ssyncset.done $0x0  }
0x113: {  	[sflag:s26] =	ssyncadd.s32 $0xFFFFC000  }
0x114: {  	_ =	swait.ge [sflag:s26], $0x4000  }
0x115: {  	[sflag:s26] =	ssyncset.done $0x0  }
0x116: {  	[sflag:s26] =	ssyncadd.s32 $0xFFFFC000  }
0x117: {  	[bflag:$0x0] =	sbarrier.arrive $0xFFFF  }
0x118: {  	s7 =	rddreg [dreg:$0x6]  }
0x119: {  	[tilespmem:s19], [sflag:$0x3] =	stream.linear.gather [spmem:s7], $0x4000, $0x38;
	[tilespmem:$0x1C800] =	vst v63  }
0x11a: {  	_ =	swait.ge [sflag:s20], $0x4000  }
0x11b: {  	[sflag:s20] =	ssyncset.done $0x0  }
0x11c: {  	s8 =	rddreg [dreg:$0xb];
	[sflag:s20] =	ssyncadd.s32 $0xFFFFC000  }
0x11d: {  	[hbm4b:s8+s3] =	stream.linear.scatter [tilespmem:s19], [sflag:$0x3], $0x4000, $0x38;
	[tilespmem:$0x1C800] =	vst v63  }
0x11e: {  	_ =	swait.ge [sflag:s20], $0x4000  }
0x11f: {  	[sflag:s20] =	ssyncset.done $0x0  }
0x120: {  	s7 =	rddreg [dreg:$0x7];
	[sflag:s20] =	ssyncadd.s32 $0xFFFFC000  }
0x121: {  	[tilespmem:s19], [sflag:$0x3] =	stream.linear.gather [spmem:s7], $0x4000, $0x38;
	[tilespmem:$0x1C800] =	vst v63  }
0x122: {  	_ =	swait.ge [sflag:s20], $0x4000  }
0x123: {  	[sflag:s20] =	ssyncset.done $0x0  }
0x124: {  	s9 =	rddreg [dreg:$0xc];
	[sflag:s20] =	ssyncadd.s32 $0xFFFFC000  }
0x125: {  	[hbm4b:s9+s3] =	stream.linear.scatter [tilespmem:s19], [sflag:$0x3], $0x4000, $0x38;
	[tilespmem:$0x1C800] =	vst v63  }
0x126: {  	_ =	swait.ge [sflag:s20], $0x4000  }
0x127: {  	[sflag:s20] =	ssyncset.done $0x0  }
0x128: {  	s8 =	rddreg [dreg:$0x8];
	[sflag:s20] =	ssyncadd.s32 $0xFFFFC000  }
0x129: {  	[tilespmem:s19], [sflag:$0x3] =	stream.linear.gather [spmem:s8], $0x4000, $0x38;
	[tilespmem:$0x1C800] =	vst v63  }
0x12a: {  	_ =	swait.ge [sflag:s20], $0x4000  }
0x12b: {  	[sflag:s20] =	ssyncset.done $0x0  }
0x12c: {  	s10 =	rddreg [dreg:$0xd];
	[sflag:s20] =	ssyncadd.s32 $0xFFFFC000  }
0x12d: {  	[hbm4b:s10+s3] =	stream.linear.scatter [tilespmem:s19], [sflag:$0x3], $0x4000, $0x38;
	[tilespmem:$0x1C800] =	vst v63  }
0x12e: {  	_ =	swait.ge [sflag:s20], $0x4000  }
0x12f: {  	[sflag:s20] =	ssyncset.done $0x0  }
0x130: {  	s10 =	rddreg [dreg:$0x9];
	[sflag:s20] =	ssyncadd.s32 $0xFFFFC000  }
0x131: {  	[tilespmem:s19], [sflag:$0x3] =	stream.linear.gather [spmem:s10], $0x4000, $0x38;
	[tilespmem:$0x1C800] =	vst v63  }
0x132: {  	_ =	swait.ge [sflag:s20], $0x4000  }
0x133: {  	[sflag:s20] =	ssyncset.done $0x0  }
0x134: {  	s16 =	rddreg [dreg:$0xe];
	[sflag:s20] =	ssyncadd.s32 $0xFFFFC000  }
0x135: {  	[hbm4b:s16+s3] =	stream.linear.scatter [tilespmem:s19], [sflag:$0x3], $0x4000, $0x38;
	[tilespmem:$0x1C800] =	vst v63  }
0x136: {  	_ =	swait.ge [sflag:s20], $0x4000  }
0x137: {  	[sflag:s20] =	ssyncset.done $0x0  }
0x138: {  	s16 =	rddreg [dreg:$0xa];
	[sflag:s20] =	ssyncadd.s32 $0xFFFFC000  }
0x139: {  	[tilespmem:s19], [sflag:$0x3] =	stream.linear.gather [spmem:s16], $0x4000, $0x38;
	[tilespmem:$0x1C800] =	vst v63  }
0x13a: {  	_ =	swait.ge [sflag:s20], $0x4000  }
0x13b: {  	[sflag:s20] =	ssyncset.done $0x0  }
0x13c: {  	s9 =	rddreg [dreg:$0xf];
	[sflag:s20] =	ssyncadd.s32 $0xFFFFC000  }
0x13d: {  	[hbm4b:s9+s3] =	stream.linear.scatter [tilespmem:s19], [sflag:$0x3], $0x4000, $0x38;
	[tilespmem:$0x1C800] =	vst v63  }
0x13e: {  	_ =	swait.ge [sflag:s20], $0x4000  }
0x13f: {  	s9 =	rddreg [dreg:$0x11]  }
0x140: {  	s6 =	rddreg [dreg:$0x10];
	s9 =	sadd.s32 $0x1, s9  }
0x141: {  	p0 =	sne.s32 s9, s6  }
.Ltmp1:
0x142: {  	_ = 	snop;
	(pc) =	sbr.rel @p0 .LBB2_1-.Ltmp1, $3  }
0x143: {  	_ =	sdelay $0x1  }
0x144: {  	[sflag:s20] =	ssyncset.done $0x0;
	[dreg:$0x11] =	wrdreg s9  }
0x145: {  	[sflag:s20] =	ssyncadd.s32 $0xFFFFC000;
	s9 =	rddreg [dreg:$0x6]  }
0x146: {  	_ =	sfence.sel $0x180000  }
0x147: {  	[bflag:$0x0] =	sbarrier.arrive $0xFFFF  }
0x148: {  	_ =	strace $0x9000004A  }
0x149: {  	s0 =	stileid.u32;
	[bflag:$0x2] =	sbarrier.arrive $0xFFFF  }
0x14a: {  	p0 =	sne.s32 s0, $0x0;
	s0 =	rddreg [dreg:$0x4]  }
0x14b: {  	s0 =	sadd.s32 @!p0 $0x100000, s0  }
0x14c: {  	[sflag:s0] =	ssyncadd.tile.s32 @!p0 $0x1;
	_ =	shalt  }
.Lfunc_end2:
_tile_overlayer_lowered:
.L_overlay_start_2:
0x14d: {  	(tag) =	ssettag $0x2  }
0x14e: {  	s0 =	rddreg [dreg:$0x0];
	s2 =	stileid.u32  }
0x14f: {  	s1 =	rddreg [dreg:$0x1];
	p0 =	sne.s32 s2, $0x0  }
0x150: {  	s3 =	rddreg [dreg:$0x2];
	[bflag:$0x3] =	sbarrier.arrive $0xFFFF;
	s2 =	simm.s32 @!p0 $0x1C03  }
0x151: {  	[timem:s3], [sflag:s2] =	dma.local @!p0 [hbm:s0], s1  }
0x152: {  	s0 =	simm.s32 @!p0 $0x3  }
0x153: {  	_ =	swait.ge @!p0 [sflag:s0], s1  }
0x154: {  	s1 =	ssub.s32 @!p0 $0x0, s1;
	[sflag:s0] =	ssyncset.done @!p0 $0x0  }
0x155: {  	[sflag:s0] =	ssyncadd.s32 @!p0 s1  }
0x156: {  	[bflag:$0x3] =	sbarrier.arrive $0xFFFF  }
0x157: {  	_ =	shalt  }

</sc_bundles>
